<compile_context>
chip_gen: v7x
topology: tpu7x:2x2x1
jax: 0.10.2.dev20260603
libtpu: 0.0.44.dev20260713+nightly
codegen_flags: <defaults>
</compile_context>

<pallas_src>
import functools

import jax
import jax.numpy as jnp
import numpy as np
from jax import lax
from jax.experimental import pallas as pl
from jax.experimental.pallas import tpu as pltpu
from jax.experimental.pallas import tpu_sc as plsc

NUM_FEATS = 26
SLOTS = 4
COLS = NUM_FEATS * SLOTS
COLS_PAD = 112
VOCAB = 1000
TAB_ROWS = NUM_FEATS * (VOCAB + 1)
EMB = 64
B = 4096
IN_DIM = NUM_FEATS * EMB
OUT_DIM = 4096
NUM_TOKENS = 8
D_MODEL = 512

NW = 32
NSPLIT = 4
BH = B // NSPLIT
ROWS_PER_W = BH // NW
CB = 8
NCHUNK = ROWS_PER_W // CB
JT = IN_DIM // 128

L = 16


def _sc_gather_body(ints_hbm, table_hbm, out_hbm, ints_v, idx_v, off_v, rows_v,
                    out_v, sems):
    cid = lax.axis_index("c")
    sid = lax.axis_index("s")
    wid = sid * 2 + cid
    lane = lax.iota(jnp.int32, L)
    colsv = jnp.full((L,), COLS, jnp.int32)

    for t in range(CB * COLS // L):
        j = lax.rem(t * L + lane, colsv)
        off_v[pl.ds(t * L, L)] = (j >> 2) * (VOCAB + 1)

    def fire(ch, buf):
        base = wid * ROWS_PER_W + ch * CB
        pltpu.sync_copy(ints_hbm.at[pl.ds(base * COLS, CB * COLS)],
                        ints_v.at[buf])
        for t in range(CB * COLS // L):
            sl = pl.ds(t * L, L)
            idx_v[buf, sl] = jnp.clip(ints_v[buf, sl], 0, VOCAB) + off_v[sl]
        pltpu.async_copy(table_hbm.at[idx_v.at[buf]],
                         rows_v.at[buf], sems.at[buf])

    def drain_reduce(ch, buf):
        pltpu.make_async_copy(table_hbm.at[idx_v.at[buf]],
                              rows_v.at[buf], sems.at[buf]).wait()

        def red_b(b, bcarry):
            def red_fp(fp, fcarry):
                for half in range(2):
                    rbase = b * COLS + 8 * fp + 4 * half
                    for c in range(EMB // L):
                        sl = pl.ds(c * L, L)
                        acc = (rows_v[buf, rbase, sl]
                               + rows_v[buf, rbase + 1, sl]
                               + rows_v[buf, rbase + 2, sl]
                               + rows_v[buf, rbase + 3, sl])
                        out_v[fp, b, pl.ds(64 * half + c * L, L)] = acc * 0.25
                return fcarry
            return lax.fori_loop(0, JT, red_fp, bcarry)

        lax.fori_loop(0, CB, red_b, 0)
        pltpu.sync_copy(out_v, out_hbm.at[wid * NCHUNK + ch])

    fire(0, 0)

    def chunk_body(ch, carry):
        buf = lax.rem(ch, 2)

        @pl.when(ch + 1 < NCHUNK)
        def _():
            fire(ch + 1, 1 - buf)

        drain_reduce(ch, buf)
        return carry

    lax.fori_loop(0, NCHUNK, chunk_body, 0)


@jax.jit
def _sc_gather(ints_flat, table_flat):
    mesh = plsc.VectorSubcoreMesh(core_axis_name="c", subcore_axis_name="s")
    return pl.kernel(
        _sc_gather_body,
        out_type=jax.ShapeDtypeStruct((BH // CB, JT, CB, 128), jnp.float32),
        mesh=mesh,
        scratch_types=[
            pltpu.VMEM((2, CB * COLS), jnp.int32),
            pltpu.VMEM((2, CB * COLS), jnp.int32),
            pltpu.VMEM((CB * COLS,), jnp.int32),
            pltpu.VMEM((2, CB * COLS, EMB), jnp.float32),
            pltpu.VMEM((JT, CB, 128), jnp.float32),
            pltpu.SemaphoreType.DMA((2,)),
        ],
        compiler_params=pltpu.CompilerParams(use_tc_tiling_on_sc=False),
    )(ints_flat, table_flat)


BT = 512
NT = 512
N_STEPS = OUT_DIM // NT


def _dense_body_alias(x_ref, w_ref, b_ref, g_ref, be_ref, h_ref, o_ref, acc_ref):
    _dense_body(x_ref, w_ref, b_ref, g_ref, be_ref, o_ref, acc_ref)


def _dense_body(x_ref, w_ref, b_ref, g_ref, be_ref, o_ref, acc_ref):
    n = pl.program_id(1)
    x = jnp.concatenate(
        [x_ref[:, j].reshape(BT, 128) for j in range(JT)], axis=1)
    h = jnp.dot(x.astype(jnp.bfloat16), w_ref[...],
                preferred_element_type=jnp.float32)
    h = h + b_ref[...]
    h = h * jax.nn.sigmoid(h)
    acc_ref[:, pl.ds(n * NT, NT)] = h

    @pl.when(n == N_STEPS - 1)
    def _():
        a = acc_ref[...]
        mu = jnp.mean(a, axis=1, keepdims=True)
        d = a - mu
        var = jnp.mean(d * d, axis=1, keepdims=True)
        out = d * lax.rsqrt(var + 1e-5) * g_ref[...] + be_ref[...]
        o_ref[...] = out.reshape(BT, NUM_TOKENS, D_MODEL)


def _make_tc_dense(tile_off, aliased):
    in_specs = [
        pl.BlockSpec((BT // CB, JT, CB, 128), lambda b, n: (b, 0, 0, 0)),
        pl.BlockSpec((IN_DIM, NT), lambda b, n: (0, n)),
        pl.BlockSpec((1, NT), lambda b, n: (0, n)),
        pl.BlockSpec((1, OUT_DIM), lambda b, n: (0, 0)),
        pl.BlockSpec((1, OUT_DIM), lambda b, n: (0, 0)),
    ]
    if aliased:
        in_specs.append(pl.BlockSpec(memory_space=pl.ANY))

    @jax.jit
    def call(*args):
        return pl.pallas_call(
            _dense_body_alias if aliased else _dense_body,
            grid=(BH // BT, N_STEPS),
            in_specs=in_specs,
            out_specs=pl.BlockSpec((BT, NUM_TOKENS, D_MODEL),
                                   lambda b, n: (b + tile_off, 0, 0)),
            out_shape=jax.ShapeDtypeStruct((B, NUM_TOKENS, D_MODEL),
                                           jnp.float32),
            scratch_shapes=[pltpu.VMEM((BT, OUT_DIM), jnp.float32)],
            input_output_aliases={5: 0} if aliased else {},
            compiler_params=pltpu.CompilerParams(
                dimension_semantics=("parallel", "arbitrary"),
            ),
        )(*args)

    return call


_TC_CALLS = [_make_tc_dense(i * (BH // BT), aliased=(i > 0))
             for i in range(NSPLIT)]


def kernel(int_feats, emb_tables, W1, b1, ln_gamma, ln_beta):
    ints = int_feats.astype(jnp.int32).reshape(NSPLIT, BH * COLS)
    table = emb_tables.reshape(TAB_ROWS, EMB)
    w_bf = W1.astype(jnp.bfloat16)
    b1r = b1.reshape(1, OUT_DIM)
    g = ln_gamma.reshape(1, OUT_DIM)
    be = ln_beta.reshape(1, OUT_DIM)
    fts = [_sc_gather(ints[i], table) for i in range(NSPLIT)]
    h = _TC_CALLS[0](fts[0], w_bf, b1r, g, be)
    for i in range(1, NSPLIT):
        h = _TC_CALLS[i](fts[i], w_bf, b1r, g, be, h)
    return h

# --- scband reference (transcript-rebuilt; emitter-appended) ---
"""Pipeline reference for scband-non-sequential-tokenizer-11751030522173 (READ-ONLY COPY).

The authoritative reference and input builder live on the scoring server;
editing this copy changes nothing except your own understanding.
"""

import jax, jax.numpy as jnp
import numpy as np

FEATURE_SPECS = [(1000, i * 4, 4) for i in range(26)]
EMB_DIM = 64
D_MODEL = 512
NUM_TOKENS = 8
BATCH = 4096
IN_DIM = 26 * EMB_DIM  # 1664
OUT_DIM = NUM_TOKENS * D_MODEL  # 4096


def setup_inputs(seed: int = 0) -> dict:
    key = jax.random.key(seed)
    ks = jax.random.split(key, 6)
    int_feats = jax.random.randint(ks[0], (BATCH, 104), 0, 1001, dtype=jnp.int32)
    # 26 embedding tables, each (vocab+1, emb_dim), xavier-normal-ish, row 0 (padding) zeroed
    std_emb = (2.0 / (1001 + EMB_DIM)) ** 0.5
    emb_tables = jax.random.normal(ks[1], (26, 1001, EMB_DIM), dtype=jnp.float32) * std_emb
    emb_tables = emb_tables.at[:, 0, :].set(0.0)
    W1 = jax.random.normal(ks[2], (IN_DIM, OUT_DIM), dtype=jnp.float32) * (1.0 / IN_DIM) ** 0.5
    b1 = jnp.zeros((OUT_DIM,), dtype=jnp.float32)
    ln_gamma = jnp.ones((OUT_DIM,), dtype=jnp.float32)
    ln_beta = jnp.zeros((OUT_DIM,), dtype=jnp.float32)
    return {
        "int_feats": int_feats,
        "emb_tables": emb_tables,
        "W1": W1,
        "b1": b1,
        "ln_gamma": ln_gamma,
        "ln_beta": ln_beta,
    }


def reference(int_feats, emb_tables, W1, b1, ln_gamma, ln_beta):
    B = int_feats.shape[0]
    tokens = []
    for f, (vocab, off, length) in enumerate(FEATURE_SPECS):
        vals = jnp.clip(int_feats[:, off:off + length].astype(jnp.int32), 0, vocab)
        emb = jnp.take(emb_tables[f], vals, axis=0)  # [B, length, EMB_DIM]
        tokens.append(emb.mean(axis=1))  # embedding_bag_mean
    feature_tokens = jnp.stack(tokens, axis=1)  # [B, 26, EMB_DIM]
    # auto_split path: num_tokens (8) != len(groups) (26)
    flat = feature_tokens.reshape(B, -1)  # [B, 1664]
    h = flat @ W1 + b1  # Linear(1664 -> 4096)
    h = h * jax.nn.sigmoid(h)  # SiLU
    mu = jnp.mean(h, axis=-1, keepdims=True)
    var = jnp.var(h, axis=-1, keepdims=True)
    h = (h - mu) / jnp.sqrt(var + 1e-5) * ln_gamma + ln_beta  # LayerNorm(4096)
    return h.reshape(B, NUM_TOKENS, D_MODEL)

if __name__ == "__main__":
    import jax
    _d = setup_inputs()
    print(jax.jit(kernel)(*tuple(_d.values())))

</pallas_src>

<mosaic_0001>
#map = affine_map<(d0, d1) -> (0)>
#map1 = affine_map<(d0, d1) -> (0, 0)>
#map2 = affine_map<(d0, d1) -> (0, 0, 0, 0)>
module attributes {stable_mosaic.version = 14 : i64} {
  func.func @_sc_gather_body(%arg0: i32, %arg1: i32, %arg2: memref<106496xi32, #tpu.memory_space<hbm>>, %arg3: memref<26026x64xf32, #tpu.memory_space<hbm>>, %arg4: memref<128x13x8x128xf32, #tpu.memory_space<hbm>>, %arg5: memref<2x832xi32, #tpu.memory_space<vmem>>, %arg6: memref<2x832xi32, #tpu.memory_space<vmem>>, %arg7: memref<832xi32, #tpu.memory_space<vmem>>, %arg8: memref<2x832x64xf32, #tpu.memory_space<vmem>>, %arg9: memref<13x8x128xf32, #tpu.memory_space<vmem>>, %arg10: memref<2x!tpu.dma_semaphore, #tpu.memory_space<semaphore_mem>>) attributes {dimension_semantics = [#tpu.dimension_semantics<core_parallel>, #tpu.dimension_semantics<subcore_parallel>], iteration_bounds = array<i64: 2, 16>, scalar_prefetch = 0 : i64, scratch_operands = 6 : i64, tpu.core_type = #tpu.core_type<sc_vector_subcore>, window_params = [{transform_indices = #map}, {transform_indices = #map1}, {transform_indices = #map2}]} {
    %mul3A = arith.constant 2 : i32
    %mul3A_0 = arith.muli %arg1, %mul3A : i32
    %add3A = arith.addi %mul3A_0, %arg0 : i32
    %iota3A = tpu.iota {dimensions = array<i32: 0>} : vector<16xi32>
    %broadcast_in_dim3A = arith.constant 104 : i32
    %broadcast_in_dim3A_1 = vector.broadcast %broadcast_in_dim3A : i32 to vector<16xi32>
    %add3A_2 = arith.constant 0 : i32
    %add3A_3 = vector.broadcast %add3A_2 : i32 to vector<16xi32>
    %add3A_4 = arith.addi %add3A_3, %iota3A : vector<16xi32>
    %rem3A = arith.remsi %add3A_4, %broadcast_in_dim3A_1 : vector<16xi32>
    %shift_right_arithmetic3A = arith.constant 2 : i32
    %shift_right_arithmetic3A_5 = vector.broadcast %shift_right_arithmetic3A : i32 to vector<16xi32>
    %shift_right_arithmetic3A_6 = arith.shrsi %rem3A, %shift_right_arithmetic3A_5 : vector<16xi32>
    %mul3A_7 = arith.constant 1001 : i32
    %mul3A_8 = vector.broadcast %mul3A_7 : i32 to vector<16xi32>
    %mul3A_9 = arith.muli %shift_right_arithmetic3A_6, %mul3A_8 : vector<16xi32>
    %swap3A = arith.constant 0 : index
    %swap3A_10 = tpu.vector_load %arg7[%swap3A] {strides = array<i32>} : memref<832xi32, #tpu.memory_space<vmem>>, vector<16xi32>,
    %swap3A_11 = vector.shape_cast %swap3A_10 : vector<16xi32> to vector<16xi32>
    %swap3A_12 = vector.shape_cast %mul3A_9 : vector<16xi32> to vector<16xi32>
    tpu.vector_store %arg7[%swap3A], %swap3A_12 {strides = array<i32>} : memref<832xi32, #tpu.memory_space<vmem>>, vector<16xi32>,
    %add3A_13 = arith.constant 16 : i32
    %add3A_14 = vector.broadcast %add3A_13 : i32 to vector<16xi32>
    %add3A_15 = arith.addi %add3A_14, %iota3A : vector<16xi32>
    %rem3A_16 = arith.remsi %add3A_15, %broadcast_in_dim3A_1 : vector<16xi32>
    %shift_right_arithmetic3A_17 = arith.constant 2 : i32
    %shift_right_arithmetic3A_18 = vector.broadcast %shift_right_arithmetic3A_17 : i32 to vector<16xi32>
    %shift_right_arithmetic3A_19 = arith.shrsi %rem3A_16, %shift_right_arithmetic3A_18 : vector<16xi32>
    %mul3A_20 = arith.constant 1001 : i32
    %mul3A_21 = vector.broadcast %mul3A_20 : i32 to vector<16xi32>
    %mul3A_22 = arith.muli %shift_right_arithmetic3A_19, %mul3A_21 : vector<16xi32>
    %swap3A_23 = arith.constant 16 : index
    %swap3A_24 = tpu.vector_load %arg7[%swap3A_23] {strides = array<i32>} : memref<832xi32, #tpu.memory_space<vmem>>, vector<16xi32>,
    %swap3A_25 = vector.shape_cast %swap3A_24 : vector<16xi32> to vector<16xi32>
    %swap3A_26 = vector.shape_cast %mul3A_22 : vector<16xi32> to vector<16xi32>
    tpu.vector_store %arg7[%swap3A_23], %swap3A_26 {strides = array<i32>} : memref<832xi32, #tpu.memory_space<vmem>>, vector<16xi32>,
    %add3A_27 = arith.constant 32 : i32
    %add3A_28 = vector.broadcast %add3A_27 : i32 to vector<16xi32>
    %add3A_29 = arith.addi %add3A_28, %iota3A : vector<16xi32>
    %rem3A_30 = arith.remsi %add3A_29, %broadcast_in_dim3A_1 : vector<16xi32>
    %shift_right_arithmetic3A_31 = arith.constant 2 : i32
    %shift_right_arithmetic3A_32 = vector.broadcast %shift_right_arithmetic3A_31 : i32 to vector<16xi32>
    %shift_right_arithmetic3A_33 = arith.shrsi %rem3A_30, %shift_right_arithmetic3A_32 : vector<16xi32>
    %mul3A_34 = arith.constant 1001 : i32
    %mul3A_35 = vector.broadcast %mul3A_34 : i32 to vector<16xi32>
    %mul3A_36 = arith.muli %shift_right_arithmetic3A_33, %mul3A_35 : vector<16xi32>
    %swap3A_37 = arith.constant 32 : index
    %swap3A_38 = tpu.vector_load %arg7[%swap3A_37] {strides = array<i32>} : memref<832xi32, #tpu.memory_space<vmem>>, vector<16xi32>,
    %swap3A_39 = vector.shape_cast %swap3A_38 : vector<16xi32> to vector<16xi32>
    %swap3A_40 = vector.shape_cast %mul3A_36 : vector<16xi32> to vector<16xi32>
    tpu.vector_store %arg7[%swap3A_37], %swap3A_40 {strides = array<i32>} : memref<832xi32, #tpu.memory_space<vmem>>, vector<16xi32>,
    %add3A_41 = arith.constant 48 : i32
    %add3A_42 = vector.broadcast %add3A_41 : i32 to vector<16xi32>
    %add3A_43 = arith.addi %add3A_42, %iota3A : vector<16xi32>
    %rem3A_44 = arith.remsi %add3A_43, %broadcast_in_dim3A_1 : vector<16xi32>
    %shift_right_arithmetic3A_45 = arith.constant 2 : i32
    %shift_right_arithmetic3A_46 = vector.broadcast %shift_right_arithmetic3A_45 : i32 to vector<16xi32>
    %shift_right_arithmetic3A_47 = arith.shrsi %rem3A_44, %shift_right_arithmetic3A_46 : vector<16xi32>
    %mul3A_48 = arith.constant 1001 : i32
    %mul3A_49 = vector.broadcast %mul3A_48 : i32 to vector<16xi32>
    %mul3A_50 = arith.muli %shift_right_arithmetic3A_47, %mul3A_49 : vector<16xi32>
    %swap3A_51 = arith.constant 48 : index
    %swap3A_52 = tpu.vector_load %arg7[%swap3A_51] {strides = array<i32>} : memref<832xi32, #tpu.memory_space<vmem>>, vector<16xi32>,
    %swap3A_53 = vector.shape_cast %swap3A_52 : vector<16xi32> to vector<16xi32>
    %swap3A_54 = vector.shape_cast %mul3A_50 : vector<16xi32> to vector<16xi32>
    tpu.vector_store %arg7[%swap3A_51], %swap3A_54 {strides = array<i32>} : memref<832xi32, #tpu.memory_space<vmem>>, vector<16xi32>,
    %add3A_55 = arith.constant 64 : i32
    %add3A_56 = vector.broadcast %add3A_55 : i32 to vector<16xi32>
    %add3A_57 = arith.addi %add3A_56, %iota3A : vector<16xi32>
    %rem3A_58 = arith.remsi %add3A_57, %broadcast_in_dim3A_1 : vector<16xi32>
    %shift_right_arithmetic3A_59 = arith.constant 2 : i32
    %shift_right_arithmetic3A_60 = vector.broadcast %shift_right_arithmetic3A_59 : i32 to vector<16xi32>
    %shift_right_arithmetic3A_61 = arith.shrsi %rem3A_58, %shift_right_arithmetic3A_60 : vector<16xi32>
    %mul3A_62 = arith.constant 1001 : i32
    %mul3A_63 = vector.broadcast %mul3A_62 : i32 to vector<16xi32>
    %mul3A_64 = arith.muli %shift_right_arithmetic3A_61, %mul3A_63 : vector<16xi32>
    %swap3A_65 = arith.constant 64 : index
    %swap3A_66 = tpu.vector_load %arg7[%swap3A_65] {strides = array<i32>} : memref<832xi32, #tpu.memory_space<vmem>>, vector<16xi32>,
    %swap3A_67 = vector.shape_cast %swap3A_66 : vector<16xi32> to vector<16xi32>
    %swap3A_68 = vector.shape_cast %mul3A_64 : vector<16xi32> to vector<16xi32>
    tpu.vector_store %arg7[%swap3A_65], %swap3A_68 {strides = array<i32>} : memref<832xi32, #tpu.memory_space<vmem>>, vector<16xi32>,
    %add3A_69 = arith.constant 80 : i32
    %add3A_70 = vector.broadcast %add3A_69 : i32 to vector<16xi32>
    %add3A_71 = arith.addi %add3A_70, %iota3A : vector<16xi32>
    %rem3A_72 = arith.remsi %add3A_71, %broadcast_in_dim3A_1 : vector<16xi32>
    %shift_right_arithmetic3A_73 = arith.constant 2 : i32
    %shift_right_arithmetic3A_74 = vector.broadcast %shift_right_arithmetic3A_73 : i32 to vector<16xi32>
    %shift_right_arithmetic3A_75 = arith.shrsi %rem3A_72, %shift_right_arithmetic3A_74 : vector<16xi32>
    %mul3A_76 = arith.constant 1001 : i32
    %mul3A_77 = vector.broadcast %mul3A_76 : i32 to vector<16xi32>
    %mul3A_78 = arith.muli %shift_right_arithmetic3A_75, %mul3A_77 : vector<16xi32>
    %swap3A_79 = arith.constant 80 : index
    %swap3A_80 = tpu.vector_load %arg7[%swap3A_79] {strides = array<i32>} : memref<832xi32, #tpu.memory_space<vmem>>, vector<16xi32>,
    %swap3A_81 = vector.shape_cast %swap3A_80 : vector<16xi32> to vector<16xi32>
    %swap3A_82 = vector.shape_cast %mul3A_78 : vector<16xi32> to vector<16xi32>
    tpu.vector_store %arg7[%swap3A_79], %swap3A_82 {strides = array<i32>} : memref<832xi32, #tpu.memory_space<vmem>>, vector<16xi32>,
    %add3A_83 = arith.constant 96 : i32
    %add3A_84 = vector.broadcast %add3A_83 : i32 to vector<16xi32>
    %add3A_85 = arith.addi %add3A_84, %iota3A : vector<16xi32>
    %rem3A_86 = arith.remsi %add3A_85, %broadcast_in_dim3A_1 : vector<16xi32>
    %shift_right_arithmetic3A_87 = arith.constant 2 : i32
    %shift_right_arithmetic3A_88 = vector.broadcast %shift_right_arithmetic3A_87 : i32 to vector<16xi32>
    %shift_right_arithmetic3A_89 = arith.shrsi %rem3A_86, %shift_right_arithmetic3A_88 : vector<16xi32>
    %mul3A_90 = arith.constant 1001 : i32
    %mul3A_91 = vector.broadcast %mul3A_90 : i32 to vector<16xi32>
    %mul3A_92 = arith.muli %shift_right_arithmetic3A_89, %mul3A_91 : vector<16xi32>
    %swap3A_93 = arith.constant 96 : index
    %swap3A_94 = tpu.vector_load %arg7[%swap3A_93] {strides = array<i32>} : memref<832xi32, #tpu.memory_space<vmem>>, vector<16xi32>,
    %swap3A_95 = vector.shape_cast %swap3A_94 : vector<16xi32> to vector<16xi32>
    %swap3A_96 = vector.shape_cast %mul3A_92 : vector<16xi32> to vector<16xi32>
    tpu.vector_store %arg7[%swap3A_93], %swap3A_96 {strides = array<i32>} : memref<832xi32, #tpu.memory_space<vmem>>, vector<16xi32>,
    %add3A_97 = arith.constant 112 : i32
    %add3A_98 = vector.broadcast %add3A_97 : i32 to vector<16xi32>
    %add3A_99 = arith.addi %add3A_98, %iota3A : vector<16xi32>
    %rem3A_100 = arith.remsi %add3A_99, %broadcast_in_dim3A_1 : vector<16xi32>
    %shift_right_arithmetic3A_101 = arith.constant 2 : i32
    %shift_right_arithmetic3A_102 = vector.broadcast %shift_right_arithmetic3A_101 : i32 to vector<16xi32>
    %shift_right_arithmetic3A_103 = arith.shrsi %rem3A_100, %shift_right_arithmetic3A_102 : vector<16xi32>
    %mul3A_104 = arith.constant 1001 : i32
    %mul3A_105 = vector.broadcast %mul3A_104 : i32 to vector<16xi32>
    %mul3A_106 = arith.muli %shift_right_arithmetic3A_103, %mul3A_105 : vector<16xi32>
    %swap3A_107 = arith.constant 112 : index
    %swap3A_108 = tpu.vector_load %arg7[%swap3A_107] {strides = array<i32>} : memref<832xi32, #tpu.memory_space<vmem>>, vector<16xi32>,
    %swap3A_109 = vector.shape_cast %swap3A_108 : vector<16xi32> to vector<16xi32>
    %swap3A_110 = vector.shape_cast %mul3A_106 : vector<16xi32> to vector<16xi32>
    tpu.vector_store %arg7[%swap3A_107], %swap3A_110 {strides = array<i32>} : memref<832xi32, #tpu.memory_space<vmem>>, vector<16xi32>,
    %add3A_111 = arith.constant 128 : i32
    %add3A_112 = vector.broadcast %add3A_111 : i32 to vector<16xi32>
    %add3A_113 = arith.addi %add3A_112, %iota3A : vector<16xi32>
    %rem3A_114 = arith.remsi %add3A_113, %broadcast_in_dim3A_1 : vector<16xi32>
    %shift_right_arithmetic3A_115 = arith.constant 2 : i32
    %shift_right_arithmetic3A_116 = vector.broadcast %shift_right_arithmetic3A_115 : i32 to vector<16xi32>
    %shift_right_arithmetic3A_117 = arith.shrsi %rem3A_114, %shift_right_arithmetic3A_116 : vector<16xi32>
    %mul3A_118 = arith.constant 1001 : i32
    %mul3A_119 = vector.broadcast %mul3A_118 : i32 to vector<16xi32>
    %mul3A_120 = arith.muli %shift_right_arithmetic3A_117, %mul3A_119 : vector<16xi32>
    %swap3A_121 = arith.constant 128 : index
    %swap3A_122 = tpu.vector_load %arg7[%swap3A_121] {strides = array<i32>} : memref<832xi32, #tpu.memory_space<vmem>>, vector<16xi32>,
    %swap3A_123 = vector.shape_cast %swap3A_122 : vector<16xi32> to vector<16xi32>
    %swap3A_124 = vector.shape_cast %mul3A_120 : vector<16xi32> to vector<16xi32>
    tpu.vector_store %arg7[%swap3A_121], %swap3A_124 {strides = array<i32>} : memref<832xi32, #tpu.memory_space<vmem>>, vector<16xi32>,
    %add3A_125 = arith.constant 144 : i32
    %add3A_126 = vector.broadcast %add3A_125 : i32 to vector<16xi32>
    %add3A_127 = arith.addi %add3A_126, %iota3A : vector<16xi32>
    %rem3A_128 = arith.remsi %add3A_127, %broadcast_in_dim3A_1 : vector<16xi32>
    %shift_right_arithmetic3A_129 = arith.constant 2 : i32
    %shift_right_arithmetic3A_130 = vector.broadcast %shift_right_arithmetic3A_129 : i32 to vector<16xi32>
    %shift_right_arithmetic3A_131 = arith.shrsi %rem3A_128, %shift_right_arithmetic3A_130 : vector<16xi32>
    %mul3A_132 = arith.constant 1001 : i32
    %mul3A_133 = vector.broadcast %mul3A_132 : i32 to vector<16xi32>
    %mul3A_134 = arith.muli %shift_right_arithmetic3A_131, %mul3A_133 : vector<16xi32>
    %swap3A_135 = arith.constant 144 : index
    %swap3A_136 = tpu.vector_load %arg7[%swap3A_135] {strides = array<i32>} : memref<832xi32, #tpu.memory_space<vmem>>, vector<16xi32>,
    %swap3A_137 = vector.shape_cast %swap3A_136 : vector<16xi32> to vector<16xi32>
    %swap3A_138 = vector.shape_cast %mul3A_134 : vector<16xi32> to vector<16xi32>
    tpu.vector_store %arg7[%swap3A_135], %swap3A_138 {strides = array<i32>} : memref<832xi32, #tpu.memory_space<vmem>>, vector<16xi32>,
    %add3A_139 = arith.constant 160 : i32
    %add3A_140 = vector.broadcast %add3A_139 : i32 to vector<16xi32>
    %add3A_141 = arith.addi %add3A_140, %iota3A : vector<16xi32>
    %rem3A_142 = arith.remsi %add3A_141, %broadcast_in_dim3A_1 : vector<16xi32>
    %shift_right_arithmetic3A_143 = arith.constant 2 : i32
    %shift_right_arithmetic3A_144 = vector.broadcast %shift_right_arithmetic3A_143 : i32 to vector<16xi32>
    %shift_right_arithmetic3A_145 = arith.shrsi %rem3A_142, %shift_right_arithmetic3A_144 : vector<16xi32>
    %mul3A_146 = arith.constant 1001 : i32
    %mul3A_147 = vector.broadcast %mul3A_146 : i32 to vector<16xi32>
    %mul3A_148 = arith.muli %shift_right_arithmetic3A_145, %mul3A_147 : vector<16xi32>
    %swap3A_149 = arith.constant 160 : index
    %swap3A_150 = tpu.vector_load %arg7[%swap3A_149] {strides = array<i32>} : memref<832xi32, #tpu.memory_space<vmem>>, vector<16xi32>,
    %swap3A_151 = vector.shape_cast %swap3A_150 : vector<16xi32> to vector<16xi32>
    %swap3A_152 = vector.shape_cast %mul3A_148 : vector<16xi32> to vector<16xi32>
    tpu.vector_store %arg7[%swap3A_149], %swap3A_152 {strides = array<i32>} : memref<832xi32, #tpu.memory_space<vmem>>, vector<16xi32>,
    %add3A_153 = arith.constant 176 : i32
    %add3A_154 = vector.broadcast %add3A_153 : i32 to vector<16xi32>
    %add3A_155 = arith.addi %add3A_154, %iota3A : vector<16xi32>
    %rem3A_156 = arith.remsi %add3A_155, %broadcast_in_dim3A_1 : vector<16xi32>
    %shift_right_arithmetic3A_157 = arith.constant 2 : i32
    %shift_right_arithmetic3A_158 = vector.broadcast %shift_right_arithmetic3A_157 : i32 to vector<16xi32>
    %shift_right_arithmetic3A_159 = arith.shrsi %rem3A_156, %shift_right_arithmetic3A_158 : vector<16xi32>
    %mul3A_160 = arith.constant 1001 : i32
    %mul3A_161 = vector.broadcast %mul3A_160 : i32 to vector<16xi32>
    %mul3A_162 = arith.muli %shift_right_arithmetic3A_159, %mul3A_161 : vector<16xi32>
    %swap3A_163 = arith.constant 176 : index
    %swap3A_164 = tpu.vector_load %arg7[%swap3A_163] {strides = array<i32>} : memref<832xi32, #tpu.memory_space<vmem>>, vector<16xi32>,
    %swap3A_165 = vector.shape_cast %swap3A_164 : vector<16xi32> to vector<16xi32>
    %swap3A_166 = vector.shape_cast %mul3A_162 : vector<16xi32> to vector<16xi32>
    tpu.vector_store %arg7[%swap3A_163], %swap3A_166 {strides = array<i32>} : memref<832xi32, #tpu.memory_space<vmem>>, vector<16xi32>,
    %add3A_167 = arith.constant 192 : i32
    %add3A_168 = vector.broadcast %add3A_167 : i32 to vector<16xi32>
    %add3A_169 = arith.addi %add3A_168, %iota3A : vector<16xi32>
    %rem3A_170 = arith.remsi %add3A_169, %broadcast_in_dim3A_1 : vector<16xi32>
    %shift_right_arithmetic3A_171 = arith.constant 2 : i32
    %shift_right_arithmetic3A_172 = vector.broadcast %shift_right_arithmetic3A_171 : i32 to vector<16xi32>
    %shift_right_arithmetic3A_173 = arith.shrsi %rem3A_170, %shift_right_arithmetic3A_172 : vector<16xi32>
    %mul3A_174 = arith.constant 1001 : i32
    %mul3A_175 = vector.broadcast %mul3A_174 : i32 to vector<16xi32>
    %mul3A_176 = arith.muli %shift_right_arithmetic3A_173, %mul3A_175 : vector<16xi32>
    %swap3A_177 = arith.constant 192 : index
    %swap3A_178 = tpu.vector_load %arg7[%swap3A_177] {strides = array<i32>} : memref<832xi32, #tpu.memory_space<vmem>>, vector<16xi32>,
    %swap3A_179 = vector.shape_cast %swap3A_178 : vector<16xi32> to vector<16xi32>
    %swap3A_180 = vector.shape_cast %mul3A_176 : vector<16xi32> to vector<16xi32>
    tpu.vector_store %arg7[%swap3A_177], %swap3A_180 {strides = array<i32>} : memref<832xi32, #tpu.memory_space<vmem>>, vector<16xi32>,
    %add3A_181 = arith.constant 208 : i32
    %add3A_182 = vector.broadcast %add3A_181 : i32 to vector<16xi32>
    %add3A_183 = arith.addi %add3A_182, %iota3A : vector<16xi32>
    %rem3A_184 = arith.remsi %add3A_183, %broadcast_in_dim3A_1 : vector<16xi32>
    %shift_right_arithmetic3A_185 = arith.constant 2 : i32
    %shift_right_arithmetic3A_186 = vector.broadcast %shift_right_arithmetic3A_185 : i32 to vector<16xi32>
    %shift_right_arithmetic3A_187 = arith.shrsi %rem3A_184, %shift_right_arithmetic3A_186 : vector<16xi32>
    %mul3A_188 = arith.constant 1001 : i32
    %mul3A_189 = vector.broadcast %mul3A_188 : i32 to vector<16xi32>
    %mul3A_190 = arith.muli %shift_right_arithmetic3A_187, %mul3A_189 : vector<16xi32>
    %swap3A_191 = arith.constant 208 : index
    %swap3A_192 = tpu.vector_load %arg7[%swap3A_191] {strides = array<i32>} : memref<832xi32, #tpu.memory_space<vmem>>, vector<16xi32>,
    %swap3A_193 = vector.shape_cast %swap3A_192 : vector<16xi32> to vector<16xi32>
    %swap3A_194 = vector.shape_cast %mul3A_190 : vector<16xi32> to vector<16xi32>
    tpu.vector_store %arg7[%swap3A_191], %swap3A_194 {strides = array<i32>} : memref<832xi32, #tpu.memory_space<vmem>>, vector<16xi32>,
    %add3A_195 = arith.constant 224 : i32
    %add3A_196 = vector.broadcast %add3A_195 : i32 to vector<16xi32>
    %add3A_197 = arith.addi %add3A_196, %iota3A : vector<16xi32>
    %rem3A_198 = arith.remsi %add3A_197, %broadcast_in_dim3A_1 : vector<16xi32>
    %shift_right_arithmetic3A_199 = arith.constant 2 : i32
    %shift_right_arithmetic3A_200 = vector.broadcast %shift_right_arithmetic3A_199 : i32 to vector<16xi32>
    %shift_right_arithmetic3A_201 = arith.shrsi %rem3A_198, %shift_right_arithmetic3A_200 : vector<16xi32>
    %mul3A_202 = arith.constant 1001 : i32
    %mul3A_203 = vector.broadcast %mul3A_202 : i32 to vector<16xi32>
    %mul3A_204 = arith.muli %shift_right_arithmetic3A_201, %mul3A_203 : vector<16xi32>
    %swap3A_205 = arith.constant 224 : index
    %swap3A_206 = tpu.vector_load %arg7[%swap3A_205] {strides = array<i32>} : memref<832xi32, #tpu.memory_space<vmem>>, vector<16xi32>,
    %swap3A_207 = vector.shape_cast %swap3A_206 : vector<16xi32> to vector<16xi32>
    %swap3A_208 = vector.shape_cast %mul3A_204 : vector<16xi32> to vector<16xi32>
    tpu.vector_store %arg7[%swap3A_205], %swap3A_208 {strides = array<i32>} : memref<832xi32, #tpu.memory_space<vmem>>, vector<16xi32>,
    %add3A_209 = arith.constant 240 : i32
    %add3A_210 = vector.broadcast %add3A_209 : i32 to vector<16xi32>
    %add3A_211 = arith.addi %add3A_210, %iota3A : vector<16xi32>
    %rem3A_212 = arith.remsi %add3A_211, %broadcast_in_dim3A_1 : vector<16xi32>
    %shift_right_arithmetic3A_213 = arith.constant 2 : i32
    %shift_right_arithmetic3A_214 = vector.broadcast %shift_right_arithmetic3A_213 : i32 to vector<16xi32>
    %shift_right_arithmetic3A_215 = arith.shrsi %rem3A_212, %shift_right_arithmetic3A_214 : vector<16xi32>
    %mul3A_216 = arith.constant 1001 : i32
    %mul3A_217 = vector.broadcast %mul3A_216 : i32 to vector<16xi32>
    %mul3A_218 = arith.muli %shift_right_arithmetic3A_215, %mul3A_217 : vector<16xi32>
    %swap3A_219 = arith.constant 240 : index
    %swap3A_220 = tpu.vector_load %arg7[%swap3A_219] {strides = array<i32>} : memref<832xi32, #tpu.memory_space<vmem>>, vector<16xi32>,
    %swap3A_221 = vector.shape_cast %swap3A_220 : vector<16xi32> to vector<16xi32>
    %swap3A_222 = vector.shape_cast %mul3A_218 : vector<16xi32> to vector<16xi32>
    tpu.vector_store %arg7[%swap3A_219], %swap3A_222 {strides = array<i32>} : memref<832xi32, #tpu.memory_space<vmem>>, vector<16xi32>,
    %add3A_223 = arith.constant 256 : i32
    %add3A_224 = vector.broadcast %add3A_223 : i32 to vector<16xi32>
    %add3A_225 = arith.addi %add3A_224, %iota3A : vector<16xi32>
    %rem3A_226 = arith.remsi %add3A_225, %broadcast_in_dim3A_1 : vector<16xi32>
    %shift_right_arithmetic3A_227 = arith.constant 2 : i32
    %shift_right_arithmetic3A_228 = vector.broadcast %shift_right_arithmetic3A_227 : i32 to vector<16xi32>
    %shift_right_arithmetic3A_229 = arith.shrsi %rem3A_226, %shift_right_arithmetic3A_228 : vector<16xi32>
    %mul3A_230 = arith.constant 1001 : i32
    %mul3A_231 = vector.broadcast %mul3A_230 : i32 to vector<16xi32>
    %mul3A_232 = arith.muli %shift_right_arithmetic3A_229, %mul3A_231 : vector<16xi32>
    %swap3A_233 = arith.constant 256 : index
    %swap3A_234 = tpu.vector_load %arg7[%swap3A_233] {strides = array<i32>} : memref<832xi32, #tpu.memory_space<vmem>>, vector<16xi32>,
    %swap3A_235 = vector.shape_cast %swap3A_234 : vector<16xi32> to vector<16xi32>
    %swap3A_236 = vector.shape_cast %mul3A_232 : vector<16xi32> to vector<16xi32>
    tpu.vector_store %arg7[%swap3A_233], %swap3A_236 {strides = array<i32>} : memref<832xi32, #tpu.memory_space<vmem>>, vector<16xi32>,
    %add3A_237 = arith.constant 272 : i32
    %add3A_238 = vector.broadcast %add3A_237 : i32 to vector<16xi32>
    %add3A_239 = arith.addi %add3A_238, %iota3A : vector<16xi32>
    %rem3A_240 = arith.remsi %add3A_239, %broadcast_in_dim3A_1 : vector<16xi32>
    %shift_right_arithmetic3A_241 = arith.constant 2 : i32
    %shift_right_arithmetic3A_242 = vector.broadcast %shift_right_arithmetic3A_241 : i32 to vector<16xi32>
    %shift_right_arithmetic3A_243 = arith.shrsi %rem3A_240, %shift_right_arithmetic3A_242 : vector<16xi32>
    %mul3A_244 = arith.constant 1001 : i32
    %mul3A_245 = vector.broadcast %mul3A_244 : i32 to vector<16xi32>
    %mul3A_246 = arith.muli %shift_right_arithmetic3A_243, %mul3A_245 : vector<16xi32>
    %swap3A_247 = arith.constant 272 : index
    %swap3A_248 = tpu.vector_load %arg7[%swap3A_247] {strides = array<i32>} : memref<832xi32, #tpu.memory_space<vmem>>, vector<16xi32>,
    %swap3A_249 = vector.shape_cast %swap3A_248 : vector<16xi32> to vector<16xi32>
    %swap3A_250 = vector.shape_cast %mul3A_246 : vector<16xi32> to vector<16xi32>
    tpu.vector_store %arg7[%swap3A_247], %swap3A_250 {strides = array<i32>} : memref<832xi32, #tpu.memory_space<vmem>>, vector<16xi32>,
    %add3A_251 = arith.constant 288 : i32
    %add3A_252 = vector.broadcast %add3A_251 : i32 to vector<16xi32>
    %add3A_253 = arith.addi %add3A_252, %iota3A : vector<16xi32>
    %rem3A_254 = arith.remsi %add3A_253, %broadcast_in_dim3A_1 : vector<16xi32>
    %shift_right_arithmetic3A_255 = arith.constant 2 : i32
    %shift_right_arithmetic3A_256 = vector.broadcast %shift_right_arithmetic3A_255 : i32 to vector<16xi32>
    %shift_right_arithmetic3A_257 = arith.shrsi %rem3A_254, %shift_right_arithmetic3A_256 : vector<16xi32>
    %mul3A_258 = arith.constant 1001 : i32
    %mul3A_259 = vector.broadcast %mul3A_258 : i32 to vector<16xi32>
    %mul3A_260 = arith.muli %shift_right_arithmetic3A_257, %mul3A_259 : vector<16xi32>
    %swap3A_261 = arith.constant 288 : index
    %swap3A_262 = tpu.vector_load %arg7[%swap3A_261] {strides = array<i32>} : memref<832xi32, #tpu.memory_space<vmem>>, vector<16xi32>,
    %swap3A_263 = vector.shape_cast %swap3A_262 : vector<16xi32> to vector<16xi32>
    %swap3A_264 = vector.shape_cast %mul3A_260 : vector<16xi32> to vector<16xi32>
    tpu.vector_store %arg7[%swap3A_261], %swap3A_264 {strides = array<i32>} : memref<832xi32, #tpu.memory_space<vmem>>, vector<16xi32>,
    %add3A_265 = arith.constant 304 : i32
    %add3A_266 = vector.broadcast %add3A_265 : i32 to vector<16xi32>
    %add3A_267 = arith.addi %add3A_266, %iota3A : vector<16xi32>
    %rem3A_268 = arith.remsi %add3A_267, %broadcast_in_dim3A_1 : vector<16xi32>
    %shift_right_arithmetic3A_269 = arith.constant 2 : i32
    %shift_right_arithmetic3A_270 = vector.broadcast %shift_right_arithmetic3A_269 : i32 to vector<16xi32>
    %shift_right_arithmetic3A_271 = arith.shrsi %rem3A_268, %shift_right_arithmetic3A_270 : vector<16xi32>
    %mul3A_272 = arith.constant 1001 : i32
    %mul3A_273 = vector.broadcast %mul3A_272 : i32 to vector<16xi32>
    %mul3A_274 = arith.muli %shift_right_arithmetic3A_271, %mul3A_273 : vector<16xi32>
    %swap3A_275 = arith.constant 304 : index
    %swap3A_276 = tpu.vector_load %arg7[%swap3A_275] {strides = array<i32>} : memref<832xi32, #tpu.memory_space<vmem>>, vector<16xi32>,
    %swap3A_277 = vector.shape_cast %swap3A_276 : vector<16xi32> to vector<16xi32>
    %swap3A_278 = vector.shape_cast %mul3A_274 : vector<16xi32> to vector<16xi32>
    tpu.vector_store %arg7[%swap3A_275], %swap3A_278 {strides = array<i32>} : memref<832xi32, #tpu.memory_space<vmem>>, vector<16xi32>,
    %add3A_279 = arith.constant 320 : i32
    %add3A_280 = vector.broadcast %add3A_279 : i32 to vector<16xi32>
    %add3A_281 = arith.addi %add3A_280, %iota3A : vector<16xi32>
    %rem3A_282 = arith.remsi %add3A_281, %broadcast_in_dim3A_1 : vector<16xi32>
    %shift_right_arithmetic3A_283 = arith.constant 2 : i32
    %shift_right_arithmetic3A_284 = vector.broadcast %shift_right_arithmetic3A_283 : i32 to vector<16xi32>
    %shift_right_arithmetic3A_285 = arith.shrsi %rem3A_282, %shift_right_arithmetic3A_284 : vector<16xi32>
    %mul3A_286 = arith.constant 1001 : i32
    %mul3A_287 = vector.broadcast %mul3A_286 : i32 to vector<16xi32>
    %mul3A_288 = arith.muli %shift_right_arithmetic3A_285, %mul3A_287 : vector<16xi32>
    %swap3A_289 = arith.constant 320 : index
    %swap3A_290 = tpu.vector_load %arg7[%swap3A_289] {strides = array<i32>} : memref<832xi32, #tpu.memory_space<vmem>>, vector<16xi32>,
    %swap3A_291 = vector.shape_cast %swap3A_290 : vector<16xi32> to vector<16xi32>
    %swap3A_292 = vector.shape_cast %mul3A_288 : vector<16xi32> to vector<16xi32>
    tpu.vector_store %arg7[%swap3A_289], %swap3A_292 {strides = array<i32>} : memref<832xi32, #tpu.memory_space<vmem>>, vector<16xi32>,
    %add3A_293 = arith.constant 336 : i32
    %add3A_294 = vector.broadcast %add3A_293 : i32 to vector<16xi32>
    %add3A_295 = arith.addi %add3A_294, %iota3A : vector<16xi32>
    %rem3A_296 = arith.remsi %add3A_295, %broadcast_in_dim3A_1 : vector<16xi32>
    %shift_right_arithmetic3A_297 = arith.constant 2 : i32
    %shift_right_arithmetic3A_298 = vector.broadcast %shift_right_arithmetic3A_297 : i32 to vector<16xi32>
    %shift_right_arithmetic3A_299 = arith.shrsi %rem3A_296, %shift_right_arithmetic3A_298 : vector<16xi32>
    %mul3A_300 = arith.constant 1001 : i32
    %mul3A_301 = vector.broadcast %mul3A_300 : i32 to vector<16xi32>
    %mul3A_302 = arith.muli %shift_right_arithmetic3A_299, %mul3A_301 : vector<16xi32>
    %swap3A_303 = arith.constant 336 : index
    %swap3A_304 = tpu.vector_load %arg7[%swap3A_303] {strides = array<i32>} : memref<832xi32, #tpu.memory_space<vmem>>, vector<16xi32>,
    %swap3A_305 = vector.shape_cast %swap3A_304 : vector<16xi32> to vector<16xi32>
    %swap3A_306 = vector.shape_cast %mul3A_302 : vector<16xi32> to vector<16xi32>
    tpu.vector_store %arg7[%swap3A_303], %swap3A_306 {strides = array<i32>} : memref<832xi32, #tpu.memory_space<vmem>>, vector<16xi32>,
    %add3A_307 = arith.constant 352 : i32
    %add3A_308 = vector.broadcast %add3A_307 : i32 to vector<16xi32>
    %add3A_309 = arith.addi %add3A_308, %iota3A : vector<16xi32>
    %rem3A_310 = arith.remsi %add3A_309, %broadcast_in_dim3A_1 : vector<16xi32>
    %shift_right_arithmetic3A_311 = arith.constant 2 : i32
    %shift_right_arithmetic3A_312 = vector.broadcast %shift_right_arithmetic3A_311 : i32 to vector<16xi32>
    %shift_right_arithmetic3A_313 = arith.shrsi %rem3A_310, %shift_right_arithmetic3A_312 : vector<16xi32>
    %mul3A_314 = arith.constant 1001 : i32
    %mul3A_315 = vector.broadcast %mul3A_314 : i32 to vector<16xi32>
    %mul3A_316 = arith.muli %shift_right_arithmetic3A_313, %mul3A_315 : vector<16xi32>
    %swap3A_317 = arith.constant 352 : index
    %swap3A_318 = tpu.vector_load %arg7[%swap3A_317] {strides = array<i32>} : memref<832xi32, #tpu.memory_space<vmem>>, vector<16xi32>,
    %swap3A_319 = vector.shape_cast %swap3A_318 : vector<16xi32> to vector<16xi32>
    %swap3A_320 = vector.shape_cast %mul3A_316 : vector<16xi32> to vector<16xi32>
    tpu.vector_store %arg7[%swap3A_317], %swap3A_320 {strides = array<i32>} : memref<832xi32, #tpu.memory_space<vmem>>, vector<16xi32>,
    %add3A_321 = arith.constant 368 : i32
    %add3A_322 = vector.broadcast %add3A_321 : i32 to vector<16xi32>
    %add3A_323 = arith.addi %add3A_322, %iota3A : vector<16xi32>
    %rem3A_324 = arith.remsi %add3A_323, %broadcast_in_dim3A_1 : vector<16xi32>
    %shift_right_arithmetic3A_325 = arith.constant 2 : i32
    %shift_right_arithmetic3A_326 = vector.broadcast %shift_right_arithmetic3A_325 : i32 to vector<16xi32>
    %shift_right_arithmetic3A_327 = arith.shrsi %rem3A_324, %shift_right_arithmetic3A_326 : vector<16xi32>
    %mul3A_328 = arith.constant 1001 : i32
    %mul3A_329 = vector.broadcast %mul3A_328 : i32 to vector<16xi32>
    %mul3A_330 = arith.muli %shift_right_arithmetic3A_327, %mul3A_329 : vector<16xi32>
    %swap3A_331 = arith.constant 368 : index
    %swap3A_332 = tpu.vector_load %arg7[%swap3A_331] {strides = array<i32>} : memref<832xi32, #tpu.memory_space<vmem>>, vector<16xi32>,
    %swap3A_333 = vector.shape_cast %swap3A_332 : vector<16xi32> to vector<16xi32>
    %swap3A_334 = vector.shape_cast %mul3A_330 : vector<16xi32> to vector<16xi32>
    tpu.vector_store %arg7[%swap3A_331], %swap3A_334 {strides = array<i32>} : memref<832xi32, #tpu.memory_space<vmem>>, vector<16xi32>,
    %add3A_335 = arith.constant 384 : i32
    %add3A_336 = vector.broadcast %add3A_335 : i32 to vector<16xi32>
    %add3A_337 = arith.addi %add3A_336, %iota3A : vector<16xi32>
    %rem3A_338 = arith.remsi %add3A_337, %broadcast_in_dim3A_1 : vector<16xi32>
    %shift_right_arithmetic3A_339 = arith.constant 2 : i32
    %shift_right_arithmetic3A_340 = vector.broadcast %shift_right_arithmetic3A_339 : i32 to vector<16xi32>
    %shift_right_arithmetic3A_341 = arith.shrsi %rem3A_338, %shift_right_arithmetic3A_340 : vector<16xi32>
    %mul3A_342 = arith.constant 1001 : i32
    %mul3A_343 = vector.broadcast %mul3A_342 : i32 to vector<16xi32>
    %mul3A_344 = arith.muli %shift_right_arithmetic3A_341, %mul3A_343 : vector<16xi32>
    %swap3A_345 = arith.constant 384 : index
    %swap3A_346 = tpu.vector_load %arg7[%swap3A_345] {strides = array<i32>} : memref<832xi32, #tpu.memory_space<vmem>>, vector<16xi32>,
    %swap3A_347 = vector.shape_cast %swap3A_346 : vector<16xi32> to vector<16xi32>
    %swap3A_348 = vector.shape_cast %mul3A_344 : vector<16xi32> to vector<16xi32>
    tpu.vector_store %arg7[%swap3A_345], %swap3A_348 {strides = array<i32>} : memref<832xi32, #tpu.memory_space<vmem>>, vector<16xi32>,
    %add3A_349 = arith.constant 400 : i32
    %add3A_350 = vector.broadcast %add3A_349 : i32 to vector<16xi32>
    %add3A_351 = arith.addi %add3A_350, %iota3A : vector<16xi32>
    %rem3A_352 = arith.remsi %add3A_351, %broadcast_in_dim3A_1 : vector<16xi32>
    %shift_right_arithmetic3A_353 = arith.constant 2 : i32
    %shift_right_arithmetic3A_354 = vector.broadcast %shift_right_arithmetic3A_353 : i32 to vector<16xi32>
    %shift_right_arithmetic3A_355 = arith.shrsi %rem3A_352, %shift_right_arithmetic3A_354 : vector<16xi32>
    %mul3A_356 = arith.constant 1001 : i32
    %mul3A_357 = vector.broadcast %mul3A_356 : i32 to vector<16xi32>
    %mul3A_358 = arith.muli %shift_right_arithmetic3A_355, %mul3A_357 : vector<16xi32>
    %swap3A_359 = arith.constant 400 : index
    %swap3A_360 = tpu.vector_load %arg7[%swap3A_359] {strides = array<i32>} : memref<832xi32, #tpu.memory_space<vmem>>, vector<16xi32>,
    %swap3A_361 = vector.shape_cast %swap3A_360 : vector<16xi32> to vector<16xi32>
    %swap3A_362 = vector.shape_cast %mul3A_358 : vector<16xi32> to vector<16xi32>
    tpu.vector_store %arg7[%swap3A_359], %swap3A_362 {strides = array<i32>} : memref<832xi32, #tpu.memory_space<vmem>>, vector<16xi32>,
    %add3A_363 = arith.constant 416 : i32
    %add3A_364 = vector.broadcast %add3A_363 : i32 to vector<16xi32>
    %add3A_365 = arith.addi %add3A_364, %iota3A : vector<16xi32>
    %rem3A_366 = arith.remsi %add3A_365, %broadcast_in_dim3A_1 : vector<16xi32>
    %shift_right_arithmetic3A_367 = arith.constant 2 : i32
    %shift_right_arithmetic3A_368 = vector.broadcast %shift_right_arithmetic3A_367 : i32 to vector<16xi32>
    %shift_right_arithmetic3A_369 = arith.shrsi %rem3A_366, %shift_right_arithmetic3A_368 : vector<16xi32>
    %mul3A_370 = arith.constant 1001 : i32
    %mul3A_371 = vector.broadcast %mul3A_370 : i32 to vector<16xi32>
    %mul3A_372 = arith.muli %shift_right_arithmetic3A_369, %mul3A_371 : vector<16xi32>
    %swap3A_373 = arith.constant 416 : index
    %swap3A_374 = tpu.vector_load %arg7[%swap3A_373] {strides = array<i32>} : memref<832xi32, #tpu.memory_space<vmem>>, vector<16xi32>,
    %swap3A_375 = vector.shape_cast %swap3A_374 : vector<16xi32> to vector<16xi32>
    %swap3A_376 = vector.shape_cast %mul3A_372 : vector<16xi32> to vector<16xi32>
    tpu.vector_store %arg7[%swap3A_373], %swap3A_376 {strides = array<i32>} : memref<832xi32, #tpu.memory_space<vmem>>, vector<16xi32>,
    %add3A_377 = arith.constant 432 : i32
    %add3A_378 = vector.broadcast %add3A_377 : i32 to vector<16xi32>
    %add3A_379 = arith.addi %add3A_378, %iota3A : vector<16xi32>
    %rem3A_380 = arith.remsi %add3A_379, %broadcast_in_dim3A_1 : vector<16xi32>
    %shift_right_arithmetic3A_381 = arith.constant 2 : i32
    %shift_right_arithmetic3A_382 = vector.broadcast %shift_right_arithmetic3A_381 : i32 to vector<16xi32>
    %shift_right_arithmetic3A_383 = arith.shrsi %rem3A_380, %shift_right_arithmetic3A_382 : vector<16xi32>
    %mul3A_384 = arith.constant 1001 : i32
    %mul3A_385 = vector.broadcast %mul3A_384 : i32 to vector<16xi32>
    %mul3A_386 = arith.muli %shift_right_arithmetic3A_383, %mul3A_385 : vector<16xi32>
    %swap3A_387 = arith.constant 432 : index
    %swap3A_388 = tpu.vector_load %arg7[%swap3A_387] {strides = array<i32>} : memref<832xi32, #tpu.memory_space<vmem>>, vector<16xi32>,
    %swap3A_389 = vector.shape_cast %swap3A_388 : vector<16xi32> to vector<16xi32>
    %swap3A_390 = vector.shape_cast %mul3A_386 : vector<16xi32> to vector<16xi32>
    tpu.vector_store %arg7[%swap3A_387], %swap3A_390 {strides = array<i32>} : memref<832xi32, #tpu.memory_space<vmem>>, vector<16xi32>,
    %add3A_391 = arith.constant 448 : i32
    %add3A_392 = vector.broadcast %add3A_391 : i32 to vector<16xi32>
    %add3A_393 = arith.addi %add3A_392, %iota3A : vector<16xi32>
    %rem3A_394 = arith.remsi %add3A_393, %broadcast_in_dim3A_1 : vector<16xi32>
    %shift_right_arithmetic3A_395 = arith.constant 2 : i32
    %shift_right_arithmetic3A_396 = vector.broadcast %shift_right_arithmetic3A_395 : i32 to vector<16xi32>
    %shift_right_arithmetic3A_397 = arith.shrsi %rem3A_394, %shift_right_arithmetic3A_396 : vector<16xi32>
    %mul3A_398 = arith.constant 1001 : i32
    %mul3A_399 = vector.broadcast %mul3A_398 : i32 to vector<16xi32>
    %mul3A_400 = arith.muli %shift_right_arithmetic3A_397, %mul3A_399 : vector<16xi32>
    %swap3A_401 = arith.constant 448 : index
    %swap3A_402 = tpu.vector_load %arg7[%swap3A_401] {strides = array<i32>} : memref<832xi32, #tpu.memory_space<vmem>>, vector<16xi32>,
    %swap3A_403 = vector.shape_cast %swap3A_402 : vector<16xi32> to vector<16xi32>
    %swap3A_404 = vector.shape_cast %mul3A_400 : vector<16xi32> to vector<16xi32>
    tpu.vector_store %arg7[%swap3A_401], %swap3A_404 {strides = array<i32>} : memref<832xi32, #tpu.memory_space<vmem>>, vector<16xi32>,
    %add3A_405 = arith.constant 464 : i32
    %add3A_406 = vector.broadcast %add3A_405 : i32 to vector<16xi32>
    %add3A_407 = arith.addi %add3A_406, %iota3A : vector<16xi32>
    %rem3A_408 = arith.remsi %add3A_407, %broadcast_in_dim3A_1 : vector<16xi32>
    %shift_right_arithmetic3A_409 = arith.constant 2 : i32
    %shift_right_arithmetic3A_410 = vector.broadcast %shift_right_arithmetic3A_409 : i32 to vector<16xi32>
    %shift_right_arithmetic3A_411 = arith.shrsi %rem3A_408, %shift_right_arithmetic3A_410 : vector<16xi32>
    %mul3A_412 = arith.constant 1001 : i32
    %mul3A_413 = vector.broadcast %mul3A_412 : i32 to vector<16xi32>
    %mul3A_414 = arith.muli %shift_right_arithmetic3A_411, %mul3A_413 : vector<16xi32>
    %swap3A_415 = arith.constant 464 : index
    %swap3A_416 = tpu.vector_load %arg7[%swap3A_415] {strides = array<i32>} : memref<832xi32, #tpu.memory_space<vmem>>, vector<16xi32>,
    %swap3A_417 = vector.shape_cast %swap3A_416 : vector<16xi32> to vector<16xi32>
    %swap3A_418 = vector.shape_cast %mul3A_414 : vector<16xi32> to vector<16xi32>
    tpu.vector_store %arg7[%swap3A_415], %swap3A_418 {strides = array<i32>} : memref<832xi32, #tpu.memory_space<vmem>>, vector<16xi32>,
    %add3A_419 = arith.constant 480 : i32
    %add3A_420 = vector.broadcast %add3A_419 : i32 to vector<16xi32>
    %add3A_421 = arith.addi %add3A_420, %iota3A : vector<16xi32>
    %rem3A_422 = arith.remsi %add3A_421, %broadcast_in_dim3A_1 : vector<16xi32>
    %shift_right_arithmetic3A_423 = arith.constant 2 : i32
    %shift_right_arithmetic3A_424 = vector.broadcast %shift_right_arithmetic3A_423 : i32 to vector<16xi32>
    %shift_right_arithmetic3A_425 = arith.shrsi %rem3A_422, %shift_right_arithmetic3A_424 : vector<16xi32>
    %mul3A_426 = arith.constant 1001 : i32
    %mul3A_427 = vector.broadcast %mul3A_426 : i32 to vector<16xi32>
    %mul3A_428 = arith.muli %shift_right_arithmetic3A_425, %mul3A_427 : vector<16xi32>
    %swap3A_429 = arith.constant 480 : index
    %swap3A_430 = tpu.vector_load %arg7[%swap3A_429] {strides = array<i32>} : memref<832xi32, #tpu.memory_space<vmem>>, vector<16xi32>,
    %swap3A_431 = vector.shape_cast %swap3A_430 : vector<16xi32> to vector<16xi32>
    %swap3A_432 = vector.shape_cast %mul3A_428 : vector<16xi32> to vector<16xi32>
    tpu.vector_store %arg7[%swap3A_429], %swap3A_432 {strides = array<i32>} : memref<832xi32, #tpu.memory_space<vmem>>, vector<16xi32>,
    %add3A_433 = arith.constant 496 : i32
    %add3A_434 = vector.broadcast %add3A_433 : i32 to vector<16xi32>
    %add3A_435 = arith.addi %add3A_434, %iota3A : vector<16xi32>
    %rem3A_436 = arith.remsi %add3A_435, %broadcast_in_dim3A_1 : vector<16xi32>
    %shift_right_arithmetic3A_437 = arith.constant 2 : i32
    %shift_right_arithmetic3A_438 = vector.broadcast %shift_right_arithmetic3A_437 : i32 to vector<16xi32>
    %shift_right_arithmetic3A_439 = arith.shrsi %rem3A_436, %shift_right_arithmetic3A_438 : vector<16xi32>
    %mul3A_440 = arith.constant 1001 : i32
    %mul3A_441 = vector.broadcast %mul3A_440 : i32 to vector<16xi32>
    %mul3A_442 = arith.muli %shift_right_arithmetic3A_439, %mul3A_441 : vector<16xi32>
    %swap3A_443 = arith.constant 496 : index
    %swap3A_444 = tpu.vector_load %arg7[%swap3A_443] {strides = array<i32>} : memref<832xi32, #tpu.memory_space<vmem>>, vector<16xi32>,
    %swap3A_445 = vector.shape_cast %swap3A_444 : vector<16xi32> to vector<16xi32>
    %swap3A_446 = vector.shape_cast %mul3A_442 : vector<16xi32> to vector<16xi32>
    tpu.vector_store %arg7[%swap3A_443], %swap3A_446 {strides = array<i32>} : memref<832xi32, #tpu.memory_space<vmem>>, vector<16xi32>,
    %add3A_447 = arith.constant 512 : i32
    %add3A_448 = vector.broadcast %add3A_447 : i32 to vector<16xi32>
    %add3A_449 = arith.addi %add3A_448, %iota3A : vector<16xi32>
    %rem3A_450 = arith.remsi %add3A_449, %broadcast_in_dim3A_1 : vector<16xi32>
    %shift_right_arithmetic3A_451 = arith.constant 2 : i32
    %shift_right_arithmetic3A_452 = vector.broadcast %shift_right_arithmetic3A_451 : i32 to vector<16xi32>
    %shift_right_arithmetic3A_453 = arith.shrsi %rem3A_450, %shift_right_arithmetic3A_452 : vector<16xi32>
    %mul3A_454 = arith.constant 1001 : i32
    %mul3A_455 = vector.broadcast %mul3A_454 : i32 to vector<16xi32>
    %mul3A_456 = arith.muli %shift_right_arithmetic3A_453, %mul3A_455 : vector<16xi32>
    %swap3A_457 = arith.constant 512 : index
    %swap3A_458 = tpu.vector_load %arg7[%swap3A_457] {strides = array<i32>} : memref<832xi32, #tpu.memory_space<vmem>>, vector<16xi32>,
    %swap3A_459 = vector.shape_cast %swap3A_458 : vector<16xi32> to vector<16xi32>
    %swap3A_460 = vector.shape_cast %mul3A_456 : vector<16xi32> to vector<16xi32>
    tpu.vector_store %arg7[%swap3A_457], %swap3A_460 {strides = array<i32>} : memref<832xi32, #tpu.memory_space<vmem>>, vector<16xi32>,
    %add3A_461 = arith.constant 528 : i32
    %add3A_462 = vector.broadcast %add3A_461 : i32 to vector<16xi32>
    %add3A_463 = arith.addi %add3A_462, %iota3A : vector<16xi32>
    %rem3A_464 = arith.remsi %add3A_463, %broadcast_in_dim3A_1 : vector<16xi32>
    %shift_right_arithmetic3A_465 = arith.constant 2 : i32
    %shift_right_arithmetic3A_466 = vector.broadcast %shift_right_arithmetic3A_465 : i32 to vector<16xi32>
    %shift_right_arithmetic3A_467 = arith.shrsi %rem3A_464, %shift_right_arithmetic3A_466 : vector<16xi32>
    %mul3A_468 = arith.constant 1001 : i32
    %mul3A_469 = vector.broadcast %mul3A_468 : i32 to vector<16xi32>
    %mul3A_470 = arith.muli %shift_right_arithmetic3A_467, %mul3A_469 : vector<16xi32>
    %swap3A_471 = arith.constant 528 : index
    %swap3A_472 = tpu.vector_load %arg7[%swap3A_471] {strides = array<i32>} : memref<832xi32, #tpu.memory_space<vmem>>, vector<16xi32>,
    %swap3A_473 = vector.shape_cast %swap3A_472 : vector<16xi32> to vector<16xi32>
    %swap3A_474 = vector.shape_cast %mul3A_470 : vector<16xi32> to vector<16xi32>
    tpu.vector_store %arg7[%swap3A_471], %swap3A_474 {strides = array<i32>} : memref<832xi32, #tpu.memory_space<vmem>>, vector<16xi32>,
    %add3A_475 = arith.constant 544 : i32
    %add3A_476 = vector.broadcast %add3A_475 : i32 to vector<16xi32>
    %add3A_477 = arith.addi %add3A_476, %iota3A : vector<16xi32>
    %rem3A_478 = arith.remsi %add3A_477, %broadcast_in_dim3A_1 : vector<16xi32>
    %shift_right_arithmetic3A_479 = arith.constant 2 : i32
    %shift_right_arithmetic3A_480 = vector.broadcast %shift_right_arithmetic3A_479 : i32 to vector<16xi32>
    %shift_right_arithmetic3A_481 = arith.shrsi %rem3A_478, %shift_right_arithmetic3A_480 : vector<16xi32>
    %mul3A_482 = arith.constant 1001 : i32
    %mul3A_483 = vector.broadcast %mul3A_482 : i32 to vector<16xi32>
    %mul3A_484 = arith.muli %shift_right_arithmetic3A_481, %mul3A_483 : vector<16xi32>
    %swap3A_485 = arith.constant 544 : index
    %swap3A_486 = tpu.vector_load %arg7[%swap3A_485] {strides = array<i32>} : memref<832xi32, #tpu.memory_space<vmem>>, vector<16xi32>,
    %swap3A_487 = vector.shape_cast %swap3A_486 : vector<16xi32> to vector<16xi32>
    %swap3A_488 = vector.shape_cast %mul3A_484 : vector<16xi32> to vector<16xi32>
    tpu.vector_store %arg7[%swap3A_485], %swap3A_488 {strides = array<i32>} : memref<832xi32, #tpu.memory_space<vmem>>, vector<16xi32>,
    %add3A_489 = arith.constant 560 : i32
    %add3A_490 = vector.broadcast %add3A_489 : i32 to vector<16xi32>
    %add3A_491 = arith.addi %add3A_490, %iota3A : vector<16xi32>
    %rem3A_492 = arith.remsi %add3A_491, %broadcast_in_dim3A_1 : vector<16xi32>
    %shift_right_arithmetic3A_493 = arith.constant 2 : i32
    %shift_right_arithmetic3A_494 = vector.broadcast %shift_right_arithmetic3A_493 : i32 to vector<16xi32>
    %shift_right_arithmetic3A_495 = arith.shrsi %rem3A_492, %shift_right_arithmetic3A_494 : vector<16xi32>
    %mul3A_496 = arith.constant 1001 : i32
    %mul3A_497 = vector.broadcast %mul3A_496 : i32 to vector<16xi32>
    %mul3A_498 = arith.muli %shift_right_arithmetic3A_495, %mul3A_497 : vector<16xi32>
    %swap3A_499 = arith.constant 560 : index
    %swap3A_500 = tpu.vector_load %arg7[%swap3A_499] {strides = array<i32>} : memref<832xi32, #tpu.memory_space<vmem>>, vector<16xi32>,
    %swap3A_501 = vector.shape_cast %swap3A_500 : vector<16xi32> to vector<16xi32>
    %swap3A_502 = vector.shape_cast %mul3A_498 : vector<16xi32> to vector<16xi32>
    tpu.vector_store %arg7[%swap3A_499], %swap3A_502 {strides = array<i32>} : memref<832xi32, #tpu.memory_space<vmem>>, vector<16xi32>,
    %add3A_503 = arith.constant 576 : i32
    %add3A_504 = vector.broadcast %add3A_503 : i32 to vector<16xi32>
    %add3A_505 = arith.addi %add3A_504, %iota3A : vector<16xi32>
    %rem3A_506 = arith.remsi %add3A_505, %broadcast_in_dim3A_1 : vector<16xi32>
    %shift_right_arithmetic3A_507 = arith.constant 2 : i32
    %shift_right_arithmetic3A_508 = vector.broadcast %shift_right_arithmetic3A_507 : i32 to vector<16xi32>
    %shift_right_arithmetic3A_509 = arith.shrsi %rem3A_506, %shift_right_arithmetic3A_508 : vector<16xi32>
    %mul3A_510 = arith.constant 1001 : i32
    %mul3A_511 = vector.broadcast %mul3A_510 : i32 to vector<16xi32>
    %mul3A_512 = arith.muli %shift_right_arithmetic3A_509, %mul3A_511 : vector<16xi32>
    %swap3A_513 = arith.constant 576 : index
    %swap3A_514 = tpu.vector_load %arg7[%swap3A_513] {strides = array<i32>} : memref<832xi32, #tpu.memory_space<vmem>>, vector<16xi32>,
    %swap3A_515 = vector.shape_cast %swap3A_514 : vector<16xi32> to vector<16xi32>
    %swap3A_516 = vector.shape_cast %mul3A_512 : vector<16xi32> to vector<16xi32>
    tpu.vector_store %arg7[%swap3A_513], %swap3A_516 {strides = array<i32>} : memref<832xi32, #tpu.memory_space<vmem>>, vector<16xi32>,
    %add3A_517 = arith.constant 592 : i32
    %add3A_518 = vector.broadcast %add3A_517 : i32 to vector<16xi32>
    %add3A_519 = arith.addi %add3A_518, %iota3A : vector<16xi32>
    %rem3A_520 = arith.remsi %add3A_519, %broadcast_in_dim3A_1 : vector<16xi32>
    %shift_right_arithmetic3A_521 = arith.constant 2 : i32
    %shift_right_arithmetic3A_522 = vector.broadcast %shift_right_arithmetic3A_521 : i32 to vector<16xi32>
    %shift_right_arithmetic3A_523 = arith.shrsi %rem3A_520, %shift_right_arithmetic3A_522 : vector<16xi32>
    %mul3A_524 = arith.constant 1001 : i32
    %mul3A_525 = vector.broadcast %mul3A_524 : i32 to vector<16xi32>
    %mul3A_526 = arith.muli %shift_right_arithmetic3A_523, %mul3A_525 : vector<16xi32>
    %swap3A_527 = arith.constant 592 : index
    %swap3A_528 = tpu.vector_load %arg7[%swap3A_527] {strides = array<i32>} : memref<832xi32, #tpu.memory_space<vmem>>, vector<16xi32>,
    %swap3A_529 = vector.shape_cast %swap3A_528 : vector<16xi32> to vector<16xi32>
    %swap3A_530 = vector.shape_cast %mul3A_526 : vector<16xi32> to vector<16xi32>
    tpu.vector_store %arg7[%swap3A_527], %swap3A_530 {strides = array<i32>} : memref<832xi32, #tpu.memory_space<vmem>>, vector<16xi32>,
    %add3A_531 = arith.constant 608 : i32
    %add3A_532 = vector.broadcast %add3A_531 : i32 to vector<16xi32>
    %add3A_533 = arith.addi %add3A_532, %iota3A : vector<16xi32>
    %rem3A_534 = arith.remsi %add3A_533, %broadcast_in_dim3A_1 : vector<16xi32>
    %shift_right_arithmetic3A_535 = arith.constant 2 : i32
    %shift_right_arithmetic3A_536 = vector.broadcast %shift_right_arithmetic3A_535 : i32 to vector<16xi32>
    %shift_right_arithmetic3A_537 = arith.shrsi %rem3A_534, %shift_right_arithmetic3A_536 : vector<16xi32>
    %mul3A_538 = arith.constant 1001 : i32
    %mul3A_539 = vector.broadcast %mul3A_538 : i32 to vector<16xi32>
    %mul3A_540 = arith.muli %shift_right_arithmetic3A_537, %mul3A_539 : vector<16xi32>
    %swap3A_541 = arith.constant 608 : index
    %swap3A_542 = tpu.vector_load %arg7[%swap3A_541] {strides = array<i32>} : memref<832xi32, #tpu.memory_space<vmem>>, vector<16xi32>,
    %swap3A_543 = vector.shape_cast %swap3A_542 : vector<16xi32> to vector<16xi32>
    %swap3A_544 = vector.shape_cast %mul3A_540 : vector<16xi32> to vector<16xi32>
    tpu.vector_store %arg7[%swap3A_541], %swap3A_544 {strides = array<i32>} : memref<832xi32, #tpu.memory_space<vmem>>, vector<16xi32>,
    %add3A_545 = arith.constant 624 : i32
    %add3A_546 = vector.broadcast %add3A_545 : i32 to vector<16xi32>
    %add3A_547 = arith.addi %add3A_546, %iota3A : vector<16xi32>
    %rem3A_548 = arith.remsi %add3A_547, %broadcast_in_dim3A_1 : vector<16xi32>
    %shift_right_arithmetic3A_549 = arith.constant 2 : i32
    %shift_right_arithmetic3A_550 = vector.broadcast %shift_right_arithmetic3A_549 : i32 to vector<16xi32>
    %shift_right_arithmetic3A_551 = arith.shrsi %rem3A_548, %shift_right_arithmetic3A_550 : vector<16xi32>
    %mul3A_552 = arith.constant 1001 : i32
    %mul3A_553 = vector.broadcast %mul3A_552 : i32 to vector<16xi32>
    %mul3A_554 = arith.muli %shift_right_arithmetic3A_551, %mul3A_553 : vector<16xi32>
    %swap3A_555 = arith.constant 624 : index
    %swap3A_556 = tpu.vector_load %arg7[%swap3A_555] {strides = array<i32>} : memref<832xi32, #tpu.memory_space<vmem>>, vector<16xi32>,
    %swap3A_557 = vector.shape_cast %swap3A_556 : vector<16xi32> to vector<16xi32>
    %swap3A_558 = vector.shape_cast %mul3A_554 : vector<16xi32> to vector<16xi32>
    tpu.vector_store %arg7[%swap3A_555], %swap3A_558 {strides = array<i32>} : memref<832xi32, #tpu.memory_space<vmem>>, vector<16xi32>,
    %add3A_559 = arith.constant 640 : i32
    %add3A_560 = vector.broadcast %add3A_559 : i32 to vector<16xi32>
    %add3A_561 = arith.addi %add3A_560, %iota3A : vector<16xi32>
    %rem3A_562 = arith.remsi %add3A_561, %broadcast_in_dim3A_1 : vector<16xi32>
    %shift_right_arithmetic3A_563 = arith.constant 2 : i32
    %shift_right_arithmetic3A_564 = vector.broadcast %shift_right_arithmetic3A_563 : i32 to vector<16xi32>
    %shift_right_arithmetic3A_565 = arith.shrsi %rem3A_562, %shift_right_arithmetic3A_564 : vector<16xi32>
    %mul3A_566 = arith.constant 1001 : i32
    %mul3A_567 = vector.broadcast %mul3A_566 : i32 to vector<16xi32>
    %mul3A_568 = arith.muli %shift_right_arithmetic3A_565, %mul3A_567 : vector<16xi32>
    %swap3A_569 = arith.constant 640 : index
    %swap3A_570 = tpu.vector_load %arg7[%swap3A_569] {strides = array<i32>} : memref<832xi32, #tpu.memory_space<vmem>>, vector<16xi32>,
    %swap3A_571 = vector.shape_cast %swap3A_570 : vector<16xi32> to vector<16xi32>
    %swap3A_572 = vector.shape_cast %mul3A_568 : vector<16xi32> to vector<16xi32>
    tpu.vector_store %arg7[%swap3A_569], %swap3A_572 {strides = array<i32>} : memref<832xi32, #tpu.memory_space<vmem>>, vector<16xi32>,
    %add3A_573 = arith.constant 656 : i32
    %add3A_574 = vector.broadcast %add3A_573 : i32 to vector<16xi32>
    %add3A_575 = arith.addi %add3A_574, %iota3A : vector<16xi32>
    %rem3A_576 = arith.remsi %add3A_575, %broadcast_in_dim3A_1 : vector<16xi32>
    %shift_right_arithmetic3A_577 = arith.constant 2 : i32
    %shift_right_arithmetic3A_578 = vector.broadcast %shift_right_arithmetic3A_577 : i32 to vector<16xi32>
    %shift_right_arithmetic3A_579 = arith.shrsi %rem3A_576, %shift_right_arithmetic3A_578 : vector<16xi32>
    %mul3A_580 = arith.constant 1001 : i32
    %mul3A_581 = vector.broadcast %mul3A_580 : i32 to vector<16xi32>
    %mul3A_582 = arith.muli %shift_right_arithmetic3A_579, %mul3A_581 : vector<16xi32>
    %swap3A_583 = arith.constant 656 : index
    %swap3A_584 = tpu.vector_load %arg7[%swap3A_583] {strides = array<i32>} : memref<832xi32, #tpu.memory_space<vmem>>, vector<16xi32>,
    %swap3A_585 = vector.shape_cast %swap3A_584 : vector<16xi32> to vector<16xi32>
    %swap3A_586 = vector.shape_cast %mul3A_582 : vector<16xi32> to vector<16xi32>
    tpu.vector_store %arg7[%swap3A_583], %swap3A_586 {strides = array<i32>} : memref<832xi32, #tpu.memory_space<vmem>>, vector<16xi32>,
    %add3A_587 = arith.constant 672 : i32
    %add3A_588 = vector.broadcast %add3A_587 : i32 to vector<16xi32>
    %add3A_589 = arith.addi %add3A_588, %iota3A : vector<16xi32>
    %rem3A_590 = arith.remsi %add3A_589, %broadcast_in_dim3A_1 : vector<16xi32>
    %shift_right_arithmetic3A_591 = arith.constant 2 : i32
    %shift_right_arithmetic3A_592 = vector.broadcast %shift_right_arithmetic3A_591 : i32 to vector<16xi32>
    %shift_right_arithmetic3A_593 = arith.shrsi %rem3A_590, %shift_right_arithmetic3A_592 : vector<16xi32>
    %mul3A_594 = arith.constant 1001 : i32
    %mul3A_595 = vector.broadcast %mul3A_594 : i32 to vector<16xi32>
    %mul3A_596 = arith.muli %shift_right_arithmetic3A_593, %mul3A_595 : vector<16xi32>
    %swap3A_597 = arith.constant 672 : index
    %swap3A_598 = tpu.vector_load %arg7[%swap3A_597] {strides = array<i32>} : memref<832xi32, #tpu.memory_space<vmem>>, vector<16xi32>,
    %swap3A_599 = vector.shape_cast %swap3A_598 : vector<16xi32> to vector<16xi32>
    %swap3A_600 = vector.shape_cast %mul3A_596 : vector<16xi32> to vector<16xi32>
    tpu.vector_store %arg7[%swap3A_597], %swap3A_600 {strides = array<i32>} : memref<832xi32, #tpu.memory_space<vmem>>, vector<16xi32>,
    %add3A_601 = arith.constant 688 : i32
    %add3A_602 = vector.broadcast %add3A_601 : i32 to vector<16xi32>
    %add3A_603 = arith.addi %add3A_602, %iota3A : vector<16xi32>
    %rem3A_604 = arith.remsi %add3A_603, %broadcast_in_dim3A_1 : vector<16xi32>
    %shift_right_arithmetic3A_605 = arith.constant 2 : i32
    %shift_right_arithmetic3A_606 = vector.broadcast %shift_right_arithmetic3A_605 : i32 to vector<16xi32>
    %shift_right_arithmetic3A_607 = arith.shrsi %rem3A_604, %shift_right_arithmetic3A_606 : vector<16xi32>
    %mul3A_608 = arith.constant 1001 : i32
    %mul3A_609 = vector.broadcast %mul3A_608 : i32 to vector<16xi32>
    %mul3A_610 = arith.muli %shift_right_arithmetic3A_607, %mul3A_609 : vector<16xi32>
    %swap3A_611 = arith.constant 688 : index
    %swap3A_612 = tpu.vector_load %arg7[%swap3A_611] {strides = array<i32>} : memref<832xi32, #tpu.memory_space<vmem>>, vector<16xi32>,
    %swap3A_613 = vector.shape_cast %swap3A_612 : vector<16xi32> to vector<16xi32>
    %swap3A_614 = vector.shape_cast %mul3A_610 : vector<16xi32> to vector<16xi32>
    tpu.vector_store %arg7[%swap3A_611], %swap3A_614 {strides = array<i32>} : memref<832xi32, #tpu.memory_space<vmem>>, vector<16xi32>,
    %add3A_615 = arith.constant 704 : i32
    %add3A_616 = vector.broadcast %add3A_615 : i32 to vector<16xi32>
    %add3A_617 = arith.addi %add3A_616, %iota3A : vector<16xi32>
    %rem3A_618 = arith.remsi %add3A_617, %broadcast_in_dim3A_1 : vector<16xi32>
    %shift_right_arithmetic3A_619 = arith.constant 2 : i32
    %shift_right_arithmetic3A_620 = vector.broadcast %shift_right_arithmetic3A_619 : i32 to vector<16xi32>
    %shift_right_arithmetic3A_621 = arith.shrsi %rem3A_618, %shift_right_arithmetic3A_620 : vector<16xi32>
    %mul3A_622 = arith.constant 1001 : i32
    %mul3A_623 = vector.broadcast %mul3A_622 : i32 to vector<16xi32>
    %mul3A_624 = arith.muli %shift_right_arithmetic3A_621, %mul3A_623 : vector<16xi32>
    %swap3A_625 = arith.constant 704 : index
    %swap3A_626 = tpu.vector_load %arg7[%swap3A_625] {strides = array<i32>} : memref<832xi32, #tpu.memory_space<vmem>>, vector<16xi32>,
    %swap3A_627 = vector.shape_cast %swap3A_626 : vector<16xi32> to vector<16xi32>
    %swap3A_628 = vector.shape_cast %mul3A_624 : vector<16xi32> to vector<16xi32>
    tpu.vector_store %arg7[%swap3A_625], %swap3A_628 {strides = array<i32>} : memref<832xi32, #tpu.memory_space<vmem>>, vector<16xi32>,
    %add3A_629 = arith.constant 720 : i32
    %add3A_630 = vector.broadcast %add3A_629 : i32 to vector<16xi32>
    %add3A_631 = arith.addi %add3A_630, %iota3A : vector<16xi32>
    %rem3A_632 = arith.remsi %add3A_631, %broadcast_in_dim3A_1 : vector<16xi32>
    %shift_right_arithmetic3A_633 = arith.constant 2 : i32
    %shift_right_arithmetic3A_634 = vector.broadcast %shift_right_arithmetic3A_633 : i32 to vector<16xi32>
    %shift_right_arithmetic3A_635 = arith.shrsi %rem3A_632, %shift_right_arithmetic3A_634 : vector<16xi32>
    %mul3A_636 = arith.constant 1001 : i32
    %mul3A_637 = vector.broadcast %mul3A_636 : i32 to vector<16xi32>
    %mul3A_638 = arith.muli %shift_right_arithmetic3A_635, %mul3A_637 : vector<16xi32>
    %swap3A_639 = arith.constant 720 : index
    %swap3A_640 = tpu.vector_load %arg7[%swap3A_639] {strides = array<i32>} : memref<832xi32, #tpu.memory_space<vmem>>, vector<16xi32>,
    %swap3A_641 = vector.shape_cast %swap3A_640 : vector<16xi32> to vector<16xi32>
    %swap3A_642 = vector.shape_cast %mul3A_638 : vector<16xi32> to vector<16xi32>
    tpu.vector_store %arg7[%swap3A_639], %swap3A_642 {strides = array<i32>} : memref<832xi32, #tpu.memory_space<vmem>>, vector<16xi32>,
    %add3A_643 = arith.constant 736 : i32
    %add3A_644 = vector.broadcast %add3A_643 : i32 to vector<16xi32>
    %add3A_645 = arith.addi %add3A_644, %iota3A : vector<16xi32>
    %rem3A_646 = arith.remsi %add3A_645, %broadcast_in_dim3A_1 : vector<16xi32>
    %shift_right_arithmetic3A_647 = arith.constant 2 : i32
    %shift_right_arithmetic3A_648 = vector.broadcast %shift_right_arithmetic3A_647 : i32 to vector<16xi32>
    %shift_right_arithmetic3A_649 = arith.shrsi %rem3A_646, %shift_right_arithmetic3A_648 : vector<16xi32>
    %mul3A_650 = arith.constant 1001 : i32
    %mul3A_651 = vector.broadcast %mul3A_650 : i32 to vector<16xi32>
    %mul3A_652 = arith.muli %shift_right_arithmetic3A_649, %mul3A_651 : vector<16xi32>
    %swap3A_653 = arith.constant 736 : index
    %swap3A_654 = tpu.vector_load %arg7[%swap3A_653] {strides = array<i32>} : memref<832xi32, #tpu.memory_space<vmem>>, vector<16xi32>,
    %swap3A_655 = vector.shape_cast %swap3A_654 : vector<16xi32> to vector<16xi32>
    %swap3A_656 = vector.shape_cast %mul3A_652 : vector<16xi32> to vector<16xi32>
    tpu.vector_store %arg7[%swap3A_653], %swap3A_656 {strides = array<i32>} : memref<832xi32, #tpu.memory_space<vmem>>, vector<16xi32>,
    %add3A_657 = arith.constant 752 : i32
    %add3A_658 = vector.broadcast %add3A_657 : i32 to vector<16xi32>
    %add3A_659 = arith.addi %add3A_658, %iota3A : vector<16xi32>
    %rem3A_660 = arith.remsi %add3A_659, %broadcast_in_dim3A_1 : vector<16xi32>
    %shift_right_arithmetic3A_661 = arith.constant 2 : i32
    %shift_right_arithmetic3A_662 = vector.broadcast %shift_right_arithmetic3A_661 : i32 to vector<16xi32>
    %shift_right_arithmetic3A_663 = arith.shrsi %rem3A_660, %shift_right_arithmetic3A_662 : vector<16xi32>
    %mul3A_664 = arith.constant 1001 : i32
    %mul3A_665 = vector.broadcast %mul3A_664 : i32 to vector<16xi32>
    %mul3A_666 = arith.muli %shift_right_arithmetic3A_663, %mul3A_665 : vector<16xi32>
    %swap3A_667 = arith.constant 752 : index
    %swap3A_668 = tpu.vector_load %arg7[%swap3A_667] {strides = array<i32>} : memref<832xi32, #tpu.memory_space<vmem>>, vector<16xi32>,
    %swap3A_669 = vector.shape_cast %swap3A_668 : vector<16xi32> to vector<16xi32>
    %swap3A_670 = vector.shape_cast %mul3A_666 : vector<16xi32> to vector<16xi32>
    tpu.vector_store %arg7[%swap3A_667], %swap3A_670 {strides = array<i32>} : memref<832xi32, #tpu.memory_space<vmem>>, vector<16xi32>,
    %add3A_671 = arith.constant 768 : i32
    %add3A_672 = vector.broadcast %add3A_671 : i32 to vector<16xi32>
    %add3A_673 = arith.addi %add3A_672, %iota3A : vector<16xi32>
    %rem3A_674 = arith.remsi %add3A_673, %broadcast_in_dim3A_1 : vector<16xi32>
    %shift_right_arithmetic3A_675 = arith.constant 2 : i32
    %shift_right_arithmetic3A_676 = vector.broadcast %shift_right_arithmetic3A_675 : i32 to vector<16xi32>
    %shift_right_arithmetic3A_677 = arith.shrsi %rem3A_674, %shift_right_arithmetic3A_676 : vector<16xi32>
    %mul3A_678 = arith.constant 1001 : i32
    %mul3A_679 = vector.broadcast %mul3A_678 : i32 to vector<16xi32>
    %mul3A_680 = arith.muli %shift_right_arithmetic3A_677, %mul3A_679 : vector<16xi32>
    %swap3A_681 = arith.constant 768 : index
    %swap3A_682 = tpu.vector_load %arg7[%swap3A_681] {strides = array<i32>} : memref<832xi32, #tpu.memory_space<vmem>>, vector<16xi32>,
    %swap3A_683 = vector.shape_cast %swap3A_682 : vector<16xi32> to vector<16xi32>
    %swap3A_684 = vector.shape_cast %mul3A_680 : vector<16xi32> to vector<16xi32>
    tpu.vector_store %arg7[%swap3A_681], %swap3A_684 {strides = array<i32>} : memref<832xi32, #tpu.memory_space<vmem>>, vector<16xi32>,
    %add3A_685 = arith.constant 784 : i32
    %add3A_686 = vector.broadcast %add3A_685 : i32 to vector<16xi32>
    %add3A_687 = arith.addi %add3A_686, %iota3A : vector<16xi32>
    %rem3A_688 = arith.remsi %add3A_687, %broadcast_in_dim3A_1 : vector<16xi32>
    %shift_right_arithmetic3A_689 = arith.constant 2 : i32
    %shift_right_arithmetic3A_690 = vector.broadcast %shift_right_arithmetic3A_689 : i32 to vector<16xi32>
    %shift_right_arithmetic3A_691 = arith.shrsi %rem3A_688, %shift_right_arithmetic3A_690 : vector<16xi32>
    %mul3A_692 = arith.constant 1001 : i32
    %mul3A_693 = vector.broadcast %mul3A_692 : i32 to vector<16xi32>
    %mul3A_694 = arith.muli %shift_right_arithmetic3A_691, %mul3A_693 : vector<16xi32>
    %swap3A_695 = arith.constant 784 : index
    %swap3A_696 = tpu.vector_load %arg7[%swap3A_695] {strides = array<i32>} : memref<832xi32, #tpu.memory_space<vmem>>, vector<16xi32>,
    %swap3A_697 = vector.shape_cast %swap3A_696 : vector<16xi32> to vector<16xi32>
    %swap3A_698 = vector.shape_cast %mul3A_694 : vector<16xi32> to vector<16xi32>
    tpu.vector_store %arg7[%swap3A_695], %swap3A_698 {strides = array<i32>} : memref<832xi32, #tpu.memory_space<vmem>>, vector<16xi32>,
    %add3A_699 = arith.constant 800 : i32
    %add3A_700 = vector.broadcast %add3A_699 : i32 to vector<16xi32>
    %add3A_701 = arith.addi %add3A_700, %iota3A : vector<16xi32>
    %rem3A_702 = arith.remsi %add3A_701, %broadcast_in_dim3A_1 : vector<16xi32>
    %shift_right_arithmetic3A_703 = arith.constant 2 : i32
    %shift_right_arithmetic3A_704 = vector.broadcast %shift_right_arithmetic3A_703 : i32 to vector<16xi32>
    %shift_right_arithmetic3A_705 = arith.shrsi %rem3A_702, %shift_right_arithmetic3A_704 : vector<16xi32>
    %mul3A_706 = arith.constant 1001 : i32
    %mul3A_707 = vector.broadcast %mul3A_706 : i32 to vector<16xi32>
    %mul3A_708 = arith.muli %shift_right_arithmetic3A_705, %mul3A_707 : vector<16xi32>
    %swap3A_709 = arith.constant 800 : index
    %swap3A_710 = tpu.vector_load %arg7[%swap3A_709] {strides = array<i32>} : memref<832xi32, #tpu.memory_space<vmem>>, vector<16xi32>,
    %swap3A_711 = vector.shape_cast %swap3A_710 : vector<16xi32> to vector<16xi32>
    %swap3A_712 = vector.shape_cast %mul3A_708 : vector<16xi32> to vector<16xi32>
    tpu.vector_store %arg7[%swap3A_709], %swap3A_712 {strides = array<i32>} : memref<832xi32, #tpu.memory_space<vmem>>, vector<16xi32>,
    %add3A_713 = arith.constant 816 : i32
    %add3A_714 = vector.broadcast %add3A_713 : i32 to vector<16xi32>
    %add3A_715 = arith.addi %add3A_714, %iota3A : vector<16xi32>
    %rem3A_716 = arith.remsi %add3A_715, %broadcast_in_dim3A_1 : vector<16xi32>
    %shift_right_arithmetic3A_717 = arith.constant 2 : i32
    %shift_right_arithmetic3A_718 = vector.broadcast %shift_right_arithmetic3A_717 : i32 to vector<16xi32>
    %shift_right_arithmetic3A_719 = arith.shrsi %rem3A_716, %shift_right_arithmetic3A_718 : vector<16xi32>
    %mul3A_720 = arith.constant 1001 : i32
    %mul3A_721 = vector.broadcast %mul3A_720 : i32 to vector<16xi32>
    %mul3A_722 = arith.muli %shift_right_arithmetic3A_719, %mul3A_721 : vector<16xi32>
    %swap3A_723 = arith.constant 816 : index
    %swap3A_724 = tpu.vector_load %arg7[%swap3A_723] {strides = array<i32>} : memref<832xi32, #tpu.memory_space<vmem>>, vector<16xi32>,
    %swap3A_725 = vector.shape_cast %swap3A_724 : vector<16xi32> to vector<16xi32>
    %swap3A_726 = vector.shape_cast %mul3A_722 : vector<16xi32> to vector<16xi32>
    tpu.vector_store %arg7[%swap3A_723], %swap3A_726 {strides = array<i32>} : memref<832xi32, #tpu.memory_space<vmem>>, vector<16xi32>,
    %mul3A_727 = arith.constant 32 : i32
    %mul3A_728 = arith.muli %add3A, %mul3A_727 : i32
    %add3A_729 = arith.constant 0 : i32
    %add3A_730 = arith.addi %mul3A_728, %add3A_729 : i32
    %mul3A_731 = arith.constant 104 : i32
    %mul3A_732 = arith.muli %add3A_730, %mul3A_731 : i32
    %run_scoped3A = arith.constant 0 : i32
    "tpu.region"() ({
      %run_scoped3A_1840 = tpu.sem_alloc : memref<!tpu.dma_semaphore, #tpu.memory_space<semaphore_mem>>
      %dma_start3A_1841 = arith.constant 0 : i32
      %dma_start3A_1842 = tpu.memref_slice %arg5[%run_scoped3A, %dma_start3A_1841] : memref<2x832xi32, #tpu.memory_space<vmem>> -> memref<1x832xi32, #tpu.memory_space<vmem>>
      %dma_start3A_1843 = tpu.memref_squeeze %dma_start3A_1842 : memref<1x832xi32, #tpu.memory_space<vmem>> -> memref<832xi32, #tpu.memory_space<vmem>>
      %dma_start3A_1844 = tpu.memref_slice %arg2[%mul3A_732] : memref<106496xi32, #tpu.memory_space<hbm>> -> memref<832xi32, #tpu.memory_space<hbm>>
      %dma_start3A_1845 = arith.constant 0 : i32
      %dma_start3A_1846 = tpu.memref_slice %arg5[%run_scoped3A, %dma_start3A_1845] : memref<2x832xi32, #tpu.memory_space<vmem>> -> memref<1x832xi32, #tpu.memory_space<vmem>>
      %dma_start3A_1847 = tpu.memref_squeeze %dma_start3A_1846 : memref<1x832xi32, #tpu.memory_space<vmem>> -> memref<832xi32, #tpu.memory_space<vmem>>
      %dma_start3A_1848 = tpu.memref_slice %arg2[%mul3A_732] : memref<106496xi32, #tpu.memory_space<hbm>> -> memref<832xi32, #tpu.memory_space<hbm>>
      tpu.enqueue_dma source(%dma_start3A_1848 : memref<832xi32, #tpu.memory_space<hbm>>) target(%dma_start3A_1847 : memref<832xi32, #tpu.memory_space<vmem>>) target_semaphore(%run_scoped3A_1840 : memref<!tpu.dma_semaphore, #tpu.memory_space<semaphore_mem>>)
      %dma_wait3A = arith.constant 0 : i32
      %dma_wait3A_1849 = tpu.memref_slice %arg5[%run_scoped3A, %dma_wait3A] : memref<2x832xi32, #tpu.memory_space<vmem>> -> memref<1x832xi32, #tpu.memory_space<vmem>>
      %dma_wait3A_1850 = tpu.memref_squeeze %dma_wait3A_1849 : memref<1x832xi32, #tpu.memory_space<vmem>> -> memref<832xi32, #tpu.memory_space<vmem>>
      %dma_wait3A_1851 = tpu.memref_slice %arg2[%mul3A_732] : memref<106496xi32, #tpu.memory_space<hbm>> -> memref<832xi32, #tpu.memory_space<hbm>>
      %dma_wait3A_1852 = arith.constant 0 : i32
      %dma_wait3A_1853 = tpu.memref_slice %arg5[%run_scoped3A, %dma_wait3A_1852] : memref<2x832xi32, #tpu.memory_space<vmem>> -> memref<1x832xi32, #tpu.memory_space<vmem>>
      %dma_wait3A_1854 = tpu.memref_squeeze %dma_wait3A_1853 : memref<1x832xi32, #tpu.memory_space<vmem>> -> memref<832xi32, #tpu.memory_space<vmem>>
      %dma_wait3A_1855 = tpu.memref_slice %arg2[%mul3A_732] : memref<106496xi32, #tpu.memory_space<hbm>> -> memref<832xi32, #tpu.memory_space<hbm>>
      tpu.wait_dma2 semaphore(%run_scoped3A_1840 : memref<!tpu.dma_semaphore, #tpu.memory_space<semaphore_mem>>) src(%dma_wait3A_1855 : memref<832xi32, #tpu.memory_space<hbm>>) dst(%dma_wait3A_1854 : memref<832xi32, #tpu.memory_space<vmem>>)
      tpu.yield
    }) : () -> ()
    %get3A = arith.constant 0 : i32
    %get3A_733 = arith.index_cast %get3A : i32 to index
    %get3A_734 = arith.constant 0 : index
    %get3A_735 = tpu.vector_load %arg5[%get3A_733, %get3A_734] {strides = array<i32>} : memref<2x832xi32, #tpu.memory_space<vmem>>, vector<1x16xi32>,
    %get3A_736 = vector.shape_cast %get3A_735 : vector<1x16xi32> to vector<16xi32>
    %jit3A = arith.constant 0 : i32
    %jit3A_737 = arith.constant 1000 : i32
    %max3A = vector.broadcast %jit3A : i32 to vector<16xi32>
    %max3A_738 = arith.maxsi %max3A, %get3A_736 : vector<16xi32>
    %min3A = vector.broadcast %jit3A_737 : i32 to vector<16xi32>
    %min3A_739 = arith.minsi %min3A, %max3A_738 : vector<16xi32>
    %get3A_740 = arith.constant 0 : index
    %get3A_741 = tpu.vector_load %arg7[%get3A_740] {strides = array<i32>} : memref<832xi32, #tpu.memory_space<vmem>>, vector<16xi32>,
    %get3A_742 = vector.shape_cast %get3A_741 : vector<16xi32> to vector<16xi32>
    %add3A_743 = arith.addi %min3A_739, %get3A_742 : vector<16xi32>
    %swap3A_744 = arith.constant 0 : i32
    %swap3A_745 = arith.index_cast %swap3A_744 : i32 to index
    %swap3A_746 = arith.constant 0 : index
    %swap3A_747 = tpu.vector_load %arg6[%swap3A_745, %swap3A_746] {strides = array<i32>} : memref<2x832xi32, #tpu.memory_space<vmem>>, vector<1x16xi32>,
    %swap3A_748 = vector.shape_cast %swap3A_747 : vector<1x16xi32> to vector<16xi32>
    %swap3A_749 = vector.shape_cast %add3A_743 : vector<16xi32> to vector<1x16xi32>
    tpu.vector_store %arg6[%swap3A_745, %swap3A_746], %swap3A_749 {strides = array<i32>} : memref<2x832xi32, #tpu.memory_space<vmem>>, vector<1x16xi32>,
    %get3A_750 = arith.constant 0 : i32
    %get3A_751 = arith.index_cast %get3A_750 : i32 to index
    %get3A_752 = arith.constant 16 : index
    %get3A_753 = tpu.vector_load %arg5[%get3A_751, %get3A_752] {strides = array<i32>} : memref<2x832xi32, #tpu.memory_space<vmem>>, vector<1x16xi32>,
    %get3A_754 = vector.shape_cast %get3A_753 : vector<1x16xi32> to vector<16xi32>
    %jit3A_755 = arith.constant 0 : i32
    %jit3A_756 = arith.constant 1000 : i32
    %max3A_757 = vector.broadcast %jit3A_755 : i32 to vector<16xi32>
    %max3A_758 = arith.maxsi %max3A_757, %get3A_754 : vector<16xi32>
    %min3A_759 = vector.broadcast %jit3A_756 : i32 to vector<16xi32>
    %min3A_760 = arith.minsi %min3A_759, %max3A_758 : vector<16xi32>
    %get3A_761 = arith.constant 16 : index
    %get3A_762 = tpu.vector_load %arg7[%get3A_761] {strides = array<i32>} : memref<832xi32, #tpu.memory_space<vmem>>, vector<16xi32>,
    %get3A_763 = vector.shape_cast %get3A_762 : vector<16xi32> to vector<16xi32>
    %add3A_764 = arith.addi %min3A_760, %get3A_763 : vector<16xi32>
    %swap3A_765 = arith.constant 0 : i32
    %swap3A_766 = arith.index_cast %swap3A_765 : i32 to index
    %swap3A_767 = arith.constant 16 : index
    %swap3A_768 = tpu.vector_load %arg6[%swap3A_766, %swap3A_767] {strides = array<i32>} : memref<2x832xi32, #tpu.memory_space<vmem>>, vector<1x16xi32>,
    %swap3A_769 = vector.shape_cast %swap3A_768 : vector<1x16xi32> to vector<16xi32>
    %swap3A_770 = vector.shape_cast %add3A_764 : vector<16xi32> to vector<1x16xi32>
    tpu.vector_store %arg6[%swap3A_766, %swap3A_767], %swap3A_770 {strides = array<i32>} : memref<2x832xi32, #tpu.memory_space<vmem>>, vector<1x16xi32>,
    %get3A_771 = arith.constant 0 : i32
    %get3A_772 = arith.index_cast %get3A_771 : i32 to index
    %get3A_773 = arith.constant 32 : index
    %get3A_774 = tpu.vector_load %arg5[%get3A_772, %get3A_773] {strides = array<i32>} : memref<2x832xi32, #tpu.memory_space<vmem>>, vector<1x16xi32>,
    %get3A_775 = vector.shape_cast %get3A_774 : vector<1x16xi32> to vector<16xi32>
    %jit3A_776 = arith.constant 0 : i32
    %jit3A_777 = arith.constant 1000 : i32
    %max3A_778 = vector.broadcast %jit3A_776 : i32 to vector<16xi32>
    %max3A_779 = arith.maxsi %max3A_778, %get3A_775 : vector<16xi32>
    %min3A_780 = vector.broadcast %jit3A_777 : i32 to vector<16xi32>
    %min3A_781 = arith.minsi %min3A_780, %max3A_779 : vector<16xi32>
    %get3A_782 = arith.constant 32 : index
    %get3A_783 = tpu.vector_load %arg7[%get3A_782] {strides = array<i32>} : memref<832xi32, #tpu.memory_space<vmem>>, vector<16xi32>,
    %get3A_784 = vector.shape_cast %get3A_783 : vector<16xi32> to vector<16xi32>
    %add3A_785 = arith.addi %min3A_781, %get3A_784 : vector<16xi32>
    %swap3A_786 = arith.constant 0 : i32
    %swap3A_787 = arith.index_cast %swap3A_786 : i32 to index
    %swap3A_788 = arith.constant 32 : index
    %swap3A_789 = tpu.vector_load %arg6[%swap3A_787, %swap3A_788] {strides = array<i32>} : memref<2x832xi32, #tpu.memory_space<vmem>>, vector<1x16xi32>,
    %swap3A_790 = vector.shape_cast %swap3A_789 : vector<1x16xi32> to vector<16xi32>
    %swap3A_791 = vector.shape_cast %add3A_785 : vector<16xi32> to vector<1x16xi32>
    tpu.vector_store %arg6[%swap3A_787, %swap3A_788], %swap3A_791 {strides = array<i32>} : memref<2x832xi32, #tpu.memory_space<vmem>>, vector<1x16xi32>,
    %get3A_792 = arith.constant 0 : i32
    %get3A_793 = arith.index_cast %get3A_792 : i32 to index
    %get3A_794 = arith.constant 48 : index
    %get3A_795 = tpu.vector_load %arg5[%get3A_793, %get3A_794] {strides = array<i32>} : memref<2x832xi32, #tpu.memory_space<vmem>>, vector<1x16xi32>,
    %get3A_796 = vector.shape_cast %get3A_795 : vector<1x16xi32> to vector<16xi32>
    %jit3A_797 = arith.constant 0 : i32
    %jit3A_798 = arith.constant 1000 : i32
    %max3A_799 = vector.broadcast %jit3A_797 : i32 to vector<16xi32>
    %max3A_800 = arith.maxsi %max3A_799, %get3A_796 : vector<16xi32>
    %min3A_801 = vector.broadcast %jit3A_798 : i32 to vector<16xi32>
    %min3A_802 = arith.minsi %min3A_801, %max3A_800 : vector<16xi32>
    %get3A_803 = arith.constant 48 : index
    %get3A_804 = tpu.vector_load %arg7[%get3A_803] {strides = array<i32>} : memref<832xi32, #tpu.memory_space<vmem>>, vector<16xi32>,
    %get3A_805 = vector.shape_cast %get3A_804 : vector<16xi32> to vector<16xi32>
    %add3A_806 = arith.addi %min3A_802, %get3A_805 : vector<16xi32>
    %swap3A_807 = arith.constant 0 : i32
    %swap3A_808 = arith.index_cast %swap3A_807 : i32 to index
    %swap3A_809 = arith.constant 48 : index
    %swap3A_810 = tpu.vector_load %arg6[%swap3A_808, %swap3A_809] {strides = array<i32>} : memref<2x832xi32, #tpu.memory_space<vmem>>, vector<1x16xi32>,
    %swap3A_811 = vector.shape_cast %swap3A_810 : vector<1x16xi32> to vector<16xi32>
    %swap3A_812 = vector.shape_cast %add3A_806 : vector<16xi32> to vector<1x16xi32>
    tpu.vector_store %arg6[%swap3A_808, %swap3A_809], %swap3A_812 {strides = array<i32>} : memref<2x832xi32, #tpu.memory_space<vmem>>, vector<1x16xi32>,
    %get3A_813 = arith.constant 0 : i32
    %get3A_814 = arith.index_cast %get3A_813 : i32 to index
    %get3A_815 = arith.constant 64 : index
    %get3A_816 = tpu.vector_load %arg5[%get3A_814, %get3A_815] {strides = array<i32>} : memref<2x832xi32, #tpu.memory_space<vmem>>, vector<1x16xi32>,
    %get3A_817 = vector.shape_cast %get3A_816 : vector<1x16xi32> to vector<16xi32>
    %jit3A_818 = arith.constant 0 : i32
    %jit3A_819 = arith.constant 1000 : i32
    %max3A_820 = vector.broadcast %jit3A_818 : i32 to vector<16xi32>
    %max3A_821 = arith.maxsi %max3A_820, %get3A_817 : vector<16xi32>
    %min3A_822 = vector.broadcast %jit3A_819 : i32 to vector<16xi32>
    %min3A_823 = arith.minsi %min3A_822, %max3A_821 : vector<16xi32>
    %get3A_824 = arith.constant 64 : index
    %get3A_825 = tpu.vector_load %arg7[%get3A_824] {strides = array<i32>} : memref<832xi32, #tpu.memory_space<vmem>>, vector<16xi32>,
    %get3A_826 = vector.shape_cast %get3A_825 : vector<16xi32> to vector<16xi32>
    %add3A_827 = arith.addi %min3A_823, %get3A_826 : vector<16xi32>
    %swap3A_828 = arith.constant 0 : i32
    %swap3A_829 = arith.index_cast %swap3A_828 : i32 to index
    %swap3A_830 = arith.constant 64 : index
    %swap3A_831 = tpu.vector_load %arg6[%swap3A_829, %swap3A_830] {strides = array<i32>} : memref<2x832xi32, #tpu.memory_space<vmem>>, vector<1x16xi32>,
    %swap3A_832 = vector.shape_cast %swap3A_831 : vector<1x16xi32> to vector<16xi32>
    %swap3A_833 = vector.shape_cast %add3A_827 : vector<16xi32> to vector<1x16xi32>
    tpu.vector_store %arg6[%swap3A_829, %swap3A_830], %swap3A_833 {strides = array<i32>} : memref<2x832xi32, #tpu.memory_space<vmem>>, vector<1x16xi32>,
    %get3A_834 = arith.constant 0 : i32
    %get3A_835 = arith.index_cast %get3A_834 : i32 to index
    %get3A_836 = arith.constant 80 : index
    %get3A_837 = tpu.vector_load %arg5[%get3A_835, %get3A_836] {strides = array<i32>} : memref<2x832xi32, #tpu.memory_space<vmem>>, vector<1x16xi32>,
    %get3A_838 = vector.shape_cast %get3A_837 : vector<1x16xi32> to vector<16xi32>
    %jit3A_839 = arith.constant 0 : i32
    %jit3A_840 = arith.constant 1000 : i32
    %max3A_841 = vector.broadcast %jit3A_839 : i32 to vector<16xi32>
    %max3A_842 = arith.maxsi %max3A_841, %get3A_838 : vector<16xi32>
    %min3A_843 = vector.broadcast %jit3A_840 : i32 to vector<16xi32>
    %min3A_844 = arith.minsi %min3A_843, %max3A_842 : vector<16xi32>
    %get3A_845 = arith.constant 80 : index
    %get3A_846 = tpu.vector_load %arg7[%get3A_845] {strides = array<i32>} : memref<832xi32, #tpu.memory_space<vmem>>, vector<16xi32>,
    %get3A_847 = vector.shape_cast %get3A_846 : vector<16xi32> to vector<16xi32>
    %add3A_848 = arith.addi %min3A_844, %get3A_847 : vector<16xi32>
    %swap3A_849 = arith.constant 0 : i32
    %swap3A_850 = arith.index_cast %swap3A_849 : i32 to index
    %swap3A_851 = arith.constant 80 : index
    %swap3A_852 = tpu.vector_load %arg6[%swap3A_850, %swap3A_851] {strides = array<i32>} : memref<2x832xi32, #tpu.memory_space<vmem>>, vector<1x16xi32>,
    %swap3A_853 = vector.shape_cast %swap3A_852 : vector<1x16xi32> to vector<16xi32>
    %swap3A_854 = vector.shape_cast %add3A_848 : vector<16xi32> to vector<1x16xi32>
    tpu.vector_store %arg6[%swap3A_850, %swap3A_851], %swap3A_854 {strides = array<i32>} : memref<2x832xi32, #tpu.memory_space<vmem>>, vector<1x16xi32>,
    %get3A_855 = arith.constant 0 : i32
    %get3A_856 = arith.index_cast %get3A_855 : i32 to index
    %get3A_857 = arith.constant 96 : index
    %get3A_858 = tpu.vector_load %arg5[%get3A_856, %get3A_857] {strides = array<i32>} : memref<2x832xi32, #tpu.memory_space<vmem>>, vector<1x16xi32>,
    %get3A_859 = vector.shape_cast %get3A_858 : vector<1x16xi32> to vector<16xi32>
    %jit3A_860 = arith.constant 0 : i32
    %jit3A_861 = arith.constant 1000 : i32
    %max3A_862 = vector.broadcast %jit3A_860 : i32 to vector<16xi32>
    %max3A_863 = arith.maxsi %max3A_862, %get3A_859 : vector<16xi32>
    %min3A_864 = vector.broadcast %jit3A_861 : i32 to vector<16xi32>
    %min3A_865 = arith.minsi %min3A_864, %max3A_863 : vector<16xi32>
    %get3A_866 = arith.constant 96 : index
    %get3A_867 = tpu.vector_load %arg7[%get3A_866] {strides = array<i32>} : memref<832xi32, #tpu.memory_space<vmem>>, vector<16xi32>,
    %get3A_868 = vector.shape_cast %get3A_867 : vector<16xi32> to vector<16xi32>
    %add3A_869 = arith.addi %min3A_865, %get3A_868 : vector<16xi32>
    %swap3A_870 = arith.constant 0 : i32
    %swap3A_871 = arith.index_cast %swap3A_870 : i32 to index
    %swap3A_872 = arith.constant 96 : index
    %swap3A_873 = tpu.vector_load %arg6[%swap3A_871, %swap3A_872] {strides = array<i32>} : memref<2x832xi32, #tpu.memory_space<vmem>>, vector<1x16xi32>,
    %swap3A_874 = vector.shape_cast %swap3A_873 : vector<1x16xi32> to vector<16xi32>
    %swap3A_875 = vector.shape_cast %add3A_869 : vector<16xi32> to vector<1x16xi32>
    tpu.vector_store %arg6[%swap3A_871, %swap3A_872], %swap3A_875 {strides = array<i32>} : memref<2x832xi32, #tpu.memory_space<vmem>>, vector<1x16xi32>,
    %get3A_876 = arith.constant 0 : i32
    %get3A_877 = arith.index_cast %get3A_876 : i32 to index
    %get3A_878 = arith.constant 112 : index
    %get3A_879 = tpu.vector_load %arg5[%get3A_877, %get3A_878] {strides = array<i32>} : memref<2x832xi32, #tpu.memory_space<vmem>>, vector<1x16xi32>,
    %get3A_880 = vector.shape_cast %get3A_879 : vector<1x16xi32> to vector<16xi32>
    %jit3A_881 = arith.constant 0 : i32
    %jit3A_882 = arith.constant 1000 : i32
    %max3A_883 = vector.broadcast %jit3A_881 : i32 to vector<16xi32>
    %max3A_884 = arith.maxsi %max3A_883, %get3A_880 : vector<16xi32>
    %min3A_885 = vector.broadcast %jit3A_882 : i32 to vector<16xi32>
    %min3A_886 = arith.minsi %min3A_885, %max3A_884 : vector<16xi32>
    %get3A_887 = arith.constant 112 : index
    %get3A_888 = tpu.vector_load %arg7[%get3A_887] {strides = array<i32>} : memref<832xi32, #tpu.memory_space<vmem>>, vector<16xi32>,
    %get3A_889 = vector.shape_cast %get3A_888 : vector<16xi32> to vector<16xi32>
    %add3A_890 = arith.addi %min3A_886, %get3A_889 : vector<16xi32>
    %swap3A_891 = arith.constant 0 : i32
    %swap3A_892 = arith.index_cast %swap3A_891 : i32 to index
    %swap3A_893 = arith.constant 112 : index
    %swap3A_894 = tpu.vector_load %arg6[%swap3A_892, %swap3A_893] {strides = array<i32>} : memref<2x832xi32, #tpu.memory_space<vmem>>, vector<1x16xi32>,
    %swap3A_895 = vector.shape_cast %swap3A_894 : vector<1x16xi32> to vector<16xi32>
    %swap3A_896 = vector.shape_cast %add3A_890 : vector<16xi32> to vector<1x16xi32>
    tpu.vector_store %arg6[%swap3A_892, %swap3A_893], %swap3A_896 {strides = array<i32>} : memref<2x832xi32, #tpu.memory_space<vmem>>, vector<1x16xi32>,
    %get3A_897 = arith.constant 0 : i32
    %get3A_898 = arith.index_cast %get3A_897 : i32 to index
    %get3A_899 = arith.constant 128 : index
    %get3A_900 = tpu.vector_load %arg5[%get3A_898, %get3A_899] {strides = array<i32>} : memref<2x832xi32, #tpu.memory_space<vmem>>, vector<1x16xi32>,
    %get3A_901 = vector.shape_cast %get3A_900 : vector<1x16xi32> to vector<16xi32>
    %jit3A_902 = arith.constant 0 : i32
    %jit3A_903 = arith.constant 1000 : i32
    %max3A_904 = vector.broadcast %jit3A_902 : i32 to vector<16xi32>
    %max3A_905 = arith.maxsi %max3A_904, %get3A_901 : vector<16xi32>
    %min3A_906 = vector.broadcast %jit3A_903 : i32 to vector<16xi32>
    %min3A_907 = arith.minsi %min3A_906, %max3A_905 : vector<16xi32>
    %get3A_908 = arith.constant 128 : index
    %get3A_909 = tpu.vector_load %arg7[%get3A_908] {strides = array<i32>} : memref<832xi32, #tpu.memory_space<vmem>>, vector<16xi32>,
    %get3A_910 = vector.shape_cast %get3A_909 : vector<16xi32> to vector<16xi32>
    %add3A_911 = arith.addi %min3A_907, %get3A_910 : vector<16xi32>
    %swap3A_912 = arith.constant 0 : i32
    %swap3A_913 = arith.index_cast %swap3A_912 : i32 to index
    %swap3A_914 = arith.constant 128 : index
    %swap3A_915 = tpu.vector_load %arg6[%swap3A_913, %swap3A_914] {strides = array<i32>} : memref<2x832xi32, #tpu.memory_space<vmem>>, vector<1x16xi32>,
    %swap3A_916 = vector.shape_cast %swap3A_915 : vector<1x16xi32> to vector<16xi32>
    %swap3A_917 = vector.shape_cast %add3A_911 : vector<16xi32> to vector<1x16xi32>
    tpu.vector_store %arg6[%swap3A_913, %swap3A_914], %swap3A_917 {strides = array<i32>} : memref<2x832xi32, #tpu.memory_space<vmem>>, vector<1x16xi32>,
    %get3A_918 = arith.constant 0 : i32
    %get3A_919 = arith.index_cast %get3A_918 : i32 to index
    %get3A_920 = arith.constant 144 : index
    %get3A_921 = tpu.vector_load %arg5[%get3A_919, %get3A_920] {strides = array<i32>} : memref<2x832xi32, #tpu.memory_space<vmem>>, vector<1x16xi32>,
    %get3A_922 = vector.shape_cast %get3A_921 : vector<1x16xi32> to vector<16xi32>
    %jit3A_923 = arith.constant 0 : i32
    %jit3A_924 = arith.constant 1000 : i32
    %max3A_925 = vector.broadcast %jit3A_923 : i32 to vector<16xi32>
    %max3A_926 = arith.maxsi %max3A_925, %get3A_922 : vector<16xi32>
    %min3A_927 = vector.broadcast %jit3A_924 : i32 to vector<16xi32>
    %min3A_928 = arith.minsi %min3A_927, %max3A_926 : vector<16xi32>
    %get3A_929 = arith.constant 144 : index
    %get3A_930 = tpu.vector_load %arg7[%get3A_929] {strides = array<i32>} : memref<832xi32, #tpu.memory_space<vmem>>, vector<16xi32>,
    %get3A_931 = vector.shape_cast %get3A_930 : vector<16xi32> to vector<16xi32>
    %add3A_932 = arith.addi %min3A_928, %get3A_931 : vector<16xi32>
    %swap3A_933 = arith.constant 0 : i32
    %swap3A_934 = arith.index_cast %swap3A_933 : i32 to index
    %swap3A_935 = arith.constant 144 : index
    %swap3A_936 = tpu.vector_load %arg6[%swap3A_934, %swap3A_935] {strides = array<i32>} : memref<2x832xi32, #tpu.memory_space<vmem>>, vector<1x16xi32>,
    %swap3A_937 = vector.shape_cast %swap3A_936 : vector<1x16xi32> to vector<16xi32>
    %swap3A_938 = vector.shape_cast %add3A_932 : vector<16xi32> to vector<1x16xi32>
    tpu.vector_store %arg6[%swap3A_934, %swap3A_935], %swap3A_938 {strides = array<i32>} : memref<2x832xi32, #tpu.memory_space<vmem>>, vector<1x16xi32>,
    %get3A_939 = arith.constant 0 : i32
    %get3A_940 = arith.index_cast %get3A_939 : i32 to index
    %get3A_941 = arith.constant 160 : index
    %get3A_942 = tpu.vector_load %arg5[%get3A_940, %get3A_941] {strides = array<i32>} : memref<2x832xi32, #tpu.memory_space<vmem>>, vector<1x16xi32>,
    %get3A_943 = vector.shape_cast %get3A_942 : vector<1x16xi32> to vector<16xi32>
    %jit3A_944 = arith.constant 0 : i32
    %jit3A_945 = arith.constant 1000 : i32
    %max3A_946 = vector.broadcast %jit3A_944 : i32 to vector<16xi32>
    %max3A_947 = arith.maxsi %max3A_946, %get3A_943 : vector<16xi32>
    %min3A_948 = vector.broadcast %jit3A_945 : i32 to vector<16xi32>
    %min3A_949 = arith.minsi %min3A_948, %max3A_947 : vector<16xi32>
    %get3A_950 = arith.constant 160 : index
    %get3A_951 = tpu.vector_load %arg7[%get3A_950] {strides = array<i32>} : memref<832xi32, #tpu.memory_space<vmem>>, vector<16xi32>,
    %get3A_952 = vector.shape_cast %get3A_951 : vector<16xi32> to vector<16xi32>
    %add3A_953 = arith.addi %min3A_949, %get3A_952 : vector<16xi32>
    %swap3A_954 = arith.constant 0 : i32
    %swap3A_955 = arith.index_cast %swap3A_954 : i32 to index
    %swap3A_956 = arith.constant 160 : index
    %swap3A_957 = tpu.vector_load %arg6[%swap3A_955, %swap3A_956] {strides = array<i32>} : memref<2x832xi32, #tpu.memory_space<vmem>>, vector<1x16xi32>,
    %swap3A_958 = vector.shape_cast %swap3A_957 : vector<1x16xi32> to vector<16xi32>
    %swap3A_959 = vector.shape_cast %add3A_953 : vector<16xi32> to vector<1x16xi32>
    tpu.vector_store %arg6[%swap3A_955, %swap3A_956], %swap3A_959 {strides = array<i32>} : memref<2x832xi32, #tpu.memory_space<vmem>>, vector<1x16xi32>,
    %get3A_960 = arith.constant 0 : i32
    %get3A_961 = arith.index_cast %get3A_960 : i32 to index
    %get3A_962 = arith.constant 176 : index
    %get3A_963 = tpu.vector_load %arg5[%get3A_961, %get3A_962] {strides = array<i32>} : memref<2x832xi32, #tpu.memory_space<vmem>>, vector<1x16xi32>,
    %get3A_964 = vector.shape_cast %get3A_963 : vector<1x16xi32> to vector<16xi32>
    %jit3A_965 = arith.constant 0 : i32
    %jit3A_966 = arith.constant 1000 : i32
    %max3A_967 = vector.broadcast %jit3A_965 : i32 to vector<16xi32>
    %max3A_968 = arith.maxsi %max3A_967, %get3A_964 : vector<16xi32>
    %min3A_969 = vector.broadcast %jit3A_966 : i32 to vector<16xi32>
    %min3A_970 = arith.minsi %min3A_969, %max3A_968 : vector<16xi32>
    %get3A_971 = arith.constant 176 : index
    %get3A_972 = tpu.vector_load %arg7[%get3A_971] {strides = array<i32>} : memref<832xi32, #tpu.memory_space<vmem>>, vector<16xi32>,
    %get3A_973 = vector.shape_cast %get3A_972 : vector<16xi32> to vector<16xi32>
    %add3A_974 = arith.addi %min3A_970, %get3A_973 : vector<16xi32>
    %swap3A_975 = arith.constant 0 : i32
    %swap3A_976 = arith.index_cast %swap3A_975 : i32 to index
    %swap3A_977 = arith.constant 176 : index
    %swap3A_978 = tpu.vector_load %arg6[%swap3A_976, %swap3A_977] {strides = array<i32>} : memref<2x832xi32, #tpu.memory_space<vmem>>, vector<1x16xi32>,
    %swap3A_979 = vector.shape_cast %swap3A_978 : vector<1x16xi32> to vector<16xi32>
    %swap3A_980 = vector.shape_cast %add3A_974 : vector<16xi32> to vector<1x16xi32>
    tpu.vector_store %arg6[%swap3A_976, %swap3A_977], %swap3A_980 {strides = array<i32>} : memref<2x832xi32, #tpu.memory_space<vmem>>, vector<1x16xi32>,
    %get3A_981 = arith.constant 0 : i32
    %get3A_982 = arith.index_cast %get3A_981 : i32 to index
    %get3A_983 = arith.constant 192 : index
    %get3A_984 = tpu.vector_load %arg5[%get3A_982, %get3A_983] {strides = array<i32>} : memref<2x832xi32, #tpu.memory_space<vmem>>, vector<1x16xi32>,
    %get3A_985 = vector.shape_cast %get3A_984 : vector<1x16xi32> to vector<16xi32>
    %jit3A_986 = arith.constant 0 : i32
    %jit3A_987 = arith.constant 1000 : i32
    %max3A_988 = vector.broadcast %jit3A_986 : i32 to vector<16xi32>
    %max3A_989 = arith.maxsi %max3A_988, %get3A_985 : vector<16xi32>
    %min3A_990 = vector.broadcast %jit3A_987 : i32 to vector<16xi32>
    %min3A_991 = arith.minsi %min3A_990, %max3A_989 : vector<16xi32>
    %get3A_992 = arith.constant 192 : index
    %get3A_993 = tpu.vector_load %arg7[%get3A_992] {strides = array<i32>} : memref<832xi32, #tpu.memory_space<vmem>>, vector<16xi32>,
    %get3A_994 = vector.shape_cast %get3A_993 : vector<16xi32> to vector<16xi32>
    %add3A_995 = arith.addi %min3A_991, %get3A_994 : vector<16xi32>
    %swap3A_996 = arith.constant 0 : i32
    %swap3A_997 = arith.index_cast %swap3A_996 : i32 to index
    %swap3A_998 = arith.constant 192 : index
    %swap3A_999 = tpu.vector_load %arg6[%swap3A_997, %swap3A_998] {strides = array<i32>} : memref<2x832xi32, #tpu.memory_space<vmem>>, vector<1x16xi32>,
    %swap3A_1000 = vector.shape_cast %swap3A_999 : vector<1x16xi32> to vector<16xi32>
    %swap3A_1001 = vector.shape_cast %add3A_995 : vector<16xi32> to vector<1x16xi32>
    tpu.vector_store %arg6[%swap3A_997, %swap3A_998], %swap3A_1001 {strides = array<i32>} : memref<2x832xi32, #tpu.memory_space<vmem>>, vector<1x16xi32>,
    %get3A_1002 = arith.constant 0 : i32
    %get3A_1003 = arith.index_cast %get3A_1002 : i32 to index
    %get3A_1004 = arith.constant 208 : index
    %get3A_1005 = tpu.vector_load %arg5[%get3A_1003, %get3A_1004] {strides = array<i32>} : memref<2x832xi32, #tpu.memory_space<vmem>>, vector<1x16xi32>,
    %get3A_1006 = vector.shape_cast %get3A_1005 : vector<1x16xi32> to vector<16xi32>
    %jit3A_1007 = arith.constant 0 : i32
    %jit3A_1008 = arith.constant 1000 : i32
    %max3A_1009 = vector.broadcast %jit3A_1007 : i32 to vector<16xi32>
    %max3A_1010 = arith.maxsi %max3A_1009, %get3A_1006 : vector<16xi32>
    %min3A_1011 = vector.broadcast %jit3A_1008 : i32 to vector<16xi32>
    %min3A_1012 = arith.minsi %min3A_1011, %max3A_1010 : vector<16xi32>
    %get3A_1013 = arith.constant 208 : index
    %get3A_1014 = tpu.vector_load %arg7[%get3A_1013] {strides = array<i32>} : memref<832xi32, #tpu.memory_space<vmem>>, vector<16xi32>,
    %get3A_1015 = vector.shape_cast %get3A_1014 : vector<16xi32> to vector<16xi32>
    %add3A_1016 = arith.addi %min3A_1012, %get3A_1015 : vector<16xi32>
    %swap3A_1017 = arith.constant 0 : i32
    %swap3A_1018 = arith.index_cast %swap3A_1017 : i32 to index
    %swap3A_1019 = arith.constant 208 : index
    %swap3A_1020 = tpu.vector_load %arg6[%swap3A_1018, %swap3A_1019] {strides = array<i32>} : memref<2x832xi32, #tpu.memory_space<vmem>>, vector<1x16xi32>,
    %swap3A_1021 = vector.shape_cast %swap3A_1020 : vector<1x16xi32> to vector<16xi32>
    %swap3A_1022 = vector.shape_cast %add3A_1016 : vector<16xi32> to vector<1x16xi32>
    tpu.vector_store %arg6[%swap3A_1018, %swap3A_1019], %swap3A_1022 {strides = array<i32>} : memref<2x832xi32, #tpu.memory_space<vmem>>, vector<1x16xi32>,
    %get3A_1023 = arith.constant 0 : i32
    %get3A_1024 = arith.index_cast %get3A_1023 : i32 to index
    %get3A_1025 = arith.constant 224 : index
    %get3A_1026 = tpu.vector_load %arg5[%get3A_1024, %get3A_1025] {strides = array<i32>} : memref<2x832xi32, #tpu.memory_space<vmem>>, vector<1x16xi32>,
    %get3A_1027 = vector.shape_cast %get3A_1026 : vector<1x16xi32> to vector<16xi32>
    %jit3A_1028 = arith.constant 0 : i32
    %jit3A_1029 = arith.constant 1000 : i32
    %max3A_1030 = vector.broadcast %jit3A_1028 : i32 to vector<16xi32>
    %max3A_1031 = arith.maxsi %max3A_1030, %get3A_1027 : vector<16xi32>
    %min3A_1032 = vector.broadcast %jit3A_1029 : i32 to vector<16xi32>
    %min3A_1033 = arith.minsi %min3A_1032, %max3A_1031 : vector<16xi32>
    %get3A_1034 = arith.constant 224 : index
    %get3A_1035 = tpu.vector_load %arg7[%get3A_1034] {strides = array<i32>} : memref<832xi32, #tpu.memory_space<vmem>>, vector<16xi32>,
    %get3A_1036 = vector.shape_cast %get3A_1035 : vector<16xi32> to vector<16xi32>
    %add3A_1037 = arith.addi %min3A_1033, %get3A_1036 : vector<16xi32>
    %swap3A_1038 = arith.constant 0 : i32
    %swap3A_1039 = arith.index_cast %swap3A_1038 : i32 to index
    %swap3A_1040 = arith.constant 224 : index
    %swap3A_1041 = tpu.vector_load %arg6[%swap3A_1039, %swap3A_1040] {strides = array<i32>} : memref<2x832xi32, #tpu.memory_space<vmem>>, vector<1x16xi32>,
    %swap3A_1042 = vector.shape_cast %swap3A_1041 : vector<1x16xi32> to vector<16xi32>
    %swap3A_1043 = vector.shape_cast %add3A_1037 : vector<16xi32> to vector<1x16xi32>
    tpu.vector_store %arg6[%swap3A_1039, %swap3A_1040], %swap3A_1043 {strides = array<i32>} : memref<2x832xi32, #tpu.memory_space<vmem>>, vector<1x16xi32>,
    %get3A_1044 = arith.constant 0 : i32
    %get3A_1045 = arith.index_cast %get3A_1044 : i32 to index
    %get3A_1046 = arith.constant 240 : index
    %get3A_1047 = tpu.vector_load %arg5[%get3A_1045, %get3A_1046] {strides = array<i32>} : memref<2x832xi32, #tpu.memory_space<vmem>>, vector<1x16xi32>,
    %get3A_1048 = vector.shape_cast %get3A_1047 : vector<1x16xi32> to vector<16xi32>
    %jit3A_1049 = arith.constant 0 : i32
    %jit3A_1050 = arith.constant 1000 : i32
    %max3A_1051 = vector.broadcast %jit3A_1049 : i32 to vector<16xi32>
    %max3A_1052 = arith.maxsi %max3A_1051, %get3A_1048 : vector<16xi32>
    %min3A_1053 = vector.broadcast %jit3A_1050 : i32 to vector<16xi32>
    %min3A_1054 = arith.minsi %min3A_1053, %max3A_1052 : vector<16xi32>
    %get3A_1055 = arith.constant 240 : index
    %get3A_1056 = tpu.vector_load %arg7[%get3A_1055] {strides = array<i32>} : memref<832xi32, #tpu.memory_space<vmem>>, vector<16xi32>,
    %get3A_1057 = vector.shape_cast %get3A_1056 : vector<16xi32> to vector<16xi32>
    %add3A_1058 = arith.addi %min3A_1054, %get3A_1057 : vector<16xi32>
    %swap3A_1059 = arith.constant 0 : i32
    %swap3A_1060 = arith.index_cast %swap3A_1059 : i32 to index
    %swap3A_1061 = arith.constant 240 : index
    %swap3A_1062 = tpu.vector_load %arg6[%swap3A_1060, %swap3A_1061] {strides = array<i32>} : memref<2x832xi32, #tpu.memory_space<vmem>>, vector<1x16xi32>,
    %swap3A_1063 = vector.shape_cast %swap3A_1062 : vector<1x16xi32> to vector<16xi32>
    %swap3A_1064 = vector.shape_cast %add3A_1058 : vector<16xi32> to vector<1x16xi32>
    tpu.vector_store %arg6[%swap3A_1060, %swap3A_1061], %swap3A_1064 {strides = array<i32>} : memref<2x832xi32, #tpu.memory_space<vmem>>, vector<1x16xi32>,
    %get3A_1065 = arith.constant 0 : i32
    %get3A_1066 = arith.index_cast %get3A_1065 : i32 to index
    %get3A_1067 = arith.constant 256 : index
    %get3A_1068 = tpu.vector_load %arg5[%get3A_1066, %get3A_1067] {strides = array<i32>} : memref<2x832xi32, #tpu.memory_space<vmem>>, vector<1x16xi32>,
    %get3A_1069 = vector.shape_cast %get3A_1068 : vector<1x16xi32> to vector<16xi32>
    %jit3A_1070 = arith.constant 0 : i32
    %jit3A_1071 = arith.constant 1000 : i32
    %max3A_1072 = vector.broadcast %jit3A_1070 : i32 to vector<16xi32>
    %max3A_1073 = arith.maxsi %max3A_1072, %get3A_1069 : vector<16xi32>
    %min3A_1074 = vector.broadcast %jit3A_1071 : i32 to vector<16xi32>
    %min3A_1075 = arith.minsi %min3A_1074, %max3A_1073 : vector<16xi32>
    %get3A_1076 = arith.constant 256 : index
    %get3A_1077 = tpu.vector_load %arg7[%get3A_1076] {strides = array<i32>} : memref<832xi32, #tpu.memory_space<vmem>>, vector<16xi32>,
    %get3A_1078 = vector.shape_cast %get3A_1077 : vector<16xi32> to vector<16xi32>
    %add3A_1079 = arith.addi %min3A_1075, %get3A_1078 : vector<16xi32>
    %swap3A_1080 = arith.constant 0 : i32
    %swap3A_1081 = arith.index_cast %swap3A_1080 : i32 to index
    %swap3A_1082 = arith.constant 256 : index
    %swap3A_1083 = tpu.vector_load %arg6[%swap3A_1081, %swap3A_1082] {strides = array<i32>} : memref<2x832xi32, #tpu.memory_space<vmem>>, vector<1x16xi32>,
    %swap3A_1084 = vector.shape_cast %swap3A_1083 : vector<1x16xi32> to vector<16xi32>
    %swap3A_1085 = vector.shape_cast %add3A_1079 : vector<16xi32> to vector<1x16xi32>
    tpu.vector_store %arg6[%swap3A_1081, %swap3A_1082], %swap3A_1085 {strides = array<i32>} : memref<2x832xi32, #tpu.memory_space<vmem>>, vector<1x16xi32>,
    %get3A_1086 = arith.constant 0 : i32
    %get3A_1087 = arith.index_cast %get3A_1086 : i32 to index
    %get3A_1088 = arith.constant 272 : index
    %get3A_1089 = tpu.vector_load %arg5[%get3A_1087, %get3A_1088] {strides = array<i32>} : memref<2x832xi32, #tpu.memory_space<vmem>>, vector<1x16xi32>,
    %get3A_1090 = vector.shape_cast %get3A_1089 : vector<1x16xi32> to vector<16xi32>
    %jit3A_1091 = arith.constant 0 : i32
    %jit3A_1092 = arith.constant 1000 : i32
    %max3A_1093 = vector.broadcast %jit3A_1091 : i32 to vector<16xi32>
    %max3A_1094 = arith.maxsi %max3A_1093, %get3A_1090 : vector<16xi32>
    %min3A_1095 = vector.broadcast %jit3A_1092 : i32 to vector<16xi32>
    %min3A_1096 = arith.minsi %min3A_1095, %max3A_1094 : vector<16xi32>
    %get3A_1097 = arith.constant 272 : index
    %get3A_1098 = tpu.vector_load %arg7[%get3A_1097] {strides = array<i32>} : memref<832xi32, #tpu.memory_space<vmem>>, vector<16xi32>,
    %get3A_1099 = vector.shape_cast %get3A_1098 : vector<16xi32> to vector<16xi32>
    %add3A_1100 = arith.addi %min3A_1096, %get3A_1099 : vector<16xi32>
    %swap3A_1101 = arith.constant 0 : i32
    %swap3A_1102 = arith.index_cast %swap3A_1101 : i32 to index
    %swap3A_1103 = arith.constant 272 : index
    %swap3A_1104 = tpu.vector_load %arg6[%swap3A_1102, %swap3A_1103] {strides = array<i32>} : memref<2x832xi32, #tpu.memory_space<vmem>>, vector<1x16xi32>,
    %swap3A_1105 = vector.shape_cast %swap3A_1104 : vector<1x16xi32> to vector<16xi32>
    %swap3A_1106 = vector.shape_cast %add3A_1100 : vector<16xi32> to vector<1x16xi32>
    tpu.vector_store %arg6[%swap3A_1102, %swap3A_1103], %swap3A_1106 {strides = array<i32>} : memref<2x832xi32, #tpu.memory_space<vmem>>, vector<1x16xi32>,
    %get3A_1107 = arith.constant 0 : i32
    %get3A_1108 = arith.index_cast %get3A_1107 : i32 to index
    %get3A_1109 = arith.constant 288 : index
    %get3A_1110 = tpu.vector_load %arg5[%get3A_1108, %get3A_1109] {strides = array<i32>} : memref<2x832xi32, #tpu.memory_space<vmem>>, vector<1x16xi32>,
    %get3A_1111 = vector.shape_cast %get3A_1110 : vector<1x16xi32> to vector<16xi32>
    %jit3A_1112 = arith.constant 0 : i32
    %jit3A_1113 = arith.constant 1000 : i32
    %max3A_1114 = vector.broadcast %jit3A_1112 : i32 to vector<16xi32>
    %max3A_1115 = arith.maxsi %max3A_1114, %get3A_1111 : vector<16xi32>
    %min3A_1116 = vector.broadcast %jit3A_1113 : i32 to vector<16xi32>
    %min3A_1117 = arith.minsi %min3A_1116, %max3A_1115 : vector<16xi32>
    %get3A_1118 = arith.constant 288 : index
    %get3A_1119 = tpu.vector_load %arg7[%get3A_1118] {strides = array<i32>} : memref<832xi32, #tpu.memory_space<vmem>>, vector<16xi32>,
    %get3A_1120 = vector.shape_cast %get3A_1119 : vector<16xi32> to vector<16xi32>
    %add3A_1121 = arith.addi %min3A_1117, %get3A_1120 : vector<16xi32>
    %swap3A_1122 = arith.constant 0 : i32
    %swap3A_1123 = arith.index_cast %swap3A_1122 : i32 to index
    %swap3A_1124 = arith.constant 288 : index
    %swap3A_1125 = tpu.vector_load %arg6[%swap3A_1123, %swap3A_1124] {strides = array<i32>} : memref<2x832xi32, #tpu.memory_space<vmem>>, vector<1x16xi32>,
    %swap3A_1126 = vector.shape_cast %swap3A_1125 : vector<1x16xi32> to vector<16xi32>
    %swap3A_1127 = vector.shape_cast %add3A_1121 : vector<16xi32> to vector<1x16xi32>
    tpu.vector_store %arg6[%swap3A_1123, %swap3A_1124], %swap3A_1127 {strides = array<i32>} : memref<2x832xi32, #tpu.memory_space<vmem>>, vector<1x16xi32>,
    %get3A_1128 = arith.constant 0 : i32
    %get3A_1129 = arith.index_cast %get3A_1128 : i32 to index
    %get3A_1130 = arith.constant 304 : index
    %get3A_1131 = tpu.vector_load %arg5[%get3A_1129, %get3A_1130] {strides = array<i32>} : memref<2x832xi32, #tpu.memory_space<vmem>>, vector<1x16xi32>,
    %get3A_1132 = vector.shape_cast %get3A_1131 : vector<1x16xi32> to vector<16xi32>
    %jit3A_1133 = arith.constant 0 : i32
    %jit3A_1134 = arith.constant 1000 : i32
    %max3A_1135 = vector.broadcast %jit3A_1133 : i32 to vector<16xi32>
    %max3A_1136 = arith.maxsi %max3A_1135, %get3A_1132 : vector<16xi32>
    %min3A_1137 = vector.broadcast %jit3A_1134 : i32 to vector<16xi32>
    %min3A_1138 = arith.minsi %min3A_1137, %max3A_1136 : vector<16xi32>
    %get3A_1139 = arith.constant 304 : index
    %get3A_1140 = tpu.vector_load %arg7[%get3A_1139] {strides = array<i32>} : memref<832xi32, #tpu.memory_space<vmem>>, vector<16xi32>,
    %get3A_1141 = vector.shape_cast %get3A_1140 : vector<16xi32> to vector<16xi32>
    %add3A_1142 = arith.addi %min3A_1138, %get3A_1141 : vector<16xi32>
    %swap3A_1143 = arith.constant 0 : i32
    %swap3A_1144 = arith.index_cast %swap3A_1143 : i32 to index
    %swap3A_1145 = arith.constant 304 : index
    %swap3A_1146 = tpu.vector_load %arg6[%swap3A_1144, %swap3A_1145] {strides = array<i32>} : memref<2x832xi32, #tpu.memory_space<vmem>>, vector<1x16xi32>,
    %swap3A_1147 = vector.shape_cast %swap3A_1146 : vector<1x16xi32> to vector<16xi32>
    %swap3A_1148 = vector.shape_cast %add3A_1142 : vector<16xi32> to vector<1x16xi32>
    tpu.vector_store %arg6[%swap3A_1144, %swap3A_1145], %swap3A_1148 {strides = array<i32>} : memref<2x832xi32, #tpu.memory_space<vmem>>, vector<1x16xi32>,
    %get3A_1149 = arith.constant 0 : i32
    %get3A_1150 = arith.index_cast %get3A_1149 : i32 to index
    %get3A_1151 = arith.constant 320 : index
    %get3A_1152 = tpu.vector_load %arg5[%get3A_1150, %get3A_1151] {strides = array<i32>} : memref<2x832xi32, #tpu.memory_space<vmem>>, vector<1x16xi32>,
    %get3A_1153 = vector.shape_cast %get3A_1152 : vector<1x16xi32> to vector<16xi32>
    %jit3A_1154 = arith.constant 0 : i32
    %jit3A_1155 = arith.constant 1000 : i32
    %max3A_1156 = vector.broadcast %jit3A_1154 : i32 to vector<16xi32>
    %max3A_1157 = arith.maxsi %max3A_1156, %get3A_1153 : vector<16xi32>
    %min3A_1158 = vector.broadcast %jit3A_1155 : i32 to vector<16xi32>
    %min3A_1159 = arith.minsi %min3A_1158, %max3A_1157 : vector<16xi32>
    %get3A_1160 = arith.constant 320 : index
    %get3A_1161 = tpu.vector_load %arg7[%get3A_1160] {strides = array<i32>} : memref<832xi32, #tpu.memory_space<vmem>>, vector<16xi32>,
    %get3A_1162 = vector.shape_cast %get3A_1161 : vector<16xi32> to vector<16xi32>
    %add3A_1163 = arith.addi %min3A_1159, %get3A_1162 : vector<16xi32>
    %swap3A_1164 = arith.constant 0 : i32
    %swap3A_1165 = arith.index_cast %swap3A_1164 : i32 to index
    %swap3A_1166 = arith.constant 320 : index
    %swap3A_1167 = tpu.vector_load %arg6[%swap3A_1165, %swap3A_1166] {strides = array<i32>} : memref<2x832xi32, #tpu.memory_space<vmem>>, vector<1x16xi32>,
    %swap3A_1168 = vector.shape_cast %swap3A_1167 : vector<1x16xi32> to vector<16xi32>
    %swap3A_1169 = vector.shape_cast %add3A_1163 : vector<16xi32> to vector<1x16xi32>
    tpu.vector_store %arg6[%swap3A_1165, %swap3A_1166], %swap3A_1169 {strides = array<i32>} : memref<2x832xi32, #tpu.memory_space<vmem>>, vector<1x16xi32>,
    %get3A_1170 = arith.constant 0 : i32
    %get3A_1171 = arith.index_cast %get3A_1170 : i32 to index
    %get3A_1172 = arith.constant 336 : index
    %get3A_1173 = tpu.vector_load %arg5[%get3A_1171, %get3A_1172] {strides = array<i32>} : memref<2x832xi32, #tpu.memory_space<vmem>>, vector<1x16xi32>,
    %get3A_1174 = vector.shape_cast %get3A_1173 : vector<1x16xi32> to vector<16xi32>
    %jit3A_1175 = arith.constant 0 : i32
    %jit3A_1176 = arith.constant 1000 : i32
    %max3A_1177 = vector.broadcast %jit3A_1175 : i32 to vector<16xi32>
    %max3A_1178 = arith.maxsi %max3A_1177, %get3A_1174 : vector<16xi32>
    %min3A_1179 = vector.broadcast %jit3A_1176 : i32 to vector<16xi32>
    %min3A_1180 = arith.minsi %min3A_1179, %max3A_1178 : vector<16xi32>
    %get3A_1181 = arith.constant 336 : index
    %get3A_1182 = tpu.vector_load %arg7[%get3A_1181] {strides = array<i32>} : memref<832xi32, #tpu.memory_space<vmem>>, vector<16xi32>,
    %get3A_1183 = vector.shape_cast %get3A_1182 : vector<16xi32> to vector<16xi32>
    %add3A_1184 = arith.addi %min3A_1180, %get3A_1183 : vector<16xi32>
    %swap3A_1185 = arith.constant 0 : i32
    %swap3A_1186 = arith.index_cast %swap3A_1185 : i32 to index
    %swap3A_1187 = arith.constant 336 : index
    %swap3A_1188 = tpu.vector_load %arg6[%swap3A_1186, %swap3A_1187] {strides = array<i32>} : memref<2x832xi32, #tpu.memory_space<vmem>>, vector<1x16xi32>,
    %swap3A_1189 = vector.shape_cast %swap3A_1188 : vector<1x16xi32> to vector<16xi32>
    %swap3A_1190 = vector.shape_cast %add3A_1184 : vector<16xi32> to vector<1x16xi32>
    tpu.vector_store %arg6[%swap3A_1186, %swap3A_1187], %swap3A_1190 {strides = array<i32>} : memref<2x832xi32, #tpu.memory_space<vmem>>, vector<1x16xi32>,
    %get3A_1191 = arith.constant 0 : i32
    %get3A_1192 = arith.index_cast %get3A_1191 : i32 to index
    %get3A_1193 = arith.constant 352 : index
    %get3A_1194 = tpu.vector_load %arg5[%get3A_1192, %get3A_1193] {strides = array<i32>} : memref<2x832xi32, #tpu.memory_space<vmem>>, vector<1x16xi32>,
    %get3A_1195 = vector.shape_cast %get3A_1194 : vector<1x16xi32> to vector<16xi32>
    %jit3A_1196 = arith.constant 0 : i32
    %jit3A_1197 = arith.constant 1000 : i32
    %max3A_1198 = vector.broadcast %jit3A_1196 : i32 to vector<16xi32>
    %max3A_1199 = arith.maxsi %max3A_1198, %get3A_1195 : vector<16xi32>
    %min3A_1200 = vector.broadcast %jit3A_1197 : i32 to vector<16xi32>
    %min3A_1201 = arith.minsi %min3A_1200, %max3A_1199 : vector<16xi32>
    %get3A_1202 = arith.constant 352 : index
    %get3A_1203 = tpu.vector_load %arg7[%get3A_1202] {strides = array<i32>} : memref<832xi32, #tpu.memory_space<vmem>>, vector<16xi32>,
    %get3A_1204 = vector.shape_cast %get3A_1203 : vector<16xi32> to vector<16xi32>
    %add3A_1205 = arith.addi %min3A_1201, %get3A_1204 : vector<16xi32>
    %swap3A_1206 = arith.constant 0 : i32
    %swap3A_1207 = arith.index_cast %swap3A_1206 : i32 to index
    %swap3A_1208 = arith.constant 352 : index
    %swap3A_1209 = tpu.vector_load %arg6[%swap3A_1207, %swap3A_1208] {strides = array<i32>} : memref<2x832xi32, #tpu.memory_space<vmem>>, vector<1x16xi32>,
    %swap3A_1210 = vector.shape_cast %swap3A_1209 : vector<1x16xi32> to vector<16xi32>
    %swap3A_1211 = vector.shape_cast %add3A_1205 : vector<16xi32> to vector<1x16xi32>
    tpu.vector_store %arg6[%swap3A_1207, %swap3A_1208], %swap3A_1211 {strides = array<i32>} : memref<2x832xi32, #tpu.memory_space<vmem>>, vector<1x16xi32>,
    %get3A_1212 = arith.constant 0 : i32
    %get3A_1213 = arith.index_cast %get3A_1212 : i32 to index
    %get3A_1214 = arith.constant 368 : index
    %get3A_1215 = tpu.vector_load %arg5[%get3A_1213, %get3A_1214] {strides = array<i32>} : memref<2x832xi32, #tpu.memory_space<vmem>>, vector<1x16xi32>,
    %get3A_1216 = vector.shape_cast %get3A_1215 : vector<1x16xi32> to vector<16xi32>
    %jit3A_1217 = arith.constant 0 : i32
    %jit3A_1218 = arith.constant 1000 : i32
    %max3A_1219 = vector.broadcast %jit3A_1217 : i32 to vector<16xi32>
    %max3A_1220 = arith.maxsi %max3A_1219, %get3A_1216 : vector<16xi32>
    %min3A_1221 = vector.broadcast %jit3A_1218 : i32 to vector<16xi32>
    %min3A_1222 = arith.minsi %min3A_1221, %max3A_1220 : vector<16xi32>
    %get3A_1223 = arith.constant 368 : index
    %get3A_1224 = tpu.vector_load %arg7[%get3A_1223] {strides = array<i32>} : memref<832xi32, #tpu.memory_space<vmem>>, vector<16xi32>,
    %get3A_1225 = vector.shape_cast %get3A_1224 : vector<16xi32> to vector<16xi32>
    %add3A_1226 = arith.addi %min3A_1222, %get3A_1225 : vector<16xi32>
    %swap3A_1227 = arith.constant 0 : i32
    %swap3A_1228 = arith.index_cast %swap3A_1227 : i32 to index
    %swap3A_1229 = arith.constant 368 : index
    %swap3A_1230 = tpu.vector_load %arg6[%swap3A_1228, %swap3A_1229] {strides = array<i32>} : memref<2x832xi32, #tpu.memory_space<vmem>>, vector<1x16xi32>,
    %swap3A_1231 = vector.shape_cast %swap3A_1230 : vector<1x16xi32> to vector<16xi32>
    %swap3A_1232 = vector.shape_cast %add3A_1226 : vector<16xi32> to vector<1x16xi32>
    tpu.vector_store %arg6[%swap3A_1228, %swap3A_1229], %swap3A_1232 {strides = array<i32>} : memref<2x832xi32, #tpu.memory_space<vmem>>, vector<1x16xi32>,
    %get3A_1233 = arith.constant 0 : i32
    %get3A_1234 = arith.index_cast %get3A_1233 : i32 to index
    %get3A_1235 = arith.constant 384 : index
    %get3A_1236 = tpu.vector_load %arg5[%get3A_1234, %get3A_1235] {strides = array<i32>} : memref<2x832xi32, #tpu.memory_space<vmem>>, vector<1x16xi32>,
    %get3A_1237 = vector.shape_cast %get3A_1236 : vector<1x16xi32> to vector<16xi32>
    %jit3A_1238 = arith.constant 0 : i32
    %jit3A_1239 = arith.constant 1000 : i32
    %max3A_1240 = vector.broadcast %jit3A_1238 : i32 to vector<16xi32>
    %max3A_1241 = arith.maxsi %max3A_1240, %get3A_1237 : vector<16xi32>
    %min3A_1242 = vector.broadcast %jit3A_1239 : i32 to vector<16xi32>
    %min3A_1243 = arith.minsi %min3A_1242, %max3A_1241 : vector<16xi32>
    %get3A_1244 = arith.constant 384 : index
    %get3A_1245 = tpu.vector_load %arg7[%get3A_1244] {strides = array<i32>} : memref<832xi32, #tpu.memory_space<vmem>>, vector<16xi32>,
    %get3A_1246 = vector.shape_cast %get3A_1245 : vector<16xi32> to vector<16xi32>
    %add3A_1247 = arith.addi %min3A_1243, %get3A_1246 : vector<16xi32>
    %swap3A_1248 = arith.constant 0 : i32
    %swap3A_1249 = arith.index_cast %swap3A_1248 : i32 to index
    %swap3A_1250 = arith.constant 384 : index
    %swap3A_1251 = tpu.vector_load %arg6[%swap3A_1249, %swap3A_1250] {strides = array<i32>} : memref<2x832xi32, #tpu.memory_space<vmem>>, vector<1x16xi32>,
    %swap3A_1252 = vector.shape_cast %swap3A_1251 : vector<1x16xi32> to vector<16xi32>
    %swap3A_1253 = vector.shape_cast %add3A_1247 : vector<16xi32> to vector<1x16xi32>
    tpu.vector_store %arg6[%swap3A_1249, %swap3A_1250], %swap3A_1253 {strides = array<i32>} : memref<2x832xi32, #tpu.memory_space<vmem>>, vector<1x16xi32>,
    %get3A_1254 = arith.constant 0 : i32
    %get3A_1255 = arith.index_cast %get3A_1254 : i32 to index
    %get3A_1256 = arith.constant 400 : index
    %get3A_1257 = tpu.vector_load %arg5[%get3A_1255, %get3A_1256] {strides = array<i32>} : memref<2x832xi32, #tpu.memory_space<vmem>>, vector<1x16xi32>,
    %get3A_1258 = vector.shape_cast %get3A_1257 : vector<1x16xi32> to vector<16xi32>
    %jit3A_1259 = arith.constant 0 : i32
    %jit3A_1260 = arith.constant 1000 : i32
    %max3A_1261 = vector.broadcast %jit3A_1259 : i32 to vector<16xi32>
    %max3A_1262 = arith.maxsi %max3A_1261, %get3A_1258 : vector<16xi32>
    %min3A_1263 = vector.broadcast %jit3A_1260 : i32 to vector<16xi32>
    %min3A_1264 = arith.minsi %min3A_1263, %max3A_1262 : vector<16xi32>
    %get3A_1265 = arith.constant 400 : index
    %get3A_1266 = tpu.vector_load %arg7[%get3A_1265] {strides = array<i32>} : memref<832xi32, #tpu.memory_space<vmem>>, vector<16xi32>,
    %get3A_1267 = vector.shape_cast %get3A_1266 : vector<16xi32> to vector<16xi32>
    %add3A_1268 = arith.addi %min3A_1264, %get3A_1267 : vector<16xi32>
    %swap3A_1269 = arith.constant 0 : i32
    %swap3A_1270 = arith.index_cast %swap3A_1269 : i32 to index
    %swap3A_1271 = arith.constant 400 : index
    %swap3A_1272 = tpu.vector_load %arg6[%swap3A_1270, %swap3A_1271] {strides = array<i32>} : memref<2x832xi32, #tpu.memory_space<vmem>>, vector<1x16xi32>,
    %swap3A_1273 = vector.shape_cast %swap3A_1272 : vector<1x16xi32> to vector<16xi32>
    %swap3A_1274 = vector.shape_cast %add3A_1268 : vector<16xi32> to vector<1x16xi32>
    tpu.vector_store %arg6[%swap3A_1270, %swap3A_1271], %swap3A_1274 {strides = array<i32>} : memref<2x832xi32, #tpu.memory_space<vmem>>, vector<1x16xi32>,
    %get3A_1275 = arith.constant 0 : i32
    %get3A_1276 = arith.index_cast %get3A_1275 : i32 to index
    %get3A_1277 = arith.constant 416 : index
    %get3A_1278 = tpu.vector_load %arg5[%get3A_1276, %get3A_1277] {strides = array<i32>} : memref<2x832xi32, #tpu.memory_space<vmem>>, vector<1x16xi32>,
    %get3A_1279 = vector.shape_cast %get3A_1278 : vector<1x16xi32> to vector<16xi32>
    %jit3A_1280 = arith.constant 0 : i32
    %jit3A_1281 = arith.constant 1000 : i32
    %max3A_1282 = vector.broadcast %jit3A_1280 : i32 to vector<16xi32>
    %max3A_1283 = arith.maxsi %max3A_1282, %get3A_1279 : vector<16xi32>
    %min3A_1284 = vector.broadcast %jit3A_1281 : i32 to vector<16xi32>
    %min3A_1285 = arith.minsi %min3A_1284, %max3A_1283 : vector<16xi32>
    %get3A_1286 = arith.constant 416 : index
    %get3A_1287 = tpu.vector_load %arg7[%get3A_1286] {strides = array<i32>} : memref<832xi32, #tpu.memory_space<vmem>>, vector<16xi32>,
    %get3A_1288 = vector.shape_cast %get3A_1287 : vector<16xi32> to vector<16xi32>
    %add3A_1289 = arith.addi %min3A_1285, %get3A_1288 : vector<16xi32>
    %swap3A_1290 = arith.constant 0 : i32
    %swap3A_1291 = arith.index_cast %swap3A_1290 : i32 to index
    %swap3A_1292 = arith.constant 416 : index
    %swap3A_1293 = tpu.vector_load %arg6[%swap3A_1291, %swap3A_1292] {strides = array<i32>} : memref<2x832xi32, #tpu.memory_space<vmem>>, vector<1x16xi32>,
    %swap3A_1294 = vector.shape_cast %swap3A_1293 : vector<1x16xi32> to vector<16xi32>
    %swap3A_1295 = vector.shape_cast %add3A_1289 : vector<16xi32> to vector<1x16xi32>
    tpu.vector_store %arg6[%swap3A_1291, %swap3A_1292], %swap3A_1295 {strides = array<i32>} : memref<2x832xi32, #tpu.memory_space<vmem>>, vector<1x16xi32>,
    %get3A_1296 = arith.constant 0 : i32
    %get3A_1297 = arith.index_cast %get3A_1296 : i32 to index
    %get3A_1298 = arith.constant 432 : index
    %get3A_1299 = tpu.vector_load %arg5[%get3A_1297, %get3A_1298] {strides = array<i32>} : memref<2x832xi32, #tpu.memory_space<vmem>>, vector<1x16xi32>,
    %get3A_1300 = vector.shape_cast %get3A_1299 : vector<1x16xi32> to vector<16xi32>
    %jit3A_1301 = arith.constant 0 : i32
    %jit3A_1302 = arith.constant 1000 : i32
    %max3A_1303 = vector.broadcast %jit3A_1301 : i32 to vector<16xi32>
    %max3A_1304 = arith.maxsi %max3A_1303, %get3A_1300 : vector<16xi32>
    %min3A_1305 = vector.broadcast %jit3A_1302 : i32 to vector<16xi32>
    %min3A_1306 = arith.minsi %min3A_1305, %max3A_1304 : vector<16xi32>
    %get3A_1307 = arith.constant 432 : index
    %get3A_1308 = tpu.vector_load %arg7[%get3A_1307] {strides = array<i32>} : memref<832xi32, #tpu.memory_space<vmem>>, vector<16xi32>,
    %get3A_1309 = vector.shape_cast %get3A_1308 : vector<16xi32> to vector<16xi32>
    %add3A_1310 = arith.addi %min3A_1306, %get3A_1309 : vector<16xi32>
    %swap3A_1311 = arith.constant 0 : i32
    %swap3A_1312 = arith.index_cast %swap3A_1311 : i32 to index
    %swap3A_1313 = arith.constant 432 : index
    %swap3A_1314 = tpu.vector_load %arg6[%swap3A_1312, %swap3A_1313] {strides = array<i32>} : memref<2x832xi32, #tpu.memory_space<vmem>>, vector<1x16xi32>,
    %swap3A_1315 = vector.shape_cast %swap3A_1314 : vector<1x16xi32> to vector<16xi32>
    %swap3A_1316 = vector.shape_cast %add3A_1310 : vector<16xi32> to vector<1x16xi32>
    tpu.vector_store %arg6[%swap3A_1312, %swap3A_1313], %swap3A_1316 {strides = array<i32>} : memref<2x832xi32, #tpu.memory_space<vmem>>, vector<1x16xi32>,
    %get3A_1317 = arith.constant 0 : i32
    %get3A_1318 = arith.index_cast %get3A_1317 : i32 to index
    %get3A_1319 = arith.constant 448 : index
    %get3A_1320 = tpu.vector_load %arg5[%get3A_1318, %get3A_1319] {strides = array<i32>} : memref<2x832xi32, #tpu.memory_space<vmem>>, vector<1x16xi32>,
    %get3A_1321 = vector.shape_cast %get3A_1320 : vector<1x16xi32> to vector<16xi32>
    %jit3A_1322 = arith.constant 0 : i32
    %jit3A_1323 = arith.constant 1000 : i32
    %max3A_1324 = vector.broadcast %jit3A_1322 : i32 to vector<16xi32>
    %max3A_1325 = arith.maxsi %max3A_1324, %get3A_1321 : vector<16xi32>
    %min3A_1326 = vector.broadcast %jit3A_1323 : i32 to vector<16xi32>
    %min3A_1327 = arith.minsi %min3A_1326, %max3A_1325 : vector<16xi32>
    %get3A_1328 = arith.constant 448 : index
    %get3A_1329 = tpu.vector_load %arg7[%get3A_1328] {strides = array<i32>} : memref<832xi32, #tpu.memory_space<vmem>>, vector<16xi32>,
    %get3A_1330 = vector.shape_cast %get3A_1329 : vector<16xi32> to vector<16xi32>
    %add3A_1331 = arith.addi %min3A_1327, %get3A_1330 : vector<16xi32>
    %swap3A_1332 = arith.constant 0 : i32
    %swap3A_1333 = arith.index_cast %swap3A_1332 : i32 to index
    %swap3A_1334 = arith.constant 448 : index
    %swap3A_1335 = tpu.vector_load %arg6[%swap3A_1333, %swap3A_1334] {strides = array<i32>} : memref<2x832xi32, #tpu.memory_space<vmem>>, vector<1x16xi32>,
    %swap3A_1336 = vector.shape_cast %swap3A_1335 : vector<1x16xi32> to vector<16xi32>
    %swap3A_1337 = vector.shape_cast %add3A_1331 : vector<16xi32> to vector<1x16xi32>
    tpu.vector_store %arg6[%swap3A_1333, %swap3A_1334], %swap3A_1337 {strides = array<i32>} : memref<2x832xi32, #tpu.memory_space<vmem>>, vector<1x16xi32>,
    %get3A_1338 = arith.constant 0 : i32
    %get3A_1339 = arith.index_cast %get3A_1338 : i32 to index
    %get3A_1340 = arith.constant 464 : index
    %get3A_1341 = tpu.vector_load %arg5[%get3A_1339, %get3A_1340] {strides = array<i32>} : memref<2x832xi32, #tpu.memory_space<vmem>>, vector<1x16xi32>,
    %get3A_1342 = vector.shape_cast %get3A_1341 : vector<1x16xi32> to vector<16xi32>
    %jit3A_1343 = arith.constant 0 : i32
    %jit3A_1344 = arith.constant 1000 : i32
    %max3A_1345 = vector.broadcast %jit3A_1343 : i32 to vector<16xi32>
    %max3A_1346 = arith.maxsi %max3A_1345, %get3A_1342 : vector<16xi32>
    %min3A_1347 = vector.broadcast %jit3A_1344 : i32 to vector<16xi32>
    %min3A_1348 = arith.minsi %min3A_1347, %max3A_1346 : vector<16xi32>
    %get3A_1349 = arith.constant 464 : index
    %get3A_1350 = tpu.vector_load %arg7[%get3A_1349] {strides = array<i32>} : memref<832xi32, #tpu.memory_space<vmem>>, vector<16xi32>,
    %get3A_1351 = vector.shape_cast %get3A_1350 : vector<16xi32> to vector<16xi32>
    %add3A_1352 = arith.addi %min3A_1348, %get3A_1351 : vector<16xi32>
    %swap3A_1353 = arith.constant 0 : i32
    %swap3A_1354 = arith.index_cast %swap3A_1353 : i32 to index
    %swap3A_1355 = arith.constant 464 : index
    %swap3A_1356 = tpu.vector_load %arg6[%swap3A_1354, %swap3A_1355] {strides = array<i32>} : memref<2x832xi32, #tpu.memory_space<vmem>>, vector<1x16xi32>,
    %swap3A_1357 = vector.shape_cast %swap3A_1356 : vector<1x16xi32> to vector<16xi32>
    %swap3A_1358 = vector.shape_cast %add3A_1352 : vector<16xi32> to vector<1x16xi32>
    tpu.vector_store %arg6[%swap3A_1354, %swap3A_1355], %swap3A_1358 {strides = array<i32>} : memref<2x832xi32, #tpu.memory_space<vmem>>, vector<1x16xi32>,
    %get3A_1359 = arith.constant 0 : i32
    %get3A_1360 = arith.index_cast %get3A_1359 : i32 to index
    %get3A_1361 = arith.constant 480 : index
    %get3A_1362 = tpu.vector_load %arg5[%get3A_1360, %get3A_1361] {strides = array<i32>} : memref<2x832xi32, #tpu.memory_space<vmem>>, vector<1x16xi32>,
    %get3A_1363 = vector.shape_cast %get3A_1362 : vector<1x16xi32> to vector<16xi32>
    %jit3A_1364 = arith.constant 0 : i32
    %jit3A_1365 = arith.constant 1000 : i32
    %max3A_1366 = vector.broadcast %jit3A_1364 : i32 to vector<16xi32>
    %max3A_1367 = arith.maxsi %max3A_1366, %get3A_1363 : vector<16xi32>
    %min3A_1368 = vector.broadcast %jit3A_1365 : i32 to vector<16xi32>
    %min3A_1369 = arith.minsi %min3A_1368, %max3A_1367 : vector<16xi32>
    %get3A_1370 = arith.constant 480 : index
    %get3A_1371 = tpu.vector_load %arg7[%get3A_1370] {strides = array<i32>} : memref<832xi32, #tpu.memory_space<vmem>>, vector<16xi32>,
    %get3A_1372 = vector.shape_cast %get3A_1371 : vector<16xi32> to vector<16xi32>
    %add3A_1373 = arith.addi %min3A_1369, %get3A_1372 : vector<16xi32>
    %swap3A_1374 = arith.constant 0 : i32
    %swap3A_1375 = arith.index_cast %swap3A_1374 : i32 to index
    %swap3A_1376 = arith.constant 480 : index
    %swap3A_1377 = tpu.vector_load %arg6[%swap3A_1375, %swap3A_1376] {strides = array<i32>} : memref<2x832xi32, #tpu.memory_space<vmem>>, vector<1x16xi32>,
    %swap3A_1378 = vector.shape_cast %swap3A_1377 : vector<1x16xi32> to vector<16xi32>
    %swap3A_1379 = vector.shape_cast %add3A_1373 : vector<16xi32> to vector<1x16xi32>
    tpu.vector_store %arg6[%swap3A_1375, %swap3A_1376], %swap3A_1379 {strides = array<i32>} : memref<2x832xi32, #tpu.memory_space<vmem>>, vector<1x16xi32>,
    %get3A_1380 = arith.constant 0 : i32
    %get3A_1381 = arith.index_cast %get3A_1380 : i32 to index
    %get3A_1382 = arith.constant 496 : index
    %get3A_1383 = tpu.vector_load %arg5[%get3A_1381, %get3A_1382] {strides = array<i32>} : memref<2x832xi32, #tpu.memory_space<vmem>>, vector<1x16xi32>,
    %get3A_1384 = vector.shape_cast %get3A_1383 : vector<1x16xi32> to vector<16xi32>
    %jit3A_1385 = arith.constant 0 : i32
    %jit3A_1386 = arith.constant 1000 : i32
    %max3A_1387 = vector.broadcast %jit3A_1385 : i32 to vector<16xi32>
    %max3A_1388 = arith.maxsi %max3A_1387, %get3A_1384 : vector<16xi32>
    %min3A_1389 = vector.broadcast %jit3A_1386 : i32 to vector<16xi32>
    %min3A_1390 = arith.minsi %min3A_1389, %max3A_1388 : vector<16xi32>
    %get3A_1391 = arith.constant 496 : index
    %get3A_1392 = tpu.vector_load %arg7[%get3A_1391] {strides = array<i32>} : memref<832xi32, #tpu.memory_space<vmem>>, vector<16xi32>,
    %get3A_1393 = vector.shape_cast %get3A_1392 : vector<16xi32> to vector<16xi32>
    %add3A_1394 = arith.addi %min3A_1390, %get3A_1393 : vector<16xi32>
    %swap3A_1395 = arith.constant 0 : i32
    %swap3A_1396 = arith.index_cast %swap3A_1395 : i32 to index
    %swap3A_1397 = arith.constant 496 : index
    %swap3A_1398 = tpu.vector_load %arg6[%swap3A_1396, %swap3A_1397] {strides = array<i32>} : memref<2x832xi32, #tpu.memory_space<vmem>>, vector<1x16xi32>,
    %swap3A_1399 = vector.shape_cast %swap3A_1398 : vector<1x16xi32> to vector<16xi32>
    %swap3A_1400 = vector.shape_cast %add3A_1394 : vector<16xi32> to vector<1x16xi32>
    tpu.vector_store %arg6[%swap3A_1396, %swap3A_1397], %swap3A_1400 {strides = array<i32>} : memref<2x832xi32, #tpu.memory_space<vmem>>, vector<1x16xi32>,
    %get3A_1401 = arith.constant 0 : i32
    %get3A_1402 = arith.index_cast %get3A_1401 : i32 to index
    %get3A_1403 = arith.constant 512 : index
    %get3A_1404 = tpu.vector_load %arg5[%get3A_1402, %get3A_1403] {strides = array<i32>} : memref<2x832xi32, #tpu.memory_space<vmem>>, vector<1x16xi32>,
    %get3A_1405 = vector.shape_cast %get3A_1404 : vector<1x16xi32> to vector<16xi32>
    %jit3A_1406 = arith.constant 0 : i32
    %jit3A_1407 = arith.constant 1000 : i32
    %max3A_1408 = vector.broadcast %jit3A_1406 : i32 to vector<16xi32>
    %max3A_1409 = arith.maxsi %max3A_1408, %get3A_1405 : vector<16xi32>
    %min3A_1410 = vector.broadcast %jit3A_1407 : i32 to vector<16xi32>
    %min3A_1411 = arith.minsi %min3A_1410, %max3A_1409 : vector<16xi32>
    %get3A_1412 = arith.constant 512 : index
    %get3A_1413 = tpu.vector_load %arg7[%get3A_1412] {strides = array<i32>} : memref<832xi32, #tpu.memory_space<vmem>>, vector<16xi32>,
    %get3A_1414 = vector.shape_cast %get3A_1413 : vector<16xi32> to vector<16xi32>
    %add3A_1415 = arith.addi %min3A_1411, %get3A_1414 : vector<16xi32>
    %swap3A_1416 = arith.constant 0 : i32
    %swap3A_1417 = arith.index_cast %swap3A_1416 : i32 to index
    %swap3A_1418 = arith.constant 512 : index
    %swap3A_1419 = tpu.vector_load %arg6[%swap3A_1417, %swap3A_1418] {strides = array<i32>} : memref<2x832xi32, #tpu.memory_space<vmem>>, vector<1x16xi32>,
    %swap3A_1420 = vector.shape_cast %swap3A_1419 : vector<1x16xi32> to vector<16xi32>
    %swap3A_1421 = vector.shape_cast %add3A_1415 : vector<16xi32> to vector<1x16xi32>
    tpu.vector_store %arg6[%swap3A_1417, %swap3A_1418], %swap3A_1421 {strides = array<i32>} : memref<2x832xi32, #tpu.memory_space<vmem>>, vector<1x16xi32>,
    %get3A_1422 = arith.constant 0 : i32
    %get3A_1423 = arith.index_cast %get3A_1422 : i32 to index
    %get3A_1424 = arith.constant 528 : index
    %get3A_1425 = tpu.vector_load %arg5[%get3A_1423, %get3A_1424] {strides = array<i32>} : memref<2x832xi32, #tpu.memory_space<vmem>>, vector<1x16xi32>,
    %get3A_1426 = vector.shape_cast %get3A_1425 : vector<1x16xi32> to vector<16xi32>
    %jit3A_1427 = arith.constant 0 : i32
    %jit3A_1428 = arith.constant 1000 : i32
    %max3A_1429 = vector.broadcast %jit3A_1427 : i32 to vector<16xi32>
    %max3A_1430 = arith.maxsi %max3A_1429, %get3A_1426 : vector<16xi32>
    %min3A_1431 = vector.broadcast %jit3A_1428 : i32 to vector<16xi32>
    %min3A_1432 = arith.minsi %min3A_1431, %max3A_1430 : vector<16xi32>
    %get3A_1433 = arith.constant 528 : index
    %get3A_1434 = tpu.vector_load %arg7[%get3A_1433] {strides = array<i32>} : memref<832xi32, #tpu.memory_space<vmem>>, vector<16xi32>,
    %get3A_1435 = vector.shape_cast %get3A_1434 : vector<16xi32> to vector<16xi32>
    %add3A_1436 = arith.addi %min3A_1432, %get3A_1435 : vector<16xi32>
    %swap3A_1437 = arith.constant 0 : i32
    %swap3A_1438 = arith.index_cast %swap3A_1437 : i32 to index
    %swap3A_1439 = arith.constant 528 : index
    %swap3A_1440 = tpu.vector_load %arg6[%swap3A_1438, %swap3A_1439] {strides = array<i32>} : memref<2x832xi32, #tpu.memory_space<vmem>>, vector<1x16xi32>,
    %swap3A_1441 = vector.shape_cast %swap3A_1440 : vector<1x16xi32> to vector<16xi32>
    %swap3A_1442 = vector.shape_cast %add3A_1436 : vector<16xi32> to vector<1x16xi32>
    tpu.vector_store %arg6[%swap3A_1438, %swap3A_1439], %swap3A_1442 {strides = array<i32>} : memref<2x832xi32, #tpu.memory_space<vmem>>, vector<1x16xi32>,
    %get3A_1443 = arith.constant 0 : i32
    %get3A_1444 = arith.index_cast %get3A_1443 : i32 to index
    %get3A_1445 = arith.constant 544 : index
    %get3A_1446 = tpu.vector_load %arg5[%get3A_1444, %get3A_1445] {strides = array<i32>} : memref<2x832xi32, #tpu.memory_space<vmem>>, vector<1x16xi32>,
    %get3A_1447 = vector.shape_cast %get3A_1446 : vector<1x16xi32> to vector<16xi32>
    %jit3A_1448 = arith.constant 0 : i32
    %jit3A_1449 = arith.constant 1000 : i32
    %max3A_1450 = vector.broadcast %jit3A_1448 : i32 to vector<16xi32>
    %max3A_1451 = arith.maxsi %max3A_1450, %get3A_1447 : vector<16xi32>
    %min3A_1452 = vector.broadcast %jit3A_1449 : i32 to vector<16xi32>
    %min3A_1453 = arith.minsi %min3A_1452, %max3A_1451 : vector<16xi32>
    %get3A_1454 = arith.constant 544 : index
    %get3A_1455 = tpu.vector_load %arg7[%get3A_1454] {strides = array<i32>} : memref<832xi32, #tpu.memory_space<vmem>>, vector<16xi32>,
    %get3A_1456 = vector.shape_cast %get3A_1455 : vector<16xi32> to vector<16xi32>
    %add3A_1457 = arith.addi %min3A_1453, %get3A_1456 : vector<16xi32>
    %swap3A_1458 = arith.constant 0 : i32
    %swap3A_1459 = arith.index_cast %swap3A_1458 : i32 to index
    %swap3A_1460 = arith.constant 544 : index
    %swap3A_1461 = tpu.vector_load %arg6[%swap3A_1459, %swap3A_1460] {strides = array<i32>} : memref<2x832xi32, #tpu.memory_space<vmem>>, vector<1x16xi32>,
    %swap3A_1462 = vector.shape_cast %swap3A_1461 : vector<1x16xi32> to vector<16xi32>
    %swap3A_1463 = vector.shape_cast %add3A_1457 : vector<16xi32> to vector<1x16xi32>
    tpu.vector_store %arg6[%swap3A_1459, %swap3A_1460], %swap3A_1463 {strides = array<i32>} : memref<2x832xi32, #tpu.memory_space<vmem>>, vector<1x16xi32>,
    %get3A_1464 = arith.constant 0 : i32
    %get3A_1465 = arith.index_cast %get3A_1464 : i32 to index
    %get3A_1466 = arith.constant 560 : index
    %get3A_1467 = tpu.vector_load %arg5[%get3A_1465, %get3A_1466] {strides = array<i32>} : memref<2x832xi32, #tpu.memory_space<vmem>>, vector<1x16xi32>,
    %get3A_1468 = vector.shape_cast %get3A_1467 : vector<1x16xi32> to vector<16xi32>
    %jit3A_1469 = arith.constant 0 : i32
    %jit3A_1470 = arith.constant 1000 : i32
    %max3A_1471 = vector.broadcast %jit3A_1469 : i32 to vector<16xi32>
    %max3A_1472 = arith.maxsi %max3A_1471, %get3A_1468 : vector<16xi32>
    %min3A_1473 = vector.broadcast %jit3A_1470 : i32 to vector<16xi32>
    %min3A_1474 = arith.minsi %min3A_1473, %max3A_1472 : vector<16xi32>
    %get3A_1475 = arith.constant 560 : index
    %get3A_1476 = tpu.vector_load %arg7[%get3A_1475] {strides = array<i32>} : memref<832xi32, #tpu.memory_space<vmem>>, vector<16xi32>,
    %get3A_1477 = vector.shape_cast %get3A_1476 : vector<16xi32> to vector<16xi32>
    %add3A_1478 = arith.addi %min3A_1474, %get3A_1477 : vector<16xi32>
    %swap3A_1479 = arith.constant 0 : i32
    %swap3A_1480 = arith.index_cast %swap3A_1479 : i32 to index
    %swap3A_1481 = arith.constant 560 : index
    %swap3A_1482 = tpu.vector_load %arg6[%swap3A_1480, %swap3A_1481] {strides = array<i32>} : memref<2x832xi32, #tpu.memory_space<vmem>>, vector<1x16xi32>,
    %swap3A_1483 = vector.shape_cast %swap3A_1482 : vector<1x16xi32> to vector<16xi32>
    %swap3A_1484 = vector.shape_cast %add3A_1478 : vector<16xi32> to vector<1x16xi32>
    tpu.vector_store %arg6[%swap3A_1480, %swap3A_1481], %swap3A_1484 {strides = array<i32>} : memref<2x832xi32, #tpu.memory_space<vmem>>, vector<1x16xi32>,
    %get3A_1485 = arith.constant 0 : i32
    %get3A_1486 = arith.index_cast %get3A_1485 : i32 to index
    %get3A_1487 = arith.constant 576 : index
    %get3A_1488 = tpu.vector_load %arg5[%get3A_1486, %get3A_1487] {strides = array<i32>} : memref<2x832xi32, #tpu.memory_space<vmem>>, vector<1x16xi32>,
    %get3A_1489 = vector.shape_cast %get3A_1488 : vector<1x16xi32> to vector<16xi32>
    %jit3A_1490 = arith.constant 0 : i32
    %jit3A_1491 = arith.constant 1000 : i32
    %max3A_1492 = vector.broadcast %jit3A_1490 : i32 to vector<16xi32>
    %max3A_1493 = arith.maxsi %max3A_1492, %get3A_1489 : vector<16xi32>
    %min3A_1494 = vector.broadcast %jit3A_1491 : i32 to vector<16xi32>
    %min3A_1495 = arith.minsi %min3A_1494, %max3A_1493 : vector<16xi32>
    %get3A_1496 = arith.constant 576 : index
    %get3A_1497 = tpu.vector_load %arg7[%get3A_1496] {strides = array<i32>} : memref<832xi32, #tpu.memory_space<vmem>>, vector<16xi32>,
    %get3A_1498 = vector.shape_cast %get3A_1497 : vector<16xi32> to vector<16xi32>
    %add3A_1499 = arith.addi %min3A_1495, %get3A_1498 : vector<16xi32>
    %swap3A_1500 = arith.constant 0 : i32
    %swap3A_1501 = arith.index_cast %swap3A_1500 : i32 to index
    %swap3A_1502 = arith.constant 576 : index
    %swap3A_1503 = tpu.vector_load %arg6[%swap3A_1501, %swap3A_1502] {strides = array<i32>} : memref<2x832xi32, #tpu.memory_space<vmem>>, vector<1x16xi32>,
    %swap3A_1504 = vector.shape_cast %swap3A_1503 : vector<1x16xi32> to vector<16xi32>
    %swap3A_1505 = vector.shape_cast %add3A_1499 : vector<16xi32> to vector<1x16xi32>
    tpu.vector_store %arg6[%swap3A_1501, %swap3A_1502], %swap3A_1505 {strides = array<i32>} : memref<2x832xi32, #tpu.memory_space<vmem>>, vector<1x16xi32>,
    %get3A_1506 = arith.constant 0 : i32
    %get3A_1507 = arith.index_cast %get3A_1506 : i32 to index
    %get3A_1508 = arith.constant 592 : index
    %get3A_1509 = tpu.vector_load %arg5[%get3A_1507, %get3A_1508] {strides = array<i32>} : memref<2x832xi32, #tpu.memory_space<vmem>>, vector<1x16xi32>,
    %get3A_1510 = vector.shape_cast %get3A_1509 : vector<1x16xi32> to vector<16xi32>
    %jit3A_1511 = arith.constant 0 : i32
    %jit3A_1512 = arith.constant 1000 : i32
    %max3A_1513 = vector.broadcast %jit3A_1511 : i32 to vector<16xi32>
    %max3A_1514 = arith.maxsi %max3A_1513, %get3A_1510 : vector<16xi32>
    %min3A_1515 = vector.broadcast %jit3A_1512 : i32 to vector<16xi32>
    %min3A_1516 = arith.minsi %min3A_1515, %max3A_1514 : vector<16xi32>
    %get3A_1517 = arith.constant 592 : index
    %get3A_1518 = tpu.vector_load %arg7[%get3A_1517] {strides = array<i32>} : memref<832xi32, #tpu.memory_space<vmem>>, vector<16xi32>,
    %get3A_1519 = vector.shape_cast %get3A_1518 : vector<16xi32> to vector<16xi32>
    %add3A_1520 = arith.addi %min3A_1516, %get3A_1519 : vector<16xi32>
    %swap3A_1521 = arith.constant 0 : i32
    %swap3A_1522 = arith.index_cast %swap3A_1521 : i32 to index
    %swap3A_1523 = arith.constant 592 : index
    %swap3A_1524 = tpu.vector_load %arg6[%swap3A_1522, %swap3A_1523] {strides = array<i32>} : memref<2x832xi32, #tpu.memory_space<vmem>>, vector<1x16xi32>,
    %swap3A_1525 = vector.shape_cast %swap3A_1524 : vector<1x16xi32> to vector<16xi32>
    %swap3A_1526 = vector.shape_cast %add3A_1520 : vector<16xi32> to vector<1x16xi32>
    tpu.vector_store %arg6[%swap3A_1522, %swap3A_1523], %swap3A_1526 {strides = array<i32>} : memref<2x832xi32, #tpu.memory_space<vmem>>, vector<1x16xi32>,
    %get3A_1527 = arith.constant 0 : i32
    %get3A_1528 = arith.index_cast %get3A_1527 : i32 to index
    %get3A_1529 = arith.constant 608 : index
    %get3A_1530 = tpu.vector_load %arg5[%get3A_1528, %get3A_1529] {strides = array<i32>} : memref<2x832xi32, #tpu.memory_space<vmem>>, vector<1x16xi32>,
    %get3A_1531 = vector.shape_cast %get3A_1530 : vector<1x16xi32> to vector<16xi32>
    %jit3A_1532 = arith.constant 0 : i32
    %jit3A_1533 = arith.constant 1000 : i32
    %max3A_1534 = vector.broadcast %jit3A_1532 : i32 to vector<16xi32>
    %max3A_1535 = arith.maxsi %max3A_1534, %get3A_1531 : vector<16xi32>
    %min3A_1536 = vector.broadcast %jit3A_1533 : i32 to vector<16xi32>
    %min3A_1537 = arith.minsi %min3A_1536, %max3A_1535 : vector<16xi32>
    %get3A_1538 = arith.constant 608 : index
    %get3A_1539 = tpu.vector_load %arg7[%get3A_1538] {strides = array<i32>} : memref<832xi32, #tpu.memory_space<vmem>>, vector<16xi32>,
    %get3A_1540 = vector.shape_cast %get3A_1539 : vector<16xi32> to vector<16xi32>
    %add3A_1541 = arith.addi %min3A_1537, %get3A_1540 : vector<16xi32>
    %swap3A_1542 = arith.constant 0 : i32
    %swap3A_1543 = arith.index_cast %swap3A_1542 : i32 to index
    %swap3A_1544 = arith.constant 608 : index
    %swap3A_1545 = tpu.vector_load %arg6[%swap3A_1543, %swap3A_1544] {strides = array<i32>} : memref<2x832xi32, #tpu.memory_space<vmem>>, vector<1x16xi32>,
    %swap3A_1546 = vector.shape_cast %swap3A_1545 : vector<1x16xi32> to vector<16xi32>
    %swap3A_1547 = vector.shape_cast %add3A_1541 : vector<16xi32> to vector<1x16xi32>
    tpu.vector_store %arg6[%swap3A_1543, %swap3A_1544], %swap3A_1547 {strides = array<i32>} : memref<2x832xi32, #tpu.memory_space<vmem>>, vector<1x16xi32>,
    %get3A_1548 = arith.constant 0 : i32
    %get3A_1549 = arith.index_cast %get3A_1548 : i32 to index
    %get3A_1550 = arith.constant 624 : index
    %get3A_1551 = tpu.vector_load %arg5[%get3A_1549, %get3A_1550] {strides = array<i32>} : memref<2x832xi32, #tpu.memory_space<vmem>>, vector<1x16xi32>,
    %get3A_1552 = vector.shape_cast %get3A_1551 : vector<1x16xi32> to vector<16xi32>
    %jit3A_1553 = arith.constant 0 : i32
    %jit3A_1554 = arith.constant 1000 : i32
    %max3A_1555 = vector.broadcast %jit3A_1553 : i32 to vector<16xi32>
    %max3A_1556 = arith.maxsi %max3A_1555, %get3A_1552 : vector<16xi32>
    %min3A_1557 = vector.broadcast %jit3A_1554 : i32 to vector<16xi32>
    %min3A_1558 = arith.minsi %min3A_1557, %max3A_1556 : vector<16xi32>
    %get3A_1559 = arith.constant 624 : index
    %get3A_1560 = tpu.vector_load %arg7[%get3A_1559] {strides = array<i32>} : memref<832xi32, #tpu.memory_space<vmem>>, vector<16xi32>,
    %get3A_1561 = vector.shape_cast %get3A_1560 : vector<16xi32> to vector<16xi32>
    %add3A_1562 = arith.addi %min3A_1558, %get3A_1561 : vector<16xi32>
    %swap3A_1563 = arith.constant 0 : i32
    %swap3A_1564 = arith.index_cast %swap3A_1563 : i32 to index
    %swap3A_1565 = arith.constant 624 : index
    %swap3A_1566 = tpu.vector_load %arg6[%swap3A_1564, %swap3A_1565] {strides = array<i32>} : memref<2x832xi32, #tpu.memory_space<vmem>>, vector<1x16xi32>,
    %swap3A_1567 = vector.shape_cast %swap3A_1566 : vector<1x16xi32> to vector<16xi32>
    %swap3A_1568 = vector.shape_cast %add3A_1562 : vector<16xi32> to vector<1x16xi32>
    tpu.vector_store %arg6[%swap3A_1564, %swap3A_1565], %swap3A_1568 {strides = array<i32>} : memref<2x832xi32, #tpu.memory_space<vmem>>, vector<1x16xi32>,
    %get3A_1569 = arith.constant 0 : i32
    %get3A_1570 = arith.index_cast %get3A_1569 : i32 to index
    %get3A_1571 = arith.constant 640 : index
    %get3A_1572 = tpu.vector_load %arg5[%get3A_1570, %get3A_1571] {strides = array<i32>} : memref<2x832xi32, #tpu.memory_space<vmem>>, vector<1x16xi32>,
    %get3A_1573 = vector.shape_cast %get3A_1572 : vector<1x16xi32> to vector<16xi32>
    %jit3A_1574 = arith.constant 0 : i32
    %jit3A_1575 = arith.constant 1000 : i32
    %max3A_1576 = vector.broadcast %jit3A_1574 : i32 to vector<16xi32>
    %max3A_1577 = arith.maxsi %max3A_1576, %get3A_1573 : vector<16xi32>
    %min3A_1578 = vector.broadcast %jit3A_1575 : i32 to vector<16xi32>
    %min3A_1579 = arith.minsi %min3A_1578, %max3A_1577 : vector<16xi32>
    %get3A_1580 = arith.constant 640 : index
    %get3A_1581 = tpu.vector_load %arg7[%get3A_1580] {strides = array<i32>} : memref<832xi32, #tpu.memory_space<vmem>>, vector<16xi32>,
    %get3A_1582 = vector.shape_cast %get3A_1581 : vector<16xi32> to vector<16xi32>
    %add3A_1583 = arith.addi %min3A_1579, %get3A_1582 : vector<16xi32>
    %swap3A_1584 = arith.constant 0 : i32
    %swap3A_1585 = arith.index_cast %swap3A_1584 : i32 to index
    %swap3A_1586 = arith.constant 640 : index
    %swap3A_1587 = tpu.vector_load %arg6[%swap3A_1585, %swap3A_1586] {strides = array<i32>} : memref<2x832xi32, #tpu.memory_space<vmem>>, vector<1x16xi32>,
    %swap3A_1588 = vector.shape_cast %swap3A_1587 : vector<1x16xi32> to vector<16xi32>
    %swap3A_1589 = vector.shape_cast %add3A_1583 : vector<16xi32> to vector<1x16xi32>
    tpu.vector_store %arg6[%swap3A_1585, %swap3A_1586], %swap3A_1589 {strides = array<i32>} : memref<2x832xi32, #tpu.memory_space<vmem>>, vector<1x16xi32>,
    %get3A_1590 = arith.constant 0 : i32
    %get3A_1591 = arith.index_cast %get3A_1590 : i32 to index
    %get3A_1592 = arith.constant 656 : index
    %get3A_1593 = tpu.vector_load %arg5[%get3A_1591, %get3A_1592] {strides = array<i32>} : memref<2x832xi32, #tpu.memory_space<vmem>>, vector<1x16xi32>,
    %get3A_1594 = vector.shape_cast %get3A_1593 : vector<1x16xi32> to vector<16xi32>
    %jit3A_1595 = arith.constant 0 : i32
    %jit3A_1596 = arith.constant 1000 : i32
    %max3A_1597 = vector.broadcast %jit3A_1595 : i32 to vector<16xi32>
    %max3A_1598 = arith.maxsi %max3A_1597, %get3A_1594 : vector<16xi32>
    %min3A_1599 = vector.broadcast %jit3A_1596 : i32 to vector<16xi32>
    %min3A_1600 = arith.minsi %min3A_1599, %max3A_1598 : vector<16xi32>
    %get3A_1601 = arith.constant 656 : index
    %get3A_1602 = tpu.vector_load %arg7[%get3A_1601] {strides = array<i32>} : memref<832xi32, #tpu.memory_space<vmem>>, vector<16xi32>,
    %get3A_1603 = vector.shape_cast %get3A_1602 : vector<16xi32> to vector<16xi32>
    %add3A_1604 = arith.addi %min3A_1600, %get3A_1603 : vector<16xi32>
    %swap3A_1605 = arith.constant 0 : i32
    %swap3A_1606 = arith.index_cast %swap3A_1605 : i32 to index
    %swap3A_1607 = arith.constant 656 : index
    %swap3A_1608 = tpu.vector_load %arg6[%swap3A_1606, %swap3A_1607] {strides = array<i32>} : memref<2x832xi32, #tpu.memory_space<vmem>>, vector<1x16xi32>,
    %swap3A_1609 = vector.shape_cast %swap3A_1608 : vector<1x16xi32> to vector<16xi32>
    %swap3A_1610 = vector.shape_cast %add3A_1604 : vector<16xi32> to vector<1x16xi32>
    tpu.vector_store %arg6[%swap3A_1606, %swap3A_1607], %swap3A_1610 {strides = array<i32>} : memref<2x832xi32, #tpu.memory_space<vmem>>, vector<1x16xi32>,
    %get3A_1611 = arith.constant 0 : i32
    %get3A_1612 = arith.index_cast %get3A_1611 : i32 to index
    %get3A_1613 = arith.constant 672 : index
    %get3A_1614 = tpu.vector_load %arg5[%get3A_1612, %get3A_1613] {strides = array<i32>} : memref<2x832xi32, #tpu.memory_space<vmem>>, vector<1x16xi32>,
    %get3A_1615 = vector.shape_cast %get3A_1614 : vector<1x16xi32> to vector<16xi32>
    %jit3A_1616 = arith.constant 0 : i32
    %jit3A_1617 = arith.constant 1000 : i32
    %max3A_1618 = vector.broadcast %jit3A_1616 : i32 to vector<16xi32>
    %max3A_1619 = arith.maxsi %max3A_1618, %get3A_1615 : vector<16xi32>
    %min3A_1620 = vector.broadcast %jit3A_1617 : i32 to vector<16xi32>
    %min3A_1621 = arith.minsi %min3A_1620, %max3A_1619 : vector<16xi32>
    %get3A_1622 = arith.constant 672 : index
    %get3A_1623 = tpu.vector_load %arg7[%get3A_1622] {strides = array<i32>} : memref<832xi32, #tpu.memory_space<vmem>>, vector<16xi32>,
    %get3A_1624 = vector.shape_cast %get3A_1623 : vector<16xi32> to vector<16xi32>
    %add3A_1625 = arith.addi %min3A_1621, %get3A_1624 : vector<16xi32>
    %swap3A_1626 = arith.constant 0 : i32
    %swap3A_1627 = arith.index_cast %swap3A_1626 : i32 to index
    %swap3A_1628 = arith.constant 672 : index
    %swap3A_1629 = tpu.vector_load %arg6[%swap3A_1627, %swap3A_1628] {strides = array<i32>} : memref<2x832xi32, #tpu.memory_space<vmem>>, vector<1x16xi32>,
    %swap3A_1630 = vector.shape_cast %swap3A_1629 : vector<1x16xi32> to vector<16xi32>
    %swap3A_1631 = vector.shape_cast %add3A_1625 : vector<16xi32> to vector<1x16xi32>
    tpu.vector_store %arg6[%swap3A_1627, %swap3A_1628], %swap3A_1631 {strides = array<i32>} : memref<2x832xi32, #tpu.memory_space<vmem>>, vector<1x16xi32>,
    %get3A_1632 = arith.constant 0 : i32
    %get3A_1633 = arith.index_cast %get3A_1632 : i32 to index
    %get3A_1634 = arith.constant 688 : index
    %get3A_1635 = tpu.vector_load %arg5[%get3A_1633, %get3A_1634] {strides = array<i32>} : memref<2x832xi32, #tpu.memory_space<vmem>>, vector<1x16xi32>,
    %get3A_1636 = vector.shape_cast %get3A_1635 : vector<1x16xi32> to vector<16xi32>
    %jit3A_1637 = arith.constant 0 : i32
    %jit3A_1638 = arith.constant 1000 : i32
    %max3A_1639 = vector.broadcast %jit3A_1637 : i32 to vector<16xi32>
    %max3A_1640 = arith.maxsi %max3A_1639, %get3A_1636 : vector<16xi32>
    %min3A_1641 = vector.broadcast %jit3A_1638 : i32 to vector<16xi32>
    %min3A_1642 = arith.minsi %min3A_1641, %max3A_1640 : vector<16xi32>
    %get3A_1643 = arith.constant 688 : index
    %get3A_1644 = tpu.vector_load %arg7[%get3A_1643] {strides = array<i32>} : memref<832xi32, #tpu.memory_space<vmem>>, vector<16xi32>,
    %get3A_1645 = vector.shape_cast %get3A_1644 : vector<16xi32> to vector<16xi32>
    %add3A_1646 = arith.addi %min3A_1642, %get3A_1645 : vector<16xi32>
    %swap3A_1647 = arith.constant 0 : i32
    %swap3A_1648 = arith.index_cast %swap3A_1647 : i32 to index
    %swap3A_1649 = arith.constant 688 : index
    %swap3A_1650 = tpu.vector_load %arg6[%swap3A_1648, %swap3A_1649] {strides = array<i32>} : memref<2x832xi32, #tpu.memory_space<vmem>>, vector<1x16xi32>,
    %swap3A_1651 = vector.shape_cast %swap3A_1650 : vector<1x16xi32> to vector<16xi32>
    %swap3A_1652 = vector.shape_cast %add3A_1646 : vector<16xi32> to vector<1x16xi32>
    tpu.vector_store %arg6[%swap3A_1648, %swap3A_1649], %swap3A_1652 {strides = array<i32>} : memref<2x832xi32, #tpu.memory_space<vmem>>, vector<1x16xi32>,
    %get3A_1653 = arith.constant 0 : i32
    %get3A_1654 = arith.index_cast %get3A_1653 : i32 to index
    %get3A_1655 = arith.constant 704 : index
    %get3A_1656 = tpu.vector_load %arg5[%get3A_1654, %get3A_1655] {strides = array<i32>} : memref<2x832xi32, #tpu.memory_space<vmem>>, vector<1x16xi32>,
    %get3A_1657 = vector.shape_cast %get3A_1656 : vector<1x16xi32> to vector<16xi32>
    %jit3A_1658 = arith.constant 0 : i32
    %jit3A_1659 = arith.constant 1000 : i32
    %max3A_1660 = vector.broadcast %jit3A_1658 : i32 to vector<16xi32>
    %max3A_1661 = arith.maxsi %max3A_1660, %get3A_1657 : vector<16xi32>
    %min3A_1662 = vector.broadcast %jit3A_1659 : i32 to vector<16xi32>
    %min3A_1663 = arith.minsi %min3A_1662, %max3A_1661 : vector<16xi32>
    %get3A_1664 = arith.constant 704 : index
    %get3A_1665 = tpu.vector_load %arg7[%get3A_1664] {strides = array<i32>} : memref<832xi32, #tpu.memory_space<vmem>>, vector<16xi32>,
    %get3A_1666 = vector.shape_cast %get3A_1665 : vector<16xi32> to vector<16xi32>
    %add3A_1667 = arith.addi %min3A_1663, %get3A_1666 : vector<16xi32>
    %swap3A_1668 = arith.constant 0 : i32
    %swap3A_1669 = arith.index_cast %swap3A_1668 : i32 to index
    %swap3A_1670 = arith.constant 704 : index
    %swap3A_1671 = tpu.vector_load %arg6[%swap3A_1669, %swap3A_1670] {strides = array<i32>} : memref<2x832xi32, #tpu.memory_space<vmem>>, vector<1x16xi32>,
    %swap3A_1672 = vector.shape_cast %swap3A_1671 : vector<1x16xi32> to vector<16xi32>
    %swap3A_1673 = vector.shape_cast %add3A_1667 : vector<16xi32> to vector<1x16xi32>
    tpu.vector_store %arg6[%swap3A_1669, %swap3A_1670], %swap3A_1673 {strides = array<i32>} : memref<2x832xi32, #tpu.memory_space<vmem>>, vector<1x16xi32>,
    %get3A_1674 = arith.constant 0 : i32
    %get3A_1675 = arith.index_cast %get3A_1674 : i32 to index
    %get3A_1676 = arith.constant 720 : index
    %get3A_1677 = tpu.vector_load %arg5[%get3A_1675, %get3A_1676] {strides = array<i32>} : memref<2x832xi32, #tpu.memory_space<vmem>>, vector<1x16xi32>,
    %get3A_1678 = vector.shape_cast %get3A_1677 : vector<1x16xi32> to vector<16xi32>
    %jit3A_1679 = arith.constant 0 : i32
    %jit3A_1680 = arith.constant 1000 : i32
    %max3A_1681 = vector.broadcast %jit3A_1679 : i32 to vector<16xi32>
    %max3A_1682 = arith.maxsi %max3A_1681, %get3A_1678 : vector<16xi32>
    %min3A_1683 = vector.broadcast %jit3A_1680 : i32 to vector<16xi32>
    %min3A_1684 = arith.minsi %min3A_1683, %max3A_1682 : vector<16xi32>
    %get3A_1685 = arith.constant 720 : index
    %get3A_1686 = tpu.vector_load %arg7[%get3A_1685] {strides = array<i32>} : memref<832xi32, #tpu.memory_space<vmem>>, vector<16xi32>,
    %get3A_1687 = vector.shape_cast %get3A_1686 : vector<16xi32> to vector<16xi32>
    %add3A_1688 = arith.addi %min3A_1684, %get3A_1687 : vector<16xi32>
    %swap3A_1689 = arith.constant 0 : i32
    %swap3A_1690 = arith.index_cast %swap3A_1689 : i32 to index
    %swap3A_1691 = arith.constant 720 : index
    %swap3A_1692 = tpu.vector_load %arg6[%swap3A_1690, %swap3A_1691] {strides = array<i32>} : memref<2x832xi32, #tpu.memory_space<vmem>>, vector<1x16xi32>,
    %swap3A_1693 = vector.shape_cast %swap3A_1692 : vector<1x16xi32> to vector<16xi32>
    %swap3A_1694 = vector.shape_cast %add3A_1688 : vector<16xi32> to vector<1x16xi32>
    tpu.vector_store %arg6[%swap3A_1690, %swap3A_1691], %swap3A_1694 {strides = array<i32>} : memref<2x832xi32, #tpu.memory_space<vmem>>, vector<1x16xi32>,
    %get3A_1695 = arith.constant 0 : i32
    %get3A_1696 = arith.index_cast %get3A_1695 : i32 to index
    %get3A_1697 = arith.constant 736 : index
    %get3A_1698 = tpu.vector_load %arg5[%get3A_1696, %get3A_1697] {strides = array<i32>} : memref<2x832xi32, #tpu.memory_space<vmem>>, vector<1x16xi32>,
    %get3A_1699 = vector.shape_cast %get3A_1698 : vector<1x16xi32> to vector<16xi32>
    %jit3A_1700 = arith.constant 0 : i32
    %jit3A_1701 = arith.constant 1000 : i32
    %max3A_1702 = vector.broadcast %jit3A_1700 : i32 to vector<16xi32>
    %max3A_1703 = arith.maxsi %max3A_1702, %get3A_1699 : vector<16xi32>
    %min3A_1704 = vector.broadcast %jit3A_1701 : i32 to vector<16xi32>
    %min3A_1705 = arith.minsi %min3A_1704, %max3A_1703 : vector<16xi32>
    %get3A_1706 = arith.constant 736 : index
    %get3A_1707 = tpu.vector_load %arg7[%get3A_1706] {strides = array<i32>} : memref<832xi32, #tpu.memory_space<vmem>>, vector<16xi32>,
    %get3A_1708 = vector.shape_cast %get3A_1707 : vector<16xi32> to vector<16xi32>
    %add3A_1709 = arith.addi %min3A_1705, %get3A_1708 : vector<16xi32>
    %swap3A_1710 = arith.constant 0 : i32
    %swap3A_1711 = arith.index_cast %swap3A_1710 : i32 to index
    %swap3A_1712 = arith.constant 736 : index
    %swap3A_1713 = tpu.vector_load %arg6[%swap3A_1711, %swap3A_1712] {strides = array<i32>} : memref<2x832xi32, #tpu.memory_space<vmem>>, vector<1x16xi32>,
    %swap3A_1714 = vector.shape_cast %swap3A_1713 : vector<1x16xi32> to vector<16xi32>
    %swap3A_1715 = vector.shape_cast %add3A_1709 : vector<16xi32> to vector<1x16xi32>
    tpu.vector_store %arg6[%swap3A_1711, %swap3A_1712], %swap3A_1715 {strides = array<i32>} : memref<2x832xi32, #tpu.memory_space<vmem>>, vector<1x16xi32>,
    %get3A_1716 = arith.constant 0 : i32
    %get3A_1717 = arith.index_cast %get3A_1716 : i32 to index
    %get3A_1718 = arith.constant 752 : index
    %get3A_1719 = tpu.vector_load %arg5[%get3A_1717, %get3A_1718] {strides = array<i32>} : memref<2x832xi32, #tpu.memory_space<vmem>>, vector<1x16xi32>,
    %get3A_1720 = vector.shape_cast %get3A_1719 : vector<1x16xi32> to vector<16xi32>
    %jit3A_1721 = arith.constant 0 : i32
    %jit3A_1722 = arith.constant 1000 : i32
    %max3A_1723 = vector.broadcast %jit3A_1721 : i32 to vector<16xi32>
    %max3A_1724 = arith.maxsi %max3A_1723, %get3A_1720 : vector<16xi32>
    %min3A_1725 = vector.broadcast %jit3A_1722 : i32 to vector<16xi32>
    %min3A_1726 = arith.minsi %min3A_1725, %max3A_1724 : vector<16xi32>
    %get3A_1727 = arith.constant 752 : index
    %get3A_1728 = tpu.vector_load %arg7[%get3A_1727] {strides = array<i32>} : memref<832xi32, #tpu.memory_space<vmem>>, vector<16xi32>,
    %get3A_1729 = vector.shape_cast %get3A_1728 : vector<16xi32> to vector<16xi32>
    %add3A_1730 = arith.addi %min3A_1726, %get3A_1729 : vector<16xi32>
    %swap3A_1731 = arith.constant 0 : i32
    %swap3A_1732 = arith.index_cast %swap3A_1731 : i32 to index
    %swap3A_1733 = arith.constant 752 : index
    %swap3A_1734 = tpu.vector_load %arg6[%swap3A_1732, %swap3A_1733] {strides = array<i32>} : memref<2x832xi32, #tpu.memory_space<vmem>>, vector<1x16xi32>,
    %swap3A_1735 = vector.shape_cast %swap3A_1734 : vector<1x16xi32> to vector<16xi32>
    %swap3A_1736 = vector.shape_cast %add3A_1730 : vector<16xi32> to vector<1x16xi32>
    tpu.vector_store %arg6[%swap3A_1732, %swap3A_1733], %swap3A_1736 {strides = array<i32>} : memref<2x832xi32, #tpu.memory_space<vmem>>, vector<1x16xi32>,
    %get3A_1737 = arith.constant 0 : i32
    %get3A_1738 = arith.index_cast %get3A_1737 : i32 to index
    %get3A_1739 = arith.constant 768 : index
    %get3A_1740 = tpu.vector_load %arg5[%get3A_1738, %get3A_1739] {strides = array<i32>} : memref<2x832xi32, #tpu.memory_space<vmem>>, vector<1x16xi32>,
    %get3A_1741 = vector.shape_cast %get3A_1740 : vector<1x16xi32> to vector<16xi32>
    %jit3A_1742 = arith.constant 0 : i32
    %jit3A_1743 = arith.constant 1000 : i32
    %max3A_1744 = vector.broadcast %jit3A_1742 : i32 to vector<16xi32>
    %max3A_1745 = arith.maxsi %max3A_1744, %get3A_1741 : vector<16xi32>
    %min3A_1746 = vector.broadcast %jit3A_1743 : i32 to vector<16xi32>
    %min3A_1747 = arith.minsi %min3A_1746, %max3A_1745 : vector<16xi32>
    %get3A_1748 = arith.constant 768 : index
    %get3A_1749 = tpu.vector_load %arg7[%get3A_1748] {strides = array<i32>} : memref<832xi32, #tpu.memory_space<vmem>>, vector<16xi32>,
    %get3A_1750 = vector.shape_cast %get3A_1749 : vector<16xi32> to vector<16xi32>
    %add3A_1751 = arith.addi %min3A_1747, %get3A_1750 : vector<16xi32>
    %swap3A_1752 = arith.constant 0 : i32
    %swap3A_1753 = arith.index_cast %swap3A_1752 : i32 to index
    %swap3A_1754 = arith.constant 768 : index
    %swap3A_1755 = tpu.vector_load %arg6[%swap3A_1753, %swap3A_1754] {strides = array<i32>} : memref<2x832xi32, #tpu.memory_space<vmem>>, vector<1x16xi32>,
    %swap3A_1756 = vector.shape_cast %swap3A_1755 : vector<1x16xi32> to vector<16xi32>
    %swap3A_1757 = vector.shape_cast %add3A_1751 : vector<16xi32> to vector<1x16xi32>
    tpu.vector_store %arg6[%swap3A_1753, %swap3A_1754], %swap3A_1757 {strides = array<i32>} : memref<2x832xi32, #tpu.memory_space<vmem>>, vector<1x16xi32>,
    %get3A_1758 = arith.constant 0 : i32
    %get3A_1759 = arith.index_cast %get3A_1758 : i32 to index
    %get3A_1760 = arith.constant 784 : index
    %get3A_1761 = tpu.vector_load %arg5[%get3A_1759, %get3A_1760] {strides = array<i32>} : memref<2x832xi32, #tpu.memory_space<vmem>>, vector<1x16xi32>,
    %get3A_1762 = vector.shape_cast %get3A_1761 : vector<1x16xi32> to vector<16xi32>
    %jit3A_1763 = arith.constant 0 : i32
    %jit3A_1764 = arith.constant 1000 : i32
    %max3A_1765 = vector.broadcast %jit3A_1763 : i32 to vector<16xi32>
    %max3A_1766 = arith.maxsi %max3A_1765, %get3A_1762 : vector<16xi32>
    %min3A_1767 = vector.broadcast %jit3A_1764 : i32 to vector<16xi32>
    %min3A_1768 = arith.minsi %min3A_1767, %max3A_1766 : vector<16xi32>
    %get3A_1769 = arith.constant 784 : index
    %get3A_1770 = tpu.vector_load %arg7[%get3A_1769] {strides = array<i32>} : memref<832xi32, #tpu.memory_space<vmem>>, vector<16xi32>,
    %get3A_1771 = vector.shape_cast %get3A_1770 : vector<16xi32> to vector<16xi32>
    %add3A_1772 = arith.addi %min3A_1768, %get3A_1771 : vector<16xi32>
    %swap3A_1773 = arith.constant 0 : i32
    %swap3A_1774 = arith.index_cast %swap3A_1773 : i32 to index
    %swap3A_1775 = arith.constant 784 : index
    %swap3A_1776 = tpu.vector_load %arg6[%swap3A_1774, %swap3A_1775] {strides = array<i32>} : memref<2x832xi32, #tpu.memory_space<vmem>>, vector<1x16xi32>,
    %swap3A_1777 = vector.shape_cast %swap3A_1776 : vector<1x16xi32> to vector<16xi32>
    %swap3A_1778 = vector.shape_cast %add3A_1772 : vector<16xi32> to vector<1x16xi32>
    tpu.vector_store %arg6[%swap3A_1774, %swap3A_1775], %swap3A_1778 {strides = array<i32>} : memref<2x832xi32, #tpu.memory_space<vmem>>, vector<1x16xi32>,
    %get3A_1779 = arith.constant 0 : i32
    %get3A_1780 = arith.index_cast %get3A_1779 : i32 to index
    %get3A_1781 = arith.constant 800 : index
    %get3A_1782 = tpu.vector_load %arg5[%get3A_1780, %get3A_1781] {strides = array<i32>} : memref<2x832xi32, #tpu.memory_space<vmem>>, vector<1x16xi32>,
    %get3A_1783 = vector.shape_cast %get3A_1782 : vector<1x16xi32> to vector<16xi32>
    %jit3A_1784 = arith.constant 0 : i32
    %jit3A_1785 = arith.constant 1000 : i32
    %max3A_1786 = vector.broadcast %jit3A_1784 : i32 to vector<16xi32>
    %max3A_1787 = arith.maxsi %max3A_1786, %get3A_1783 : vector<16xi32>
    %min3A_1788 = vector.broadcast %jit3A_1785 : i32 to vector<16xi32>
    %min3A_1789 = arith.minsi %min3A_1788, %max3A_1787 : vector<16xi32>
    %get3A_1790 = arith.constant 800 : index
    %get3A_1791 = tpu.vector_load %arg7[%get3A_1790] {strides = array<i32>} : memref<832xi32, #tpu.memory_space<vmem>>, vector<16xi32>,
    %get3A_1792 = vector.shape_cast %get3A_1791 : vector<16xi32> to vector<16xi32>
    %add3A_1793 = arith.addi %min3A_1789, %get3A_1792 : vector<16xi32>
    %swap3A_1794 = arith.constant 0 : i32
    %swap3A_1795 = arith.index_cast %swap3A_1794 : i32 to index
    %swap3A_1796 = arith.constant 800 : index
    %swap3A_1797 = tpu.vector_load %arg6[%swap3A_1795, %swap3A_1796] {strides = array<i32>} : memref<2x832xi32, #tpu.memory_space<vmem>>, vector<1x16xi32>,
    %swap3A_1798 = vector.shape_cast %swap3A_1797 : vector<1x16xi32> to vector<16xi32>
    %swap3A_1799 = vector.shape_cast %add3A_1793 : vector<16xi32> to vector<1x16xi32>
    tpu.vector_store %arg6[%swap3A_1795, %swap3A_1796], %swap3A_1799 {strides = array<i32>} : memref<2x832xi32, #tpu.memory_space<vmem>>, vector<1x16xi32>,
    %get3A_1800 = arith.constant 0 : i32
    %get3A_1801 = arith.index_cast %get3A_1800 : i32 to index
    %get3A_1802 = arith.constant 816 : index
    %get3A_1803 = tpu.vector_load %arg5[%get3A_1801, %get3A_1802] {strides = array<i32>} : memref<2x832xi32, #tpu.memory_space<vmem>>, vector<1x16xi32>,
    %get3A_1804 = vector.shape_cast %get3A_1803 : vector<1x16xi32> to vector<16xi32>
    %jit3A_1805 = arith.constant 0 : i32
    %jit3A_1806 = arith.constant 1000 : i32
    %max3A_1807 = vector.broadcast %jit3A_1805 : i32 to vector<16xi32>
    %max3A_1808 = arith.maxsi %max3A_1807, %get3A_1804 : vector<16xi32>
    %min3A_1809 = vector.broadcast %jit3A_1806 : i32 to vector<16xi32>
    %min3A_1810 = arith.minsi %min3A_1809, %max3A_1808 : vector<16xi32>
    %get3A_1811 = arith.constant 816 : index
    %get3A_1812 = tpu.vector_load %arg7[%get3A_1811] {strides = array<i32>} : memref<832xi32, #tpu.memory_space<vmem>>, vector<16xi32>,
    %get3A_1813 = vector.shape_cast %get3A_1812 : vector<16xi32> to vector<16xi32>
    %add3A_1814 = arith.addi %min3A_1810, %get3A_1813 : vector<16xi32>
    %swap3A_1815 = arith.constant 0 : i32
    %swap3A_1816 = arith.index_cast %swap3A_1815 : i32 to index
    %swap3A_1817 = arith.constant 816 : index
    %swap3A_1818 = tpu.vector_load %arg6[%swap3A_1816, %swap3A_1817] {strides = array<i32>} : memref<2x832xi32, #tpu.memory_space<vmem>>, vector<1x16xi32>,
    %swap3A_1819 = vector.shape_cast %swap3A_1818 : vector<1x16xi32> to vector<16xi32>
    %swap3A_1820 = vector.shape_cast %add3A_1814 : vector<16xi32> to vector<1x16xi32>
    tpu.vector_store %arg6[%swap3A_1816, %swap3A_1817], %swap3A_1820 {strides = array<i32>} : memref<2x832xi32, #tpu.memory_space<vmem>>, vector<1x16xi32>,
    %dma_start3A = arith.constant 0 : i32
    %dma_start3A_1821 = arith.constant 0 : i32
    %dma_start3A_1822 = arith.constant 0 : i32
    %dma_start3A_1823 = arith.constant 0 : i32
    %dma_start3A_1824 = arith.constant 0 : i32
    %dma_start3A_1825 = tpu.memref_slice %arg8[%dma_start3A_1821, %dma_start3A_1823, %dma_start3A_1824] : memref<2x832x64xf32, #tpu.memory_space<vmem>> -> memref<1x832x64xf32, #tpu.memory_space<vmem>>
    %dma_start3A_1826 = tpu.memref_squeeze %dma_start3A_1825 : memref<1x832x64xf32, #tpu.memory_space<vmem>> -> memref<832x64xf32, #tpu.memory_space<vmem>>
    %dma_start3A_1827 = arith.constant 0 : i32
    %dma_start3A_1828 = tpu.memref_slice %arg6[%dma_start3A, %dma_start3A_1827] : memref<2x832xi32, #tpu.memory_space<vmem>> -> memref<1x832xi32, #tpu.memory_space<vmem>>
    %dma_start3A_1829 = tpu.memref_squeeze %dma_start3A_1828 : memref<1x832xi32, #tpu.memory_space<vmem>> -> memref<832xi32, #tpu.memory_space<vmem>>
    %dma_start3A_1830 = arith.constant 0 : i32
    %dma_start3A_1831 = arith.constant 0 : i32
    %dma_start3A_1832 = tpu.memref_slice %arg3[%dma_start3A_1830, %dma_start3A_1831] : memref<26026x64xf32, #tpu.memory_space<hbm>> -> memref<26026x64xf32, #tpu.memory_space<hbm>>
    %dma_start3A_1833 = tpu.memref_slice %arg10[%dma_start3A_1822] : memref<2x!tpu.dma_semaphore, #tpu.memory_space<semaphore_mem>> -> memref<1x!tpu.dma_semaphore, #tpu.memory_space<semaphore_mem>>
    %dma_start3A_1834 = tpu.memref_squeeze %dma_start3A_1833 : memref<1x!tpu.dma_semaphore, #tpu.memory_space<semaphore_mem>> -> memref<!tpu.dma_semaphore, #tpu.memory_space<semaphore_mem>>
    tpu.enqueue_indirect_dma source(%dma_start3A_1832 : memref<26026x64xf32, #tpu.memory_space<hbm>>) target(%dma_start3A_1826 : memref<832x64xf32, #tpu.memory_space<vmem>>) offsets(%dma_start3A_1829 : memref<832xi32, #tpu.memory_space<vmem>>) semaphore(%dma_start3A_1834 : memref<!tpu.dma_semaphore, #tpu.memory_space<semaphore_mem>>)
    %scan3A = arith.constant 0 : i32
    %scan3A_1835 = arith.constant 0 : i32
    %scan3A_1836 = arith.constant 4 : i32
    %scan3A_1837 = arith.addi %scan3A_1835, %scan3A_1836 : i32
    %scan3A_1838 = arith.constant 1 : i32
    scf.for %scan3A_1840 = %scan3A_1835 to %scan3A_1837 step %scan3A_1838  : i32 {
      %rem3A_1841 = arith.constant 2 : i32
      %rem3A_1842 = arith.remsi %scan3A_1840, %rem3A_1841 : i32
      %add3A_1843 = arith.constant 1 : i32
      %add3A_1844 = arith.addi %scan3A_1840, %add3A_1843 : i32
      %lt3A = arith.constant 4 : i32
      %lt3A_1845 = arith.cmpi slt, %add3A_1844, %lt3A : i32
      %convert_element_type3A = arith.extui %lt3A_1845 : i1 to i32
      %cond3A = arith.constant 0 : i32
      %cond3A_1846 = arith.cmpi ne, %convert_element_type3A, %cond3A : i32
      scf.if %cond3A_1846 {
        %add3A_1867 = arith.constant 1 : i32
        %add3A_1868 = arith.addi %scan3A_1840, %add3A_1867 : i32
        %sub3A = arith.constant 1 : i32
        %sub3A_1869 = arith.subi %sub3A, %rem3A_1842 : i32
        %mul3A_1870 = arith.constant 32 : i32
        %mul3A_1871 = arith.muli %add3A, %mul3A_1870 : i32
        %mul3A_1872 = arith.constant 8 : i32
        %mul3A_1873 = arith.muli %add3A_1868, %mul3A_1872 : i32
        %add3A_1874 = arith.addi %mul3A_1871, %mul3A_1873 : i32
        %mul3A_1875 = arith.constant 104 : i32
        %mul3A_1876 = arith.muli %add3A_1874, %mul3A_1875 : i32
        "tpu.region"() ({
          %run_scoped3A_2877 = tpu.sem_alloc : memref<!tpu.dma_semaphore, #tpu.memory_space<semaphore_mem>>
          %dma_start3A_2878 = arith.constant 0 : i32
          %dma_start3A_2879 = tpu.memref_slice %arg5[%sub3A_1869, %dma_start3A_2878] : memref<2x832xi32, #tpu.memory_space<vmem>> -> memref<1x832xi32, #tpu.memory_space<vmem>>
          %dma_start3A_2880 = tpu.memref_squeeze %dma_start3A_2879 : memref<1x832xi32, #tpu.memory_space<vmem>> -> memref<832xi32, #tpu.memory_space<vmem>>
          %dma_start3A_2881 = tpu.memref_slice %arg2[%mul3A_1876] : memref<106496xi32, #tpu.memory_space<hbm>> -> memref<832xi32, #tpu.memory_space<hbm>>
          %dma_start3A_2882 = arith.constant 0 : i32
          %dma_start3A_2883 = tpu.memref_slice %arg5[%sub3A_1869, %dma_start3A_2882] : memref<2x832xi32, #tpu.memory_space<vmem>> -> memref<1x832xi32, #tpu.memory_space<vmem>>
          %dma_start3A_2884 = tpu.memref_squeeze %dma_start3A_2883 : memref<1x832xi32, #tpu.memory_space<vmem>> -> memref<832xi32, #tpu.memory_space<vmem>>
          %dma_start3A_2885 = tpu.memref_slice %arg2[%mul3A_1876] : memref<106496xi32, #tpu.memory_space<hbm>> -> memref<832xi32, #tpu.memory_space<hbm>>
          tpu.enqueue_dma source(%dma_start3A_2885 : memref<832xi32, #tpu.memory_space<hbm>>) target(%dma_start3A_2884 : memref<832xi32, #tpu.memory_space<vmem>>) target_semaphore(%run_scoped3A_2877 : memref<!tpu.dma_semaphore, #tpu.memory_space<semaphore_mem>>)
          %dma_wait3A_2886 = arith.constant 0 : i32
          %dma_wait3A_2887 = tpu.memref_slice %arg5[%sub3A_1869, %dma_wait3A_2886] : memref<2x832xi32, #tpu.memory_space<vmem>> -> memref<1x832xi32, #tpu.memory_space<vmem>>
          %dma_wait3A_2888 = tpu.memref_squeeze %dma_wait3A_2887 : memref<1x832xi32, #tpu.memory_space<vmem>> -> memref<832xi32, #tpu.memory_space<vmem>>
          %dma_wait3A_2889 = tpu.memref_slice %arg2[%mul3A_1876] : memref<106496xi32, #tpu.memory_space<hbm>> -> memref<832xi32, #tpu.memory_space<hbm>>
          %dma_wait3A_2890 = arith.constant 0 : i32
          %dma_wait3A_2891 = tpu.memref_slice %arg5[%sub3A_1869, %dma_wait3A_2890] : memref<2x832xi32, #tpu.memory_space<vmem>> -> memref<1x832xi32, #tpu.memory_space<vmem>>
          %dma_wait3A_2892 = tpu.memref_squeeze %dma_wait3A_2891 : memref<1x832xi32, #tpu.memory_space<vmem>> -> memref<832xi32, #tpu.memory_space<vmem>>
          %dma_wait3A_2893 = tpu.memref_slice %arg2[%mul3A_1876] : memref<106496xi32, #tpu.memory_space<hbm>> -> memref<832xi32, #tpu.memory_space<hbm>>
          tpu.wait_dma2 semaphore(%run_scoped3A_2877 : memref<!tpu.dma_semaphore, #tpu.memory_space<semaphore_mem>>) src(%dma_wait3A_2893 : memref<832xi32, #tpu.memory_space<hbm>>) dst(%dma_wait3A_2892 : memref<832xi32, #tpu.memory_space<vmem>>)
          tpu.yield
        }) : () -> ()
        %get3A_1877 = arith.index_cast %sub3A_1869 : i32 to index
        %get3A_1878 = arith.constant 0 : index
        %get3A_1879 = tpu.vector_load %arg5[%get3A_1877, %get3A_1878] {strides = array<i32>} : memref<2x832xi32, #tpu.memory_space<vmem>>, vector<1x16xi32>,
        %get3A_1880 = vector.shape_cast %get3A_1879 : vector<1x16xi32> to vector<16xi32>
        %jit3A_1881 = arith.constant 0 : i32
        %jit3A_1882 = arith.constant 1000 : i32
        %max3A_1883 = vector.broadcast %jit3A_1881 : i32 to vector<16xi32>
        %max3A_1884 = arith.maxsi %max3A_1883, %get3A_1880 : vector<16xi32>
        %min3A_1885 = vector.broadcast %jit3A_1882 : i32 to vector<16xi32>
        %min3A_1886 = arith.minsi %min3A_1885, %max3A_1884 : vector<16xi32>
        %get3A_1887 = arith.constant 0 : index
        %get3A_1888 = tpu.vector_load %arg7[%get3A_1887] {strides = array<i32>} : memref<832xi32, #tpu.memory_space<vmem>>, vector<16xi32>,
        %get3A_1889 = vector.shape_cast %get3A_1888 : vector<16xi32> to vector<16xi32>
        %add3A_1890 = arith.addi %min3A_1886, %get3A_1889 : vector<16xi32>
        %swap3A_1891 = arith.index_cast %sub3A_1869 : i32 to index
        %swap3A_1892 = arith.constant 0 : index
        %swap3A_1893 = tpu.vector_load %arg6[%swap3A_1891, %swap3A_1892] {strides = array<i32>} : memref<2x832xi32, #tpu.memory_space<vmem>>, vector<1x16xi32>,
        %swap3A_1894 = vector.shape_cast %swap3A_1893 : vector<1x16xi32> to vector<16xi32>
        %swap3A_1895 = vector.shape_cast %add3A_1890 : vector<16xi32> to vector<1x16xi32>
        tpu.vector_store %arg6[%swap3A_1891, %swap3A_1892], %swap3A_1895 {strides = array<i32>} : memref<2x832xi32, #tpu.memory_space<vmem>>, vector<1x16xi32>,
        %get3A_1896 = arith.index_cast %sub3A_1869 : i32 to index
        %get3A_1897 = arith.constant 16 : index
        %get3A_1898 = tpu.vector_load %arg5[%get3A_1896, %get3A_1897] {strides = array<i32>} : memref<2x832xi32, #tpu.memory_space<vmem>>, vector<1x16xi32>,
        %get3A_1899 = vector.shape_cast %get3A_1898 : vector<1x16xi32> to vector<16xi32>
        %jit3A_1900 = arith.constant 0 : i32
        %jit3A_1901 = arith.constant 1000 : i32
        %max3A_1902 = vector.broadcast %jit3A_1900 : i32 to vector<16xi32>
        %max3A_1903 = arith.maxsi %max3A_1902, %get3A_1899 : vector<16xi32>
        %min3A_1904 = vector.broadcast %jit3A_1901 : i32 to vector<16xi32>
        %min3A_1905 = arith.minsi %min3A_1904, %max3A_1903 : vector<16xi32>
        %get3A_1906 = arith.constant 16 : index
        %get3A_1907 = tpu.vector_load %arg7[%get3A_1906] {strides = array<i32>} : memref<832xi32, #tpu.memory_space<vmem>>, vector<16xi32>,
        %get3A_1908 = vector.shape_cast %get3A_1907 : vector<16xi32> to vector<16xi32>
        %add3A_1909 = arith.addi %min3A_1905, %get3A_1908 : vector<16xi32>
        %swap3A_1910 = arith.index_cast %sub3A_1869 : i32 to index
        %swap3A_1911 = arith.constant 16 : index
        %swap3A_1912 = tpu.vector_load %arg6[%swap3A_1910, %swap3A_1911] {strides = array<i32>} : memref<2x832xi32, #tpu.memory_space<vmem>>, vector<1x16xi32>,
        %swap3A_1913 = vector.shape_cast %swap3A_1912 : vector<1x16xi32> to vector<16xi32>
        %swap3A_1914 = vector.shape_cast %add3A_1909 : vector<16xi32> to vector<1x16xi32>
        tpu.vector_store %arg6[%swap3A_1910, %swap3A_1911], %swap3A_1914 {strides = array<i32>} : memref<2x832xi32, #tpu.memory_space<vmem>>, vector<1x16xi32>,
        %get3A_1915 = arith.index_cast %sub3A_1869 : i32 to index
        %get3A_1916 = arith.constant 32 : index
        %get3A_1917 = tpu.vector_load %arg5[%get3A_1915, %get3A_1916] {strides = array<i32>} : memref<2x832xi32, #tpu.memory_space<vmem>>, vector<1x16xi32>,
        %get3A_1918 = vector.shape_cast %get3A_1917 : vector<1x16xi32> to vector<16xi32>
        %jit3A_1919 = arith.constant 0 : i32
        %jit3A_1920 = arith.constant 1000 : i32
        %max3A_1921 = vector.broadcast %jit3A_1919 : i32 to vector<16xi32>
        %max3A_1922 = arith.maxsi %max3A_1921, %get3A_1918 : vector<16xi32>
        %min3A_1923 = vector.broadcast %jit3A_1920 : i32 to vector<16xi32>
        %min3A_1924 = arith.minsi %min3A_1923, %max3A_1922 : vector<16xi32>
        %get3A_1925 = arith.constant 32 : index
        %get3A_1926 = tpu.vector_load %arg7[%get3A_1925] {strides = array<i32>} : memref<832xi32, #tpu.memory_space<vmem>>, vector<16xi32>,
        %get3A_1927 = vector.shape_cast %get3A_1926 : vector<16xi32> to vector<16xi32>
        %add3A_1928 = arith.addi %min3A_1924, %get3A_1927 : vector<16xi32>
        %swap3A_1929 = arith.index_cast %sub3A_1869 : i32 to index
        %swap3A_1930 = arith.constant 32 : index
        %swap3A_1931 = tpu.vector_load %arg6[%swap3A_1929, %swap3A_1930] {strides = array<i32>} : memref<2x832xi32, #tpu.memory_space<vmem>>, vector<1x16xi32>,
        %swap3A_1932 = vector.shape_cast %swap3A_1931 : vector<1x16xi32> to vector<16xi32>
        %swap3A_1933 = vector.shape_cast %add3A_1928 : vector<16xi32> to vector<1x16xi32>
        tpu.vector_store %arg6[%swap3A_1929, %swap3A_1930], %swap3A_1933 {strides = array<i32>} : memref<2x832xi32, #tpu.memory_space<vmem>>, vector<1x16xi32>,
        %get3A_1934 = arith.index_cast %sub3A_1869 : i32 to index
        %get3A_1935 = arith.constant 48 : index
        %get3A_1936 = tpu.vector_load %arg5[%get3A_1934, %get3A_1935] {strides = array<i32>} : memref<2x832xi32, #tpu.memory_space<vmem>>, vector<1x16xi32>,
        %get3A_1937 = vector.shape_cast %get3A_1936 : vector<1x16xi32> to vector<16xi32>
        %jit3A_1938 = arith.constant 0 : i32
        %jit3A_1939 = arith.constant 1000 : i32
        %max3A_1940 = vector.broadcast %jit3A_1938 : i32 to vector<16xi32>
        %max3A_1941 = arith.maxsi %max3A_1940, %get3A_1937 : vector<16xi32>
        %min3A_1942 = vector.broadcast %jit3A_1939 : i32 to vector<16xi32>
        %min3A_1943 = arith.minsi %min3A_1942, %max3A_1941 : vector<16xi32>
        %get3A_1944 = arith.constant 48 : index
        %get3A_1945 = tpu.vector_load %arg7[%get3A_1944] {strides = array<i32>} : memref<832xi32, #tpu.memory_space<vmem>>, vector<16xi32>,
        %get3A_1946 = vector.shape_cast %get3A_1945 : vector<16xi32> to vector<16xi32>
        %add3A_1947 = arith.addi %min3A_1943, %get3A_1946 : vector<16xi32>
        %swap3A_1948 = arith.index_cast %sub3A_1869 : i32 to index
        %swap3A_1949 = arith.constant 48 : index
        %swap3A_1950 = tpu.vector_load %arg6[%swap3A_1948, %swap3A_1949] {strides = array<i32>} : memref<2x832xi32, #tpu.memory_space<vmem>>, vector<1x16xi32>,
        %swap3A_1951 = vector.shape_cast %swap3A_1950 : vector<1x16xi32> to vector<16xi32>
        %swap3A_1952 = vector.shape_cast %add3A_1947 : vector<16xi32> to vector<1x16xi32>
        tpu.vector_store %arg6[%swap3A_1948, %swap3A_1949], %swap3A_1952 {strides = array<i32>} : memref<2x832xi32, #tpu.memory_space<vmem>>, vector<1x16xi32>,
        %get3A_1953 = arith.index_cast %sub3A_1869 : i32 to index
        %get3A_1954 = arith.constant 64 : index
        %get3A_1955 = tpu.vector_load %arg5[%get3A_1953, %get3A_1954] {strides = array<i32>} : memref<2x832xi32, #tpu.memory_space<vmem>>, vector<1x16xi32>,
        %get3A_1956 = vector.shape_cast %get3A_1955 : vector<1x16xi32> to vector<16xi32>
        %jit3A_1957 = arith.constant 0 : i32
        %jit3A_1958 = arith.constant 1000 : i32
        %max3A_1959 = vector.broadcast %jit3A_1957 : i32 to vector<16xi32>
        %max3A_1960 = arith.maxsi %max3A_1959, %get3A_1956 : vector<16xi32>
        %min3A_1961 = vector.broadcast %jit3A_1958 : i32 to vector<16xi32>
        %min3A_1962 = arith.minsi %min3A_1961, %max3A_1960 : vector<16xi32>
        %get3A_1963 = arith.constant 64 : index
        %get3A_1964 = tpu.vector_load %arg7[%get3A_1963] {strides = array<i32>} : memref<832xi32, #tpu.memory_space<vmem>>, vector<16xi32>,
        %get3A_1965 = vector.shape_cast %get3A_1964 : vector<16xi32> to vector<16xi32>
        %add3A_1966 = arith.addi %min3A_1962, %get3A_1965 : vector<16xi32>
        %swap3A_1967 = arith.index_cast %sub3A_1869 : i32 to index
        %swap3A_1968 = arith.constant 64 : index
        %swap3A_1969 = tpu.vector_load %arg6[%swap3A_1967, %swap3A_1968] {strides = array<i32>} : memref<2x832xi32, #tpu.memory_space<vmem>>, vector<1x16xi32>,
        %swap3A_1970 = vector.shape_cast %swap3A_1969 : vector<1x16xi32> to vector<16xi32>
        %swap3A_1971 = vector.shape_cast %add3A_1966 : vector<16xi32> to vector<1x16xi32>
        tpu.vector_store %arg6[%swap3A_1967, %swap3A_1968], %swap3A_1971 {strides = array<i32>} : memref<2x832xi32, #tpu.memory_space<vmem>>, vector<1x16xi32>,
        %get3A_1972 = arith.index_cast %sub3A_1869 : i32 to index
        %get3A_1973 = arith.constant 80 : index
        %get3A_1974 = tpu.vector_load %arg5[%get3A_1972, %get3A_1973] {strides = array<i32>} : memref<2x832xi32, #tpu.memory_space<vmem>>, vector<1x16xi32>,
        %get3A_1975 = vector.shape_cast %get3A_1974 : vector<1x16xi32> to vector<16xi32>
        %jit3A_1976 = arith.constant 0 : i32
        %jit3A_1977 = arith.constant 1000 : i32
        %max3A_1978 = vector.broadcast %jit3A_1976 : i32 to vector<16xi32>
        %max3A_1979 = arith.maxsi %max3A_1978, %get3A_1975 : vector<16xi32>
        %min3A_1980 = vector.broadcast %jit3A_1977 : i32 to vector<16xi32>
        %min3A_1981 = arith.minsi %min3A_1980, %max3A_1979 : vector<16xi32>
        %get3A_1982 = arith.constant 80 : index
        %get3A_1983 = tpu.vector_load %arg7[%get3A_1982] {strides = array<i32>} : memref<832xi32, #tpu.memory_space<vmem>>, vector<16xi32>,
        %get3A_1984 = vector.shape_cast %get3A_1983 : vector<16xi32> to vector<16xi32>
        %add3A_1985 = arith.addi %min3A_1981, %get3A_1984 : vector<16xi32>
        %swap3A_1986 = arith.index_cast %sub3A_1869 : i32 to index
        %swap3A_1987 = arith.constant 80 : index
        %swap3A_1988 = tpu.vector_load %arg6[%swap3A_1986, %swap3A_1987] {strides = array<i32>} : memref<2x832xi32, #tpu.memory_space<vmem>>, vector<1x16xi32>,
        %swap3A_1989 = vector.shape_cast %swap3A_1988 : vector<1x16xi32> to vector<16xi32>
        %swap3A_1990 = vector.shape_cast %add3A_1985 : vector<16xi32> to vector<1x16xi32>
        tpu.vector_store %arg6[%swap3A_1986, %swap3A_1987], %swap3A_1990 {strides = array<i32>} : memref<2x832xi32, #tpu.memory_space<vmem>>, vector<1x16xi32>,
        %get3A_1991 = arith.index_cast %sub3A_1869 : i32 to index
        %get3A_1992 = arith.constant 96 : index
        %get3A_1993 = tpu.vector_load %arg5[%get3A_1991, %get3A_1992] {strides = array<i32>} : memref<2x832xi32, #tpu.memory_space<vmem>>, vector<1x16xi32>,
        %get3A_1994 = vector.shape_cast %get3A_1993 : vector<1x16xi32> to vector<16xi32>
        %jit3A_1995 = arith.constant 0 : i32
        %jit3A_1996 = arith.constant 1000 : i32
        %max3A_1997 = vector.broadcast %jit3A_1995 : i32 to vector<16xi32>
        %max3A_1998 = arith.maxsi %max3A_1997, %get3A_1994 : vector<16xi32>
        %min3A_1999 = vector.broadcast %jit3A_1996 : i32 to vector<16xi32>
        %min3A_2000 = arith.minsi %min3A_1999, %max3A_1998 : vector<16xi32>
        %get3A_2001 = arith.constant 96 : index
        %get3A_2002 = tpu.vector_load %arg7[%get3A_2001] {strides = array<i32>} : memref<832xi32, #tpu.memory_space<vmem>>, vector<16xi32>,
        %get3A_2003 = vector.shape_cast %get3A_2002 : vector<16xi32> to vector<16xi32>
        %add3A_2004 = arith.addi %min3A_2000, %get3A_2003 : vector<16xi32>
        %swap3A_2005 = arith.index_cast %sub3A_1869 : i32 to index
        %swap3A_2006 = arith.constant 96 : index
        %swap3A_2007 = tpu.vector_load %arg6[%swap3A_2005, %swap3A_2006] {strides = array<i32>} : memref<2x832xi32, #tpu.memory_space<vmem>>, vector<1x16xi32>,
        %swap3A_2008 = vector.shape_cast %swap3A_2007 : vector<1x16xi32> to vector<16xi32>
        %swap3A_2009 = vector.shape_cast %add3A_2004 : vector<16xi32> to vector<1x16xi32>
        tpu.vector_store %arg6[%swap3A_2005, %swap3A_2006], %swap3A_2009 {strides = array<i32>} : memref<2x832xi32, #tpu.memory_space<vmem>>, vector<1x16xi32>,
        %get3A_2010 = arith.index_cast %sub3A_1869 : i32 to index
        %get3A_2011 = arith.constant 112 : index
        %get3A_2012 = tpu.vector_load %arg5[%get3A_2010, %get3A_2011] {strides = array<i32>} : memref<2x832xi32, #tpu.memory_space<vmem>>, vector<1x16xi32>,
        %get3A_2013 = vector.shape_cast %get3A_2012 : vector<1x16xi32> to vector<16xi32>
        %jit3A_2014 = arith.constant 0 : i32
        %jit3A_2015 = arith.constant 1000 : i32
        %max3A_2016 = vector.broadcast %jit3A_2014 : i32 to vector<16xi32>
        %max3A_2017 = arith.maxsi %max3A_2016, %get3A_2013 : vector<16xi32>
        %min3A_2018 = vector.broadcast %jit3A_2015 : i32 to vector<16xi32>
        %min3A_2019 = arith.minsi %min3A_2018, %max3A_2017 : vector<16xi32>
        %get3A_2020 = arith.constant 112 : index
        %get3A_2021 = tpu.vector_load %arg7[%get3A_2020] {strides = array<i32>} : memref<832xi32, #tpu.memory_space<vmem>>, vector<16xi32>,
        %get3A_2022 = vector.shape_cast %get3A_2021 : vector<16xi32> to vector<16xi32>
        %add3A_2023 = arith.addi %min3A_2019, %get3A_2022 : vector<16xi32>
        %swap3A_2024 = arith.index_cast %sub3A_1869 : i32 to index
        %swap3A_2025 = arith.constant 112 : index
        %swap3A_2026 = tpu.vector_load %arg6[%swap3A_2024, %swap3A_2025] {strides = array<i32>} : memref<2x832xi32, #tpu.memory_space<vmem>>, vector<1x16xi32>,
        %swap3A_2027 = vector.shape_cast %swap3A_2026 : vector<1x16xi32> to vector<16xi32>
        %swap3A_2028 = vector.shape_cast %add3A_2023 : vector<16xi32> to vector<1x16xi32>
        tpu.vector_store %arg6[%swap3A_2024, %swap3A_2025], %swap3A_2028 {strides = array<i32>} : memref<2x832xi32, #tpu.memory_space<vmem>>, vector<1x16xi32>,
        %get3A_2029 = arith.index_cast %sub3A_1869 : i32 to index
        %get3A_2030 = arith.constant 128 : index
        %get3A_2031 = tpu.vector_load %arg5[%get3A_2029, %get3A_2030] {strides = array<i32>} : memref<2x832xi32, #tpu.memory_space<vmem>>, vector<1x16xi32>,
        %get3A_2032 = vector.shape_cast %get3A_2031 : vector<1x16xi32> to vector<16xi32>
        %jit3A_2033 = arith.constant 0 : i32
        %jit3A_2034 = arith.constant 1000 : i32
        %max3A_2035 = vector.broadcast %jit3A_2033 : i32 to vector<16xi32>
        %max3A_2036 = arith.maxsi %max3A_2035, %get3A_2032 : vector<16xi32>
        %min3A_2037 = vector.broadcast %jit3A_2034 : i32 to vector<16xi32>
        %min3A_2038 = arith.minsi %min3A_2037, %max3A_2036 : vector<16xi32>
        %get3A_2039 = arith.constant 128 : index
        %get3A_2040 = tpu.vector_load %arg7[%get3A_2039] {strides = array<i32>} : memref<832xi32, #tpu.memory_space<vmem>>, vector<16xi32>,
        %get3A_2041 = vector.shape_cast %get3A_2040 : vector<16xi32> to vector<16xi32>
        %add3A_2042 = arith.addi %min3A_2038, %get3A_2041 : vector<16xi32>
        %swap3A_2043 = arith.index_cast %sub3A_1869 : i32 to index
        %swap3A_2044 = arith.constant 128 : index
        %swap3A_2045 = tpu.vector_load %arg6[%swap3A_2043, %swap3A_2044] {strides = array<i32>} : memref<2x832xi32, #tpu.memory_space<vmem>>, vector<1x16xi32>,
        %swap3A_2046 = vector.shape_cast %swap3A_2045 : vector<1x16xi32> to vector<16xi32>
        %swap3A_2047 = vector.shape_cast %add3A_2042 : vector<16xi32> to vector<1x16xi32>
        tpu.vector_store %arg6[%swap3A_2043, %swap3A_2044], %swap3A_2047 {strides = array<i32>} : memref<2x832xi32, #tpu.memory_space<vmem>>, vector<1x16xi32>,
        %get3A_2048 = arith.index_cast %sub3A_1869 : i32 to index
        %get3A_2049 = arith.constant 144 : index
        %get3A_2050 = tpu.vector_load %arg5[%get3A_2048, %get3A_2049] {strides = array<i32>} : memref<2x832xi32, #tpu.memory_space<vmem>>, vector<1x16xi32>,
        %get3A_2051 = vector.shape_cast %get3A_2050 : vector<1x16xi32> to vector<16xi32>
        %jit3A_2052 = arith.constant 0 : i32
        %jit3A_2053 = arith.constant 1000 : i32
        %max3A_2054 = vector.broadcast %jit3A_2052 : i32 to vector<16xi32>
        %max3A_2055 = arith.maxsi %max3A_2054, %get3A_2051 : vector<16xi32>
        %min3A_2056 = vector.broadcast %jit3A_2053 : i32 to vector<16xi32>
        %min3A_2057 = arith.minsi %min3A_2056, %max3A_2055 : vector<16xi32>
        %get3A_2058 = arith.constant 144 : index
        %get3A_2059 = tpu.vector_load %arg7[%get3A_2058] {strides = array<i32>} : memref<832xi32, #tpu.memory_space<vmem>>, vector<16xi32>,
        %get3A_2060 = vector.shape_cast %get3A_2059 : vector<16xi32> to vector<16xi32>
        %add3A_2061 = arith.addi %min3A_2057, %get3A_2060 : vector<16xi32>
        %swap3A_2062 = arith.index_cast %sub3A_1869 : i32 to index
        %swap3A_2063 = arith.constant 144 : index
        %swap3A_2064 = tpu.vector_load %arg6[%swap3A_2062, %swap3A_2063] {strides = array<i32>} : memref<2x832xi32, #tpu.memory_space<vmem>>, vector<1x16xi32>,
        %swap3A_2065 = vector.shape_cast %swap3A_2064 : vector<1x16xi32> to vector<16xi32>
        %swap3A_2066 = vector.shape_cast %add3A_2061 : vector<16xi32> to vector<1x16xi32>
        tpu.vector_store %arg6[%swap3A_2062, %swap3A_2063], %swap3A_2066 {strides = array<i32>} : memref<2x832xi32, #tpu.memory_space<vmem>>, vector<1x16xi32>,
        %get3A_2067 = arith.index_cast %sub3A_1869 : i32 to index
        %get3A_2068 = arith.constant 160 : index
        %get3A_2069 = tpu.vector_load %arg5[%get3A_2067, %get3A_2068] {strides = array<i32>} : memref<2x832xi32, #tpu.memory_space<vmem>>, vector<1x16xi32>,
        %get3A_2070 = vector.shape_cast %get3A_2069 : vector<1x16xi32> to vector<16xi32>
        %jit3A_2071 = arith.constant 0 : i32
        %jit3A_2072 = arith.constant 1000 : i32
        %max3A_2073 = vector.broadcast %jit3A_2071 : i32 to vector<16xi32>
        %max3A_2074 = arith.maxsi %max3A_2073, %get3A_2070 : vector<16xi32>
        %min3A_2075 = vector.broadcast %jit3A_2072 : i32 to vector<16xi32>
        %min3A_2076 = arith.minsi %min3A_2075, %max3A_2074 : vector<16xi32>
        %get3A_2077 = arith.constant 160 : index
        %get3A_2078 = tpu.vector_load %arg7[%get3A_2077] {strides = array<i32>} : memref<832xi32, #tpu.memory_space<vmem>>, vector<16xi32>,
        %get3A_2079 = vector.shape_cast %get3A_2078 : vector<16xi32> to vector<16xi32>
        %add3A_2080 = arith.addi %min3A_2076, %get3A_2079 : vector<16xi32>
        %swap3A_2081 = arith.index_cast %sub3A_1869 : i32 to index
        %swap3A_2082 = arith.constant 160 : index
        %swap3A_2083 = tpu.vector_load %arg6[%swap3A_2081, %swap3A_2082] {strides = array<i32>} : memref<2x832xi32, #tpu.memory_space<vmem>>, vector<1x16xi32>,
        %swap3A_2084 = vector.shape_cast %swap3A_2083 : vector<1x16xi32> to vector<16xi32>
        %swap3A_2085 = vector.shape_cast %add3A_2080 : vector<16xi32> to vector<1x16xi32>
        tpu.vector_store %arg6[%swap3A_2081, %swap3A_2082], %swap3A_2085 {strides = array<i32>} : memref<2x832xi32, #tpu.memory_space<vmem>>, vector<1x16xi32>,
        %get3A_2086 = arith.index_cast %sub3A_1869 : i32 to index
        %get3A_2087 = arith.constant 176 : index
        %get3A_2088 = tpu.vector_load %arg5[%get3A_2086, %get3A_2087] {strides = array<i32>} : memref<2x832xi32, #tpu.memory_space<vmem>>, vector<1x16xi32>,
        %get3A_2089 = vector.shape_cast %get3A_2088 : vector<1x16xi32> to vector<16xi32>
        %jit3A_2090 = arith.constant 0 : i32
        %jit3A_2091 = arith.constant 1000 : i32
        %max3A_2092 = vector.broadcast %jit3A_2090 : i32 to vector<16xi32>
        %max3A_2093 = arith.maxsi %max3A_2092, %get3A_2089 : vector<16xi32>
        %min3A_2094 = vector.broadcast %jit3A_2091 : i32 to vector<16xi32>
        %min3A_2095 = arith.minsi %min3A_2094, %max3A_2093 : vector<16xi32>
        %get3A_2096 = arith.constant 176 : index
        %get3A_2097 = tpu.vector_load %arg7[%get3A_2096] {strides = array<i32>} : memref<832xi32, #tpu.memory_space<vmem>>, vector<16xi32>,
        %get3A_2098 = vector.shape_cast %get3A_2097 : vector<16xi32> to vector<16xi32>
        %add3A_2099 = arith.addi %min3A_2095, %get3A_2098 : vector<16xi32>
        %swap3A_2100 = arith.index_cast %sub3A_1869 : i32 to index
        %swap3A_2101 = arith.constant 176 : index
        %swap3A_2102 = tpu.vector_load %arg6[%swap3A_2100, %swap3A_2101] {strides = array<i32>} : memref<2x832xi32, #tpu.memory_space<vmem>>, vector<1x16xi32>,
        %swap3A_2103 = vector.shape_cast %swap3A_2102 : vector<1x16xi32> to vector<16xi32>
        %swap3A_2104 = vector.shape_cast %add3A_2099 : vector<16xi32> to vector<1x16xi32>
        tpu.vector_store %arg6[%swap3A_2100, %swap3A_2101], %swap3A_2104 {strides = array<i32>} : memref<2x832xi32, #tpu.memory_space<vmem>>, vector<1x16xi32>,
        %get3A_2105 = arith.index_cast %sub3A_1869 : i32 to index
        %get3A_2106 = arith.constant 192 : index
        %get3A_2107 = tpu.vector_load %arg5[%get3A_2105, %get3A_2106] {strides = array<i32>} : memref<2x832xi32, #tpu.memory_space<vmem>>, vector<1x16xi32>,
        %get3A_2108 = vector.shape_cast %get3A_2107 : vector<1x16xi32> to vector<16xi32>
        %jit3A_2109 = arith.constant 0 : i32
        %jit3A_2110 = arith.constant 1000 : i32
        %max3A_2111 = vector.broadcast %jit3A_2109 : i32 to vector<16xi32>
        %max3A_2112 = arith.maxsi %max3A_2111, %get3A_2108 : vector<16xi32>
        %min3A_2113 = vector.broadcast %jit3A_2110 : i32 to vector<16xi32>
        %min3A_2114 = arith.minsi %min3A_2113, %max3A_2112 : vector<16xi32>
        %get3A_2115 = arith.constant 192 : index
        %get3A_2116 = tpu.vector_load %arg7[%get3A_2115] {strides = array<i32>} : memref<832xi32, #tpu.memory_space<vmem>>, vector<16xi32>,
        %get3A_2117 = vector.shape_cast %get3A_2116 : vector<16xi32> to vector<16xi32>
        %add3A_2118 = arith.addi %min3A_2114, %get3A_2117 : vector<16xi32>
        %swap3A_2119 = arith.index_cast %sub3A_1869 : i32 to index
        %swap3A_2120 = arith.constant 192 : index
        %swap3A_2121 = tpu.vector_load %arg6[%swap3A_2119, %swap3A_2120] {strides = array<i32>} : memref<2x832xi32, #tpu.memory_space<vmem>>, vector<1x16xi32>,
        %swap3A_2122 = vector.shape_cast %swap3A_2121 : vector<1x16xi32> to vector<16xi32>
        %swap3A_2123 = vector.shape_cast %add3A_2118 : vector<16xi32> to vector<1x16xi32>
        tpu.vector_store %arg6[%swap3A_2119, %swap3A_2120], %swap3A_2123 {strides = array<i32>} : memref<2x832xi32, #tpu.memory_space<vmem>>, vector<1x16xi32>,
        %get3A_2124 = arith.index_cast %sub3A_1869 : i32 to index
        %get3A_2125 = arith.constant 208 : index
        %get3A_2126 = tpu.vector_load %arg5[%get3A_2124, %get3A_2125] {strides = array<i32>} : memref<2x832xi32, #tpu.memory_space<vmem>>, vector<1x16xi32>,
        %get3A_2127 = vector.shape_cast %get3A_2126 : vector<1x16xi32> to vector<16xi32>
        %jit3A_2128 = arith.constant 0 : i32
        %jit3A_2129 = arith.constant 1000 : i32
        %max3A_2130 = vector.broadcast %jit3A_2128 : i32 to vector<16xi32>
        %max3A_2131 = arith.maxsi %max3A_2130, %get3A_2127 : vector<16xi32>
        %min3A_2132 = vector.broadcast %jit3A_2129 : i32 to vector<16xi32>
        %min3A_2133 = arith.minsi %min3A_2132, %max3A_2131 : vector<16xi32>
        %get3A_2134 = arith.constant 208 : index
        %get3A_2135 = tpu.vector_load %arg7[%get3A_2134] {strides = array<i32>} : memref<832xi32, #tpu.memory_space<vmem>>, vector<16xi32>,
        %get3A_2136 = vector.shape_cast %get3A_2135 : vector<16xi32> to vector<16xi32>
        %add3A_2137 = arith.addi %min3A_2133, %get3A_2136 : vector<16xi32>
        %swap3A_2138 = arith.index_cast %sub3A_1869 : i32 to index
        %swap3A_2139 = arith.constant 208 : index
        %swap3A_2140 = tpu.vector_load %arg6[%swap3A_2138, %swap3A_2139] {strides = array<i32>} : memref<2x832xi32, #tpu.memory_space<vmem>>, vector<1x16xi32>,
        %swap3A_2141 = vector.shape_cast %swap3A_2140 : vector<1x16xi32> to vector<16xi32>
        %swap3A_2142 = vector.shape_cast %add3A_2137 : vector<16xi32> to vector<1x16xi32>
        tpu.vector_store %arg6[%swap3A_2138, %swap3A_2139], %swap3A_2142 {strides = array<i32>} : memref<2x832xi32, #tpu.memory_space<vmem>>, vector<1x16xi32>,
        %get3A_2143 = arith.index_cast %sub3A_1869 : i32 to index
        %get3A_2144 = arith.constant 224 : index
        %get3A_2145 = tpu.vector_load %arg5[%get3A_2143, %get3A_2144] {strides = array<i32>} : memref<2x832xi32, #tpu.memory_space<vmem>>, vector<1x16xi32>,
        %get3A_2146 = vector.shape_cast %get3A_2145 : vector<1x16xi32> to vector<16xi32>
        %jit3A_2147 = arith.constant 0 : i32
        %jit3A_2148 = arith.constant 1000 : i32
        %max3A_2149 = vector.broadcast %jit3A_2147 : i32 to vector<16xi32>
        %max3A_2150 = arith.maxsi %max3A_2149, %get3A_2146 : vector<16xi32>
        %min3A_2151 = vector.broadcast %jit3A_2148 : i32 to vector<16xi32>
        %min3A_2152 = arith.minsi %min3A_2151, %max3A_2150 : vector<16xi32>
        %get3A_2153 = arith.constant 224 : index
        %get3A_2154 = tpu.vector_load %arg7[%get3A_2153] {strides = array<i32>} : memref<832xi32, #tpu.memory_space<vmem>>, vector<16xi32>,
        %get3A_2155 = vector.shape_cast %get3A_2154 : vector<16xi32> to vector<16xi32>
        %add3A_2156 = arith.addi %min3A_2152, %get3A_2155 : vector<16xi32>
        %swap3A_2157 = arith.index_cast %sub3A_1869 : i32 to index
        %swap3A_2158 = arith.constant 224 : index
        %swap3A_2159 = tpu.vector_load %arg6[%swap3A_2157, %swap3A_2158] {strides = array<i32>} : memref<2x832xi32, #tpu.memory_space<vmem>>, vector<1x16xi32>,
        %swap3A_2160 = vector.shape_cast %swap3A_2159 : vector<1x16xi32> to vector<16xi32>
        %swap3A_2161 = vector.shape_cast %add3A_2156 : vector<16xi32> to vector<1x16xi32>
        tpu.vector_store %arg6[%swap3A_2157, %swap3A_2158], %swap3A_2161 {strides = array<i32>} : memref<2x832xi32, #tpu.memory_space<vmem>>, vector<1x16xi32>,
        %get3A_2162 = arith.index_cast %sub3A_1869 : i32 to index
        %get3A_2163 = arith.constant 240 : index
        %get3A_2164 = tpu.vector_load %arg5[%get3A_2162, %get3A_2163] {strides = array<i32>} : memref<2x832xi32, #tpu.memory_space<vmem>>, vector<1x16xi32>,
        %get3A_2165 = vector.shape_cast %get3A_2164 : vector<1x16xi32> to vector<16xi32>
        %jit3A_2166 = arith.constant 0 : i32
        %jit3A_2167 = arith.constant 1000 : i32
        %max3A_2168 = vector.broadcast %jit3A_2166 : i32 to vector<16xi32>
        %max3A_2169 = arith.maxsi %max3A_2168, %get3A_2165 : vector<16xi32>
        %min3A_2170 = vector.broadcast %jit3A_2167 : i32 to vector<16xi32>
        %min3A_2171 = arith.minsi %min3A_2170, %max3A_2169 : vector<16xi32>
        %get3A_2172 = arith.constant 240 : index
        %get3A_2173 = tpu.vector_load %arg7[%get3A_2172] {strides = array<i32>} : memref<832xi32, #tpu.memory_space<vmem>>, vector<16xi32>,
        %get3A_2174 = vector.shape_cast %get3A_2173 : vector<16xi32> to vector<16xi32>
        %add3A_2175 = arith.addi %min3A_2171, %get3A_2174 : vector<16xi32>
        %swap3A_2176 = arith.index_cast %sub3A_1869 : i32 to index
        %swap3A_2177 = arith.constant 240 : index
        %swap3A_2178 = tpu.vector_load %arg6[%swap3A_2176, %swap3A_2177] {strides = array<i32>} : memref<2x832xi32, #tpu.memory_space<vmem>>, vector<1x16xi32>,
        %swap3A_2179 = vector.shape_cast %swap3A_2178 : vector<1x16xi32> to vector<16xi32>
        %swap3A_2180 = vector.shape_cast %add3A_2175 : vector<16xi32> to vector<1x16xi32>
        tpu.vector_store %arg6[%swap3A_2176, %swap3A_2177], %swap3A_2180 {strides = array<i32>} : memref<2x832xi32, #tpu.memory_space<vmem>>, vector<1x16xi32>,
        %get3A_2181 = arith.index_cast %sub3A_1869 : i32 to index
        %get3A_2182 = arith.constant 256 : index
        %get3A_2183 = tpu.vector_load %arg5[%get3A_2181, %get3A_2182] {strides = array<i32>} : memref<2x832xi32, #tpu.memory_space<vmem>>, vector<1x16xi32>,
        %get3A_2184 = vector.shape_cast %get3A_2183 : vector<1x16xi32> to vector<16xi32>
        %jit3A_2185 = arith.constant 0 : i32
        %jit3A_2186 = arith.constant 1000 : i32
        %max3A_2187 = vector.broadcast %jit3A_2185 : i32 to vector<16xi32>
        %max3A_2188 = arith.maxsi %max3A_2187, %get3A_2184 : vector<16xi32>
        %min3A_2189 = vector.broadcast %jit3A_2186 : i32 to vector<16xi32>
        %min3A_2190 = arith.minsi %min3A_2189, %max3A_2188 : vector<16xi32>
        %get3A_2191 = arith.constant 256 : index
        %get3A_2192 = tpu.vector_load %arg7[%get3A_2191] {strides = array<i32>} : memref<832xi32, #tpu.memory_space<vmem>>, vector<16xi32>,
        %get3A_2193 = vector.shape_cast %get3A_2192 : vector<16xi32> to vector<16xi32>
        %add3A_2194 = arith.addi %min3A_2190, %get3A_2193 : vector<16xi32>
        %swap3A_2195 = arith.index_cast %sub3A_1869 : i32 to index
        %swap3A_2196 = arith.constant 256 : index
        %swap3A_2197 = tpu.vector_load %arg6[%swap3A_2195, %swap3A_2196] {strides = array<i32>} : memref<2x832xi32, #tpu.memory_space<vmem>>, vector<1x16xi32>,
        %swap3A_2198 = vector.shape_cast %swap3A_2197 : vector<1x16xi32> to vector<16xi32>
        %swap3A_2199 = vector.shape_cast %add3A_2194 : vector<16xi32> to vector<1x16xi32>
        tpu.vector_store %arg6[%swap3A_2195, %swap3A_2196], %swap3A_2199 {strides = array<i32>} : memref<2x832xi32, #tpu.memory_space<vmem>>, vector<1x16xi32>,
        %get3A_2200 = arith.index_cast %sub3A_1869 : i32 to index
        %get3A_2201 = arith.constant 272 : index
        %get3A_2202 = tpu.vector_load %arg5[%get3A_2200, %get3A_2201] {strides = array<i32>} : memref<2x832xi32, #tpu.memory_space<vmem>>, vector<1x16xi32>,
        %get3A_2203 = vector.shape_cast %get3A_2202 : vector<1x16xi32> to vector<16xi32>
        %jit3A_2204 = arith.constant 0 : i32
        %jit3A_2205 = arith.constant 1000 : i32
        %max3A_2206 = vector.broadcast %jit3A_2204 : i32 to vector<16xi32>
        %max3A_2207 = arith.maxsi %max3A_2206, %get3A_2203 : vector<16xi32>
        %min3A_2208 = vector.broadcast %jit3A_2205 : i32 to vector<16xi32>
        %min3A_2209 = arith.minsi %min3A_2208, %max3A_2207 : vector<16xi32>
        %get3A_2210 = arith.constant 272 : index
        %get3A_2211 = tpu.vector_load %arg7[%get3A_2210] {strides = array<i32>} : memref<832xi32, #tpu.memory_space<vmem>>, vector<16xi32>,
        %get3A_2212 = vector.shape_cast %get3A_2211 : vector<16xi32> to vector<16xi32>
        %add3A_2213 = arith.addi %min3A_2209, %get3A_2212 : vector<16xi32>
        %swap3A_2214 = arith.index_cast %sub3A_1869 : i32 to index
        %swap3A_2215 = arith.constant 272 : index
        %swap3A_2216 = tpu.vector_load %arg6[%swap3A_2214, %swap3A_2215] {strides = array<i32>} : memref<2x832xi32, #tpu.memory_space<vmem>>, vector<1x16xi32>,
        %swap3A_2217 = vector.shape_cast %swap3A_2216 : vector<1x16xi32> to vector<16xi32>
        %swap3A_2218 = vector.shape_cast %add3A_2213 : vector<16xi32> to vector<1x16xi32>
        tpu.vector_store %arg6[%swap3A_2214, %swap3A_2215], %swap3A_2218 {strides = array<i32>} : memref<2x832xi32, #tpu.memory_space<vmem>>, vector<1x16xi32>,
        %get3A_2219 = arith.index_cast %sub3A_1869 : i32 to index
        %get3A_2220 = arith.constant 288 : index
        %get3A_2221 = tpu.vector_load %arg5[%get3A_2219, %get3A_2220] {strides = array<i32>} : memref<2x832xi32, #tpu.memory_space<vmem>>, vector<1x16xi32>,
        %get3A_2222 = vector.shape_cast %get3A_2221 : vector<1x16xi32> to vector<16xi32>
        %jit3A_2223 = arith.constant 0 : i32
        %jit3A_2224 = arith.constant 1000 : i32
        %max3A_2225 = vector.broadcast %jit3A_2223 : i32 to vector<16xi32>
        %max3A_2226 = arith.maxsi %max3A_2225, %get3A_2222 : vector<16xi32>
        %min3A_2227 = vector.broadcast %jit3A_2224 : i32 to vector<16xi32>
        %min3A_2228 = arith.minsi %min3A_2227, %max3A_2226 : vector<16xi32>
        %get3A_2229 = arith.constant 288 : index
        %get3A_2230 = tpu.vector_load %arg7[%get3A_2229] {strides = array<i32>} : memref<832xi32, #tpu.memory_space<vmem>>, vector<16xi32>,
        %get3A_2231 = vector.shape_cast %get3A_2230 : vector<16xi32> to vector<16xi32>
        %add3A_2232 = arith.addi %min3A_2228, %get3A_2231 : vector<16xi32>
        %swap3A_2233 = arith.index_cast %sub3A_1869 : i32 to index
        %swap3A_2234 = arith.constant 288 : index
        %swap3A_2235 = tpu.vector_load %arg6[%swap3A_2233, %swap3A_2234] {strides = array<i32>} : memref<2x832xi32, #tpu.memory_space<vmem>>, vector<1x16xi32>,
        %swap3A_2236 = vector.shape_cast %swap3A_2235 : vector<1x16xi32> to vector<16xi32>
        %swap3A_2237 = vector.shape_cast %add3A_2232 : vector<16xi32> to vector<1x16xi32>
        tpu.vector_store %arg6[%swap3A_2233, %swap3A_2234], %swap3A_2237 {strides = array<i32>} : memref<2x832xi32, #tpu.memory_space<vmem>>, vector<1x16xi32>,
        %get3A_2238 = arith.index_cast %sub3A_1869 : i32 to index
        %get3A_2239 = arith.constant 304 : index
        %get3A_2240 = tpu.vector_load %arg5[%get3A_2238, %get3A_2239] {strides = array<i32>} : memref<2x832xi32, #tpu.memory_space<vmem>>, vector<1x16xi32>,
        %get3A_2241 = vector.shape_cast %get3A_2240 : vector<1x16xi32> to vector<16xi32>
        %jit3A_2242 = arith.constant 0 : i32
        %jit3A_2243 = arith.constant 1000 : i32
        %max3A_2244 = vector.broadcast %jit3A_2242 : i32 to vector<16xi32>
        %max3A_2245 = arith.maxsi %max3A_2244, %get3A_2241 : vector<16xi32>
        %min3A_2246 = vector.broadcast %jit3A_2243 : i32 to vector<16xi32>
        %min3A_2247 = arith.minsi %min3A_2246, %max3A_2245 : vector<16xi32>
        %get3A_2248 = arith.constant 304 : index
        %get3A_2249 = tpu.vector_load %arg7[%get3A_2248] {strides = array<i32>} : memref<832xi32, #tpu.memory_space<vmem>>, vector<16xi32>,
        %get3A_2250 = vector.shape_cast %get3A_2249 : vector<16xi32> to vector<16xi32>
        %add3A_2251 = arith.addi %min3A_2247, %get3A_2250 : vector<16xi32>
        %swap3A_2252 = arith.index_cast %sub3A_1869 : i32 to index
        %swap3A_2253 = arith.constant 304 : index
        %swap3A_2254 = tpu.vector_load %arg6[%swap3A_2252, %swap3A_2253] {strides = array<i32>} : memref<2x832xi32, #tpu.memory_space<vmem>>, vector<1x16xi32>,
        %swap3A_2255 = vector.shape_cast %swap3A_2254 : vector<1x16xi32> to vector<16xi32>
        %swap3A_2256 = vector.shape_cast %add3A_2251 : vector<16xi32> to vector<1x16xi32>
        tpu.vector_store %arg6[%swap3A_2252, %swap3A_2253], %swap3A_2256 {strides = array<i32>} : memref<2x832xi32, #tpu.memory_space<vmem>>, vector<1x16xi32>,
        %get3A_2257 = arith.index_cast %sub3A_1869 : i32 to index
        %get3A_2258 = arith.constant 320 : index
        %get3A_2259 = tpu.vector_load %arg5[%get3A_2257, %get3A_2258] {strides = array<i32>} : memref<2x832xi32, #tpu.memory_space<vmem>>, vector<1x16xi32>,
        %get3A_2260 = vector.shape_cast %get3A_2259 : vector<1x16xi32> to vector<16xi32>
        %jit3A_2261 = arith.constant 0 : i32
        %jit3A_2262 = arith.constant 1000 : i32
        %max3A_2263 = vector.broadcast %jit3A_2261 : i32 to vector<16xi32>
        %max3A_2264 = arith.maxsi %max3A_2263, %get3A_2260 : vector<16xi32>
        %min3A_2265 = vector.broadcast %jit3A_2262 : i32 to vector<16xi32>
        %min3A_2266 = arith.minsi %min3A_2265, %max3A_2264 : vector<16xi32>
        %get3A_2267 = arith.constant 320 : index
        %get3A_2268 = tpu.vector_load %arg7[%get3A_2267] {strides = array<i32>} : memref<832xi32, #tpu.memory_space<vmem>>, vector<16xi32>,
        %get3A_2269 = vector.shape_cast %get3A_2268 : vector<16xi32> to vector<16xi32>
        %add3A_2270 = arith.addi %min3A_2266, %get3A_2269 : vector<16xi32>
        %swap3A_2271 = arith.index_cast %sub3A_1869 : i32 to index
        %swap3A_2272 = arith.constant 320 : index
        %swap3A_2273 = tpu.vector_load %arg6[%swap3A_2271, %swap3A_2272] {strides = array<i32>} : memref<2x832xi32, #tpu.memory_space<vmem>>, vector<1x16xi32>,
        %swap3A_2274 = vector.shape_cast %swap3A_2273 : vector<1x16xi32> to vector<16xi32>
        %swap3A_2275 = vector.shape_cast %add3A_2270 : vector<16xi32> to vector<1x16xi32>
        tpu.vector_store %arg6[%swap3A_2271, %swap3A_2272], %swap3A_2275 {strides = array<i32>} : memref<2x832xi32, #tpu.memory_space<vmem>>, vector<1x16xi32>,
        %get3A_2276 = arith.index_cast %sub3A_1869 : i32 to index
        %get3A_2277 = arith.constant 336 : index
        %get3A_2278 = tpu.vector_load %arg5[%get3A_2276, %get3A_2277] {strides = array<i32>} : memref<2x832xi32, #tpu.memory_space<vmem>>, vector<1x16xi32>,
        %get3A_2279 = vector.shape_cast %get3A_2278 : vector<1x16xi32> to vector<16xi32>
        %jit3A_2280 = arith.constant 0 : i32
        %jit3A_2281 = arith.constant 1000 : i32
        %max3A_2282 = vector.broadcast %jit3A_2280 : i32 to vector<16xi32>
        %max3A_2283 = arith.maxsi %max3A_2282, %get3A_2279 : vector<16xi32>
        %min3A_2284 = vector.broadcast %jit3A_2281 : i32 to vector<16xi32>
        %min3A_2285 = arith.minsi %min3A_2284, %max3A_2283 : vector<16xi32>
        %get3A_2286 = arith.constant 336 : index
        %get3A_2287 = tpu.vector_load %arg7[%get3A_2286] {strides = array<i32>} : memref<832xi32, #tpu.memory_space<vmem>>, vector<16xi32>,
        %get3A_2288 = vector.shape_cast %get3A_2287 : vector<16xi32> to vector<16xi32>
        %add3A_2289 = arith.addi %min3A_2285, %get3A_2288 : vector<16xi32>
        %swap3A_2290 = arith.index_cast %sub3A_1869 : i32 to index
        %swap3A_2291 = arith.constant 336 : index
        %swap3A_2292 = tpu.vector_load %arg6[%swap3A_2290, %swap3A_2291] {strides = array<i32>} : memref<2x832xi32, #tpu.memory_space<vmem>>, vector<1x16xi32>,
        %swap3A_2293 = vector.shape_cast %swap3A_2292 : vector<1x16xi32> to vector<16xi32>
        %swap3A_2294 = vector.shape_cast %add3A_2289 : vector<16xi32> to vector<1x16xi32>
        tpu.vector_store %arg6[%swap3A_2290, %swap3A_2291], %swap3A_2294 {strides = array<i32>} : memref<2x832xi32, #tpu.memory_space<vmem>>, vector<1x16xi32>,
        %get3A_2295 = arith.index_cast %sub3A_1869 : i32 to index
        %get3A_2296 = arith.constant 352 : index
        %get3A_2297 = tpu.vector_load %arg5[%get3A_2295, %get3A_2296] {strides = array<i32>} : memref<2x832xi32, #tpu.memory_space<vmem>>, vector<1x16xi32>,
        %get3A_2298 = vector.shape_cast %get3A_2297 : vector<1x16xi32> to vector<16xi32>
        %jit3A_2299 = arith.constant 0 : i32
        %jit3A_2300 = arith.constant 1000 : i32
        %max3A_2301 = vector.broadcast %jit3A_2299 : i32 to vector<16xi32>
        %max3A_2302 = arith.maxsi %max3A_2301, %get3A_2298 : vector<16xi32>
        %min3A_2303 = vector.broadcast %jit3A_2300 : i32 to vector<16xi32>
        %min3A_2304 = arith.minsi %min3A_2303, %max3A_2302 : vector<16xi32>
        %get3A_2305 = arith.constant 352 : index
        %get3A_2306 = tpu.vector_load %arg7[%get3A_2305] {strides = array<i32>} : memref<832xi32, #tpu.memory_space<vmem>>, vector<16xi32>,
        %get3A_2307 = vector.shape_cast %get3A_2306 : vector<16xi32> to vector<16xi32>
        %add3A_2308 = arith.addi %min3A_2304, %get3A_2307 : vector<16xi32>
        %swap3A_2309 = arith.index_cast %sub3A_1869 : i32 to index
        %swap3A_2310 = arith.constant 352 : index
        %swap3A_2311 = tpu.vector_load %arg6[%swap3A_2309, %swap3A_2310] {strides = array<i32>} : memref<2x832xi32, #tpu.memory_space<vmem>>, vector<1x16xi32>,
        %swap3A_2312 = vector.shape_cast %swap3A_2311 : vector<1x16xi32> to vector<16xi32>
        %swap3A_2313 = vector.shape_cast %add3A_2308 : vector<16xi32> to vector<1x16xi32>
        tpu.vector_store %arg6[%swap3A_2309, %swap3A_2310], %swap3A_2313 {strides = array<i32>} : memref<2x832xi32, #tpu.memory_space<vmem>>, vector<1x16xi32>,
        %get3A_2314 = arith.index_cast %sub3A_1869 : i32 to index
        %get3A_2315 = arith.constant 368 : index
        %get3A_2316 = tpu.vector_load %arg5[%get3A_2314, %get3A_2315] {strides = array<i32>} : memref<2x832xi32, #tpu.memory_space<vmem>>, vector<1x16xi32>,
        %get3A_2317 = vector.shape_cast %get3A_2316 : vector<1x16xi32> to vector<16xi32>
        %jit3A_2318 = arith.constant 0 : i32
        %jit3A_2319 = arith.constant 1000 : i32
        %max3A_2320 = vector.broadcast %jit3A_2318 : i32 to vector<16xi32>
        %max3A_2321 = arith.maxsi %max3A_2320, %get3A_2317 : vector<16xi32>
        %min3A_2322 = vector.broadcast %jit3A_2319 : i32 to vector<16xi32>
        %min3A_2323 = arith.minsi %min3A_2322, %max3A_2321 : vector<16xi32>
        %get3A_2324 = arith.constant 368 : index
        %get3A_2325 = tpu.vector_load %arg7[%get3A_2324] {strides = array<i32>} : memref<832xi32, #tpu.memory_space<vmem>>, vector<16xi32>,
        %get3A_2326 = vector.shape_cast %get3A_2325 : vector<16xi32> to vector<16xi32>
        %add3A_2327 = arith.addi %min3A_2323, %get3A_2326 : vector<16xi32>
        %swap3A_2328 = arith.index_cast %sub3A_1869 : i32 to index
        %swap3A_2329 = arith.constant 368 : index
        %swap3A_2330 = tpu.vector_load %arg6[%swap3A_2328, %swap3A_2329] {strides = array<i32>} : memref<2x832xi32, #tpu.memory_space<vmem>>, vector<1x16xi32>,
        %swap3A_2331 = vector.shape_cast %swap3A_2330 : vector<1x16xi32> to vector<16xi32>
        %swap3A_2332 = vector.shape_cast %add3A_2327 : vector<16xi32> to vector<1x16xi32>
        tpu.vector_store %arg6[%swap3A_2328, %swap3A_2329], %swap3A_2332 {strides = array<i32>} : memref<2x832xi32, #tpu.memory_space<vmem>>, vector<1x16xi32>,
        %get3A_2333 = arith.index_cast %sub3A_1869 : i32 to index
        %get3A_2334 = arith.constant 384 : index
        %get3A_2335 = tpu.vector_load %arg5[%get3A_2333, %get3A_2334] {strides = array<i32>} : memref<2x832xi32, #tpu.memory_space<vmem>>, vector<1x16xi32>,
        %get3A_2336 = vector.shape_cast %get3A_2335 : vector<1x16xi32> to vector<16xi32>
        %jit3A_2337 = arith.constant 0 : i32
        %jit3A_2338 = arith.constant 1000 : i32
        %max3A_2339 = vector.broadcast %jit3A_2337 : i32 to vector<16xi32>
        %max3A_2340 = arith.maxsi %max3A_2339, %get3A_2336 : vector<16xi32>
        %min3A_2341 = vector.broadcast %jit3A_2338 : i32 to vector<16xi32>
        %min3A_2342 = arith.minsi %min3A_2341, %max3A_2340 : vector<16xi32>
        %get3A_2343 = arith.constant 384 : index
        %get3A_2344 = tpu.vector_load %arg7[%get3A_2343] {strides = array<i32>} : memref<832xi32, #tpu.memory_space<vmem>>, vector<16xi32>,
        %get3A_2345 = vector.shape_cast %get3A_2344 : vector<16xi32> to vector<16xi32>
        %add3A_2346 = arith.addi %min3A_2342, %get3A_2345 : vector<16xi32>
        %swap3A_2347 = arith.index_cast %sub3A_1869 : i32 to index
        %swap3A_2348 = arith.constant 384 : index
        %swap3A_2349 = tpu.vector_load %arg6[%swap3A_2347, %swap3A_2348] {strides = array<i32>} : memref<2x832xi32, #tpu.memory_space<vmem>>, vector<1x16xi32>,
        %swap3A_2350 = vector.shape_cast %swap3A_2349 : vector<1x16xi32> to vector<16xi32>
        %swap3A_2351 = vector.shape_cast %add3A_2346 : vector<16xi32> to vector<1x16xi32>
        tpu.vector_store %arg6[%swap3A_2347, %swap3A_2348], %swap3A_2351 {strides = array<i32>} : memref<2x832xi32, #tpu.memory_space<vmem>>, vector<1x16xi32>,
        %get3A_2352 = arith.index_cast %sub3A_1869 : i32 to index
        %get3A_2353 = arith.constant 400 : index
        %get3A_2354 = tpu.vector_load %arg5[%get3A_2352, %get3A_2353] {strides = array<i32>} : memref<2x832xi32, #tpu.memory_space<vmem>>, vector<1x16xi32>,
        %get3A_2355 = vector.shape_cast %get3A_2354 : vector<1x16xi32> to vector<16xi32>
        %jit3A_2356 = arith.constant 0 : i32
        %jit3A_2357 = arith.constant 1000 : i32
        %max3A_2358 = vector.broadcast %jit3A_2356 : i32 to vector<16xi32>
        %max3A_2359 = arith.maxsi %max3A_2358, %get3A_2355 : vector<16xi32>
        %min3A_2360 = vector.broadcast %jit3A_2357 : i32 to vector<16xi32>
        %min3A_2361 = arith.minsi %min3A_2360, %max3A_2359 : vector<16xi32>
        %get3A_2362 = arith.constant 400 : index
        %get3A_2363 = tpu.vector_load %arg7[%get3A_2362] {strides = array<i32>} : memref<832xi32, #tpu.memory_space<vmem>>, vector<16xi32>,
        %get3A_2364 = vector.shape_cast %get3A_2363 : vector<16xi32> to vector<16xi32>
        %add3A_2365 = arith.addi %min3A_2361, %get3A_2364 : vector<16xi32>
        %swap3A_2366 = arith.index_cast %sub3A_1869 : i32 to index
        %swap3A_2367 = arith.constant 400 : index
        %swap3A_2368 = tpu.vector_load %arg6[%swap3A_2366, %swap3A_2367] {strides = array<i32>} : memref<2x832xi32, #tpu.memory_space<vmem>>, vector<1x16xi32>,
        %swap3A_2369 = vector.shape_cast %swap3A_2368 : vector<1x16xi32> to vector<16xi32>
        %swap3A_2370 = vector.shape_cast %add3A_2365 : vector<16xi32> to vector<1x16xi32>
        tpu.vector_store %arg6[%swap3A_2366, %swap3A_2367], %swap3A_2370 {strides = array<i32>} : memref<2x832xi32, #tpu.memory_space<vmem>>, vector<1x16xi32>,
        %get3A_2371 = arith.index_cast %sub3A_1869 : i32 to index
        %get3A_2372 = arith.constant 416 : index
        %get3A_2373 = tpu.vector_load %arg5[%get3A_2371, %get3A_2372] {strides = array<i32>} : memref<2x832xi32, #tpu.memory_space<vmem>>, vector<1x16xi32>,
        %get3A_2374 = vector.shape_cast %get3A_2373 : vector<1x16xi32> to vector<16xi32>
        %jit3A_2375 = arith.constant 0 : i32
        %jit3A_2376 = arith.constant 1000 : i32
        %max3A_2377 = vector.broadcast %jit3A_2375 : i32 to vector<16xi32>
        %max3A_2378 = arith.maxsi %max3A_2377, %get3A_2374 : vector<16xi32>
        %min3A_2379 = vector.broadcast %jit3A_2376 : i32 to vector<16xi32>
        %min3A_2380 = arith.minsi %min3A_2379, %max3A_2378 : vector<16xi32>
        %get3A_2381 = arith.constant 416 : index
        %get3A_2382 = tpu.vector_load %arg7[%get3A_2381] {strides = array<i32>} : memref<832xi32, #tpu.memory_space<vmem>>, vector<16xi32>,
        %get3A_2383 = vector.shape_cast %get3A_2382 : vector<16xi32> to vector<16xi32>
        %add3A_2384 = arith.addi %min3A_2380, %get3A_2383 : vector<16xi32>
        %swap3A_2385 = arith.index_cast %sub3A_1869 : i32 to index
        %swap3A_2386 = arith.constant 416 : index
        %swap3A_2387 = tpu.vector_load %arg6[%swap3A_2385, %swap3A_2386] {strides = array<i32>} : memref<2x832xi32, #tpu.memory_space<vmem>>, vector<1x16xi32>,
        %swap3A_2388 = vector.shape_cast %swap3A_2387 : vector<1x16xi32> to vector<16xi32>
        %swap3A_2389 = vector.shape_cast %add3A_2384 : vector<16xi32> to vector<1x16xi32>
        tpu.vector_store %arg6[%swap3A_2385, %swap3A_2386], %swap3A_2389 {strides = array<i32>} : memref<2x832xi32, #tpu.memory_space<vmem>>, vector<1x16xi32>,
        %get3A_2390 = arith.index_cast %sub3A_1869 : i32 to index
        %get3A_2391 = arith.constant 432 : index
        %get3A_2392 = tpu.vector_load %arg5[%get3A_2390, %get3A_2391] {strides = array<i32>} : memref<2x832xi32, #tpu.memory_space<vmem>>, vector<1x16xi32>,
        %get3A_2393 = vector.shape_cast %get3A_2392 : vector<1x16xi32> to vector<16xi32>
        %jit3A_2394 = arith.constant 0 : i32
        %jit3A_2395 = arith.constant 1000 : i32
        %max3A_2396 = vector.broadcast %jit3A_2394 : i32 to vector<16xi32>
        %max3A_2397 = arith.maxsi %max3A_2396, %get3A_2393 : vector<16xi32>
        %min3A_2398 = vector.broadcast %jit3A_2395 : i32 to vector<16xi32>
        %min3A_2399 = arith.minsi %min3A_2398, %max3A_2397 : vector<16xi32>
        %get3A_2400 = arith.constant 432 : index
        %get3A_2401 = tpu.vector_load %arg7[%get3A_2400] {strides = array<i32>} : memref<832xi32, #tpu.memory_space<vmem>>, vector<16xi32>,
        %get3A_2402 = vector.shape_cast %get3A_2401 : vector<16xi32> to vector<16xi32>
        %add3A_2403 = arith.addi %min3A_2399, %get3A_2402 : vector<16xi32>
        %swap3A_2404 = arith.index_cast %sub3A_1869 : i32 to index
        %swap3A_2405 = arith.constant 432 : index
        %swap3A_2406 = tpu.vector_load %arg6[%swap3A_2404, %swap3A_2405] {strides = array<i32>} : memref<2x832xi32, #tpu.memory_space<vmem>>, vector<1x16xi32>,
        %swap3A_2407 = vector.shape_cast %swap3A_2406 : vector<1x16xi32> to vector<16xi32>
        %swap3A_2408 = vector.shape_cast %add3A_2403 : vector<16xi32> to vector<1x16xi32>
        tpu.vector_store %arg6[%swap3A_2404, %swap3A_2405], %swap3A_2408 {strides = array<i32>} : memref<2x832xi32, #tpu.memory_space<vmem>>, vector<1x16xi32>,
        %get3A_2409 = arith.index_cast %sub3A_1869 : i32 to index
        %get3A_2410 = arith.constant 448 : index
        %get3A_2411 = tpu.vector_load %arg5[%get3A_2409, %get3A_2410] {strides = array<i32>} : memref<2x832xi32, #tpu.memory_space<vmem>>, vector<1x16xi32>,
        %get3A_2412 = vector.shape_cast %get3A_2411 : vector<1x16xi32> to vector<16xi32>
        %jit3A_2413 = arith.constant 0 : i32
        %jit3A_2414 = arith.constant 1000 : i32
        %max3A_2415 = vector.broadcast %jit3A_2413 : i32 to vector<16xi32>
        %max3A_2416 = arith.maxsi %max3A_2415, %get3A_2412 : vector<16xi32>
        %min3A_2417 = vector.broadcast %jit3A_2414 : i32 to vector<16xi32>
        %min3A_2418 = arith.minsi %min3A_2417, %max3A_2416 : vector<16xi32>
        %get3A_2419 = arith.constant 448 : index
        %get3A_2420 = tpu.vector_load %arg7[%get3A_2419] {strides = array<i32>} : memref<832xi32, #tpu.memory_space<vmem>>, vector<16xi32>,
        %get3A_2421 = vector.shape_cast %get3A_2420 : vector<16xi32> to vector<16xi32>
        %add3A_2422 = arith.addi %min3A_2418, %get3A_2421 : vector<16xi32>
        %swap3A_2423 = arith.index_cast %sub3A_1869 : i32 to index
        %swap3A_2424 = arith.constant 448 : index
        %swap3A_2425 = tpu.vector_load %arg6[%swap3A_2423, %swap3A_2424] {strides = array<i32>} : memref<2x832xi32, #tpu.memory_space<vmem>>, vector<1x16xi32>,
        %swap3A_2426 = vector.shape_cast %swap3A_2425 : vector<1x16xi32> to vector<16xi32>
        %swap3A_2427 = vector.shape_cast %add3A_2422 : vector<16xi32> to vector<1x16xi32>
        tpu.vector_store %arg6[%swap3A_2423, %swap3A_2424], %swap3A_2427 {strides = array<i32>} : memref<2x832xi32, #tpu.memory_space<vmem>>, vector<1x16xi32>,
        %get3A_2428 = arith.index_cast %sub3A_1869 : i32 to index
        %get3A_2429 = arith.constant 464 : index
        %get3A_2430 = tpu.vector_load %arg5[%get3A_2428, %get3A_2429] {strides = array<i32>} : memref<2x832xi32, #tpu.memory_space<vmem>>, vector<1x16xi32>,
        %get3A_2431 = vector.shape_cast %get3A_2430 : vector<1x16xi32> to vector<16xi32>
        %jit3A_2432 = arith.constant 0 : i32
        %jit3A_2433 = arith.constant 1000 : i32
        %max3A_2434 = vector.broadcast %jit3A_2432 : i32 to vector<16xi32>
        %max3A_2435 = arith.maxsi %max3A_2434, %get3A_2431 : vector<16xi32>
        %min3A_2436 = vector.broadcast %jit3A_2433 : i32 to vector<16xi32>
        %min3A_2437 = arith.minsi %min3A_2436, %max3A_2435 : vector<16xi32>
        %get3A_2438 = arith.constant 464 : index
        %get3A_2439 = tpu.vector_load %arg7[%get3A_2438] {strides = array<i32>} : memref<832xi32, #tpu.memory_space<vmem>>, vector<16xi32>,
        %get3A_2440 = vector.shape_cast %get3A_2439 : vector<16xi32> to vector<16xi32>
        %add3A_2441 = arith.addi %min3A_2437, %get3A_2440 : vector<16xi32>
        %swap3A_2442 = arith.index_cast %sub3A_1869 : i32 to index
        %swap3A_2443 = arith.constant 464 : index
        %swap3A_2444 = tpu.vector_load %arg6[%swap3A_2442, %swap3A_2443] {strides = array<i32>} : memref<2x832xi32, #tpu.memory_space<vmem>>, vector<1x16xi32>,
        %swap3A_2445 = vector.shape_cast %swap3A_2444 : vector<1x16xi32> to vector<16xi32>
        %swap3A_2446 = vector.shape_cast %add3A_2441 : vector<16xi32> to vector<1x16xi32>
        tpu.vector_store %arg6[%swap3A_2442, %swap3A_2443], %swap3A_2446 {strides = array<i32>} : memref<2x832xi32, #tpu.memory_space<vmem>>, vector<1x16xi32>,
        %get3A_2447 = arith.index_cast %sub3A_1869 : i32 to index
        %get3A_2448 = arith.constant 480 : index
        %get3A_2449 = tpu.vector_load %arg5[%get3A_2447, %get3A_2448] {strides = array<i32>} : memref<2x832xi32, #tpu.memory_space<vmem>>, vector<1x16xi32>,
        %get3A_2450 = vector.shape_cast %get3A_2449 : vector<1x16xi32> to vector<16xi32>
        %jit3A_2451 = arith.constant 0 : i32
        %jit3A_2452 = arith.constant 1000 : i32
        %max3A_2453 = vector.broadcast %jit3A_2451 : i32 to vector<16xi32>
        %max3A_2454 = arith.maxsi %max3A_2453, %get3A_2450 : vector<16xi32>
        %min3A_2455 = vector.broadcast %jit3A_2452 : i32 to vector<16xi32>
        %min3A_2456 = arith.minsi %min3A_2455, %max3A_2454 : vector<16xi32>
        %get3A_2457 = arith.constant 480 : index
        %get3A_2458 = tpu.vector_load %arg7[%get3A_2457] {strides = array<i32>} : memref<832xi32, #tpu.memory_space<vmem>>, vector<16xi32>,
        %get3A_2459 = vector.shape_cast %get3A_2458 : vector<16xi32> to vector<16xi32>
        %add3A_2460 = arith.addi %min3A_2456, %get3A_2459 : vector<16xi32>
        %swap3A_2461 = arith.index_cast %sub3A_1869 : i32 to index
        %swap3A_2462 = arith.constant 480 : index
        %swap3A_2463 = tpu.vector_load %arg6[%swap3A_2461, %swap3A_2462] {strides = array<i32>} : memref<2x832xi32, #tpu.memory_space<vmem>>, vector<1x16xi32>,
        %swap3A_2464 = vector.shape_cast %swap3A_2463 : vector<1x16xi32> to vector<16xi32>
        %swap3A_2465 = vector.shape_cast %add3A_2460 : vector<16xi32> to vector<1x16xi32>
        tpu.vector_store %arg6[%swap3A_2461, %swap3A_2462], %swap3A_2465 {strides = array<i32>} : memref<2x832xi32, #tpu.memory_space<vmem>>, vector<1x16xi32>,
        %get3A_2466 = arith.index_cast %sub3A_1869 : i32 to index
        %get3A_2467 = arith.constant 496 : index
        %get3A_2468 = tpu.vector_load %arg5[%get3A_2466, %get3A_2467] {strides = array<i32>} : memref<2x832xi32, #tpu.memory_space<vmem>>, vector<1x16xi32>,
        %get3A_2469 = vector.shape_cast %get3A_2468 : vector<1x16xi32> to vector<16xi32>
        %jit3A_2470 = arith.constant 0 : i32
        %jit3A_2471 = arith.constant 1000 : i32
        %max3A_2472 = vector.broadcast %jit3A_2470 : i32 to vector<16xi32>
        %max3A_2473 = arith.maxsi %max3A_2472, %get3A_2469 : vector<16xi32>
        %min3A_2474 = vector.broadcast %jit3A_2471 : i32 to vector<16xi32>
        %min3A_2475 = arith.minsi %min3A_2474, %max3A_2473 : vector<16xi32>
        %get3A_2476 = arith.constant 496 : index
        %get3A_2477 = tpu.vector_load %arg7[%get3A_2476] {strides = array<i32>} : memref<832xi32, #tpu.memory_space<vmem>>, vector<16xi32>,
        %get3A_2478 = vector.shape_cast %get3A_2477 : vector<16xi32> to vector<16xi32>
        %add3A_2479 = arith.addi %min3A_2475, %get3A_2478 : vector<16xi32>
        %swap3A_2480 = arith.index_cast %sub3A_1869 : i32 to index
        %swap3A_2481 = arith.constant 496 : index
        %swap3A_2482 = tpu.vector_load %arg6[%swap3A_2480, %swap3A_2481] {strides = array<i32>} : memref<2x832xi32, #tpu.memory_space<vmem>>, vector<1x16xi32>,
        %swap3A_2483 = vector.shape_cast %swap3A_2482 : vector<1x16xi32> to vector<16xi32>
        %swap3A_2484 = vector.shape_cast %add3A_2479 : vector<16xi32> to vector<1x16xi32>
        tpu.vector_store %arg6[%swap3A_2480, %swap3A_2481], %swap3A_2484 {strides = array<i32>} : memref<2x832xi32, #tpu.memory_space<vmem>>, vector<1x16xi32>,
        %get3A_2485 = arith.index_cast %sub3A_1869 : i32 to index
        %get3A_2486 = arith.constant 512 : index
        %get3A_2487 = tpu.vector_load %arg5[%get3A_2485, %get3A_2486] {strides = array<i32>} : memref<2x832xi32, #tpu.memory_space<vmem>>, vector<1x16xi32>,
        %get3A_2488 = vector.shape_cast %get3A_2487 : vector<1x16xi32> to vector<16xi32>
        %jit3A_2489 = arith.constant 0 : i32
        %jit3A_2490 = arith.constant 1000 : i32
        %max3A_2491 = vector.broadcast %jit3A_2489 : i32 to vector<16xi32>
        %max3A_2492 = arith.maxsi %max3A_2491, %get3A_2488 : vector<16xi32>
        %min3A_2493 = vector.broadcast %jit3A_2490 : i32 to vector<16xi32>
        %min3A_2494 = arith.minsi %min3A_2493, %max3A_2492 : vector<16xi32>
        %get3A_2495 = arith.constant 512 : index
        %get3A_2496 = tpu.vector_load %arg7[%get3A_2495] {strides = array<i32>} : memref<832xi32, #tpu.memory_space<vmem>>, vector<16xi32>,
        %get3A_2497 = vector.shape_cast %get3A_2496 : vector<16xi32> to vector<16xi32>
        %add3A_2498 = arith.addi %min3A_2494, %get3A_2497 : vector<16xi32>
        %swap3A_2499 = arith.index_cast %sub3A_1869 : i32 to index
        %swap3A_2500 = arith.constant 512 : index
        %swap3A_2501 = tpu.vector_load %arg6[%swap3A_2499, %swap3A_2500] {strides = array<i32>} : memref<2x832xi32, #tpu.memory_space<vmem>>, vector<1x16xi32>,
        %swap3A_2502 = vector.shape_cast %swap3A_2501 : vector<1x16xi32> to vector<16xi32>
        %swap3A_2503 = vector.shape_cast %add3A_2498 : vector<16xi32> to vector<1x16xi32>
        tpu.vector_store %arg6[%swap3A_2499, %swap3A_2500], %swap3A_2503 {strides = array<i32>} : memref<2x832xi32, #tpu.memory_space<vmem>>, vector<1x16xi32>,
        %get3A_2504 = arith.index_cast %sub3A_1869 : i32 to index
        %get3A_2505 = arith.constant 528 : index
        %get3A_2506 = tpu.vector_load %arg5[%get3A_2504, %get3A_2505] {strides = array<i32>} : memref<2x832xi32, #tpu.memory_space<vmem>>, vector<1x16xi32>,
        %get3A_2507 = vector.shape_cast %get3A_2506 : vector<1x16xi32> to vector<16xi32>
        %jit3A_2508 = arith.constant 0 : i32
        %jit3A_2509 = arith.constant 1000 : i32
        %max3A_2510 = vector.broadcast %jit3A_2508 : i32 to vector<16xi32>
        %max3A_2511 = arith.maxsi %max3A_2510, %get3A_2507 : vector<16xi32>
        %min3A_2512 = vector.broadcast %jit3A_2509 : i32 to vector<16xi32>
        %min3A_2513 = arith.minsi %min3A_2512, %max3A_2511 : vector<16xi32>
        %get3A_2514 = arith.constant 528 : index
        %get3A_2515 = tpu.vector_load %arg7[%get3A_2514] {strides = array<i32>} : memref<832xi32, #tpu.memory_space<vmem>>, vector<16xi32>,
        %get3A_2516 = vector.shape_cast %get3A_2515 : vector<16xi32> to vector<16xi32>
        %add3A_2517 = arith.addi %min3A_2513, %get3A_2516 : vector<16xi32>
        %swap3A_2518 = arith.index_cast %sub3A_1869 : i32 to index
        %swap3A_2519 = arith.constant 528 : index
        %swap3A_2520 = tpu.vector_load %arg6[%swap3A_2518, %swap3A_2519] {strides = array<i32>} : memref<2x832xi32, #tpu.memory_space<vmem>>, vector<1x16xi32>,
        %swap3A_2521 = vector.shape_cast %swap3A_2520 : vector<1x16xi32> to vector<16xi32>
        %swap3A_2522 = vector.shape_cast %add3A_2517 : vector<16xi32> to vector<1x16xi32>
        tpu.vector_store %arg6[%swap3A_2518, %swap3A_2519], %swap3A_2522 {strides = array<i32>} : memref<2x832xi32, #tpu.memory_space<vmem>>, vector<1x16xi32>,
        %get3A_2523 = arith.index_cast %sub3A_1869 : i32 to index
        %get3A_2524 = arith.constant 544 : index
        %get3A_2525 = tpu.vector_load %arg5[%get3A_2523, %get3A_2524] {strides = array<i32>} : memref<2x832xi32, #tpu.memory_space<vmem>>, vector<1x16xi32>,
        %get3A_2526 = vector.shape_cast %get3A_2525 : vector<1x16xi32> to vector<16xi32>
        %jit3A_2527 = arith.constant 0 : i32
        %jit3A_2528 = arith.constant 1000 : i32
        %max3A_2529 = vector.broadcast %jit3A_2527 : i32 to vector<16xi32>
        %max3A_2530 = arith.maxsi %max3A_2529, %get3A_2526 : vector<16xi32>
        %min3A_2531 = vector.broadcast %jit3A_2528 : i32 to vector<16xi32>
        %min3A_2532 = arith.minsi %min3A_2531, %max3A_2530 : vector<16xi32>
        %get3A_2533 = arith.constant 544 : index
        %get3A_2534 = tpu.vector_load %arg7[%get3A_2533] {strides = array<i32>} : memref<832xi32, #tpu.memory_space<vmem>>, vector<16xi32>,
        %get3A_2535 = vector.shape_cast %get3A_2534 : vector<16xi32> to vector<16xi32>
        %add3A_2536 = arith.addi %min3A_2532, %get3A_2535 : vector<16xi32>
        %swap3A_2537 = arith.index_cast %sub3A_1869 : i32 to index
        %swap3A_2538 = arith.constant 544 : index
        %swap3A_2539 = tpu.vector_load %arg6[%swap3A_2537, %swap3A_2538] {strides = array<i32>} : memref<2x832xi32, #tpu.memory_space<vmem>>, vector<1x16xi32>,
        %swap3A_2540 = vector.shape_cast %swap3A_2539 : vector<1x16xi32> to vector<16xi32>
        %swap3A_2541 = vector.shape_cast %add3A_2536 : vector<16xi32> to vector<1x16xi32>
        tpu.vector_store %arg6[%swap3A_2537, %swap3A_2538], %swap3A_2541 {strides = array<i32>} : memref<2x832xi32, #tpu.memory_space<vmem>>, vector<1x16xi32>,
        %get3A_2542 = arith.index_cast %sub3A_1869 : i32 to index
        %get3A_2543 = arith.constant 560 : index
        %get3A_2544 = tpu.vector_load %arg5[%get3A_2542, %get3A_2543] {strides = array<i32>} : memref<2x832xi32, #tpu.memory_space<vmem>>, vector<1x16xi32>,
        %get3A_2545 = vector.shape_cast %get3A_2544 : vector<1x16xi32> to vector<16xi32>
        %jit3A_2546 = arith.constant 0 : i32
        %jit3A_2547 = arith.constant 1000 : i32
        %max3A_2548 = vector.broadcast %jit3A_2546 : i32 to vector<16xi32>
        %max3A_2549 = arith.maxsi %max3A_2548, %get3A_2545 : vector<16xi32>
        %min3A_2550 = vector.broadcast %jit3A_2547 : i32 to vector<16xi32>
        %min3A_2551 = arith.minsi %min3A_2550, %max3A_2549 : vector<16xi32>
        %get3A_2552 = arith.constant 560 : index
        %get3A_2553 = tpu.vector_load %arg7[%get3A_2552] {strides = array<i32>} : memref<832xi32, #tpu.memory_space<vmem>>, vector<16xi32>,
        %get3A_2554 = vector.shape_cast %get3A_2553 : vector<16xi32> to vector<16xi32>
        %add3A_2555 = arith.addi %min3A_2551, %get3A_2554 : vector<16xi32>
        %swap3A_2556 = arith.index_cast %sub3A_1869 : i32 to index
        %swap3A_2557 = arith.constant 560 : index
        %swap3A_2558 = tpu.vector_load %arg6[%swap3A_2556, %swap3A_2557] {strides = array<i32>} : memref<2x832xi32, #tpu.memory_space<vmem>>, vector<1x16xi32>,
        %swap3A_2559 = vector.shape_cast %swap3A_2558 : vector<1x16xi32> to vector<16xi32>
        %swap3A_2560 = vector.shape_cast %add3A_2555 : vector<16xi32> to vector<1x16xi32>
        tpu.vector_store %arg6[%swap3A_2556, %swap3A_2557], %swap3A_2560 {strides = array<i32>} : memref<2x832xi32, #tpu.memory_space<vmem>>, vector<1x16xi32>,
        %get3A_2561 = arith.index_cast %sub3A_1869 : i32 to index
        %get3A_2562 = arith.constant 576 : index
        %get3A_2563 = tpu.vector_load %arg5[%get3A_2561, %get3A_2562] {strides = array<i32>} : memref<2x832xi32, #tpu.memory_space<vmem>>, vector<1x16xi32>,
        %get3A_2564 = vector.shape_cast %get3A_2563 : vector<1x16xi32> to vector<16xi32>
        %jit3A_2565 = arith.constant 0 : i32
        %jit3A_2566 = arith.constant 1000 : i32
        %max3A_2567 = vector.broadcast %jit3A_2565 : i32 to vector<16xi32>
        %max3A_2568 = arith.maxsi %max3A_2567, %get3A_2564 : vector<16xi32>
        %min3A_2569 = vector.broadcast %jit3A_2566 : i32 to vector<16xi32>
        %min3A_2570 = arith.minsi %min3A_2569, %max3A_2568 : vector<16xi32>
        %get3A_2571 = arith.constant 576 : index
        %get3A_2572 = tpu.vector_load %arg7[%get3A_2571] {strides = array<i32>} : memref<832xi32, #tpu.memory_space<vmem>>, vector<16xi32>,
        %get3A_2573 = vector.shape_cast %get3A_2572 : vector<16xi32> to vector<16xi32>
        %add3A_2574 = arith.addi %min3A_2570, %get3A_2573 : vector<16xi32>
        %swap3A_2575 = arith.index_cast %sub3A_1869 : i32 to index
        %swap3A_2576 = arith.constant 576 : index
        %swap3A_2577 = tpu.vector_load %arg6[%swap3A_2575, %swap3A_2576] {strides = array<i32>} : memref<2x832xi32, #tpu.memory_space<vmem>>, vector<1x16xi32>,
        %swap3A_2578 = vector.shape_cast %swap3A_2577 : vector<1x16xi32> to vector<16xi32>
        %swap3A_2579 = vector.shape_cast %add3A_2574 : vector<16xi32> to vector<1x16xi32>
        tpu.vector_store %arg6[%swap3A_2575, %swap3A_2576], %swap3A_2579 {strides = array<i32>} : memref<2x832xi32, #tpu.memory_space<vmem>>, vector<1x16xi32>,
        %get3A_2580 = arith.index_cast %sub3A_1869 : i32 to index
        %get3A_2581 = arith.constant 592 : index
        %get3A_2582 = tpu.vector_load %arg5[%get3A_2580, %get3A_2581] {strides = array<i32>} : memref<2x832xi32, #tpu.memory_space<vmem>>, vector<1x16xi32>,
        %get3A_2583 = vector.shape_cast %get3A_2582 : vector<1x16xi32> to vector<16xi32>
        %jit3A_2584 = arith.constant 0 : i32
        %jit3A_2585 = arith.constant 1000 : i32
        %max3A_2586 = vector.broadcast %jit3A_2584 : i32 to vector<16xi32>
        %max3A_2587 = arith.maxsi %max3A_2586, %get3A_2583 : vector<16xi32>
        %min3A_2588 = vector.broadcast %jit3A_2585 : i32 to vector<16xi32>
        %min3A_2589 = arith.minsi %min3A_2588, %max3A_2587 : vector<16xi32>
        %get3A_2590 = arith.constant 592 : index
        %get3A_2591 = tpu.vector_load %arg7[%get3A_2590] {strides = array<i32>} : memref<832xi32, #tpu.memory_space<vmem>>, vector<16xi32>,
        %get3A_2592 = vector.shape_cast %get3A_2591 : vector<16xi32> to vector<16xi32>
        %add3A_2593 = arith.addi %min3A_2589, %get3A_2592 : vector<16xi32>
        %swap3A_2594 = arith.index_cast %sub3A_1869 : i32 to index
        %swap3A_2595 = arith.constant 592 : index
        %swap3A_2596 = tpu.vector_load %arg6[%swap3A_2594, %swap3A_2595] {strides = array<i32>} : memref<2x832xi32, #tpu.memory_space<vmem>>, vector<1x16xi32>,
        %swap3A_2597 = vector.shape_cast %swap3A_2596 : vector<1x16xi32> to vector<16xi32>
        %swap3A_2598 = vector.shape_cast %add3A_2593 : vector<16xi32> to vector<1x16xi32>
        tpu.vector_store %arg6[%swap3A_2594, %swap3A_2595], %swap3A_2598 {strides = array<i32>} : memref<2x832xi32, #tpu.memory_space<vmem>>, vector<1x16xi32>,
        %get3A_2599 = arith.index_cast %sub3A_1869 : i32 to index
        %get3A_2600 = arith.constant 608 : index
        %get3A_2601 = tpu.vector_load %arg5[%get3A_2599, %get3A_2600] {strides = array<i32>} : memref<2x832xi32, #tpu.memory_space<vmem>>, vector<1x16xi32>,
        %get3A_2602 = vector.shape_cast %get3A_2601 : vector<1x16xi32> to vector<16xi32>
        %jit3A_2603 = arith.constant 0 : i32
        %jit3A_2604 = arith.constant 1000 : i32
        %max3A_2605 = vector.broadcast %jit3A_2603 : i32 to vector<16xi32>
        %max3A_2606 = arith.maxsi %max3A_2605, %get3A_2602 : vector<16xi32>
        %min3A_2607 = vector.broadcast %jit3A_2604 : i32 to vector<16xi32>
        %min3A_2608 = arith.minsi %min3A_2607, %max3A_2606 : vector<16xi32>
        %get3A_2609 = arith.constant 608 : index
        %get3A_2610 = tpu.vector_load %arg7[%get3A_2609] {strides = array<i32>} : memref<832xi32, #tpu.memory_space<vmem>>, vector<16xi32>,
        %get3A_2611 = vector.shape_cast %get3A_2610 : vector<16xi32> to vector<16xi32>
        %add3A_2612 = arith.addi %min3A_2608, %get3A_2611 : vector<16xi32>
        %swap3A_2613 = arith.index_cast %sub3A_1869 : i32 to index
        %swap3A_2614 = arith.constant 608 : index
        %swap3A_2615 = tpu.vector_load %arg6[%swap3A_2613, %swap3A_2614] {strides = array<i32>} : memref<2x832xi32, #tpu.memory_space<vmem>>, vector<1x16xi32>,
        %swap3A_2616 = vector.shape_cast %swap3A_2615 : vector<1x16xi32> to vector<16xi32>
        %swap3A_2617 = vector.shape_cast %add3A_2612 : vector<16xi32> to vector<1x16xi32>
        tpu.vector_store %arg6[%swap3A_2613, %swap3A_2614], %swap3A_2617 {strides = array<i32>} : memref<2x832xi32, #tpu.memory_space<vmem>>, vector<1x16xi32>,
        %get3A_2618 = arith.index_cast %sub3A_1869 : i32 to index
        %get3A_2619 = arith.constant 624 : index
        %get3A_2620 = tpu.vector_load %arg5[%get3A_2618, %get3A_2619] {strides = array<i32>} : memref<2x832xi32, #tpu.memory_space<vmem>>, vector<1x16xi32>,
        %get3A_2621 = vector.shape_cast %get3A_2620 : vector<1x16xi32> to vector<16xi32>
        %jit3A_2622 = arith.constant 0 : i32
        %jit3A_2623 = arith.constant 1000 : i32
        %max3A_2624 = vector.broadcast %jit3A_2622 : i32 to vector<16xi32>
        %max3A_2625 = arith.maxsi %max3A_2624, %get3A_2621 : vector<16xi32>
        %min3A_2626 = vector.broadcast %jit3A_2623 : i32 to vector<16xi32>
        %min3A_2627 = arith.minsi %min3A_2626, %max3A_2625 : vector<16xi32>
        %get3A_2628 = arith.constant 624 : index
        %get3A_2629 = tpu.vector_load %arg7[%get3A_2628] {strides = array<i32>} : memref<832xi32, #tpu.memory_space<vmem>>, vector<16xi32>,
        %get3A_2630 = vector.shape_cast %get3A_2629 : vector<16xi32> to vector<16xi32>
        %add3A_2631 = arith.addi %min3A_2627, %get3A_2630 : vector<16xi32>
        %swap3A_2632 = arith.index_cast %sub3A_1869 : i32 to index
        %swap3A_2633 = arith.constant 624 : index
        %swap3A_2634 = tpu.vector_load %arg6[%swap3A_2632, %swap3A_2633] {strides = array<i32>} : memref<2x832xi32, #tpu.memory_space<vmem>>, vector<1x16xi32>,
        %swap3A_2635 = vector.shape_cast %swap3A_2634 : vector<1x16xi32> to vector<16xi32>
        %swap3A_2636 = vector.shape_cast %add3A_2631 : vector<16xi32> to vector<1x16xi32>
        tpu.vector_store %arg6[%swap3A_2632, %swap3A_2633], %swap3A_2636 {strides = array<i32>} : memref<2x832xi32, #tpu.memory_space<vmem>>, vector<1x16xi32>,
        %get3A_2637 = arith.index_cast %sub3A_1869 : i32 to index
        %get3A_2638 = arith.constant 640 : index
        %get3A_2639 = tpu.vector_load %arg5[%get3A_2637, %get3A_2638] {strides = array<i32>} : memref<2x832xi32, #tpu.memory_space<vmem>>, vector<1x16xi32>,
        %get3A_2640 = vector.shape_cast %get3A_2639 : vector<1x16xi32> to vector<16xi32>
        %jit3A_2641 = arith.constant 0 : i32
        %jit3A_2642 = arith.constant 1000 : i32
        %max3A_2643 = vector.broadcast %jit3A_2641 : i32 to vector<16xi32>
        %max3A_2644 = arith.maxsi %max3A_2643, %get3A_2640 : vector<16xi32>
        %min3A_2645 = vector.broadcast %jit3A_2642 : i32 to vector<16xi32>
        %min3A_2646 = arith.minsi %min3A_2645, %max3A_2644 : vector<16xi32>
        %get3A_2647 = arith.constant 640 : index
        %get3A_2648 = tpu.vector_load %arg7[%get3A_2647] {strides = array<i32>} : memref<832xi32, #tpu.memory_space<vmem>>, vector<16xi32>,
        %get3A_2649 = vector.shape_cast %get3A_2648 : vector<16xi32> to vector<16xi32>
        %add3A_2650 = arith.addi %min3A_2646, %get3A_2649 : vector<16xi32>
        %swap3A_2651 = arith.index_cast %sub3A_1869 : i32 to index
        %swap3A_2652 = arith.constant 640 : index
        %swap3A_2653 = tpu.vector_load %arg6[%swap3A_2651, %swap3A_2652] {strides = array<i32>} : memref<2x832xi32, #tpu.memory_space<vmem>>, vector<1x16xi32>,
        %swap3A_2654 = vector.shape_cast %swap3A_2653 : vector<1x16xi32> to vector<16xi32>
        %swap3A_2655 = vector.shape_cast %add3A_2650 : vector<16xi32> to vector<1x16xi32>
        tpu.vector_store %arg6[%swap3A_2651, %swap3A_2652], %swap3A_2655 {strides = array<i32>} : memref<2x832xi32, #tpu.memory_space<vmem>>, vector<1x16xi32>,
        %get3A_2656 = arith.index_cast %sub3A_1869 : i32 to index
        %get3A_2657 = arith.constant 656 : index
        %get3A_2658 = tpu.vector_load %arg5[%get3A_2656, %get3A_2657] {strides = array<i32>} : memref<2x832xi32, #tpu.memory_space<vmem>>, vector<1x16xi32>,
        %get3A_2659 = vector.shape_cast %get3A_2658 : vector<1x16xi32> to vector<16xi32>
        %jit3A_2660 = arith.constant 0 : i32
        %jit3A_2661 = arith.constant 1000 : i32
        %max3A_2662 = vector.broadcast %jit3A_2660 : i32 to vector<16xi32>
        %max3A_2663 = arith.maxsi %max3A_2662, %get3A_2659 : vector<16xi32>
        %min3A_2664 = vector.broadcast %jit3A_2661 : i32 to vector<16xi32>
        %min3A_2665 = arith.minsi %min3A_2664, %max3A_2663 : vector<16xi32>
        %get3A_2666 = arith.constant 656 : index
        %get3A_2667 = tpu.vector_load %arg7[%get3A_2666] {strides = array<i32>} : memref<832xi32, #tpu.memory_space<vmem>>, vector<16xi32>,
        %get3A_2668 = vector.shape_cast %get3A_2667 : vector<16xi32> to vector<16xi32>
        %add3A_2669 = arith.addi %min3A_2665, %get3A_2668 : vector<16xi32>
        %swap3A_2670 = arith.index_cast %sub3A_1869 : i32 to index
        %swap3A_2671 = arith.constant 656 : index
        %swap3A_2672 = tpu.vector_load %arg6[%swap3A_2670, %swap3A_2671] {strides = array<i32>} : memref<2x832xi32, #tpu.memory_space<vmem>>, vector<1x16xi32>,
        %swap3A_2673 = vector.shape_cast %swap3A_2672 : vector<1x16xi32> to vector<16xi32>
        %swap3A_2674 = vector.shape_cast %add3A_2669 : vector<16xi32> to vector<1x16xi32>
        tpu.vector_store %arg6[%swap3A_2670, %swap3A_2671], %swap3A_2674 {strides = array<i32>} : memref<2x832xi32, #tpu.memory_space<vmem>>, vector<1x16xi32>,
        %get3A_2675 = arith.index_cast %sub3A_1869 : i32 to index
        %get3A_2676 = arith.constant 672 : index
        %get3A_2677 = tpu.vector_load %arg5[%get3A_2675, %get3A_2676] {strides = array<i32>} : memref<2x832xi32, #tpu.memory_space<vmem>>, vector<1x16xi32>,
        %get3A_2678 = vector.shape_cast %get3A_2677 : vector<1x16xi32> to vector<16xi32>
        %jit3A_2679 = arith.constant 0 : i32
        %jit3A_2680 = arith.constant 1000 : i32
        %max3A_2681 = vector.broadcast %jit3A_2679 : i32 to vector<16xi32>
        %max3A_2682 = arith.maxsi %max3A_2681, %get3A_2678 : vector<16xi32>
        %min3A_2683 = vector.broadcast %jit3A_2680 : i32 to vector<16xi32>
        %min3A_2684 = arith.minsi %min3A_2683, %max3A_2682 : vector<16xi32>
        %get3A_2685 = arith.constant 672 : index
        %get3A_2686 = tpu.vector_load %arg7[%get3A_2685] {strides = array<i32>} : memref<832xi32, #tpu.memory_space<vmem>>, vector<16xi32>,
        %get3A_2687 = vector.shape_cast %get3A_2686 : vector<16xi32> to vector<16xi32>
        %add3A_2688 = arith.addi %min3A_2684, %get3A_2687 : vector<16xi32>
        %swap3A_2689 = arith.index_cast %sub3A_1869 : i32 to index
        %swap3A_2690 = arith.constant 672 : index
        %swap3A_2691 = tpu.vector_load %arg6[%swap3A_2689, %swap3A_2690] {strides = array<i32>} : memref<2x832xi32, #tpu.memory_space<vmem>>, vector<1x16xi32>,
        %swap3A_2692 = vector.shape_cast %swap3A_2691 : vector<1x16xi32> to vector<16xi32>
        %swap3A_2693 = vector.shape_cast %add3A_2688 : vector<16xi32> to vector<1x16xi32>
        tpu.vector_store %arg6[%swap3A_2689, %swap3A_2690], %swap3A_2693 {strides = array<i32>} : memref<2x832xi32, #tpu.memory_space<vmem>>, vector<1x16xi32>,
        %get3A_2694 = arith.index_cast %sub3A_1869 : i32 to index
        %get3A_2695 = arith.constant 688 : index
        %get3A_2696 = tpu.vector_load %arg5[%get3A_2694, %get3A_2695] {strides = array<i32>} : memref<2x832xi32, #tpu.memory_space<vmem>>, vector<1x16xi32>,
        %get3A_2697 = vector.shape_cast %get3A_2696 : vector<1x16xi32> to vector<16xi32>
        %jit3A_2698 = arith.constant 0 : i32
        %jit3A_2699 = arith.constant 1000 : i32
        %max3A_2700 = vector.broadcast %jit3A_2698 : i32 to vector<16xi32>
        %max3A_2701 = arith.maxsi %max3A_2700, %get3A_2697 : vector<16xi32>
        %min3A_2702 = vector.broadcast %jit3A_2699 : i32 to vector<16xi32>
        %min3A_2703 = arith.minsi %min3A_2702, %max3A_2701 : vector<16xi32>
        %get3A_2704 = arith.constant 688 : index
        %get3A_2705 = tpu.vector_load %arg7[%get3A_2704] {strides = array<i32>} : memref<832xi32, #tpu.memory_space<vmem>>, vector<16xi32>,
        %get3A_2706 = vector.shape_cast %get3A_2705 : vector<16xi32> to vector<16xi32>
        %add3A_2707 = arith.addi %min3A_2703, %get3A_2706 : vector<16xi32>
        %swap3A_2708 = arith.index_cast %sub3A_1869 : i32 to index
        %swap3A_2709 = arith.constant 688 : index
        %swap3A_2710 = tpu.vector_load %arg6[%swap3A_2708, %swap3A_2709] {strides = array<i32>} : memref<2x832xi32, #tpu.memory_space<vmem>>, vector<1x16xi32>,
        %swap3A_2711 = vector.shape_cast %swap3A_2710 : vector<1x16xi32> to vector<16xi32>
        %swap3A_2712 = vector.shape_cast %add3A_2707 : vector<16xi32> to vector<1x16xi32>
        tpu.vector_store %arg6[%swap3A_2708, %swap3A_2709], %swap3A_2712 {strides = array<i32>} : memref<2x832xi32, #tpu.memory_space<vmem>>, vector<1x16xi32>,
        %get3A_2713 = arith.index_cast %sub3A_1869 : i32 to index
        %get3A_2714 = arith.constant 704 : index
        %get3A_2715 = tpu.vector_load %arg5[%get3A_2713, %get3A_2714] {strides = array<i32>} : memref<2x832xi32, #tpu.memory_space<vmem>>, vector<1x16xi32>,
        %get3A_2716 = vector.shape_cast %get3A_2715 : vector<1x16xi32> to vector<16xi32>
        %jit3A_2717 = arith.constant 0 : i32
        %jit3A_2718 = arith.constant 1000 : i32
        %max3A_2719 = vector.broadcast %jit3A_2717 : i32 to vector<16xi32>
        %max3A_2720 = arith.maxsi %max3A_2719, %get3A_2716 : vector<16xi32>
        %min3A_2721 = vector.broadcast %jit3A_2718 : i32 to vector<16xi32>
        %min3A_2722 = arith.minsi %min3A_2721, %max3A_2720 : vector<16xi32>
        %get3A_2723 = arith.constant 704 : index
        %get3A_2724 = tpu.vector_load %arg7[%get3A_2723] {strides = array<i32>} : memref<832xi32, #tpu.memory_space<vmem>>, vector<16xi32>,
        %get3A_2725 = vector.shape_cast %get3A_2724 : vector<16xi32> to vector<16xi32>
        %add3A_2726 = arith.addi %min3A_2722, %get3A_2725 : vector<16xi32>
        %swap3A_2727 = arith.index_cast %sub3A_1869 : i32 to index
        %swap3A_2728 = arith.constant 704 : index
        %swap3A_2729 = tpu.vector_load %arg6[%swap3A_2727, %swap3A_2728] {strides = array<i32>} : memref<2x832xi32, #tpu.memory_space<vmem>>, vector<1x16xi32>,
        %swap3A_2730 = vector.shape_cast %swap3A_2729 : vector<1x16xi32> to vector<16xi32>
        %swap3A_2731 = vector.shape_cast %add3A_2726 : vector<16xi32> to vector<1x16xi32>
        tpu.vector_store %arg6[%swap3A_2727, %swap3A_2728], %swap3A_2731 {strides = array<i32>} : memref<2x832xi32, #tpu.memory_space<vmem>>, vector<1x16xi32>,
        %get3A_2732 = arith.index_cast %sub3A_1869 : i32 to index
        %get3A_2733 = arith.constant 720 : index
        %get3A_2734 = tpu.vector_load %arg5[%get3A_2732, %get3A_2733] {strides = array<i32>} : memref<2x832xi32, #tpu.memory_space<vmem>>, vector<1x16xi32>,
        %get3A_2735 = vector.shape_cast %get3A_2734 : vector<1x16xi32> to vector<16xi32>
        %jit3A_2736 = arith.constant 0 : i32
        %jit3A_2737 = arith.constant 1000 : i32
        %max3A_2738 = vector.broadcast %jit3A_2736 : i32 to vector<16xi32>
        %max3A_2739 = arith.maxsi %max3A_2738, %get3A_2735 : vector<16xi32>
        %min3A_2740 = vector.broadcast %jit3A_2737 : i32 to vector<16xi32>
        %min3A_2741 = arith.minsi %min3A_2740, %max3A_2739 : vector<16xi32>
        %get3A_2742 = arith.constant 720 : index
        %get3A_2743 = tpu.vector_load %arg7[%get3A_2742] {strides = array<i32>} : memref<832xi32, #tpu.memory_space<vmem>>, vector<16xi32>,
        %get3A_2744 = vector.shape_cast %get3A_2743 : vector<16xi32> to vector<16xi32>
        %add3A_2745 = arith.addi %min3A_2741, %get3A_2744 : vector<16xi32>
        %swap3A_2746 = arith.index_cast %sub3A_1869 : i32 to index
        %swap3A_2747 = arith.constant 720 : index
        %swap3A_2748 = tpu.vector_load %arg6[%swap3A_2746, %swap3A_2747] {strides = array<i32>} : memref<2x832xi32, #tpu.memory_space<vmem>>, vector<1x16xi32>,
        %swap3A_2749 = vector.shape_cast %swap3A_2748 : vector<1x16xi32> to vector<16xi32>
        %swap3A_2750 = vector.shape_cast %add3A_2745 : vector<16xi32> to vector<1x16xi32>
        tpu.vector_store %arg6[%swap3A_2746, %swap3A_2747], %swap3A_2750 {strides = array<i32>} : memref<2x832xi32, #tpu.memory_space<vmem>>, vector<1x16xi32>,
        %get3A_2751 = arith.index_cast %sub3A_1869 : i32 to index
        %get3A_2752 = arith.constant 736 : index
        %get3A_2753 = tpu.vector_load %arg5[%get3A_2751, %get3A_2752] {strides = array<i32>} : memref<2x832xi32, #tpu.memory_space<vmem>>, vector<1x16xi32>,
        %get3A_2754 = vector.shape_cast %get3A_2753 : vector<1x16xi32> to vector<16xi32>
        %jit3A_2755 = arith.constant 0 : i32
        %jit3A_2756 = arith.constant 1000 : i32
        %max3A_2757 = vector.broadcast %jit3A_2755 : i32 to vector<16xi32>
        %max3A_2758 = arith.maxsi %max3A_2757, %get3A_2754 : vector<16xi32>
        %min3A_2759 = vector.broadcast %jit3A_2756 : i32 to vector<16xi32>
        %min3A_2760 = arith.minsi %min3A_2759, %max3A_2758 : vector<16xi32>
        %get3A_2761 = arith.constant 736 : index
        %get3A_2762 = tpu.vector_load %arg7[%get3A_2761] {strides = array<i32>} : memref<832xi32, #tpu.memory_space<vmem>>, vector<16xi32>,
        %get3A_2763 = vector.shape_cast %get3A_2762 : vector<16xi32> to vector<16xi32>
        %add3A_2764 = arith.addi %min3A_2760, %get3A_2763 : vector<16xi32>
        %swap3A_2765 = arith.index_cast %sub3A_1869 : i32 to index
        %swap3A_2766 = arith.constant 736 : index
        %swap3A_2767 = tpu.vector_load %arg6[%swap3A_2765, %swap3A_2766] {strides = array<i32>} : memref<2x832xi32, #tpu.memory_space<vmem>>, vector<1x16xi32>,
        %swap3A_2768 = vector.shape_cast %swap3A_2767 : vector<1x16xi32> to vector<16xi32>
        %swap3A_2769 = vector.shape_cast %add3A_2764 : vector<16xi32> to vector<1x16xi32>
        tpu.vector_store %arg6[%swap3A_2765, %swap3A_2766], %swap3A_2769 {strides = array<i32>} : memref<2x832xi32, #tpu.memory_space<vmem>>, vector<1x16xi32>,
        %get3A_2770 = arith.index_cast %sub3A_1869 : i32 to index
        %get3A_2771 = arith.constant 752 : index
        %get3A_2772 = tpu.vector_load %arg5[%get3A_2770, %get3A_2771] {strides = array<i32>} : memref<2x832xi32, #tpu.memory_space<vmem>>, vector<1x16xi32>,
        %get3A_2773 = vector.shape_cast %get3A_2772 : vector<1x16xi32> to vector<16xi32>
        %jit3A_2774 = arith.constant 0 : i32
        %jit3A_2775 = arith.constant 1000 : i32
        %max3A_2776 = vector.broadcast %jit3A_2774 : i32 to vector<16xi32>
        %max3A_2777 = arith.maxsi %max3A_2776, %get3A_2773 : vector<16xi32>
        %min3A_2778 = vector.broadcast %jit3A_2775 : i32 to vector<16xi32>
        %min3A_2779 = arith.minsi %min3A_2778, %max3A_2777 : vector<16xi32>
        %get3A_2780 = arith.constant 752 : index
        %get3A_2781 = tpu.vector_load %arg7[%get3A_2780] {strides = array<i32>} : memref<832xi32, #tpu.memory_space<vmem>>, vector<16xi32>,
        %get3A_2782 = vector.shape_cast %get3A_2781 : vector<16xi32> to vector<16xi32>
        %add3A_2783 = arith.addi %min3A_2779, %get3A_2782 : vector<16xi32>
        %swap3A_2784 = arith.index_cast %sub3A_1869 : i32 to index
        %swap3A_2785 = arith.constant 752 : index
        %swap3A_2786 = tpu.vector_load %arg6[%swap3A_2784, %swap3A_2785] {strides = array<i32>} : memref<2x832xi32, #tpu.memory_space<vmem>>, vector<1x16xi32>,
        %swap3A_2787 = vector.shape_cast %swap3A_2786 : vector<1x16xi32> to vector<16xi32>
        %swap3A_2788 = vector.shape_cast %add3A_2783 : vector<16xi32> to vector<1x16xi32>
        tpu.vector_store %arg6[%swap3A_2784, %swap3A_2785], %swap3A_2788 {strides = array<i32>} : memref<2x832xi32, #tpu.memory_space<vmem>>, vector<1x16xi32>,
        %get3A_2789 = arith.index_cast %sub3A_1869 : i32 to index
        %get3A_2790 = arith.constant 768 : index
        %get3A_2791 = tpu.vector_load %arg5[%get3A_2789, %get3A_2790] {strides = array<i32>} : memref<2x832xi32, #tpu.memory_space<vmem>>, vector<1x16xi32>,
        %get3A_2792 = vector.shape_cast %get3A_2791 : vector<1x16xi32> to vector<16xi32>
        %jit3A_2793 = arith.constant 0 : i32
        %jit3A_2794 = arith.constant 1000 : i32
        %max3A_2795 = vector.broadcast %jit3A_2793 : i32 to vector<16xi32>
        %max3A_2796 = arith.maxsi %max3A_2795, %get3A_2792 : vector<16xi32>
        %min3A_2797 = vector.broadcast %jit3A_2794 : i32 to vector<16xi32>
        %min3A_2798 = arith.minsi %min3A_2797, %max3A_2796 : vector<16xi32>
        %get3A_2799 = arith.constant 768 : index
        %get3A_2800 = tpu.vector_load %arg7[%get3A_2799] {strides = array<i32>} : memref<832xi32, #tpu.memory_space<vmem>>, vector<16xi32>,
        %get3A_2801 = vector.shape_cast %get3A_2800 : vector<16xi32> to vector<16xi32>
        %add3A_2802 = arith.addi %min3A_2798, %get3A_2801 : vector<16xi32>
        %swap3A_2803 = arith.index_cast %sub3A_1869 : i32 to index
        %swap3A_2804 = arith.constant 768 : index
        %swap3A_2805 = tpu.vector_load %arg6[%swap3A_2803, %swap3A_2804] {strides = array<i32>} : memref<2x832xi32, #tpu.memory_space<vmem>>, vector<1x16xi32>,
        %swap3A_2806 = vector.shape_cast %swap3A_2805 : vector<1x16xi32> to vector<16xi32>
        %swap3A_2807 = vector.shape_cast %add3A_2802 : vector<16xi32> to vector<1x16xi32>
        tpu.vector_store %arg6[%swap3A_2803, %swap3A_2804], %swap3A_2807 {strides = array<i32>} : memref<2x832xi32, #tpu.memory_space<vmem>>, vector<1x16xi32>,
        %get3A_2808 = arith.index_cast %sub3A_1869 : i32 to index
        %get3A_2809 = arith.constant 784 : index
        %get3A_2810 = tpu.vector_load %arg5[%get3A_2808, %get3A_2809] {strides = array<i32>} : memref<2x832xi32, #tpu.memory_space<vmem>>, vector<1x16xi32>,
        %get3A_2811 = vector.shape_cast %get3A_2810 : vector<1x16xi32> to vector<16xi32>
        %jit3A_2812 = arith.constant 0 : i32
        %jit3A_2813 = arith.constant 1000 : i32
        %max3A_2814 = vector.broadcast %jit3A_2812 : i32 to vector<16xi32>
        %max3A_2815 = arith.maxsi %max3A_2814, %get3A_2811 : vector<16xi32>
        %min3A_2816 = vector.broadcast %jit3A_2813 : i32 to vector<16xi32>
        %min3A_2817 = arith.minsi %min3A_2816, %max3A_2815 : vector<16xi32>
        %get3A_2818 = arith.constant 784 : index
        %get3A_2819 = tpu.vector_load %arg7[%get3A_2818] {strides = array<i32>} : memref<832xi32, #tpu.memory_space<vmem>>, vector<16xi32>,
        %get3A_2820 = vector.shape_cast %get3A_2819 : vector<16xi32> to vector<16xi32>
        %add3A_2821 = arith.addi %min3A_2817, %get3A_2820 : vector<16xi32>
        %swap3A_2822 = arith.index_cast %sub3A_1869 : i32 to index
        %swap3A_2823 = arith.constant 784 : index
        %swap3A_2824 = tpu.vector_load %arg6[%swap3A_2822, %swap3A_2823] {strides = array<i32>} : memref<2x832xi32, #tpu.memory_space<vmem>>, vector<1x16xi32>,
        %swap3A_2825 = vector.shape_cast %swap3A_2824 : vector<1x16xi32> to vector<16xi32>
        %swap3A_2826 = vector.shape_cast %add3A_2821 : vector<16xi32> to vector<1x16xi32>
        tpu.vector_store %arg6[%swap3A_2822, %swap3A_2823], %swap3A_2826 {strides = array<i32>} : memref<2x832xi32, #tpu.memory_space<vmem>>, vector<1x16xi32>,
        %get3A_2827 = arith.index_cast %sub3A_1869 : i32 to index
        %get3A_2828 = arith.constant 800 : index
        %get3A_2829 = tpu.vector_load %arg5[%get3A_2827, %get3A_2828] {strides = array<i32>} : memref<2x832xi32, #tpu.memory_space<vmem>>, vector<1x16xi32>,
        %get3A_2830 = vector.shape_cast %get3A_2829 : vector<1x16xi32> to vector<16xi32>
        %jit3A_2831 = arith.constant 0 : i32
        %jit3A_2832 = arith.constant 1000 : i32
        %max3A_2833 = vector.broadcast %jit3A_2831 : i32 to vector<16xi32>
        %max3A_2834 = arith.maxsi %max3A_2833, %get3A_2830 : vector<16xi32>
        %min3A_2835 = vector.broadcast %jit3A_2832 : i32 to vector<16xi32>
        %min3A_2836 = arith.minsi %min3A_2835, %max3A_2834 : vector<16xi32>
        %get3A_2837 = arith.constant 800 : index
        %get3A_2838 = tpu.vector_load %arg7[%get3A_2837] {strides = array<i32>} : memref<832xi32, #tpu.memory_space<vmem>>, vector<16xi32>,
        %get3A_2839 = vector.shape_cast %get3A_2838 : vector<16xi32> to vector<16xi32>
        %add3A_2840 = arith.addi %min3A_2836, %get3A_2839 : vector<16xi32>
        %swap3A_2841 = arith.index_cast %sub3A_1869 : i32 to index
        %swap3A_2842 = arith.constant 800 : index
        %swap3A_2843 = tpu.vector_load %arg6[%swap3A_2841, %swap3A_2842] {strides = array<i32>} : memref<2x832xi32, #tpu.memory_space<vmem>>, vector<1x16xi32>,
        %swap3A_2844 = vector.shape_cast %swap3A_2843 : vector<1x16xi32> to vector<16xi32>
        %swap3A_2845 = vector.shape_cast %add3A_2840 : vector<16xi32> to vector<1x16xi32>
        tpu.vector_store %arg6[%swap3A_2841, %swap3A_2842], %swap3A_2845 {strides = array<i32>} : memref<2x832xi32, #tpu.memory_space<vmem>>, vector<1x16xi32>,
        %get3A_2846 = arith.index_cast %sub3A_1869 : i32 to index
        %get3A_2847 = arith.constant 816 : index
        %get3A_2848 = tpu.vector_load %arg5[%get3A_2846, %get3A_2847] {strides = array<i32>} : memref<2x832xi32, #tpu.memory_space<vmem>>, vector<1x16xi32>,
        %get3A_2849 = vector.shape_cast %get3A_2848 : vector<1x16xi32> to vector<16xi32>
        %jit3A_2850 = arith.constant 0 : i32
        %jit3A_2851 = arith.constant 1000 : i32
        %max3A_2852 = vector.broadcast %jit3A_2850 : i32 to vector<16xi32>
        %max3A_2853 = arith.maxsi %max3A_2852, %get3A_2849 : vector<16xi32>
        %min3A_2854 = vector.broadcast %jit3A_2851 : i32 to vector<16xi32>
        %min3A_2855 = arith.minsi %min3A_2854, %max3A_2853 : vector<16xi32>
        %get3A_2856 = arith.constant 816 : index
        %get3A_2857 = tpu.vector_load %arg7[%get3A_2856] {strides = array<i32>} : memref<832xi32, #tpu.memory_space<vmem>>, vector<16xi32>,
        %get3A_2858 = vector.shape_cast %get3A_2857 : vector<16xi32> to vector<16xi32>
        %add3A_2859 = arith.addi %min3A_2855, %get3A_2858 : vector<16xi32>
        %swap3A_2860 = arith.index_cast %sub3A_1869 : i32 to index
        %swap3A_2861 = arith.constant 816 : index
        %swap3A_2862 = tpu.vector_load %arg6[%swap3A_2860, %swap3A_2861] {strides = array<i32>} : memref<2x832xi32, #tpu.memory_space<vmem>>, vector<1x16xi32>,
        %swap3A_2863 = vector.shape_cast %swap3A_2862 : vector<1x16xi32> to vector<16xi32>
        %swap3A_2864 = vector.shape_cast %add3A_2859 : vector<16xi32> to vector<1x16xi32>
        tpu.vector_store %arg6[%swap3A_2860, %swap3A_2861], %swap3A_2864 {strides = array<i32>} : memref<2x832xi32, #tpu.memory_space<vmem>>, vector<1x16xi32>,
        %dma_start3A_2865 = arith.constant 0 : i32
        %dma_start3A_2866 = arith.constant 0 : i32
        %dma_start3A_2867 = tpu.memref_slice %arg8[%sub3A_1869, %dma_start3A_2865, %dma_start3A_2866] : memref<2x832x64xf32, #tpu.memory_space<vmem>> -> memref<1x832x64xf32, #tpu.memory_space<vmem>>
        %dma_start3A_2868 = tpu.memref_squeeze %dma_start3A_2867 : memref<1x832x64xf32, #tpu.memory_space<vmem>> -> memref<832x64xf32, #tpu.memory_space<vmem>>
        %dma_start3A_2869 = arith.constant 0 : i32
        %dma_start3A_2870 = tpu.memref_slice %arg6[%sub3A_1869, %dma_start3A_2869] : memref<2x832xi32, #tpu.memory_space<vmem>> -> memref<1x832xi32, #tpu.memory_space<vmem>>
        %dma_start3A_2871 = tpu.memref_squeeze %dma_start3A_2870 : memref<1x832xi32, #tpu.memory_space<vmem>> -> memref<832xi32, #tpu.memory_space<vmem>>
        %dma_start3A_2872 = arith.constant 0 : i32
        %dma_start3A_2873 = arith.constant 0 : i32
        %dma_start3A_2874 = tpu.memref_slice %arg3[%dma_start3A_2872, %dma_start3A_2873] : memref<26026x64xf32, #tpu.memory_space<hbm>> -> memref<26026x64xf32, #tpu.memory_space<hbm>>
        %dma_start3A_2875 = tpu.memref_slice %arg10[%sub3A_1869] : memref<2x!tpu.dma_semaphore, #tpu.memory_space<semaphore_mem>> -> memref<1x!tpu.dma_semaphore, #tpu.memory_space<semaphore_mem>>
        %dma_start3A_2876 = tpu.memref_squeeze %dma_start3A_2875 : memref<1x!tpu.dma_semaphore, #tpu.memory_space<semaphore_mem>> -> memref<!tpu.dma_semaphore, #tpu.memory_space<semaphore_mem>>
        tpu.enqueue_indirect_dma source(%dma_start3A_2874 : memref<26026x64xf32, #tpu.memory_space<hbm>>) target(%dma_start3A_2868 : memref<832x64xf32, #tpu.memory_space<vmem>>) offsets(%dma_start3A_2871 : memref<832xi32, #tpu.memory_space<vmem>>) semaphore(%dma_start3A_2876 : memref<!tpu.dma_semaphore, #tpu.memory_space<semaphore_mem>>)
      } else {
      }
      %dma_wait3A = arith.constant 0 : i32
      %dma_wait3A_1847 = arith.constant 0 : i32
      %dma_wait3A_1848 = tpu.memref_slice %arg8[%rem3A_1842, %dma_wait3A, %dma_wait3A_1847] : memref<2x832x64xf32, #tpu.memory_space<vmem>> -> memref<1x832x64xf32, #tpu.memory_space<vmem>>
      %dma_wait3A_1849 = tpu.memref_squeeze %dma_wait3A_1848 : memref<1x832x64xf32, #tpu.memory_space<vmem>> -> memref<832x64xf32, #tpu.memory_space<vmem>>
      %dma_wait3A_1850 = arith.constant 0 : i32
      %dma_wait3A_1851 = tpu.memref_slice %arg6[%rem3A_1842, %dma_wait3A_1850] : memref<2x832xi32, #tpu.memory_space<vmem>> -> memref<1x832xi32, #tpu.memory_space<vmem>>
      %dma_wait3A_1852 = tpu.memref_squeeze %dma_wait3A_1851 : memref<1x832xi32, #tpu.memory_space<vmem>> -> memref<832xi32, #tpu.memory_space<vmem>>
      %dma_wait3A_1853 = arith.constant 0 : i32
      %dma_wait3A_1854 = arith.constant 0 : i32
      %dma_wait3A_1855 = tpu.memref_slice %arg3[%dma_wait3A_1853, %dma_wait3A_1854] : memref<26026x64xf32, #tpu.memory_space<hbm>> -> memref<26026x64xf32, #tpu.memory_space<hbm>>
      %dma_wait3A_1856 = tpu.memref_slice %arg10[%rem3A_1842] : memref<2x!tpu.dma_semaphore, #tpu.memory_space<semaphore_mem>> -> memref<1x!tpu.dma_semaphore, #tpu.memory_space<semaphore_mem>>
      %dma_wait3A_1857 = tpu.memref_squeeze %dma_wait3A_1856 : memref<1x!tpu.dma_semaphore, #tpu.memory_space<semaphore_mem>> -> memref<!tpu.dma_semaphore, #tpu.memory_space<semaphore_mem>>
      tpu.wait_indirect_dma semaphore(%dma_wait3A_1857 : memref<!tpu.dma_semaphore, #tpu.memory_space<semaphore_mem>>) src(%dma_wait3A_1855 : memref<26026x64xf32, #tpu.memory_space<hbm>>) dst(%dma_wait3A_1849 : memref<832x64xf32, #tpu.memory_space<vmem>>)
      %scan3A_1858 = arith.constant 0 : i32
      %scan3A_1859 = arith.constant 0 : i32
      %scan3A_1860 = arith.constant 8 : i32
      %scan3A_1861 = arith.addi %scan3A_1859, %scan3A_1860 : i32
      %scan3A_1862 = arith.constant 1 : i32
      scf.for %scan3A_1867 = %scan3A_1859 to %scan3A_1861 step %scan3A_1862  : i32 {
        %scan3A_1868 = arith.constant 0 : i32
        %scan3A_1869 = arith.constant 13 : i32
        %scan3A_1870 = arith.addi %scan3A_1868, %scan3A_1869 : i32
        %scan3A_1871 = arith.constant 1 : i32
        scf.for %scan3A_1873 = %scan3A_1868 to %scan3A_1870 step %scan3A_1871  : i32 {
          %mul3A_1874 = arith.constant 104 : i32
          %mul3A_1875 = arith.muli %scan3A_1867, %mul3A_1874 : i32
          %mul3A_1876 = arith.constant 8 : i32
          %mul3A_1877 = arith.muli %mul3A_1876, %scan3A_1873 : i32
          %add3A_1878 = arith.addi %mul3A_1875, %mul3A_1877 : i32
          %add3A_1879 = arith.constant 0 : i32
          %add3A_1880 = arith.addi %add3A_1878, %add3A_1879 : i32
          %get3A_1881 = arith.index_cast %rem3A_1842 : i32 to index
          %get3A_1882 = arith.index_cast %add3A_1880 : i32 to index
          %get3A_1883 = arith.constant 0 : index
          %get3A_1884 = tpu.vector_load %arg8[%get3A_1881, %get3A_1882, %get3A_1883] {strides = array<i32>} : memref<2x832x64xf32, #tpu.memory_space<vmem>>, vector<1x1x16xf32>,
          %get3A_1885 = vector.shape_cast %get3A_1884 : vector<1x1x16xf32> to vector<16xf32>
          %add3A_1886 = arith.constant 1 : i32
          %add3A_1887 = arith.addi %add3A_1880, %add3A_1886 : i32
          %get3A_1888 = arith.index_cast %rem3A_1842 : i32 to index
          %get3A_1889 = arith.index_cast %add3A_1887 : i32 to index
          %get3A_1890 = arith.constant 0 : index
          %get3A_1891 = tpu.vector_load %arg8[%get3A_1888, %get3A_1889, %get3A_1890] {strides = array<i32>} : memref<2x832x64xf32, #tpu.memory_space<vmem>>, vector<1x1x16xf32>,
          %get3A_1892 = vector.shape_cast %get3A_1891 : vector<1x1x16xf32> to vector<16xf32>
          %add3A_1893 = arith.addf %get3A_1885, %get3A_1892 : vector<16xf32>
          %add3A_1894 = arith.constant 2 : i32
          %add3A_1895 = arith.addi %add3A_1880, %add3A_1894 : i32
          %get3A_1896 = arith.index_cast %rem3A_1842 : i32 to index
          %get3A_1897 = arith.index_cast %add3A_1895 : i32 to index
          %get3A_1898 = arith.constant 0 : index
          %get3A_1899 = tpu.vector_load %arg8[%get3A_1896, %get3A_1897, %get3A_1898] {strides = array<i32>} : memref<2x832x64xf32, #tpu.memory_space<vmem>>, vector<1x1x16xf32>,
          %get3A_1900 = vector.shape_cast %get3A_1899 : vector<1x1x16xf32> to vector<16xf32>
          %add3A_1901 = arith.addf %add3A_1893, %get3A_1900 : vector<16xf32>
          %add3A_1902 = arith.constant 3 : i32
          %add3A_1903 = arith.addi %add3A_1880, %add3A_1902 : i32
          %get3A_1904 = arith.index_cast %rem3A_1842 : i32 to index
          %get3A_1905 = arith.index_cast %add3A_1903 : i32 to index
          %get3A_1906 = arith.constant 0 : index
          %get3A_1907 = tpu.vector_load %arg8[%get3A_1904, %get3A_1905, %get3A_1906] {strides = array<i32>} : memref<2x832x64xf32, #tpu.memory_space<vmem>>, vector<1x1x16xf32>,
          %get3A_1908 = vector.shape_cast %get3A_1907 : vector<1x1x16xf32> to vector<16xf32>
          %add3A_1909 = arith.addf %add3A_1901, %get3A_1908 : vector<16xf32>
          %mul3A_1910 = arith.constant 2.500000e-01 : f32
          %mul3A_1911 = vector.broadcast %mul3A_1910 : f32 to vector<16xf32>
          %mul3A_1912 = arith.mulf %add3A_1909, %mul3A_1911 : vector<16xf32>
          %swap3A_1913 = arith.index_cast %scan3A_1873 : i32 to index
          %swap3A_1914 = arith.index_cast %scan3A_1867 : i32 to index
          %swap3A_1915 = arith.constant 0 : index
          %swap3A_1916 = tpu.vector_load %arg9[%swap3A_1913, %swap3A_1914, %swap3A_1915] {strides = array<i32>} : memref<13x8x128xf32, #tpu.memory_space<vmem>>, vector<1x1x16xf32>,
          %swap3A_1917 = vector.shape_cast %swap3A_1916 : vector<1x1x16xf32> to vector<16xf32>
          %swap3A_1918 = vector.shape_cast %mul3A_1912 : vector<16xf32> to vector<1x1x16xf32>
          tpu.vector_store %arg9[%swap3A_1913, %swap3A_1914, %swap3A_1915], %swap3A_1918 {strides = array<i32>} : memref<13x8x128xf32, #tpu.memory_space<vmem>>, vector<1x1x16xf32>,
          %get3A_1919 = arith.index_cast %rem3A_1842 : i32 to index
          %get3A_1920 = arith.index_cast %add3A_1880 : i32 to index
          %get3A_1921 = arith.constant 16 : index
          %get3A_1922 = tpu.vector_load %arg8[%get3A_1919, %get3A_1920, %get3A_1921] {strides = array<i32>} : memref<2x832x64xf32, #tpu.memory_space<vmem>>, vector<1x1x16xf32>,
          %get3A_1923 = vector.shape_cast %get3A_1922 : vector<1x1x16xf32> to vector<16xf32>
          %add3A_1924 = arith.constant 1 : i32
          %add3A_1925 = arith.addi %add3A_1880, %add3A_1924 : i32
          %get3A_1926 = arith.index_cast %rem3A_1842 : i32 to index
          %get3A_1927 = arith.index_cast %add3A_1925 : i32 to index
          %get3A_1928 = arith.constant 16 : index
          %get3A_1929 = tpu.vector_load %arg8[%get3A_1926, %get3A_1927, %get3A_1928] {strides = array<i32>} : memref<2x832x64xf32, #tpu.memory_space<vmem>>, vector<1x1x16xf32>,
          %get3A_1930 = vector.shape_cast %get3A_1929 : vector<1x1x16xf32> to vector<16xf32>
          %add3A_1931 = arith.addf %get3A_1923, %get3A_1930 : vector<16xf32>
          %add3A_1932 = arith.constant 2 : i32
          %add3A_1933 = arith.addi %add3A_1880, %add3A_1932 : i32
          %get3A_1934 = arith.index_cast %rem3A_1842 : i32 to index
          %get3A_1935 = arith.index_cast %add3A_1933 : i32 to index
          %get3A_1936 = arith.constant 16 : index
          %get3A_1937 = tpu.vector_load %arg8[%get3A_1934, %get3A_1935, %get3A_1936] {strides = array<i32>} : memref<2x832x64xf32, #tpu.memory_space<vmem>>, vector<1x1x16xf32>,
          %get3A_1938 = vector.shape_cast %get3A_1937 : vector<1x1x16xf32> to vector<16xf32>
          %add3A_1939 = arith.addf %add3A_1931, %get3A_1938 : vector<16xf32>
          %add3A_1940 = arith.constant 3 : i32
          %add3A_1941 = arith.addi %add3A_1880, %add3A_1940 : i32
          %get3A_1942 = arith.index_cast %rem3A_1842 : i32 to index
          %get3A_1943 = arith.index_cast %add3A_1941 : i32 to index
          %get3A_1944 = arith.constant 16 : index
          %get3A_1945 = tpu.vector_load %arg8[%get3A_1942, %get3A_1943, %get3A_1944] {strides = array<i32>} : memref<2x832x64xf32, #tpu.memory_space<vmem>>, vector<1x1x16xf32>,
          %get3A_1946 = vector.shape_cast %get3A_1945 : vector<1x1x16xf32> to vector<16xf32>
          %add3A_1947 = arith.addf %add3A_1939, %get3A_1946 : vector<16xf32>
          %mul3A_1948 = arith.constant 2.500000e-01 : f32
          %mul3A_1949 = vector.broadcast %mul3A_1948 : f32 to vector<16xf32>
          %mul3A_1950 = arith.mulf %add3A_1947, %mul3A_1949 : vector<16xf32>
          %swap3A_1951 = arith.index_cast %scan3A_1873 : i32 to index
          %swap3A_1952 = arith.index_cast %scan3A_1867 : i32 to index
          %swap3A_1953 = arith.constant 16 : index
          %swap3A_1954 = tpu.vector_load %arg9[%swap3A_1951, %swap3A_1952, %swap3A_1953] {strides = array<i32>} : memref<13x8x128xf32, #tpu.memory_space<vmem>>, vector<1x1x16xf32>,
          %swap3A_1955 = vector.shape_cast %swap3A_1954 : vector<1x1x16xf32> to vector<16xf32>
          %swap3A_1956 = vector.shape_cast %mul3A_1950 : vector<16xf32> to vector<1x1x16xf32>
          tpu.vector_store %arg9[%swap3A_1951, %swap3A_1952, %swap3A_1953], %swap3A_1956 {strides = array<i32>} : memref<13x8x128xf32, #tpu.memory_space<vmem>>, vector<1x1x16xf32>,
          %get3A_1957 = arith.index_cast %rem3A_1842 : i32 to index
          %get3A_1958 = arith.index_cast %add3A_1880 : i32 to index
          %get3A_1959 = arith.constant 32 : index
          %get3A_1960 = tpu.vector_load %arg8[%get3A_1957, %get3A_1958, %get3A_1959] {strides = array<i32>} : memref<2x832x64xf32, #tpu.memory_space<vmem>>, vector<1x1x16xf32>,
          %get3A_1961 = vector.shape_cast %get3A_1960 : vector<1x1x16xf32> to vector<16xf32>
          %add3A_1962 = arith.constant 1 : i32
          %add3A_1963 = arith.addi %add3A_1880, %add3A_1962 : i32
          %get3A_1964 = arith.index_cast %rem3A_1842 : i32 to index
          %get3A_1965 = arith.index_cast %add3A_1963 : i32 to index
          %get3A_1966 = arith.constant 32 : index
          %get3A_1967 = tpu.vector_load %arg8[%get3A_1964, %get3A_1965, %get3A_1966] {strides = array<i32>} : memref<2x832x64xf32, #tpu.memory_space<vmem>>, vector<1x1x16xf32>,
          %get3A_1968 = vector.shape_cast %get3A_1967 : vector<1x1x16xf32> to vector<16xf32>
          %add3A_1969 = arith.addf %get3A_1961, %get3A_1968 : vector<16xf32>
          %add3A_1970 = arith.constant 2 : i32
          %add3A_1971 = arith.addi %add3A_1880, %add3A_1970 : i32
          %get3A_1972 = arith.index_cast %rem3A_1842 : i32 to index
          %get3A_1973 = arith.index_cast %add3A_1971 : i32 to index
          %get3A_1974 = arith.constant 32 : index
          %get3A_1975 = tpu.vector_load %arg8[%get3A_1972, %get3A_1973, %get3A_1974] {strides = array<i32>} : memref<2x832x64xf32, #tpu.memory_space<vmem>>, vector<1x1x16xf32>,
          %get3A_1976 = vector.shape_cast %get3A_1975 : vector<1x1x16xf32> to vector<16xf32>
          %add3A_1977 = arith.addf %add3A_1969, %get3A_1976 : vector<16xf32>
          %add3A_1978 = arith.constant 3 : i32
          %add3A_1979 = arith.addi %add3A_1880, %add3A_1978 : i32
          %get3A_1980 = arith.index_cast %rem3A_1842 : i32 to index
          %get3A_1981 = arith.index_cast %add3A_1979 : i32 to index
          %get3A_1982 = arith.constant 32 : index
          %get3A_1983 = tpu.vector_load %arg8[%get3A_1980, %get3A_1981, %get3A_1982] {strides = array<i32>} : memref<2x832x64xf32, #tpu.memory_space<vmem>>, vector<1x1x16xf32>,
          %get3A_1984 = vector.shape_cast %get3A_1983 : vector<1x1x16xf32> to vector<16xf32>
          %add3A_1985 = arith.addf %add3A_1977, %get3A_1984 : vector<16xf32>
          %mul3A_1986 = arith.constant 2.500000e-01 : f32
          %mul3A_1987 = vector.broadcast %mul3A_1986 : f32 to vector<16xf32>
          %mul3A_1988 = arith.mulf %add3A_1985, %mul3A_1987 : vector<16xf32>
          %swap3A_1989 = arith.index_cast %scan3A_1873 : i32 to index
          %swap3A_1990 = arith.index_cast %scan3A_1867 : i32 to index
          %swap3A_1991 = arith.constant 32 : index
          %swap3A_1992 = tpu.vector_load %arg9[%swap3A_1989, %swap3A_1990, %swap3A_1991] {strides = array<i32>} : memref<13x8x128xf32, #tpu.memory_space<vmem>>, vector<1x1x16xf32>,
          %swap3A_1993 = vector.shape_cast %swap3A_1992 : vector<1x1x16xf32> to vector<16xf32>
          %swap3A_1994 = vector.shape_cast %mul3A_1988 : vector<16xf32> to vector<1x1x16xf32>
          tpu.vector_store %arg9[%swap3A_1989, %swap3A_1990, %swap3A_1991], %swap3A_1994 {strides = array<i32>} : memref<13x8x128xf32, #tpu.memory_space<vmem>>, vector<1x1x16xf32>,
          %get3A_1995 = arith.index_cast %rem3A_1842 : i32 to index
          %get3A_1996 = arith.index_cast %add3A_1880 : i32 to index
          %get3A_1997 = arith.constant 48 : index
          %get3A_1998 = tpu.vector_load %arg8[%get3A_1995, %get3A_1996, %get3A_1997] {strides = array<i32>} : memref<2x832x64xf32, #tpu.memory_space<vmem>>, vector<1x1x16xf32>,
          %get3A_1999 = vector.shape_cast %get3A_1998 : vector<1x1x16xf32> to vector<16xf32>
          %add3A_2000 = arith.constant 1 : i32
          %add3A_2001 = arith.addi %add3A_1880, %add3A_2000 : i32
          %get3A_2002 = arith.index_cast %rem3A_1842 : i32 to index
          %get3A_2003 = arith.index_cast %add3A_2001 : i32 to index
          %get3A_2004 = arith.constant 48 : index
          %get3A_2005 = tpu.vector_load %arg8[%get3A_2002, %get3A_2003, %get3A_2004] {strides = array<i32>} : memref<2x832x64xf32, #tpu.memory_space<vmem>>, vector<1x1x16xf32>,
          %get3A_2006 = vector.shape_cast %get3A_2005 : vector<1x1x16xf32> to vector<16xf32>
          %add3A_2007 = arith.addf %get3A_1999, %get3A_2006 : vector<16xf32>
          %add3A_2008 = arith.constant 2 : i32
          %add3A_2009 = arith.addi %add3A_1880, %add3A_2008 : i32
          %get3A_2010 = arith.index_cast %rem3A_1842 : i32 to index
          %get3A_2011 = arith.index_cast %add3A_2009 : i32 to index
          %get3A_2012 = arith.constant 48 : index
          %get3A_2013 = tpu.vector_load %arg8[%get3A_2010, %get3A_2011, %get3A_2012] {strides = array<i32>} : memref<2x832x64xf32, #tpu.memory_space<vmem>>, vector<1x1x16xf32>,
          %get3A_2014 = vector.shape_cast %get3A_2013 : vector<1x1x16xf32> to vector<16xf32>
          %add3A_2015 = arith.addf %add3A_2007, %get3A_2014 : vector<16xf32>
          %add3A_2016 = arith.constant 3 : i32
          %add3A_2017 = arith.addi %add3A_1880, %add3A_2016 : i32
          %get3A_2018 = arith.index_cast %rem3A_1842 : i32 to index
          %get3A_2019 = arith.index_cast %add3A_2017 : i32 to index
          %get3A_2020 = arith.constant 48 : index
          %get3A_2021 = tpu.vector_load %arg8[%get3A_2018, %get3A_2019, %get3A_2020] {strides = array<i32>} : memref<2x832x64xf32, #tpu.memory_space<vmem>>, vector<1x1x16xf32>,
          %get3A_2022 = vector.shape_cast %get3A_2021 : vector<1x1x16xf32> to vector<16xf32>
          %add3A_2023 = arith.addf %add3A_2015, %get3A_2022 : vector<16xf32>
          %mul3A_2024 = arith.constant 2.500000e-01 : f32
          %mul3A_2025 = vector.broadcast %mul3A_2024 : f32 to vector<16xf32>
          %mul3A_2026 = arith.mulf %add3A_2023, %mul3A_2025 : vector<16xf32>
          %swap3A_2027 = arith.index_cast %scan3A_1873 : i32 to index
          %swap3A_2028 = arith.index_cast %scan3A_1867 : i32 to index
          %swap3A_2029 = arith.constant 48 : index
          %swap3A_2030 = tpu.vector_load %arg9[%swap3A_2027, %swap3A_2028, %swap3A_2029] {strides = array<i32>} : memref<13x8x128xf32, #tpu.memory_space<vmem>>, vector<1x1x16xf32>,
          %swap3A_2031 = vector.shape_cast %swap3A_2030 : vector<1x1x16xf32> to vector<16xf32>
          %swap3A_2032 = vector.shape_cast %mul3A_2026 : vector<16xf32> to vector<1x1x16xf32>
          tpu.vector_store %arg9[%swap3A_2027, %swap3A_2028, %swap3A_2029], %swap3A_2032 {strides = array<i32>} : memref<13x8x128xf32, #tpu.memory_space<vmem>>, vector<1x1x16xf32>,
          %mul3A_2033 = arith.constant 104 : i32
          %mul3A_2034 = arith.muli %scan3A_1867, %mul3A_2033 : i32
          %mul3A_2035 = arith.constant 8 : i32
          %mul3A_2036 = arith.muli %mul3A_2035, %scan3A_1873 : i32
          %add3A_2037 = arith.addi %mul3A_2034, %mul3A_2036 : i32
          %add3A_2038 = arith.constant 4 : i32
          %add3A_2039 = arith.addi %add3A_2037, %add3A_2038 : i32
          %get3A_2040 = arith.index_cast %rem3A_1842 : i32 to index
          %get3A_2041 = arith.index_cast %add3A_2039 : i32 to index
          %get3A_2042 = arith.constant 0 : index
          %get3A_2043 = tpu.vector_load %arg8[%get3A_2040, %get3A_2041, %get3A_2042] {strides = array<i32>} : memref<2x832x64xf32, #tpu.memory_space<vmem>>, vector<1x1x16xf32>,
          %get3A_2044 = vector.shape_cast %get3A_2043 : vector<1x1x16xf32> to vector<16xf32>
          %add3A_2045 = arith.constant 1 : i32
          %add3A_2046 = arith.addi %add3A_2039, %add3A_2045 : i32
          %get3A_2047 = arith.index_cast %rem3A_1842 : i32 to index
          %get3A_2048 = arith.index_cast %add3A_2046 : i32 to index
          %get3A_2049 = arith.constant 0 : index
          %get3A_2050 = tpu.vector_load %arg8[%get3A_2047, %get3A_2048, %get3A_2049] {strides = array<i32>} : memref<2x832x64xf32, #tpu.memory_space<vmem>>, vector<1x1x16xf32>,
          %get3A_2051 = vector.shape_cast %get3A_2050 : vector<1x1x16xf32> to vector<16xf32>
          %add3A_2052 = arith.addf %get3A_2044, %get3A_2051 : vector<16xf32>
          %add3A_2053 = arith.constant 2 : i32
          %add3A_2054 = arith.addi %add3A_2039, %add3A_2053 : i32
          %get3A_2055 = arith.index_cast %rem3A_1842 : i32 to index
          %get3A_2056 = arith.index_cast %add3A_2054 : i32 to index
          %get3A_2057 = arith.constant 0 : index
          %get3A_2058 = tpu.vector_load %arg8[%get3A_2055, %get3A_2056, %get3A_2057] {strides = array<i32>} : memref<2x832x64xf32, #tpu.memory_space<vmem>>, vector<1x1x16xf32>,
          %get3A_2059 = vector.shape_cast %get3A_2058 : vector<1x1x16xf32> to vector<16xf32>
          %add3A_2060 = arith.addf %add3A_2052, %get3A_2059 : vector<16xf32>
          %add3A_2061 = arith.constant 3 : i32
          %add3A_2062 = arith.addi %add3A_2039, %add3A_2061 : i32
          %get3A_2063 = arith.index_cast %rem3A_1842 : i32 to index
          %get3A_2064 = arith.index_cast %add3A_2062 : i32 to index
          %get3A_2065 = arith.constant 0 : index
          %get3A_2066 = tpu.vector_load %arg8[%get3A_2063, %get3A_2064, %get3A_2065] {strides = array<i32>} : memref<2x832x64xf32, #tpu.memory_space<vmem>>, vector<1x1x16xf32>,
          %get3A_2067 = vector.shape_cast %get3A_2066 : vector<1x1x16xf32> to vector<16xf32>
          %add3A_2068 = arith.addf %add3A_2060, %get3A_2067 : vector<16xf32>
          %mul3A_2069 = arith.constant 2.500000e-01 : f32
          %mul3A_2070 = vector.broadcast %mul3A_2069 : f32 to vector<16xf32>
          %mul3A_2071 = arith.mulf %add3A_2068, %mul3A_2070 : vector<16xf32>
          %swap3A_2072 = arith.index_cast %scan3A_1873 : i32 to index
          %swap3A_2073 = arith.index_cast %scan3A_1867 : i32 to index
          %swap3A_2074 = arith.constant 64 : index
          %swap3A_2075 = tpu.vector_load %arg9[%swap3A_2072, %swap3A_2073, %swap3A_2074] {strides = array<i32>} : memref<13x8x128xf32, #tpu.memory_space<vmem>>, vector<1x1x16xf32>,
          %swap3A_2076 = vector.shape_cast %swap3A_2075 : vector<1x1x16xf32> to vector<16xf32>
          %swap3A_2077 = vector.shape_cast %mul3A_2071 : vector<16xf32> to vector<1x1x16xf32>
          tpu.vector_store %arg9[%swap3A_2072, %swap3A_2073, %swap3A_2074], %swap3A_2077 {strides = array<i32>} : memref<13x8x128xf32, #tpu.memory_space<vmem>>, vector<1x1x16xf32>,
          %get3A_2078 = arith.index_cast %rem3A_1842 : i32 to index
          %get3A_2079 = arith.index_cast %add3A_2039 : i32 to index
          %get3A_2080 = arith.constant 16 : index
          %get3A_2081 = tpu.vector_load %arg8[%get3A_2078, %get3A_2079, %get3A_2080] {strides = array<i32>} : memref<2x832x64xf32, #tpu.memory_space<vmem>>, vector<1x1x16xf32>,
          %get3A_2082 = vector.shape_cast %get3A_2081 : vector<1x1x16xf32> to vector<16xf32>
          %add3A_2083 = arith.constant 1 : i32
          %add3A_2084 = arith.addi %add3A_2039, %add3A_2083 : i32
          %get3A_2085 = arith.index_cast %rem3A_1842 : i32 to index
          %get3A_2086 = arith.index_cast %add3A_2084 : i32 to index
          %get3A_2087 = arith.constant 16 : index
          %get3A_2088 = tpu.vector_load %arg8[%get3A_2085, %get3A_2086, %get3A_2087] {strides = array<i32>} : memref<2x832x64xf32, #tpu.memory_space<vmem>>, vector<1x1x16xf32>,
          %get3A_2089 = vector.shape_cast %get3A_2088 : vector<1x1x16xf32> to vector<16xf32>
          %add3A_2090 = arith.addf %get3A_2082, %get3A_2089 : vector<16xf32>
          %add3A_2091 = arith.constant 2 : i32
          %add3A_2092 = arith.addi %add3A_2039, %add3A_2091 : i32
          %get3A_2093 = arith.index_cast %rem3A_1842 : i32 to index
          %get3A_2094 = arith.index_cast %add3A_2092 : i32 to index
          %get3A_2095 = arith.constant 16 : index
          %get3A_2096 = tpu.vector_load %arg8[%get3A_2093, %get3A_2094, %get3A_2095] {strides = array<i32>} : memref<2x832x64xf32, #tpu.memory_space<vmem>>, vector<1x1x16xf32>,
          %get3A_2097 = vector.shape_cast %get3A_2096 : vector<1x1x16xf32> to vector<16xf32>
          %add3A_2098 = arith.addf %add3A_2090, %get3A_2097 : vector<16xf32>
          %add3A_2099 = arith.constant 3 : i32
          %add3A_2100 = arith.addi %add3A_2039, %add3A_2099 : i32
          %get3A_2101 = arith.index_cast %rem3A_1842 : i32 to index
          %get3A_2102 = arith.index_cast %add3A_2100 : i32 to index
          %get3A_2103 = arith.constant 16 : index
          %get3A_2104 = tpu.vector_load %arg8[%get3A_2101, %get3A_2102, %get3A_2103] {strides = array<i32>} : memref<2x832x64xf32, #tpu.memory_space<vmem>>, vector<1x1x16xf32>,
          %get3A_2105 = vector.shape_cast %get3A_2104 : vector<1x1x16xf32> to vector<16xf32>
          %add3A_2106 = arith.addf %add3A_2098, %get3A_2105 : vector<16xf32>
          %mul3A_2107 = arith.constant 2.500000e-01 : f32
          %mul3A_2108 = vector.broadcast %mul3A_2107 : f32 to vector<16xf32>
          %mul3A_2109 = arith.mulf %add3A_2106, %mul3A_2108 : vector<16xf32>
          %swap3A_2110 = arith.index_cast %scan3A_1873 : i32 to index
          %swap3A_2111 = arith.index_cast %scan3A_1867 : i32 to index
          %swap3A_2112 = arith.constant 80 : index
          %swap3A_2113 = tpu.vector_load %arg9[%swap3A_2110, %swap3A_2111, %swap3A_2112] {strides = array<i32>} : memref<13x8x128xf32, #tpu.memory_space<vmem>>, vector<1x1x16xf32>,
          %swap3A_2114 = vector.shape_cast %swap3A_2113 : vector<1x1x16xf32> to vector<16xf32>
          %swap3A_2115 = vector.shape_cast %mul3A_2109 : vector<16xf32> to vector<1x1x16xf32>
          tpu.vector_store %arg9[%swap3A_2110, %swap3A_2111, %swap3A_2112], %swap3A_2115 {strides = array<i32>} : memref<13x8x128xf32, #tpu.memory_space<vmem>>, vector<1x1x16xf32>,
          %get3A_2116 = arith.index_cast %rem3A_1842 : i32 to index
          %get3A_2117 = arith.index_cast %add3A_2039 : i32 to index
          %get3A_2118 = arith.constant 32 : index
          %get3A_2119 = tpu.vector_load %arg8[%get3A_2116, %get3A_2117, %get3A_2118] {strides = array<i32>} : memref<2x832x64xf32, #tpu.memory_space<vmem>>, vector<1x1x16xf32>,
          %get3A_2120 = vector.shape_cast %get3A_2119 : vector<1x1x16xf32> to vector<16xf32>
          %add3A_2121 = arith.constant 1 : i32
          %add3A_2122 = arith.addi %add3A_2039, %add3A_2121 : i32
          %get3A_2123 = arith.index_cast %rem3A_1842 : i32 to index
          %get3A_2124 = arith.index_cast %add3A_2122 : i32 to index
          %get3A_2125 = arith.constant 32 : index
          %get3A_2126 = tpu.vector_load %arg8[%get3A_2123, %get3A_2124, %get3A_2125] {strides = array<i32>} : memref<2x832x64xf32, #tpu.memory_space<vmem>>, vector<1x1x16xf32>,
          %get3A_2127 = vector.shape_cast %get3A_2126 : vector<1x1x16xf32> to vector<16xf32>
          %add3A_2128 = arith.addf %get3A_2120, %get3A_2127 : vector<16xf32>
          %add3A_2129 = arith.constant 2 : i32
          %add3A_2130 = arith.addi %add3A_2039, %add3A_2129 : i32
          %get3A_2131 = arith.index_cast %rem3A_1842 : i32 to index
          %get3A_2132 = arith.index_cast %add3A_2130 : i32 to index
          %get3A_2133 = arith.constant 32 : index
          %get3A_2134 = tpu.vector_load %arg8[%get3A_2131, %get3A_2132, %get3A_2133] {strides = array<i32>} : memref<2x832x64xf32, #tpu.memory_space<vmem>>, vector<1x1x16xf32>,
          %get3A_2135 = vector.shape_cast %get3A_2134 : vector<1x1x16xf32> to vector<16xf32>
          %add3A_2136 = arith.addf %add3A_2128, %get3A_2135 : vector<16xf32>
          %add3A_2137 = arith.constant 3 : i32
          %add3A_2138 = arith.addi %add3A_2039, %add3A_2137 : i32
          %get3A_2139 = arith.index_cast %rem3A_1842 : i32 to index
          %get3A_2140 = arith.index_cast %add3A_2138 : i32 to index
          %get3A_2141 = arith.constant 32 : index
          %get3A_2142 = tpu.vector_load %arg8[%get3A_2139, %get3A_2140, %get3A_2141] {strides = array<i32>} : memref<2x832x64xf32, #tpu.memory_space<vmem>>, vector<1x1x16xf32>,
          %get3A_2143 = vector.shape_cast %get3A_2142 : vector<1x1x16xf32> to vector<16xf32>
          %add3A_2144 = arith.addf %add3A_2136, %get3A_2143 : vector<16xf32>
          %mul3A_2145 = arith.constant 2.500000e-01 : f32
          %mul3A_2146 = vector.broadcast %mul3A_2145 : f32 to vector<16xf32>
          %mul3A_2147 = arith.mulf %add3A_2144, %mul3A_2146 : vector<16xf32>
          %swap3A_2148 = arith.index_cast %scan3A_1873 : i32 to index
          %swap3A_2149 = arith.index_cast %scan3A_1867 : i32 to index
          %swap3A_2150 = arith.constant 96 : index
          %swap3A_2151 = tpu.vector_load %arg9[%swap3A_2148, %swap3A_2149, %swap3A_2150] {strides = array<i32>} : memref<13x8x128xf32, #tpu.memory_space<vmem>>, vector<1x1x16xf32>,
          %swap3A_2152 = vector.shape_cast %swap3A_2151 : vector<1x1x16xf32> to vector<16xf32>
          %swap3A_2153 = vector.shape_cast %mul3A_2147 : vector<16xf32> to vector<1x1x16xf32>
          tpu.vector_store %arg9[%swap3A_2148, %swap3A_2149, %swap3A_2150], %swap3A_2153 {strides = array<i32>} : memref<13x8x128xf32, #tpu.memory_space<vmem>>, vector<1x1x16xf32>,
          %get3A_2154 = arith.index_cast %rem3A_1842 : i32 to index
          %get3A_2155 = arith.index_cast %add3A_2039 : i32 to index
          %get3A_2156 = arith.constant 48 : index
          %get3A_2157 = tpu.vector_load %arg8[%get3A_2154, %get3A_2155, %get3A_2156] {strides = array<i32>} : memref<2x832x64xf32, #tpu.memory_space<vmem>>, vector<1x1x16xf32>,
          %get3A_2158 = vector.shape_cast %get3A_2157 : vector<1x1x16xf32> to vector<16xf32>
          %add3A_2159 = arith.constant 1 : i32
          %add3A_2160 = arith.addi %add3A_2039, %add3A_2159 : i32
          %get3A_2161 = arith.index_cast %rem3A_1842 : i32 to index
          %get3A_2162 = arith.index_cast %add3A_2160 : i32 to index
          %get3A_2163 = arith.constant 48 : index
          %get3A_2164 = tpu.vector_load %arg8[%get3A_2161, %get3A_2162, %get3A_2163] {strides = array<i32>} : memref<2x832x64xf32, #tpu.memory_space<vmem>>, vector<1x1x16xf32>,
          %get3A_2165 = vector.shape_cast %get3A_2164 : vector<1x1x16xf32> to vector<16xf32>
          %add3A_2166 = arith.addf %get3A_2158, %get3A_2165 : vector<16xf32>
          %add3A_2167 = arith.constant 2 : i32
          %add3A_2168 = arith.addi %add3A_2039, %add3A_2167 : i32
          %get3A_2169 = arith.index_cast %rem3A_1842 : i32 to index
          %get3A_2170 = arith.index_cast %add3A_2168 : i32 to index
          %get3A_2171 = arith.constant 48 : index
          %get3A_2172 = tpu.vector_load %arg8[%get3A_2169, %get3A_2170, %get3A_2171] {strides = array<i32>} : memref<2x832x64xf32, #tpu.memory_space<vmem>>, vector<1x1x16xf32>,
          %get3A_2173 = vector.shape_cast %get3A_2172 : vector<1x1x16xf32> to vector<16xf32>
          %add3A_2174 = arith.addf %add3A_2166, %get3A_2173 : vector<16xf32>
          %add3A_2175 = arith.constant 3 : i32
          %add3A_2176 = arith.addi %add3A_2039, %add3A_2175 : i32
          %get3A_2177 = arith.index_cast %rem3A_1842 : i32 to index
          %get3A_2178 = arith.index_cast %add3A_2176 : i32 to index
          %get3A_2179 = arith.constant 48 : index
          %get3A_2180 = tpu.vector_load %arg8[%get3A_2177, %get3A_2178, %get3A_2179] {strides = array<i32>} : memref<2x832x64xf32, #tpu.memory_space<vmem>>, vector<1x1x16xf32>,
          %get3A_2181 = vector.shape_cast %get3A_2180 : vector<1x1x16xf32> to vector<16xf32>
          %add3A_2182 = arith.addf %add3A_2174, %get3A_2181 : vector<16xf32>
          %mul3A_2183 = arith.constant 2.500000e-01 : f32
          %mul3A_2184 = vector.broadcast %mul3A_2183 : f32 to vector<16xf32>
          %mul3A_2185 = arith.mulf %add3A_2182, %mul3A_2184 : vector<16xf32>
          %swap3A_2186 = arith.index_cast %scan3A_1873 : i32 to index
          %swap3A_2187 = arith.index_cast %scan3A_1867 : i32 to index
          %swap3A_2188 = arith.constant 112 : index
          %swap3A_2189 = tpu.vector_load %arg9[%swap3A_2186, %swap3A_2187, %swap3A_2188] {strides = array<i32>} : memref<13x8x128xf32, #tpu.memory_space<vmem>>, vector<1x1x16xf32>,
          %swap3A_2190 = vector.shape_cast %swap3A_2189 : vector<1x1x16xf32> to vector<16xf32>
          %swap3A_2191 = vector.shape_cast %mul3A_2185 : vector<16xf32> to vector<1x1x16xf32>
          tpu.vector_store %arg9[%swap3A_2186, %swap3A_2187, %swap3A_2188], %swap3A_2191 {strides = array<i32>} : memref<13x8x128xf32, #tpu.memory_space<vmem>>, vector<1x1x16xf32>,
        }
        %scan3A_1872 = arith.constant 13 : i32
      }
      %scan3A_1863 = arith.constant 8 : i32
      %mul3A_1864 = arith.constant 4 : i32
      %mul3A_1865 = arith.muli %add3A, %mul3A_1864 : i32
      %add3A_1866 = arith.addi %mul3A_1865, %scan3A_1840 : i32
      "tpu.region"() ({
        %run_scoped3A_1867 = tpu.sem_alloc : memref<!tpu.dma_semaphore, #tpu.memory_space<semaphore_mem>>
        %dma_start3A_1868 = arith.constant 0 : i32
        %dma_start3A_1869 = arith.constant 0 : i32
        %dma_start3A_1870 = arith.constant 0 : i32
        %dma_start3A_1871 = tpu.memref_slice %arg4[%add3A_1866, %dma_start3A_1868, %dma_start3A_1869, %dma_start3A_1870] : memref<128x13x8x128xf32, #tpu.memory_space<hbm>> -> memref<1x13x8x128xf32, #tpu.memory_space<hbm>>
        %dma_start3A_1872 = tpu.memref_squeeze %dma_start3A_1871 : memref<1x13x8x128xf32, #tpu.memory_space<hbm>> -> memref<13x8x128xf32, #tpu.memory_space<hbm>>
        %dma_start3A_1873 = arith.constant 0 : i32
        %dma_start3A_1874 = arith.constant 0 : i32
        %dma_start3A_1875 = arith.constant 0 : i32
        %dma_start3A_1876 = tpu.memref_slice %arg4[%add3A_1866, %dma_start3A_1873, %dma_start3A_1874, %dma_start3A_1875] : memref<128x13x8x128xf32, #tpu.memory_space<hbm>> -> memref<1x13x8x128xf32, #tpu.memory_space<hbm>>
        %dma_start3A_1877 = tpu.memref_squeeze %dma_start3A_1876 : memref<1x13x8x128xf32, #tpu.memory_space<hbm>> -> memref<13x8x128xf32, #tpu.memory_space<hbm>>
        tpu.enqueue_dma source(%arg9 : memref<13x8x128xf32, #tpu.memory_space<vmem>>) target(%dma_start3A_1877 : memref<13x8x128xf32, #tpu.memory_space<hbm>>) target_semaphore(%run_scoped3A_1867 : memref<!tpu.dma_semaphore, #tpu.memory_space<semaphore_mem>>)
        %dma_wait3A_1878 = arith.constant 0 : i32
        %dma_wait3A_1879 = arith.constant 0 : i32
        %dma_wait3A_1880 = arith.constant 0 : i32
        %dma_wait3A_1881 = tpu.memref_slice %arg4[%add3A_1866, %dma_wait3A_1878, %dma_wait3A_1879, %dma_wait3A_1880] : memref<128x13x8x128xf32, #tpu.memory_space<hbm>> -> memref<1x13x8x128xf32, #tpu.memory_space<hbm>>
        %dma_wait3A_1882 = tpu.memref_squeeze %dma_wait3A_1881 : memref<1x13x8x128xf32, #tpu.memory_space<hbm>> -> memref<13x8x128xf32, #tpu.memory_space<hbm>>
        %dma_wait3A_1883 = arith.constant 0 : i32
        %dma_wait3A_1884 = arith.constant 0 : i32
        %dma_wait3A_1885 = arith.constant 0 : i32
        %dma_wait3A_1886 = tpu.memref_slice %arg4[%add3A_1866, %dma_wait3A_1883, %dma_wait3A_1884, %dma_wait3A_1885] : memref<128x13x8x128xf32, #tpu.memory_space<hbm>> -> memref<1x13x8x128xf32, #tpu.memory_space<hbm>>
        %dma_wait3A_1887 = tpu.memref_squeeze %dma_wait3A_1886 : memref<1x13x8x128xf32, #tpu.memory_space<hbm>> -> memref<13x8x128xf32, #tpu.memory_space<hbm>>
        tpu.wait_dma2 semaphore(%run_scoped3A_1867 : memref<!tpu.dma_semaphore, #tpu.memory_space<semaphore_mem>>) src(%arg9 : memref<13x8x128xf32, #tpu.memory_space<vmem>>) dst(%dma_wait3A_1887 : memref<13x8x128xf32, #tpu.memory_space<hbm>>)
        tpu.yield
      }) : () -> ()
    }
    %scan3A_1839 = arith.constant 4 : i32
    return
  }
}

</mosaic_0001>

<sc_bundles>
// kernel: _sc_gather.3.cloned.1.call-start
scs
__scs_entry_jumppad:
0x0: {  	(pc) =	sbr.rel $0x88, $3  }
0x1: {  	(tag) =	ssettag $0x0;
	lr =	simm.s32 $0x1  }
0x2: {  	[smem:$0x3F9F] =	sst lr;
	_ =	strace $0xD0000000  }
0x3: {  	_ = 	snop  }
0x4: {  	_ = 	snop  }
0x5: {  	_ = 	snop  }
0x6: {  	_ = 	snop  }
0x7: {  	_ = 	snop  }
__scs_overlays_trampoline_lowered:
0x8: {  	[smem:$0x3FAE] =	sst s0  }
0x9: {  	[smem:$0x3FAF] =	sst s1  }
0xa: {  	[smem:$0x3FB0] =	sst s2  }
0xb: {  	[smem:$0x3FB1] =	sst s3  }
0xc: {  	[smem:$0x3FB2] =	sst s4  }
0xd: {  	[smem:$0x3FB3] =	sst s5  }
0xe: {  	[smem:$0x3FB4] =	sst s6  }
0xf: {  	[smem:$0x3FB5] =	sst s7  }
0x10: {  	[smem:$0x3FB6] =	sst s8  }
0x11: {  	[smem:$0x3FB7] =	sst s9;
	s0 =	simm.s32 @!p0 $0x0  }
0x12: {  	s1 =	sld [smem:$0x3F9D];
	s0 =	simm.s32 @p0 $0x1  }
0x13: {  	[smem:$0x3FB8] =	sst s0;
	s0 =	simm.s32 @!p1 $0x0  }
0x14: {  	s2 =	sld [smem:$0x3F9C];
	s0 =	simm.s32 @p1 $0x1  }
0x15: {  	[smem:$0x3FB9] =	sst s0;
	s0 =	simm.s32 @!p2 $0x0  }
0x16: {  	s3 =	sld [smem:$0x3FDB];
	s0 =	simm.s32 @p2 $0x1  }
0x17: {  	s4 =	simm.s32 $0x1BF5;
	[smem:$0x3FBB] =	sst s0  }
0x18: {  	s0 =	sld [smem:$0x3F9E];
	_ =	swait.ge [sflag:s4], $0x0  }
0x19: {  	s7 =	sld [smem:$0x3F9F]  }
0x1a: {  	s8 =	sadd.s32 $0xFFFFE003, lr  }
0x1b: {  	s9 =	sadd.s32 $0xFFFFFEF7, lr;
	s5 =	simm.s32 $0xFFFFFFFF;
	p2 =	slt.u32 s8, $0xFFFFF086  }
0x1c: {  	p1 =	slt.u32 s9, $0xF7A;
	s5 =	simm.s32 @!p2 $0x0  }
0x1d: {  	s5 =	simm.s32 @p1 $0x1;
	p0 =	seq.s32 s7, s2  }
0x1e: {  	s7 =	smul.u32 @!p0 $0xF7A, s2;
	p2 =	seq.s32 @!p0 s5, $0x0  }
0x1f: {  	s9 =	smul.u32 $0xF7A, s1;
	s8 =	simm.s32 @!p0 $0x1BF5;
	p2 =	por !p2, p0  }
0x20: {  	[sflag:s8] =	ssyncset.s32 @!p0 $0xFFFFF086;
	s6 =	sadd.s32 @!p0 s3, s7;
	s7 =	simm.s32 @!p0 $0x108  }
0x21: {  	s3 =	sadd.s32 s3, s9;
	s6 =	sadd.s32 @!p0 $0x88, s6;
	s7 =	simm.s32 @p2 $0x1082  }
0x22: {  	[simem:s7], [sflag:s8] =	dma.local @!p0 [hbm:s6], $0xF7A  }
0x23: {  	s9 =	sor.u32 $0xD0000000, s2;
	s6 =	simm.s32 $0x108;
	_ =	swait.ge @!p0 [sflag:s8], $0x0  }
0x24: {  	s3 =	sadd.s32 $0x88, s3;
	s6 =	simm.s32 @!p1 $0x1082;
	[sflag:s4] =	ssyncset.s32 $0xFFFFF086  }
0x25: {  	[simem:s6], [sflag:s4] =	dma.local [hbm:s3], $0xF7A  }
0x26: {  	[smem:$0x3F9F] =	sst s1;
	(tag) =	ssettag s2;
	_ =	strace s9  }
0x27: {  	s1 =	sld [smem:$0x3FAF]  }
0x28: {  	s2 =	sld [smem:$0x3FB0]  }
0x29: {  	s4 =	sld [smem:$0x3FB2]  }
0x2a: {  	p0 =	seq.s32 s5, $0x0;
	s5 =	sld [smem:$0x3FB3]  }
0x2b: {  	s6 =	sld [smem:$0x3FB4]  }
0x2c: {  	s7 =	sld [smem:$0x3FB5]  }
0x2d: {  	s3 =	simm.s32 $0x108;
	s8 =	sld [smem:$0x3FB6]  }
0x2e: {  	s3 =	simm.s32 @!p0 $0x1082;
	s9 =	sld [smem:$0x3FB7]  }
0x2f: {  	lr =	sadd.s32 s0, s3;
	s0 =	sld [smem:$0x3FAE]  }
0x30: {  	s3 =	sld [smem:$0x3FB1]  }
0x31: {  	[smem:$0x3FBA] =	sst s10  }
0x32: {  	s10 =	sld [smem:$0x3FB8];
	_ =	sdelay $0x3  }
0x33: {  	p0 =	seq.s32 s10, $0x1;
	s10 =	sld [smem:$0x3FBA];
	_ =	sdelay $0x3  }
0x34: {  	[smem:$0x3FBA] =	sst s10  }
0x35: {  	s10 =	sld [smem:$0x3FB9];
	_ =	sdelay $0x3  }
0x36: {  	p1 =	seq.s32 s10, $0x1;
	s10 =	sld [smem:$0x3FBA];
	_ =	sdelay $0x3  }
0x37: {  	[smem:$0x3FBA] =	sst s10  }
0x38: {  	s10 =	sld [smem:$0x3FBB]  }
0x39: {  	_ = 	snop;
	(pc) =	sbr.ind lr, $3  }
0x3a: {  	_ = 	snop  }
0x3b: {  	_ = 	snop  }
0x3c: {  	p2 =	seq.s32 s10, $0x1;
	s10 =	sld [smem:$0x3FBA]  }
0x3d: {  	_ =	shalt  }
0x3e: {  	_ =	shalt  }
0x3f: {  	_ =	shalt  }
0x40: {  	_ =	shalt  }
0x41: {  	_ =	shalt  }
0x42: {  	_ =	shalt  }
0x43: {  	_ =	shalt  }
0x44: {  	_ =	shalt  }
0x45: {  	_ =	shalt  }
0x46: {  	_ =	shalt  }
0x47: {  	_ =	shalt  }
0x48: {  	_ =	shalt  }
0x49: {  	_ =	shalt  }
0x4a: {  	_ =	shalt  }
0x4b: {  	_ =	shalt  }
0x4c: {  	_ =	shalt  }
0x4d: {  	_ =	shalt  }
0x4e: {  	_ =	shalt  }
0x4f: {  	_ =	shalt  }
0x50: {  	_ =	shalt  }
0x51: {  	_ =	shalt  }
0x52: {  	_ =	shalt  }
0x53: {  	_ =	shalt  }
0x54: {  	_ =	shalt  }
0x55: {  	_ =	shalt  }
0x56: {  	_ =	shalt  }
0x57: {  	_ =	shalt  }
0x58: {  	_ =	shalt  }
0x59: {  	_ =	shalt  }
0x5a: {  	_ =	shalt  }
0x5b: {  	_ =	shalt  }
0x5c: {  	_ =	shalt  }
0x5d: {  	_ =	shalt  }
0x5e: {  	_ =	shalt  }
0x5f: {  	_ =	shalt  }
0x60: {  	_ =	shalt  }
0x61: {  	_ =	shalt  }
0x62: {  	_ =	shalt  }
0x63: {  	_ =	shalt  }
0x64: {  	_ =	shalt  }
0x65: {  	_ =	shalt  }
0x66: {  	_ =	shalt  }
0x67: {  	_ =	shalt  }
0x68: {  	_ =	shalt  }
0x69: {  	_ =	shalt  }
0x6a: {  	_ =	shalt  }
0x6b: {  	_ =	shalt  }
0x6c: {  	_ =	shalt  }
0x6d: {  	_ =	shalt  }
0x6e: {  	_ =	shalt  }
0x6f: {  	_ =	shalt  }
0x70: {  	_ =	shalt  }
0x71: {  	_ =	shalt  }
0x72: {  	_ =	shalt  }
0x73: {  	_ =	shalt  }
0x74: {  	_ =	shalt  }
0x75: {  	_ =	shalt  }
0x76: {  	_ =	shalt  }
0x77: {  	_ =	shalt  }
0x78: {  	_ =	shalt  }
0x79: {  	_ =	shalt  }
0x7a: {  	_ =	shalt  }
0x7b: {  	_ =	shalt  }
0x7c: {  	_ =	shalt  }
0x7d: {  	_ =	shalt  }
0x7e: {  	_ =	shalt  }
0x7f: {  	_ =	shalt  }
0x80: {  	_ =	shalt  }
0x81: {  	_ =	shalt  }
0x82: {  	_ =	shalt  }
0x83: {  	_ =	shalt  }
0x84: {  	_ =	shalt  }
0x85: {  	_ =	shalt  }
0x86: {  	_ =	shalt  }
0x87: {  	_ =	shalt  }
.Lfunc_end0:
.L_simem_size_0:
called_computation_lowered:
.L_overlay_start_0:
0x88: {  	s2 =	sld [smem:$0x3FD9]  }
0x89: {  	s3 =	sld [smem:$0x3FFE];
	_ =	sdelay $0x1  }
0x8a: {  	s1 =	srdreg.scid  }
0x8b: {  	s0 =	sand.u32 $0x1, s1  }
0x8c: {  	s17 =	sshll.u32 s0, $0xA;
	s2 =	sadd.s32 s3, s2  }
0x8d: {  	s2 =	sadd.s32 s2, s17  }
0x8e: {  	[smem:$0x3FC6] =	sst s2  }
0x8f: {  	_ = 	snop  }
0x90: {  	s2 =	sld [smem:$0x3FC9]  }
0x91: {  	s18 =	sld [smem:$0x3FD0];
	(tm) =	ssettm $0x1  }
0x92: {  	s4 =	sld [smem:$0x3FFB];
	_ =	sdelay $0x3  }
0x93: {  	_ =	strace s4  }
0x94: {  	s4 =	sld [smem:$0x3FFC];
	_ =	sdelay $0x3  }
0x95: {  	_ =	strace s4  }
0x96: {  	s4 =	sld [smem:$0x3FFD];
	_ =	sdelay $0x3  }
0x97: {  	_ =	strace s4  }
0x98: {  	_ =	strace $0x8FFFFFFF  }
0x99: {  	s19 =	sld [smem:$0x3FDB];
	_ =	sdelay $0x1  }
0x9a: {  	s5 =	simm.s32 $_scs_section_size  }
0x9b: {  	s6 =	simm.s32 $_size__tile_overlayer_lowered;
	s7 =	simm.s32 $_tile_overlayer_lowered  }
0x9c: {  	s22 =	simm.s32 $0x1BFF;
	s21 =	sshll.u32 s7, $0x1;
	s4 =	sadd.s32 s5, s19  }
0x9d: {  	s8 =	simm.s32 $0x0;
	s20 =	sshll.u32 s6, $0x1;
	s6 =	sadd.s32 s21, s4  }
0x9e: {  	[timem:s8], [sflag:s22] =	dma.local [hbm:s6], s20  }
0x9f: {  	_ =	swait.ge [sflag:s22], s20  }
0xa0: {  	s5 =	ssub.s32 $0x0, s20;
	[sflag:s22] =	ssyncset.done $0x0  }
0xa1: {  	[sflag:s22] =	ssyncadd.s32 s5;
	_ =	sdelay $0x1  }
0xa2: {  	s23 =	simm.s32 $0x1B8B  }
0xa3: {  	_ =	swait.ge [sflag:s23], $0x1  }
0xa4: {  	[sflag:s23] =	ssyncset.done $0x0  }
0xa5: {  	s25 =	simm.s32 $0x1B8E;
	s24 =	sld [smem:$0x3FFE];
	[sflag:s23] =	ssyncadd.s32 $0xFFFFFFFF  }
0xa6: {  	s26 =	simm.s32 $execute0_lowered;
	[smem:$0x3FD2] =	sst s25  }
0xa7: {  	s6 =	sshll.u32 s26, $0x1;
	_ =	strace $0x80000046;
	[dreg:$0x1] =	wrdreg $0xFFFFFFFF  }
0xa8: {  	s28 =	simm.s32 $_size_execute0_lowered;
	s4 =	sadd.s32 s4, s6;
	[dreg:$0x0] =	wrdreg $0x0  }
0xa9: {  	s6 =	sshll.u32 s28, $0x1;
	[dreg:$0x2] =	wrdreg s4  }
0xaa: {  	[dreg:$0x3] =	wrdreg s6  }
0xab: {  	[dreg:$0x4] =	wrdreg $0xC0  }
0xac: {  	_ =	task [dreg:s8], $0x5FFFF  }
0xad: {  	[dreg:$0x1] =	wrdreg $0xFFFFFFFF  }
0xae: {  	[dreg:$0x0] =	wrdreg $0x60  }
0xaf: {  	[dreg:$0x2] =	wrdreg s2  }
0xb0: {  	[dreg:$0x3] =	wrdreg s24  }
0xb1: {  	[dreg:$0x4] =	wrdreg s18  }
0xb2: {  	[dreg:$0x5] =	wrdreg $0x9  }
0xb3: {  	_ =	task.clear_ibuf [dreg:s8], $0x6FFFF;
	_ =	strace $0x90000046  }
0xb4: {  	s29 =	simm.s32 $0x9;
	_ =	strace $0x80000048  }
0xb5: {  	_ =	swait.ge [sflag:s29], $0x1  }
0xb6: {  	[sflag:s29] =	ssyncadd.s32 $0xFFFFFFFF  }
0xb7: {  	_ =	strace $0x90000048  }
0xb8: {  	_ =	sfence  }
0xb9: {  	s30 =	sld [smem:$0x0];
	_ =	sdelay $0x2  }
0xba: {  	s31 =	sshll.u32 s1, $0xD;
	s1 =	sshrl.u32 s1, $0x2  }
0xbb: {  	s3 =	sand.u32 $0x4000, s31;
	s1 =	sadd.s32 s1, s30  }
0xbc: {  	s0 =	sor.u32 s3, s0;
	s1 =	sshll.u32 s1, $0x11  }
0xbd: {  	s0 =	sor.u32 s1, s0  }
0xbe: {  	s0 =	sadd.s32 $0x8F2B, s0  }
0xbf: {  	[sflag:s0] =	ssyncadd.remote.s32 $0x1  }
0xc0: {  	_ =	sfence.sel $0xFFFF  }
0xc1: {  	[dreg:$0x0] =	wrdreg $0xFFFFFFFF;
	(pc) =	sbr.abs _section_cstart, $3  }
0xc2: {  	[dreg:$0x1] =	wrdreg $0xFFFFFFFF  }
0xc3: {  	_ =	task.clear_ibuf [dreg:s8], $0x2FFFF;
	_ =	strace $0x9FFFFFFF  }
0xc4: {  	(tm) =	ssettm $0x7FFFFFFF  }
0xc5: {  	_ =	shalt  }
tec
execute0_lowered:
.L_overlay_start_1:
0x0: {  	(tag) =	ssettag $0x1  }
0x1: {  	s5 =	rddreg [dreg:$0x0]  }
0x2: {  	s4 =	rddreg [dreg:$0x1]  }
0x3: {  	s2 =	rddreg [dreg:$0x2]  }
0x4: {  	v0 =	vlaneseq.u32;
	s3 =	srdreg.scid;
	s1 =	stileid.u32  }
0x5: {  	s0 =	rddreg [dreg:$0x3];
	vm0 =	vcmask $0xF00;
	v3 =	vimm.s32 $0x3E9;
	s10 =	simm.s32 $0x680;
	s11 =	simm.s32 $0x1040;
	v0 =	vshrl.u32 v0, $0x2  }
0x6: {  	vm14 =	vcmask $0x1F10;
	s12 =	simm.s32 $0x1B040;
	s13 =	simm.s32 $0x0;
	s6 =	sand.u32 $0x1, s3;
	v4 =	vsel vm0, $0x5DD8, v3;
	v0 =	vmul.u32 $0x3E9, v0  }
0x7: {  	vm15 =	vcmask $0x2F20;
	s7 =	sshll.u32 s1, $0x1;
	s3 =	simm.s32 $0x0;
	s4 =	sadd.s32 $0x400, s4;
	v6 =	vsel vm14, $0x61C1, v4  }
0x8: {  	s8 =	ssub.s32 $0x2, s6;
	s6 =	sor.u32 s6, s7;
	[smem:$0x7FF] =	sst s3;
	v6 =	vsel vm15, $0x0, v6;
	v1 =	vadd.s32 $0xFA4, v0;
	v2 =	vadd.s32 $0x1F48, v0  }
0x9: {  	s31 =	sshrl.u32 s8, $0x1;
	s9 =	smul.u32 $0x1A0, s6;
	_ =	strace $0x80000047;
	v3 =	vadd.s32 $0x2EEC, v0;
	v4 =	vadd.s32 $0x3E90, v0;
	v5 =	vadd.s32 $0x4E34, v0  }
0xa: {  	s6 =	sshll.u32 s6, $0x2;
	s7 =	ssub.s32 s8, s31;
	v7 =	vadd.s32 $0x7D2, v0;
	v8 =	vadd.s32 $0x1776, v0;
	v9 =	vadd.s32 $0x271A, v0;
	s8 =	simm.s32 $0x3  }
0xb: {  	v10 =	vadd.s32 $0x36BE, v0;
	v11 =	vadd.s32 $0x4662, v0;
	v12 =	vadd.s32 $0x5606, v0;
	s5 =	sadd.s32 s5, s9;
	s7 =	smax.u32 s7, $0x1;
	s9 =	simm.s32 $0x340  }
.LBB2_1:
0xc: {  	[tilespmem:$0xD00] =	vst v0  }
0xd: {  	[tilespmem:$0xD10] =	vst v1  }
0xe: {  	[tilespmem:$0xD20] =	vst v2  }
0xf: {  	[tilespmem:$0xD30] =	vst v3  }
0x10: {  	[tilespmem:$0xD40] =	vst v4  }
0x11: {  	[tilespmem:$0xD50] =	vst v5  }
0x12: {  	[tilespmem:$0xD60] =	vst v6  }
0x13: {  	[tilespmem:$0xD70] =	vst v7  }
0x14: {  	[tilespmem:$0xD80] =	vst v8  }
0x15: {  	[tilespmem:$0xD90] =	vst v9  }
0x16: {  	[tilespmem:$0xDA0] =	vst v10  }
0x17: {  	[tilespmem:$0xDB0] =	vst v11  }
0x18: {  	[tilespmem:$0xDC0] =	vst v12  }
0x19: {  	[tilespmem:$0xDD0] =	vst v0  }
0x1a: {  	[tilespmem:$0xDE0] =	vst v1  }
0x1b: {  	[tilespmem:$0xDF0] =	vst v2  }
0x1c: {  	[tilespmem:$0xE00] =	vst v3  }
0x1d: {  	[tilespmem:$0xE10] =	vst v4  }
0x1e: {  	[tilespmem:$0xE20] =	vst v5  }
0x1f: {  	[tilespmem:$0xE30] =	vst v6  }
0x20: {  	[tilespmem:$0xE40] =	vst v7  }
0x21: {  	[tilespmem:$0xE50] =	vst v8  }
0x22: {  	[tilespmem:$0xE60] =	vst v9  }
0x23: {  	[tilespmem:$0xE70] =	vst v10  }
0x24: {  	[tilespmem:$0xE80] =	vst v11  }
0x25: {  	[tilespmem:$0xE90] =	vst v12  }
0x26: {  	[tilespmem:$0xEA0] =	vst v0  }
0x27: {  	[tilespmem:$0xEB0] =	vst v1  }
0x28: {  	[tilespmem:$0xEC0] =	vst v2  }
0x29: {  	[tilespmem:$0xED0] =	vst v3  }
0x2a: {  	[tilespmem:$0xEE0] =	vst v4  }
0x2b: {  	[tilespmem:$0xEF0] =	vst v5  }
0x2c: {  	[tilespmem:$0xF00] =	vst v6  }
0x2d: {  	[tilespmem:$0xF10] =	vst v7  }
0x2e: {  	[tilespmem:$0xF20] =	vst v8  }
0x2f: {  	[tilespmem:$0xF30] =	vst v9  }
0x30: {  	[tilespmem:$0xF40] =	vst v10  }
0x31: {  	[tilespmem:$0xF50] =	vst v11  }
0x32: {  	[tilespmem:$0xF60] =	vst v12  }
0x33: {  	[tilespmem:$0xF70] =	vst v0  }
0x34: {  	[tilespmem:$0xF80] =	vst v1  }
0x35: {  	[tilespmem:$0xF90] =	vst v2  }
0x36: {  	[tilespmem:$0xFA0] =	vst v3  }
0x37: {  	[tilespmem:$0xFB0] =	vst v4  }
0x38: {  	[tilespmem:$0xFC0] =	vst v5  }
0x39: {  	[tilespmem:$0xFD0] =	vst v6  }
0x3a: {  	[tilespmem:$0xFE0] =	vst v7  }
0x3b: {  	[tilespmem:$0xFF0] =	vst v8  }
0x3c: {  	[tilespmem:$0x1000] =	vst v9  }
0x3d: {  	[tilespmem:$0x1010] =	vst v10  }
0x3e: {  	[tilespmem:$0x1020] =	vst v11  }
0x3f: {  	[tilespmem:$0x1030] =	vst v12  }
0x40: {  	[tilespmem:s3], [sflag:$0x3] =	stream.linear.gather [hbm4b:s5+s3], $0x340, $0x38;
	[tilespmem:$0x1E440] =	vst v63  }
0x41: {  	_ =	swait.ge [sflag:s8], $0x340  }
0x42: {  	[sflag:s8] =	ssyncset.done $0x0  }
0x43: {  	[sflag:s8] =	ssyncadd.s32 $0xFFFFFCC0  }
0x44: {  	v13 =	vld [tilespmem:$0x0]  }
0x45: {  	v14 =	vld [tilespmem:$0xD00]  }
0x46: {  	v15 =	vld [tilespmem:$0x10]  }
0x47: {  	v16 =	vld [tilespmem:$0xD10]  }
0x48: {  	v17 =	vld [tilespmem:$0x20]  }
0x49: {  	v18 =	vld [tilespmem:$0xD20]  }
0x4a: {  	v19 =	vld [tilespmem:$0x30]  }
0x4b: {  	v20 =	vld [tilespmem:$0xD30]  }
0x4c: {  	v21 =	vld [tilespmem:$0x40]  }
0x4d: {  	v22 =	vld [tilespmem:$0xD40]  }
0x4e: {  	v23 =	vld [tilespmem:$0x50]  }
0x4f: {  	v24 =	vld [tilespmem:$0xD50]  }
0x50: {  	v25 =	vld [tilespmem:$0x60]  }
0x51: {  	v26 =	vld [tilespmem:$0xD60]  }
0x52: {  	v27 =	vld [tilespmem:$0x70]  }
0x53: {  	v28 =	vld [tilespmem:$0xD70]  }
0x54: {  	v29 =	vld [tilespmem:$0x80]  }
0x55: {  	v30 =	vld [tilespmem:$0xD80]  }
0x56: {  	v31 =	vld [tilespmem:$0x90]  }
0x57: {  	v32 =	vld [tilespmem:$0xD90]  }
0x58: {  	v33 =	vld [tilespmem:$0xA0]  }
0x59: {  	v34 =	vld [tilespmem:$0xDA0]  }
0x5a: {  	v35 =	vld [tilespmem:$0xB0]  }
0x5b: {  	v36 =	vld [tilespmem:$0xDB0]  }
0x5c: {  	v37 =	vld [tilespmem:$0xC0]  }
0x5d: {  	v38 =	vld [tilespmem:$0xDC0]  }
0x5e: {  	v39 =	vld [tilespmem:$0xD0]  }
0x5f: {  	v40 =	vld [tilespmem:$0xDD0]  }
0x60: {  	v41 =	vld [tilespmem:$0xE0]  }
0x61: {  	v42 =	vld [tilespmem:$0xDE0]  }
0x62: {  	v43 =	vld [tilespmem:$0xF0]  }
0x63: {  	v44 =	vld [tilespmem:$0xDF0]  }
0x64: {  	v45 =	vld [tilespmem:$0x100]  }
0x65: {  	v46 =	vld [tilespmem:$0xE00]  }
0x66: {  	v47 =	vld [tilespmem:$0x110]  }
0x67: {  	v48 =	vld [tilespmem:$0xE10]  }
0x68: {  	v49 =	vld [tilespmem:$0x120]  }
0x69: {  	v50 =	vld [tilespmem:$0xE20]  }
0x6a: {  	v51 =	vld [tilespmem:$0x130];
	vm0 =	vgt.s32 v13, $0x0  }
0x6b: {  	v52 =	vld [tilespmem:$0xE30];
	vm13 =	vgt.s32 v15, $0x0;
	vm14 =	vgt.s32 v17, $0x0;
	vm15 =	vgt.s32 v19, $0x0  }
0x6c: {  	v53 =	vld [tilespmem:$0xE40];
	vm4 =	vgt.s32 v21, $0x0;
	vm5 =	vgt.s32 v23, $0x0;
	vm6 =	vgt.s32 v25, $0x0  }
0x6d: {  	v54 =	vld [tilespmem:$0xE60];
	vm7 =	vgt.s32 v27, $0x0;
	vm8 =	vgt.s32 v29, $0x0;
	vm9 =	vgt.s32 v31, $0x0  }
0x6e: {  	v55 =	vld [tilespmem:$0xE80];
	vm10 =	vgt.s32 v33, $0x0;
	vm11 =	vgt.s32 v35, $0x0;
	vm12 =	vgt.s32 v37, $0x0  }
0x6f: {  	v13 =	vnsel vm0, $0x0, v13;
	v17 =	vnsel vm14, $0x0, v17;
	v58 =	vnsel vm15, $0x0, v19;
	v19 =	vld [tilespmem:$0x150]  }
0x70: {  	v59 =	vnsel vm4, $0x0, v21;
	v21 =	vld [tilespmem:$0x160];
	v23 =	vnsel vm5, $0x0, v23;
	v61 =	vnsel vm6, $0x0, v25  }
0x71: {  	v25 =	vld [tilespmem:$0x170];
	v62 =	vnsel vm7, $0x0, v27;
	v29 =	vnsel vm8, $0x0, v29;
	v56 =	vnsel vm9, $0x0, v31  }
0x72: {  	v27 =	vld [tilespmem:$0x180];
	v35 =	vnsel vm11, $0x0, v35;
	vm14 =	vgt.s32 v41, $0x0;
	vm15 =	vgt.s32 v43, $0x0  }
0x73: {  	v31 =	vld [tilespmem:$0x190];
	vm4 =	vgt.s32 v45, $0x0;
	v13 =	vmin.u32 v13, $0x3E8;
	v57 =	vmin.u32 v17, $0x3E8  }
0x74: {  	v17 =	vmin.u32 v58, $0x3E8;
	v63 =	vmin.u32 v29, $0x3E8;
	v29 =	vmin.u32 v56, $0x3E8;
	v56 =	vld [tilespmem:$0xEA0]  }
0x75: {  	v41 =	vnsel vm14, $0x0, v41;
	v13 =	vadd.s32 v14, v13;
	v14 =	vnsel vm13, $0x0, v15;
	v15 =	vld [tilespmem:$0x140]  }
0x76: {  	v17 =	vadd.s32 v20, v17;
	v20 =	vmin.u32 v59, $0x3E8;
	v59 =	vnsel vm12, $0x0, v37;
	v37 =	vld [tilespmem:$0x1B0]  }
0x77: {  	v60 =	vmin.u32 v23, $0x3E8;
	v23 =	vmin.u32 v61, $0x3E8;
	v61 =	vmin.u32 v41, $0x3E8;
	v41 =	vld [tilespmem:$0x1D0]  }
0x78: {  	v23 =	vadd.s32 v26, v23;
	v26 =	vmin.u32 v62, $0x3E8;
	v62 =	vnsel vm15, $0x0, v43;
	v43 =	vld [tilespmem:$0xEE0]  }
0x79: {  	vm5 =	vgt.s32 v47, $0x0;
	v20 =	vadd.s32 v22, v20;
	v22 =	vadd.s32 v24, v60;
	v24 =	vld [tilespmem:$0xE70]  }
0x7a: {  	vm13 =	vgt.s32 v39, $0x0;
	v26 =	vadd.s32 v28, v26;
	v28 =	vadd.s32 v30, v63;
	v30 =	vld [tilespmem:$0xE90]  }
0x7b: {  	vm6 =	vgt.s32 v49, $0x0;
	v29 =	vadd.s32 v32, v29;
	v60 =	vnsel vm13, $0x0, v39;
	v39 =	vld [tilespmem:$0x1C0]  }
0x7c: {  	vm7 =	vgt.s32 v51, $0x0;
	v58 =	vmin.u32 v35, $0x3E8;
	v45 =	vnsel vm4, $0x0, v45;
	[tilespmem:$0x710] =	vst v29;
	v29 =	vld [tilespmem:$0xF10]  }
0x7d: {  	v14 =	vmin.u32 v14, $0x3E8;
	v35 =	vmin.u32 v59, $0x3E8;
	v59 =	vnsel vm5, $0x0, v47;
	v47 =	vld [tilespmem:$0xF80]  }
0x7e: {  	[tilespmem:$0x680] =	vst v13;
	v63 =	vmin.u32 v62, $0x3E8;
	v14 =	vadd.s32 v16, v14;
	v16 =	vadd.s32 v18, v57;
	v18 =	vld [tilespmem:$0xE50]  }
0x7f: {  	v57 =	vnsel vm10, $0x0, v33;
	v33 =	vld [tilespmem:$0x1A0];
	v35 =	vadd.s32 v38, v35;
	v38 =	vmin.u32 v60, $0x3E8;
	[tilespmem:$0x6F0] =	vst v26  }
0x80: {  	v60 =	vmin.u32 v59, $0x3E8;
	v26 =	vld [tilespmem:$0xF00];
	v32 =	vmin.u32 v57, $0x3E8;
	v13 =	vadd.s32 v40, v38;
	[tilespmem:$0x690] =	vst v14  }
0x81: {  	v57 =	vld [tilespmem:$0xEC0];
	v14 =	vadd.s32 v42, v61;
	[tilespmem:$0x6A0] =	vst v16;
	v16 =	vadd.s32 v44, v63;
	v61 =	vnsel vm6, $0x0, v49  }
0x82: {  	[tilespmem:$0x6C0] =	vst v20;
	v40 =	vld [tilespmem:$0xED0];
	v20 =	vadd.s32 v48, v60;
	v63 =	vnsel vm7, $0x0, v51;
	vm9 =	vgt.s32 v19, $0x0  }
0x83: {  	v42 =	vld [tilespmem:$0x1E0];
	vm10 =	vgt.s32 v21, $0x0;
	vm11 =	vgt.s32 v25, $0x0;
	vm12 =	vgt.s32 v27, $0x0  }
0x84: {  	[tilespmem:$0x6B0] =	vst v17;
	v44 =	vld [tilespmem:$0x1F0];
	vm13 =	vgt.s32 v31, $0x0;
	v32 =	vadd.s32 v34, v32;
	v34 =	vadd.s32 v36, v58  }
0x85: {  	[tilespmem:$0x6E0] =	vst v23;
	v38 =	vld [tilespmem:$0xEF0];
	v58 =	vmin.u32 v45, $0x3E8;
	v62 =	vmin.u32 v61, $0x3E8;
	v23 =	vmin.u32 v63, $0x3E8  }
0x86: {  	[tilespmem:$0x6D0] =	vst v22;
	v48 =	vld [tilespmem:$0x210];
	v19 =	vnsel vm9, $0x0, v19;
	v49 =	vnsel vm10, $0x0, v21;
	v25 =	vnsel vm11, $0x0, v25  }
0x87: {  	[tilespmem:$0x740] =	vst v35;
	v35 =	vld [tilespmem:$0xF60];
	v27 =	vnsel vm12, $0x0, v27;
	v51 =	vnsel vm13, $0x0, v31;
	v17 =	vadd.s32 v46, v58  }
0x88: {  	[tilespmem:$0x700] =	vst v28;
	v36 =	vld [tilespmem:$0xEB0];
	v22 =	vadd.s32 v50, v62;
	vm8 =	vgt.s32 v15, $0x0;
	v23 =	vadd.s32 v52, v23  }
0x89: {  	v45 =	vld [tilespmem:$0x200];
	[tilespmem:$0x750] =	vst v13;
	v19 =	vmin.u32 v19, $0x3E8;
	v25 =	vmin.u32 v25, $0x3E8;
	v50 =	vmin.u32 v27, $0x3E8  }
0x8a: {  	v21 =	vld [tilespmem:$0x220];
	[tilespmem:$0x760] =	vst v14;
	v52 =	vmin.u32 v51, $0x3E8;
	vm15 =	vgt.s32 v37, $0x0;
	vm5 =	vgt.s32 v41, $0x0  }
0x8b: {  	[tilespmem:$0x770] =	vst v16;
	v31 =	vld [tilespmem:$0xF40];
	v15 =	vnsel vm8, $0x0, v15;
	v13 =	vadd.s32 v24, v25;
	v14 =	vadd.s32 v55, v50  }
0x8c: {  	[tilespmem:$0x720] =	vst v32;
	v32 =	vld [tilespmem:$0xF20];
	v16 =	vadd.s32 v30, v52;
	v55 =	vnsel vm15, $0x0, v37;
	vm4 =	vgt.s32 v39, $0x0  }
0x8d: {  	[tilespmem:$0x730] =	vst v34;
	v34 =	vld [tilespmem:$0x230];
	v60 =	vnsel vm5, $0x0, v41;
	v15 =	vmin.u32 v15, $0x3E8;
	v18 =	vadd.s32 v18, v19  }
0x8e: {  	[tilespmem:$0x790] =	vst v20;
	v27 =	vld [tilespmem:$0x240];
	v19 =	vmin.u32 v49, $0x3E8;
	vm14 =	vgt.s32 v33, $0x0;
	v58 =	vmin.u32 v55, $0x3E8  }
0x8f: {  	v51 =	vld [tilespmem:$0xF90];
	[tilespmem:$0x780] =	vst v17;
	v59 =	vnsel vm4, $0x0, v39;
	v61 =	vmin.u32 v60, $0x3E8;
	v15 =	vadd.s32 v53, v15  }
0x90: {  	v25 =	vld [tilespmem:$0xF30];
	[tilespmem:$0x7A0] =	vst v22;
	v19 =	vadd.s32 v54, v19;
	v53 =	vnsel vm14, $0x0, v33;
	v22 =	vmin.u32 v59, $0x3E8  }
0x91: {  	v30 =	vld [tilespmem:$0x250];
	[tilespmem:$0x7B0] =	vst v23;
	vm6 =	vgt.s32 v42, $0x0;
	v63 =	vadd.s32 v40, v61;
	vm7 =	vgt.s32 v44, $0x0  }
0x92: {  	v24 =	vld [tilespmem:$0xF50];
	[tilespmem:$0x7F0] =	vst v13;
	vm9 =	vgt.s32 v48, $0x0;
	v54 =	vmin.u32 v53, $0x3E8;
	v20 =	vadd.s32 v36, v58  }
0x93: {  	v23 =	vld [tilespmem:$0xF70];
	[tilespmem:$0x7C0] =	vst v15;
	v15 =	vadd.s32 v57, v22;
	v62 =	vnsel vm6, $0x0, v42;
	vm8 =	vgt.s32 v45, $0x0  }
0x94: {  	[tilespmem:$0x800] =	vst v14;
	v49 =	vld [tilespmem:$0x290];
	v48 =	vnsel vm9, $0x0, v48;
	vm10 =	vgt.s32 v21, $0x0;
	v17 =	vadd.s32 v56, v54  }
0x95: {  	[tilespmem:$0x810] =	vst v16;
	v55 =	vld [tilespmem:$0xFA0];
	v41 =	vmin.u32 v62, $0x3E8;
	v46 =	vnsel vm8, $0x0, v45;
	v50 =	vmin.u32 v48, $0x3E8  }
0x96: {  	v33 =	vld [tilespmem:$0x260];
	[tilespmem:$0x7D0] =	vst v18;
	v52 =	vnsel vm10, $0x0, v21;
	vm11 =	vgt.s32 v34, $0x0;
	vm12 =	vgt.s32 v27, $0x0  }
0x97: {  	v36 =	vld [tilespmem:$0x270];
	[tilespmem:$0x7E0] =	vst v19;
	v42 =	vadd.s32 v43, v41;
	v43 =	vnsel vm7, $0x0, v44;
	v14 =	vmin.u32 v46, $0x3E8  }
0x98: {  	v53 =	vld [tilespmem:$0x2A0];
	[tilespmem:$0x820] =	vst v17;
	v16 =	vadd.s32 v29, v50;
	v17 =	vmin.u32 v52, $0x3E8;
	v54 =	vnsel vm11, $0x0, v34  }
0x99: {  	v58 =	vld [tilespmem:$0x2B0];
	[tilespmem:$0x850] =	vst v63;
	v57 =	vnsel vm12, $0x0, v27;
	vm13 =	vgt.s32 v30, $0x0;
	v13 =	vmin.u32 v43, $0x3E8  }
0x9a: {  	[tilespmem:$0x840] =	vst v15;
	v62 =	vld [tilespmem:$0x2C0];
	v14 =	vadd.s32 v26, v14;
	v15 =	vadd.s32 v32, v17;
	v56 =	vmin.u32 v54, $0x3E8  }
0x9b: {  	[tilespmem:$0x830] =	vst v20;
	v45 =	vld [tilespmem:$0x2F0];
	v59 =	vmin.u32 v57, $0x3E8;
	v61 =	vnsel vm13, $0x0, v30;
	vm5 =	vgt.s32 v49, $0x0  }
0x9c: {  	v44 =	vld [tilespmem:$0x280];
	[tilespmem:$0x860] =	vst v42;
	v13 =	vadd.s32 v38, v13;
	v17 =	vadd.s32 v25, v56;
	v18 =	vadd.s32 v31, v59  }
0x9d: {  	v34 =	vld [tilespmem:$0x2D0];
	vm14 =	vgt.s32 v33, $0x0;
	v42 =	vnsel vm5, $0x0, v49;
	[tilespmem:$0x870] =	vst v13;
	v13 =	vmin.u32 v61, $0x3E8  }
0x9e: {  	v41 =	vld [tilespmem:$0x2E0];
	[tilespmem:$0x890] =	vst v16;
	v63 =	vnsel vm14, $0x0, v33;
	vm15 =	vgt.s32 v36, $0x0;
	vm6 =	vgt.s32 v53, $0x0  }
0x9f: {  	v60 =	vld [tilespmem:$0xFB0];
	[tilespmem:$0x8B0] =	vst v17;
	v17 =	vmin.u32 v42, $0x3E8;
	vm7 =	vgt.s32 v58, $0x0;
	v13 =	vadd.s32 v24, v13  }
0xa0: {  	v32 =	vld [tilespmem:$0xFC0];
	[tilespmem:$0x880] =	vst v14;
	v14 =	vmin.u32 v63, $0x3E8;
	v33 =	vnsel vm15, $0x0, v36;
	v48 =	vnsel vm7, $0x0, v58  }
0xa1: {  	v43 =	vld [tilespmem:$0xFE0];
	[tilespmem:$0x8A0] =	vst v15;
	vm8 =	vgt.s32 v62, $0x0;
	vm11 =	vgt.s32 v45, $0x0;
	v14 =	vadd.s32 v35, v14  }
0xa2: {  	v54 =	vld [tilespmem:$0x310];
	v36 =	vmin.u32 v33, $0x3E8;
	vm4 =	vgt.s32 v44, $0x0;
	[tilespmem:$0x8D0] =	vst v13;
	v13 =	vadd.s32 v51, v17  }
0xa3: {  	v49 =	vld [tilespmem:$0x300];
	[tilespmem:$0x8C0] =	vst v18;
	v50 =	vnsel vm8, $0x0, v62;
	vm9 =	vgt.s32 v34, $0x0;
	vm10 =	vgt.s32 v41, $0x0  }
0xa4: {  	v38 =	vld [tilespmem:$0xFD0];
	v59 =	vnsel vm11, $0x0, v45;
	v15 =	vadd.s32 v23, v36;
	v40 =	vnsel vm4, $0x0, v44;
	[tilespmem:$0x8E0] =	vst v14  }
0xa5: {  	v56 =	vld [tilespmem:$0x320];
	v44 =	vnsel vm6, $0x0, v53;
	v52 =	vmin.u32 v50, $0x3E8;
	[tilespmem:$0x910] =	vst v13;
	v16 =	vmin.u32 v40, $0x3E8  }
0xa6: {  	v53 =	vnsel vm9, $0x0, v34;
	[tilespmem:$0x8F0] =	vst v15;
	v13 =	vadd.s32 v32, v52;
	v16 =	vadd.s32 v47, v16;
	v47 =	vld [tilespmem:$0xFF0]  }
0xa7: {  	v51 =	vld [tilespmem:$0x1000];
	v57 =	vnsel vm10, $0x0, v41;
	v46 =	vmin.u32 v44, $0x3E8;
	v15 =	vmin.u32 v48, $0x3E8;
	[tilespmem:$0x940] =	vst v13  }
0xa8: {  	v58 =	vld [tilespmem:$0x330];
	vm12 =	vgt.s32 v49, $0x0;
	v14 =	vadd.s32 v55, v46;
	v15 =	vadd.s32 v60, v15;
	[tilespmem:$0x900] =	vst v16  }
0xa9: {  	v55 =	vmin.u32 v53, $0x3E8;
	v60 =	vld [tilespmem:$0x1010];
	v61 =	vnsel vm12, $0x0, v49;
	[tilespmem:$0x930] =	vst v15;
	v15 =	vmin.u32 v57, $0x3E8  }
0xaa: {  	v62 =	vld [tilespmem:$0x1020];
	[tilespmem:$0x920] =	vst v14;
	v14 =	vadd.s32 v38, v55;
	v13 =	vadd.s32 v43, v15;
	v15 =	vmin.u32 v59, $0x3E8  }
0xab: {  	v63 =	vld [tilespmem:$0x1030];
	vm13 =	vgt.s32 v54, $0x0;
	[tilespmem:$0x950] =	vst v14;
	v14 =	vadd.s32 v47, v15;
	v15 =	vmin.u32 v61, $0x3E8  }
0xac: {  	vm14 =	vgt.s32 v56, $0x0;
	[tilespmem:$0x960] =	vst v13;
	v13 =	vadd.s32 v51, v15;
	v15 =	vnsel vm13, $0x0, v54  }
0xad: {  	vm15 =	vgt.s32 v58, $0x0;
	[tilespmem:$0x970] =	vst v14;
	v14 =	vmin.u32 v15, $0x3E8;
	v15 =	vnsel vm14, $0x0, v56  }
0xae: {  	[tilespmem:$0x980] =	vst v13;
	v13 =	vadd.s32 v60, v14;
	v14 =	vnsel vm15, $0x0, v58;
	v15 =	vmin.u32 v15, $0x3E8  }
0xaf: {  	[tilespmem:$0x990] =	vst v13;
	v13 =	vadd.s32 v62, v15;
	v14 =	vmin.u32 v14, $0x3E8  }
0xb0: {  	[tilespmem:$0x9A0] =	vst v13;
	v13 =	vadd.s32 v63, v14  }
0xb1: {  	p0 =	por $0x0, $0x0;
	s15 =	simm.s32 $0x0;
	[tilespmem:$0x9B0] =	vst v13  }
0xb2: {  	[tilespmem:s11], [sflag:$0x1] =	stream.indirect.gather [hbm4b:s4+s9], $0x40, s10, s9, $0xb8;
	[tilespmem:$0x1E440] =	vst v63  }
.LBB2_2:
0xb3: {  	p1 =	seq.s32 s15, $0x3  }
.Ltmp0:
0xb4: {  	_ = 	snop;
	(pc) =	sbr.rel @p1 .LBB2_4-.Ltmp0, $2  }
0xb5: {  	_ =	sdelay $0x2  }
0xb6: {  	s16 =	sand.u32 $0x1, s15;
	s14 =	sadd.s32 $0x1, s15  }
0xb7: {  	s17 =	sxor.u32 $0x1, s16;
	s19 =	smul.u32 $0x68, s14  }
0xb8: {  	s18 =	smul.u32 $0x340, s17  }
0xb9: {  	s19 =	sadd.s32 s5, s19  }
0xba: {  	[tilespmem:s18], [sflag:$0x3] =	stream.linear.gather [hbm4b:s19+s3], $0x340, $0x38;
	[tilespmem:$0x1E440] =	vst v63  }
0xbb: {  	_ =	swait.ge [sflag:s8], $0x340  }
0xbc: {  	[sflag:s8] =	ssyncset.done $0x0  }
0xbd: {  	[sflag:s8] =	ssyncadd.s32 $0xFFFFFCC0  }
0xbe: {  	v13 =	vld [tilespmem:s18+$0x0];
	_ =	sdelay $0x2  }
0xbf: {  	v14 =	vld [tilespmem:$0xD00];
	_ =	sdelay $0x1  }
0xc0: {  	vm0 =	vgt.s32 v13, $0x0  }
0xc1: {  	v13 =	vnsel vm0, $0x0, v13  }
0xc2: {  	v15 =	vld [tilespmem:s18+$0x10];
	v13 =	vmin.u32 v13, $0x3E8  }
0xc3: {  	v13 =	vadd.s32 v14, v13  }
0xc4: {  	[tilespmem:s18+$0x680] =	vst v13  }
0xc5: {  	v13 =	vld [tilespmem:$0xD10];
	_ =	sdelay $0x1  }
0xc6: {  	vm13 =	vgt.s32 v15, $0x0  }
0xc7: {  	v14 =	vnsel vm13, $0x0, v15  }
0xc8: {  	v15 =	vld [tilespmem:s18+$0x20];
	v14 =	vmin.u32 v14, $0x3E8  }
0xc9: {  	v13 =	vadd.s32 v13, v14  }
0xca: {  	[tilespmem:s18+$0x690] =	vst v13  }
0xcb: {  	v13 =	vld [tilespmem:$0xD20];
	_ =	sdelay $0x1  }
0xcc: {  	vm14 =	vgt.s32 v15, $0x0  }
0xcd: {  	v14 =	vnsel vm14, $0x0, v15  }
0xce: {  	v15 =	vld [tilespmem:s18+$0x30];
	v14 =	vmin.u32 v14, $0x3E8  }
0xcf: {  	v13 =	vadd.s32 v13, v14  }
0xd0: {  	[tilespmem:s18+$0x6A0] =	vst v13  }
0xd1: {  	v13 =	vld [tilespmem:$0xD30];
	_ =	sdelay $0x1  }
0xd2: {  	vm15 =	vgt.s32 v15, $0x0  }
0xd3: {  	v14 =	vnsel vm15, $0x0, v15  }
0xd4: {  	v15 =	vld [tilespmem:s18+$0x40];
	v14 =	vmin.u32 v14, $0x3E8  }
0xd5: {  	v13 =	vadd.s32 v13, v14  }
0xd6: {  	[tilespmem:s18+$0x6B0] =	vst v13  }
0xd7: {  	v13 =	vld [tilespmem:$0xD40];
	_ =	sdelay $0x1  }
0xd8: {  	vm4 =	vgt.s32 v15, $0x0  }
0xd9: {  	v14 =	vnsel vm4, $0x0, v15  }
0xda: {  	v15 =	vld [tilespmem:s18+$0x50];
	v14 =	vmin.u32 v14, $0x3E8  }
0xdb: {  	v13 =	vadd.s32 v13, v14  }
0xdc: {  	[tilespmem:s18+$0x6C0] =	vst v13  }
0xdd: {  	v13 =	vld [tilespmem:$0xD50];
	_ =	sdelay $0x1  }
0xde: {  	vm5 =	vgt.s32 v15, $0x0  }
0xdf: {  	v14 =	vnsel vm5, $0x0, v15  }
0xe0: {  	v15 =	vld [tilespmem:s18+$0x60];
	v14 =	vmin.u32 v14, $0x3E8  }
0xe1: {  	v13 =	vadd.s32 v13, v14  }
0xe2: {  	[tilespmem:s18+$0x6D0] =	vst v13  }
0xe3: {  	v13 =	vld [tilespmem:$0xD60];
	_ =	sdelay $0x1  }
0xe4: {  	vm6 =	vgt.s32 v15, $0x0  }
0xe5: {  	v14 =	vnsel vm6, $0x0, v15  }
0xe6: {  	v15 =	vld [tilespmem:s18+$0x70];
	v14 =	vmin.u32 v14, $0x3E8  }
0xe7: {  	v13 =	vadd.s32 v13, v14  }
0xe8: {  	[tilespmem:s18+$0x6E0] =	vst v13  }
0xe9: {  	v13 =	vld [tilespmem:$0xD70];
	_ =	sdelay $0x1  }
0xea: {  	vm7 =	vgt.s32 v15, $0x0  }
0xeb: {  	v14 =	vnsel vm7, $0x0, v15  }
0xec: {  	v15 =	vld [tilespmem:s18+$0x80];
	v14 =	vmin.u32 v14, $0x3E8  }
0xed: {  	v13 =	vadd.s32 v13, v14  }
0xee: {  	[tilespmem:s18+$0x6F0] =	vst v13  }
0xef: {  	v13 =	vld [tilespmem:$0xD80];
	_ =	sdelay $0x1  }
0xf0: {  	vm8 =	vgt.s32 v15, $0x0  }
0xf1: {  	v14 =	vnsel vm8, $0x0, v15  }
0xf2: {  	v15 =	vld [tilespmem:s18+$0x90];
	v14 =	vmin.u32 v14, $0x3E8  }
0xf3: {  	v13 =	vadd.s32 v13, v14  }
0xf4: {  	[tilespmem:s18+$0x700] =	vst v13  }
0xf5: {  	v13 =	vld [tilespmem:$0xD90];
	_ =	sdelay $0x1  }
0xf6: {  	vm9 =	vgt.s32 v15, $0x0  }
0xf7: {  	v14 =	vnsel vm9, $0x0, v15  }
0xf8: {  	v15 =	vld [tilespmem:s18+$0xA0];
	v14 =	vmin.u32 v14, $0x3E8  }
0xf9: {  	v13 =	vadd.s32 v13, v14  }
0xfa: {  	[tilespmem:s18+$0x710] =	vst v13  }
0xfb: {  	v13 =	vld [tilespmem:$0xDA0];
	_ =	sdelay $0x1  }
0xfc: {  	vm10 =	vgt.s32 v15, $0x0  }
0xfd: {  	v14 =	vnsel vm10, $0x0, v15  }
0xfe: {  	v15 =	vld [tilespmem:s18+$0xB0];
	v14 =	vmin.u32 v14, $0x3E8  }
0xff: {  	v13 =	vadd.s32 v13, v14  }
0x100: {  	[tilespmem:s18+$0x720] =	vst v13  }
0x101: {  	v13 =	vld [tilespmem:$0xDB0];
	_ =	sdelay $0x1  }
0x102: {  	vm11 =	vgt.s32 v15, $0x0  }
0x103: {  	v14 =	vnsel vm11, $0x0, v15  }
0x104: {  	v15 =	vld [tilespmem:s18+$0xC0];
	v14 =	vmin.u32 v14, $0x3E8  }
0x105: {  	v13 =	vadd.s32 v13, v14  }
0x106: {  	[tilespmem:s18+$0x730] =	vst v13  }
0x107: {  	v13 =	vld [tilespmem:$0xDC0];
	_ =	sdelay $0x1  }
0x108: {  	vm12 =	vgt.s32 v15, $0x0  }
0x109: {  	v14 =	vnsel vm12, $0x0, v15  }
0x10a: {  	v15 =	vld [tilespmem:s18+$0xD0];
	v14 =	vmin.u32 v14, $0x3E8  }
0x10b: {  	v13 =	vadd.s32 v13, v14  }
0x10c: {  	[tilespmem:s18+$0x740] =	vst v13  }
0x10d: {  	v13 =	vld [tilespmem:$0xDD0];
	_ =	sdelay $0x1  }
0x10e: {  	vm13 =	vgt.s32 v15, $0x0  }
0x10f: {  	v14 =	vnsel vm13, $0x0, v15  }
0x110: {  	v15 =	vld [tilespmem:s18+$0xE0];
	v14 =	vmin.u32 v14, $0x3E8  }
0x111: {  	v13 =	vadd.s32 v13, v14  }
0x112: {  	[tilespmem:s18+$0x750] =	vst v13  }
0x113: {  	v13 =	vld [tilespmem:$0xDE0];
	_ =	sdelay $0x1  }
0x114: {  	vm14 =	vgt.s32 v15, $0x0  }
0x115: {  	v14 =	vnsel vm14, $0x0, v15  }
0x116: {  	v15 =	vld [tilespmem:s18+$0xF0];
	v14 =	vmin.u32 v14, $0x3E8  }
0x117: {  	v13 =	vadd.s32 v13, v14  }
0x118: {  	[tilespmem:s18+$0x760] =	vst v13  }
0x119: {  	v13 =	vld [tilespmem:$0xDF0];
	_ =	sdelay $0x1  }
0x11a: {  	vm15 =	vgt.s32 v15, $0x0  }
0x11b: {  	v14 =	vnsel vm15, $0x0, v15  }
0x11c: {  	v15 =	vld [tilespmem:s18+$0x100];
	v14 =	vmin.u32 v14, $0x3E8  }
0x11d: {  	v13 =	vadd.s32 v13, v14  }
0x11e: {  	[tilespmem:s18+$0x770] =	vst v13  }
0x11f: {  	v13 =	vld [tilespmem:$0xE00];
	_ =	sdelay $0x1  }
0x120: {  	vm4 =	vgt.s32 v15, $0x0  }
0x121: {  	v14 =	vnsel vm4, $0x0, v15  }
0x122: {  	v15 =	vld [tilespmem:s18+$0x110];
	v14 =	vmin.u32 v14, $0x3E8  }
0x123: {  	v13 =	vadd.s32 v13, v14  }
0x124: {  	[tilespmem:s18+$0x780] =	vst v13  }
0x125: {  	v13 =	vld [tilespmem:$0xE10];
	_ =	sdelay $0x1  }
0x126: {  	vm5 =	vgt.s32 v15, $0x0  }
0x127: {  	v14 =	vnsel vm5, $0x0, v15  }
0x128: {  	v15 =	vld [tilespmem:s18+$0x120];
	v14 =	vmin.u32 v14, $0x3E8  }
0x129: {  	v13 =	vadd.s32 v13, v14  }
0x12a: {  	[tilespmem:s18+$0x790] =	vst v13  }
0x12b: {  	v13 =	vld [tilespmem:$0xE20];
	_ =	sdelay $0x1  }
0x12c: {  	vm6 =	vgt.s32 v15, $0x0  }
0x12d: {  	v14 =	vnsel vm6, $0x0, v15  }
0x12e: {  	v15 =	vld [tilespmem:s18+$0x130];
	v14 =	vmin.u32 v14, $0x3E8  }
0x12f: {  	v13 =	vadd.s32 v13, v14  }
0x130: {  	[tilespmem:s18+$0x7A0] =	vst v13  }
0x131: {  	v13 =	vld [tilespmem:$0xE30];
	_ =	sdelay $0x1  }
0x132: {  	vm7 =	vgt.s32 v15, $0x0  }
0x133: {  	v14 =	vnsel vm7, $0x0, v15  }
0x134: {  	v15 =	vld [tilespmem:s18+$0x140];
	v14 =	vmin.u32 v14, $0x3E8  }
0x135: {  	v13 =	vadd.s32 v13, v14  }
0x136: {  	[tilespmem:s18+$0x7B0] =	vst v13  }
0x137: {  	v13 =	vld [tilespmem:$0xE40];
	_ =	sdelay $0x1  }
0x138: {  	vm8 =	vgt.s32 v15, $0x0  }
0x139: {  	v14 =	vnsel vm8, $0x0, v15  }
0x13a: {  	v15 =	vld [tilespmem:s18+$0x150];
	v14 =	vmin.u32 v14, $0x3E8  }
0x13b: {  	v13 =	vadd.s32 v13, v14  }
0x13c: {  	[tilespmem:s18+$0x7C0] =	vst v13  }
0x13d: {  	v13 =	vld [tilespmem:$0xE50];
	_ =	sdelay $0x1  }
0x13e: {  	vm9 =	vgt.s32 v15, $0x0  }
0x13f: {  	v14 =	vnsel vm9, $0x0, v15  }
0x140: {  	v15 =	vld [tilespmem:s18+$0x160];
	v14 =	vmin.u32 v14, $0x3E8  }
0x141: {  	v13 =	vadd.s32 v13, v14  }
0x142: {  	[tilespmem:s18+$0x7D0] =	vst v13  }
0x143: {  	v13 =	vld [tilespmem:$0xE60];
	_ =	sdelay $0x1  }
0x144: {  	vm10 =	vgt.s32 v15, $0x0  }
0x145: {  	v14 =	vnsel vm10, $0x0, v15  }
0x146: {  	v15 =	vld [tilespmem:s18+$0x170];
	v14 =	vmin.u32 v14, $0x3E8  }
0x147: {  	v13 =	vadd.s32 v13, v14  }
0x148: {  	[tilespmem:s18+$0x7E0] =	vst v13  }
0x149: {  	v13 =	vld [tilespmem:$0xE70];
	_ =	sdelay $0x1  }
0x14a: {  	vm11 =	vgt.s32 v15, $0x0  }
0x14b: {  	v14 =	vnsel vm11, $0x0, v15  }
0x14c: {  	v15 =	vld [tilespmem:s18+$0x180];
	v14 =	vmin.u32 v14, $0x3E8  }
0x14d: {  	v13 =	vadd.s32 v13, v14  }
0x14e: {  	[tilespmem:s18+$0x7F0] =	vst v13  }
0x14f: {  	v13 =	vld [tilespmem:$0xE80];
	_ =	sdelay $0x1  }
0x150: {  	vm12 =	vgt.s32 v15, $0x0  }
0x151: {  	v14 =	vnsel vm12, $0x0, v15  }
0x152: {  	v15 =	vld [tilespmem:s18+$0x190];
	v14 =	vmin.u32 v14, $0x3E8  }
0x153: {  	v13 =	vadd.s32 v13, v14  }
0x154: {  	[tilespmem:s18+$0x800] =	vst v13  }
0x155: {  	v13 =	vld [tilespmem:$0xE90];
	_ =	sdelay $0x1  }
0x156: {  	vm13 =	vgt.s32 v15, $0x0  }
0x157: {  	v14 =	vnsel vm13, $0x0, v15  }
0x158: {  	v15 =	vld [tilespmem:s18+$0x1A0];
	v14 =	vmin.u32 v14, $0x3E8  }
0x159: {  	v13 =	vadd.s32 v13, v14  }
0x15a: {  	[tilespmem:s18+$0x810] =	vst v13  }
0x15b: {  	v13 =	vld [tilespmem:$0xEA0];
	_ =	sdelay $0x1  }
0x15c: {  	vm14 =	vgt.s32 v15, $0x0  }
0x15d: {  	v14 =	vnsel vm14, $0x0, v15  }
0x15e: {  	v15 =	vld [tilespmem:s18+$0x1B0];
	v14 =	vmin.u32 v14, $0x3E8  }
0x15f: {  	v13 =	vadd.s32 v13, v14  }
0x160: {  	[tilespmem:s18+$0x820] =	vst v13  }
0x161: {  	v13 =	vld [tilespmem:$0xEB0];
	_ =	sdelay $0x1  }
0x162: {  	vm15 =	vgt.s32 v15, $0x0  }
0x163: {  	v14 =	vnsel vm15, $0x0, v15  }
0x164: {  	v15 =	vld [tilespmem:s18+$0x1C0];
	v14 =	vmin.u32 v14, $0x3E8  }
0x165: {  	v13 =	vadd.s32 v13, v14  }
0x166: {  	[tilespmem:s18+$0x830] =	vst v13  }
0x167: {  	v13 =	vld [tilespmem:$0xEC0];
	_ =	sdelay $0x1  }
0x168: {  	vm4 =	vgt.s32 v15, $0x0  }
0x169: {  	v14 =	vnsel vm4, $0x0, v15  }
0x16a: {  	v15 =	vld [tilespmem:s18+$0x1D0];
	v14 =	vmin.u32 v14, $0x3E8  }
0x16b: {  	v13 =	vadd.s32 v13, v14  }
0x16c: {  	[tilespmem:s18+$0x840] =	vst v13  }
0x16d: {  	v13 =	vld [tilespmem:$0xED0];
	_ =	sdelay $0x1  }
0x16e: {  	vm5 =	vgt.s32 v15, $0x0  }
0x16f: {  	v14 =	vnsel vm5, $0x0, v15  }
0x170: {  	v15 =	vld [tilespmem:s18+$0x1E0];
	v14 =	vmin.u32 v14, $0x3E8  }
0x171: {  	v13 =	vadd.s32 v13, v14  }
0x172: {  	[tilespmem:s18+$0x850] =	vst v13  }
0x173: {  	v13 =	vld [tilespmem:$0xEE0];
	_ =	sdelay $0x1  }
0x174: {  	vm6 =	vgt.s32 v15, $0x0  }
0x175: {  	v14 =	vnsel vm6, $0x0, v15  }
0x176: {  	v15 =	vld [tilespmem:s18+$0x1F0];
	v14 =	vmin.u32 v14, $0x3E8  }
0x177: {  	v13 =	vadd.s32 v13, v14  }
0x178: {  	[tilespmem:s18+$0x860] =	vst v13  }
0x179: {  	v13 =	vld [tilespmem:$0xEF0];
	_ =	sdelay $0x1  }
0x17a: {  	vm7 =	vgt.s32 v15, $0x0  }
0x17b: {  	v14 =	vnsel vm7, $0x0, v15  }
0x17c: {  	v15 =	vld [tilespmem:s18+$0x200];
	v14 =	vmin.u32 v14, $0x3E8  }
0x17d: {  	v13 =	vadd.s32 v13, v14  }
0x17e: {  	[tilespmem:s18+$0x870] =	vst v13  }
0x17f: {  	v13 =	vld [tilespmem:$0xF00];
	_ =	sdelay $0x1  }
0x180: {  	vm8 =	vgt.s32 v15, $0x0  }
0x181: {  	v14 =	vnsel vm8, $0x0, v15  }
0x182: {  	v15 =	vld [tilespmem:s18+$0x210];
	v14 =	vmin.u32 v14, $0x3E8  }
0x183: {  	v13 =	vadd.s32 v13, v14  }
0x184: {  	[tilespmem:s18+$0x880] =	vst v13  }
0x185: {  	v13 =	vld [tilespmem:$0xF10];
	_ =	sdelay $0x1  }
0x186: {  	vm9 =	vgt.s32 v15, $0x0  }
0x187: {  	v14 =	vnsel vm9, $0x0, v15  }
0x188: {  	v15 =	vld [tilespmem:s18+$0x220];
	v14 =	vmin.u32 v14, $0x3E8  }
0x189: {  	v13 =	vadd.s32 v13, v14  }
0x18a: {  	[tilespmem:s18+$0x890] =	vst v13  }
0x18b: {  	v13 =	vld [tilespmem:$0xF20];
	_ =	sdelay $0x1  }
0x18c: {  	vm10 =	vgt.s32 v15, $0x0  }
0x18d: {  	v14 =	vnsel vm10, $0x0, v15  }
0x18e: {  	v15 =	vld [tilespmem:s18+$0x230];
	v14 =	vmin.u32 v14, $0x3E8  }
0x18f: {  	v13 =	vadd.s32 v13, v14  }
0x190: {  	[tilespmem:s18+$0x8A0] =	vst v13  }
0x191: {  	v13 =	vld [tilespmem:$0xF30];
	_ =	sdelay $0x1  }
0x192: {  	vm11 =	vgt.s32 v15, $0x0  }
0x193: {  	v14 =	vnsel vm11, $0x0, v15  }
0x194: {  	v15 =	vld [tilespmem:s18+$0x240];
	v14 =	vmin.u32 v14, $0x3E8  }
0x195: {  	v13 =	vadd.s32 v13, v14  }
0x196: {  	[tilespmem:s18+$0x8B0] =	vst v13  }
0x197: {  	v13 =	vld [tilespmem:$0xF40];
	_ =	sdelay $0x1  }
0x198: {  	vm12 =	vgt.s32 v15, $0x0  }
0x199: {  	v14 =	vnsel vm12, $0x0, v15  }
0x19a: {  	v15 =	vld [tilespmem:s18+$0x250];
	v14 =	vmin.u32 v14, $0x3E8  }
0x19b: {  	v13 =	vadd.s32 v13, v14  }
0x19c: {  	[tilespmem:s18+$0x8C0] =	vst v13  }
0x19d: {  	v13 =	vld [tilespmem:$0xF50];
	_ =	sdelay $0x1  }
0x19e: {  	vm13 =	vgt.s32 v15, $0x0  }
0x19f: {  	v14 =	vnsel vm13, $0x0, v15  }
0x1a0: {  	v15 =	vld [tilespmem:s18+$0x260];
	v14 =	vmin.u32 v14, $0x3E8  }
0x1a1: {  	v13 =	vadd.s32 v13, v14  }
0x1a2: {  	[tilespmem:s18+$0x8D0] =	vst v13  }
0x1a3: {  	v13 =	vld [tilespmem:$0xF60];
	_ =	sdelay $0x1  }
0x1a4: {  	vm14 =	vgt.s32 v15, $0x0  }
0x1a5: {  	v14 =	vnsel vm14, $0x0, v15  }
0x1a6: {  	v15 =	vld [tilespmem:s18+$0x270];
	v14 =	vmin.u32 v14, $0x3E8  }
0x1a7: {  	v13 =	vadd.s32 v13, v14  }
0x1a8: {  	[tilespmem:s18+$0x8E0] =	vst v13  }
0x1a9: {  	v13 =	vld [tilespmem:$0xF70];
	_ =	sdelay $0x1  }
0x1aa: {  	vm15 =	vgt.s32 v15, $0x0  }
0x1ab: {  	v14 =	vnsel vm15, $0x0, v15  }
0x1ac: {  	v15 =	vld [tilespmem:s18+$0x280];
	v14 =	vmin.u32 v14, $0x3E8  }
0x1ad: {  	v13 =	vadd.s32 v13, v14  }
0x1ae: {  	[tilespmem:s18+$0x8F0] =	vst v13  }
0x1af: {  	v13 =	vld [tilespmem:$0xF80];
	_ =	sdelay $0x1  }
0x1b0: {  	vm4 =	vgt.s32 v15, $0x0  }
0x1b1: {  	v14 =	vnsel vm4, $0x0, v15  }
0x1b2: {  	v15 =	vld [tilespmem:s18+$0x290];
	v14 =	vmin.u32 v14, $0x3E8  }
0x1b3: {  	v13 =	vadd.s32 v13, v14  }
0x1b4: {  	[tilespmem:s18+$0x900] =	vst v13  }
0x1b5: {  	v13 =	vld [tilespmem:$0xF90];
	_ =	sdelay $0x1  }
0x1b6: {  	vm5 =	vgt.s32 v15, $0x0  }
0x1b7: {  	v14 =	vnsel vm5, $0x0, v15  }
0x1b8: {  	v15 =	vld [tilespmem:s18+$0x2A0];
	v14 =	vmin.u32 v14, $0x3E8  }
0x1b9: {  	v13 =	vadd.s32 v13, v14  }
0x1ba: {  	[tilespmem:s18+$0x910] =	vst v13  }
0x1bb: {  	v13 =	vld [tilespmem:$0xFA0];
	_ =	sdelay $0x1  }
0x1bc: {  	vm6 =	vgt.s32 v15, $0x0  }
0x1bd: {  	v14 =	vnsel vm6, $0x0, v15  }
0x1be: {  	v15 =	vld [tilespmem:s18+$0x2B0];
	v14 =	vmin.u32 v14, $0x3E8  }
0x1bf: {  	v13 =	vadd.s32 v13, v14  }
0x1c0: {  	[tilespmem:s18+$0x920] =	vst v13  }
0x1c1: {  	v13 =	vld [tilespmem:$0xFB0];
	_ =	sdelay $0x1  }
0x1c2: {  	vm7 =	vgt.s32 v15, $0x0  }
0x1c3: {  	v14 =	vnsel vm7, $0x0, v15  }
0x1c4: {  	v15 =	vld [tilespmem:s18+$0x2C0];
	v14 =	vmin.u32 v14, $0x3E8  }
0x1c5: {  	v13 =	vadd.s32 v13, v14  }
0x1c6: {  	[tilespmem:s18+$0x930] =	vst v13  }
0x1c7: {  	v13 =	vld [tilespmem:$0xFC0];
	_ =	sdelay $0x1  }
0x1c8: {  	vm8 =	vgt.s32 v15, $0x0  }
0x1c9: {  	v14 =	vnsel vm8, $0x0, v15  }
0x1ca: {  	v15 =	vld [tilespmem:s18+$0x2D0];
	v14 =	vmin.u32 v14, $0x3E8  }
0x1cb: {  	v13 =	vadd.s32 v13, v14  }
0x1cc: {  	[tilespmem:s18+$0x940] =	vst v13  }
0x1cd: {  	v13 =	vld [tilespmem:$0xFD0];
	_ =	sdelay $0x1  }
0x1ce: {  	vm9 =	vgt.s32 v15, $0x0  }
0x1cf: {  	v14 =	vnsel vm9, $0x0, v15  }
0x1d0: {  	v15 =	vld [tilespmem:s18+$0x2E0];
	v14 =	vmin.u32 v14, $0x3E8  }
0x1d1: {  	v13 =	vadd.s32 v13, v14  }
0x1d2: {  	[tilespmem:s18+$0x950] =	vst v13  }
0x1d3: {  	v13 =	vld [tilespmem:$0xFE0];
	_ =	sdelay $0x1  }
0x1d4: {  	vm10 =	vgt.s32 v15, $0x0  }
0x1d5: {  	v14 =	vnsel vm10, $0x0, v15  }
0x1d6: {  	v15 =	vld [tilespmem:s18+$0x2F0];
	v14 =	vmin.u32 v14, $0x3E8  }
0x1d7: {  	v13 =	vadd.s32 v13, v14  }
0x1d8: {  	[tilespmem:s18+$0x960] =	vst v13  }
0x1d9: {  	v13 =	vld [tilespmem:$0xFF0];
	_ =	sdelay $0x1  }
0x1da: {  	vm11 =	vgt.s32 v15, $0x0  }
0x1db: {  	v14 =	vnsel vm11, $0x0, v15  }
0x1dc: {  	v15 =	vld [tilespmem:s18+$0x300];
	v14 =	vmin.u32 v14, $0x3E8  }
0x1dd: {  	v13 =	vadd.s32 v13, v14  }
0x1de: {  	[tilespmem:s18+$0x970] =	vst v13  }
0x1df: {  	v13 =	vld [tilespmem:$0x1000];
	_ =	sdelay $0x1  }
0x1e0: {  	vm12 =	vgt.s32 v15, $0x0  }
0x1e1: {  	v14 =	vnsel vm12, $0x0, v15  }
0x1e2: {  	v15 =	vld [tilespmem:s18+$0x310];
	v14 =	vmin.u32 v14, $0x3E8  }
0x1e3: {  	v13 =	vadd.s32 v13, v14  }
0x1e4: {  	[tilespmem:s18+$0x980] =	vst v13  }
0x1e5: {  	v13 =	vld [tilespmem:$0x1010];
	_ =	sdelay $0x1  }
0x1e6: {  	vm13 =	vgt.s32 v15, $0x0  }
0x1e7: {  	v14 =	vnsel vm13, $0x0, v15  }
0x1e8: {  	v15 =	vld [tilespmem:s18+$0x320];
	v14 =	vmin.u32 v14, $0x3E8  }
0x1e9: {  	v13 =	vadd.s32 v13, v14  }
0x1ea: {  	[tilespmem:s18+$0x990] =	vst v13  }
0x1eb: {  	v13 =	vld [tilespmem:$0x1020];
	_ =	sdelay $0x1  }
0x1ec: {  	vm14 =	vgt.s32 v15, $0x0  }
0x1ed: {  	v14 =	vnsel vm14, $0x0, v15  }
0x1ee: {  	v15 =	vld [tilespmem:s18+$0x330];
	v14 =	vmin.u32 v14, $0x3E8  }
0x1ef: {  	v13 =	vadd.s32 v13, v14  }
0x1f0: {  	[tilespmem:s18+$0x9A0] =	vst v13  }
0x1f1: {  	v13 =	vld [tilespmem:$0x1030];
	_ =	sdelay $0x1  }
0x1f2: {  	vm15 =	vgt.s32 v15, $0x0  }
0x1f3: {  	s31 =	smul.u32 $0x34000, s17;
	v14 =	vnsel vm15, $0x0, v15  }
0x1f4: {  	v14 =	vmin.u32 v14, $0x3E8  }
0x1f5: {  	s19 =	sshrl.u32 s31, $0x2;
	v13 =	vadd.s32 v13, v14  }
0x1f6: {  	s17 =	sadd.s32 $0x1, s17;
	s19 =	sadd.s32 $0x1040, s19;
	[tilespmem:s18+$0x9B0] =	vst v13;
	s18 =	sadd.s32 $0x680, s18  }
0x1f7: {  	[tilespmem:s19], [sflag:s17] =	stream.indirect.gather [hbm4b:s4+s9], $0x40, s18, s9, $0xb8;
	[tilespmem:$0x1E440] =	vst v63  }
.LBB2_4:
0x1f8: {  	s17 =	simm.s32 $0x1  }
0x1f9: {  	s18 =	sadd.s32 $0x1, s16;
	s17 =	simm.s32 @!p0 $0x0  }
0x1fa: {  	_ =	swait.ge [sflag:s18], $0xD000;
	s17 =	smul.u32 $0x34000, s17  }
0x1fb: {  	[sflag:s18] =	ssyncset.done $0x0  }
0x1fc: {  	[sflag:s18] =	ssyncadd.s32 $0xFFFF3000;
	s31 =	sshrl.u32 s17, $0x2  }
0x1fd: {  	s18 =	simm.s32 $0x1B040;
	s17 =	simm.s32 $0x0;
	s16 =	sadd.s32 $0x1140, s31  }
.LBB2_5:
0x1fe: {  	v13 =	vld [tilespmem:s16+$0xFFFFFF40]  }
0x1ff: {  	v14 =	vld [tilespmem:s16+$0xFFFFFF00];
	_ =	sdelay $0x1  }
0x200: {  	v15 =	vld [tilespmem:s16+$0xFFFFFF80];
	_ =	sdelay $0x1  }
0x201: {  	v16 =	vld [tilespmem:s16+$0xFFFFFFC0]  }
0x202: {  	v13 =	vadd.f32 v13, v14;
	_ =	sdelay $0x1  }
0x203: {  	v14 =	vadd.f32 v15, v13  }
0x204: {  	v13 =	vmov s18  }
0x205: {  	v14 =	vadd.f32 v16, v14;
	_ =	sdelay $0x1  }
0x206: {  	v14 =	vmul.f32 $2.500000000e-01, v14  }
0x207: {  	s19 =	simm.s32 $0x0  }
0x208: {  	[tilespmem:v13+s19+$0x0 ss:$0x1] =	vst.idx.msk $0xffff, v14  }
0x209: {  	v14 =	vld [tilespmem:s16+$0xFFFFFF10]  }
0x20a: {  	v15 =	vld [tilespmem:s16+$0xFFFFFF50];
	_ =	sdelay $0x1  }
0x20b: {  	v16 =	vld [tilespmem:s16+$0xFFFFFF90];
	_ =	sdelay $0x1  }
0x20c: {  	v17 =	vld [tilespmem:s16+$0xFFFFFFD0]  }
0x20d: {  	v14 =	vadd.f32 v15, v14;
	_ =	sdelay $0x1  }
0x20e: {  	v14 =	vadd.f32 v16, v14;
	_ =	sdelay $0x1  }
0x20f: {  	v14 =	vadd.f32 v17, v14;
	_ =	sdelay $0x1  }
0x210: {  	v14 =	vmul.f32 $2.500000000e-01, v14;
	_ =	sdelay $0x1  }
0x211: {  	[tilespmem:v13+s19+$0x10 ss:$0x1] =	vst.idx.msk $0xffff, v14  }
0x212: {  	v14 =	vld [tilespmem:s16+$0xFFFFFF20]  }
0x213: {  	v15 =	vld [tilespmem:s16+$0xFFFFFF60];
	_ =	sdelay $0x1  }
0x214: {  	v16 =	vld [tilespmem:s16+$0xFFFFFFA0];
	_ =	sdelay $0x1  }
0x215: {  	v17 =	vld [tilespmem:s16+$0xFFFFFFE0]  }
0x216: {  	v14 =	vadd.f32 v15, v14;
	_ =	sdelay $0x1  }
0x217: {  	v14 =	vadd.f32 v16, v14;
	_ =	sdelay $0x1  }
0x218: {  	v14 =	vadd.f32 v17, v14;
	_ =	sdelay $0x1  }
0x219: {  	v14 =	vmul.f32 $2.500000000e-01, v14;
	_ =	sdelay $0x1  }
0x21a: {  	[tilespmem:v13+s19+$0x20 ss:$0x1] =	vst.idx.msk $0xffff, v14  }
0x21b: {  	v14 =	vld [tilespmem:s16+$0xFFFFFF30]  }
0x21c: {  	v15 =	vld [tilespmem:s16+$0xFFFFFF70];
	_ =	sdelay $0x1  }
0x21d: {  	v16 =	vld [tilespmem:s16+$0xFFFFFFB0];
	_ =	sdelay $0x1  }
0x21e: {  	v17 =	vld [tilespmem:s16+$0xFFFFFFF0]  }
0x21f: {  	v14 =	vadd.f32 v15, v14;
	_ =	sdelay $0x1  }
0x220: {  	v14 =	vadd.f32 v16, v14;
	_ =	sdelay $0x1  }
0x221: {  	v14 =	vadd.f32 v17, v14;
	_ =	sdelay $0x1  }
0x222: {  	v14 =	vmul.f32 $2.500000000e-01, v14;
	_ =	sdelay $0x1  }
0x223: {  	[tilespmem:v13+s19+$0x30 ss:$0x1] =	vst.idx.msk $0xffff, v14  }
0x224: {  	v14 =	vld [tilespmem:s16+$0x0]  }
0x225: {  	v15 =	vld [tilespmem:s16+$0x40];
	_ =	sdelay $0x1  }
0x226: {  	v16 =	vld [tilespmem:s16+$0x80];
	_ =	sdelay $0x1  }
0x227: {  	v17 =	vld [tilespmem:s16+$0xC0]  }
0x228: {  	v14 =	vadd.f32 v15, v14;
	_ =	sdelay $0x1  }
0x229: {  	v14 =	vadd.f32 v16, v14;
	_ =	sdelay $0x1  }
0x22a: {  	v14 =	vadd.f32 v17, v14;
	_ =	sdelay $0x1  }
0x22b: {  	v14 =	vmul.f32 $2.500000000e-01, v14;
	_ =	sdelay $0x1  }
0x22c: {  	[tilespmem:v13+s19+$0x40 ss:$0x1] =	vst.idx.msk $0xffff, v14  }
0x22d: {  	v14 =	vld [tilespmem:s16+$0x10]  }
0x22e: {  	v15 =	vld [tilespmem:s16+$0x50];
	_ =	sdelay $0x1  }
0x22f: {  	v16 =	vld [tilespmem:s16+$0x90];
	_ =	sdelay $0x1  }
0x230: {  	v17 =	vld [tilespmem:s16+$0xD0]  }
0x231: {  	v14 =	vadd.f32 v15, v14;
	_ =	sdelay $0x1  }
0x232: {  	v14 =	vadd.f32 v16, v14;
	_ =	sdelay $0x1  }
0x233: {  	v14 =	vadd.f32 v17, v14;
	_ =	sdelay $0x1  }
0x234: {  	v14 =	vmul.f32 $2.500000000e-01, v14;
	_ =	sdelay $0x1  }
0x235: {  	[tilespmem:v13+s19+$0x50 ss:$0x1] =	vst.idx.msk $0xffff, v14  }
0x236: {  	v14 =	vld [tilespmem:s16+$0x20]  }
0x237: {  	v15 =	vld [tilespmem:s16+$0x60];
	_ =	sdelay $0x1  }
0x238: {  	v16 =	vld [tilespmem:s16+$0xA0];
	_ =	sdelay $0x1  }
0x239: {  	v17 =	vld [tilespmem:s16+$0xE0]  }
0x23a: {  	v14 =	vadd.f32 v15, v14;
	_ =	sdelay $0x1  }
0x23b: {  	v14 =	vadd.f32 v16, v14;
	_ =	sdelay $0x1  }
0x23c: {  	v14 =	vadd.f32 v17, v14;
	_ =	sdelay $0x1  }
0x23d: {  	v14 =	vmul.f32 $2.500000000e-01, v14;
	_ =	sdelay $0x1  }
0x23e: {  	[tilespmem:v13+s19+$0x60 ss:$0x1] =	vst.idx.msk $0xffff, v14  }
0x23f: {  	v16 =	vld [tilespmem:s16+$0x30]  }
0x240: {  	v17 =	vld [tilespmem:s16+$0x70]  }
0x241: {  	v14 =	vld [tilespmem:s16+$0xB0]  }
0x242: {  	s20 =	simm.s32 $0x1000;
	s21 =	smov.u32 s16;
	v15 =	vld [tilespmem:s16+$0xF0]  }
.LBB2_6:
0x243: {  	_ = 	snop  }
0x244: {  	p1 =	sne.s32 s20, $0xC000  }
0x245: {  	s21 =	sadd.s32 $0x200, s21;
	s22 =	smov.u32 s20;
	s20 =	sadd.s32 $0x1000, s20;
	v16 =	vadd.f32 v17, v16  }
0x246: {  	_ = 	snop  }
0x247: {  	v14 =	vadd.f32 v14, v16;
	_ =	sdelay $0x1  }
0x248: {  	v14 =	vadd.f32 v15, v14;
	_ =	sdelay $0x1  }
0x249: {  	v14 =	vmul.f32 $2.500000000e-01, v14;
	_ =	sdelay $0x1  }
0x24a: {  	[tilespmem:v13+s19+$0x70 ss:$0x1] =	vst.idx.msk $0xffff, v14  }
0x24b: {  	v14 =	vld [tilespmem:s21+$0xFFFFFF40]  }
0x24c: {  	v15 =	vld [tilespmem:s21+$0xFFFFFF00]  }
0x24d: {  	v16 =	vld [tilespmem:s21+$0xFFFFFF80];
	_ =	sdelay $0x2  }
0x24e: {  	v17 =	vld [tilespmem:s21+$0xFFFFFFC0]  }
0x24f: {  	v14 =	vadd.f32 v14, v15;
	_ =	sdelay $0x1  }
0x250: {  	v14 =	vadd.f32 v16, v14;
	_ =	sdelay $0x1  }
0x251: {  	v14 =	vadd.f32 v17, v14;
	_ =	sdelay $0x1  }
0x252: {  	v14 =	vmul.f32 $2.500000000e-01, v14  }
0x253: {  	s19 =	sshra.s32 s22, $0x2  }
0x254: {  	[tilespmem:v13+s19+$0x0 ss:$0x1] =	vst.idx.msk $0xffff, v14  }
0x255: {  	v14 =	vld [tilespmem:s21+$0xFFFFFF10]  }
0x256: {  	v15 =	vld [tilespmem:s21+$0xFFFFFF50];
	_ =	sdelay $0x1  }
0x257: {  	v16 =	vld [tilespmem:s21+$0xFFFFFF90];
	_ =	sdelay $0x1  }
0x258: {  	v17 =	vld [tilespmem:s21+$0xFFFFFFD0]  }
0x259: {  	v14 =	vadd.f32 v15, v14;
	_ =	sdelay $0x1  }
0x25a: {  	v14 =	vadd.f32 v16, v14;
	_ =	sdelay $0x1  }
0x25b: {  	v14 =	vadd.f32 v17, v14;
	_ =	sdelay $0x1  }
0x25c: {  	v14 =	vmul.f32 $2.500000000e-01, v14;
	_ =	sdelay $0x1  }
0x25d: {  	[tilespmem:v13+s19+$0x10 ss:$0x1] =	vst.idx.msk $0xffff, v14  }
0x25e: {  	v14 =	vld [tilespmem:s21+$0xFFFFFF20]  }
0x25f: {  	v15 =	vld [tilespmem:s21+$0xFFFFFF60];
	_ =	sdelay $0x1  }
0x260: {  	v16 =	vld [tilespmem:s21+$0xFFFFFFA0];
	_ =	sdelay $0x1  }
0x261: {  	v17 =	vld [tilespmem:s21+$0xFFFFFFE0]  }
0x262: {  	v14 =	vadd.f32 v15, v14;
	_ =	sdelay $0x1  }
0x263: {  	v14 =	vadd.f32 v16, v14;
	_ =	sdelay $0x1  }
0x264: {  	v14 =	vadd.f32 v17, v14;
	_ =	sdelay $0x1  }
0x265: {  	v14 =	vmul.f32 $2.500000000e-01, v14;
	_ =	sdelay $0x1  }
0x266: {  	[tilespmem:v13+s19+$0x20 ss:$0x1] =	vst.idx.msk $0xffff, v14  }
0x267: {  	v14 =	vld [tilespmem:s21+$0xFFFFFF30]  }
0x268: {  	v15 =	vld [tilespmem:s21+$0xFFFFFF70];
	_ =	sdelay $0x1  }
0x269: {  	v16 =	vld [tilespmem:s21+$0xFFFFFFB0];
	_ =	sdelay $0x1  }
0x26a: {  	v17 =	vld [tilespmem:s21+$0xFFFFFFF0]  }
0x26b: {  	v14 =	vadd.f32 v15, v14;
	_ =	sdelay $0x1  }
0x26c: {  	v14 =	vadd.f32 v16, v14;
	_ =	sdelay $0x1  }
0x26d: {  	v14 =	vadd.f32 v17, v14;
	_ =	sdelay $0x1  }
0x26e: {  	v14 =	vmul.f32 $2.500000000e-01, v14;
	_ =	sdelay $0x1  }
0x26f: {  	[tilespmem:v13+s19+$0x30 ss:$0x1] =	vst.idx.msk $0xffff, v14  }
0x270: {  	v14 =	vld [tilespmem:s21+$0x0]  }
0x271: {  	v15 =	vld [tilespmem:s21+$0x40];
	_ =	sdelay $0x1  }
0x272: {  	v16 =	vld [tilespmem:s21+$0x80];
	_ =	sdelay $0x1  }
0x273: {  	v17 =	vld [tilespmem:s21+$0xC0]  }
0x274: {  	v14 =	vadd.f32 v15, v14;
	_ =	sdelay $0x1  }
0x275: {  	v14 =	vadd.f32 v16, v14;
	_ =	sdelay $0x1  }
0x276: {  	v14 =	vadd.f32 v17, v14;
	_ =	sdelay $0x1  }
0x277: {  	v14 =	vmul.f32 $2.500000000e-01, v14;
	_ =	sdelay $0x1  }
0x278: {  	[tilespmem:v13+s19+$0x40 ss:$0x1] =	vst.idx.msk $0xffff, v14  }
0x279: {  	v14 =	vld [tilespmem:s21+$0x10]  }
0x27a: {  	v15 =	vld [tilespmem:s21+$0x50]  }
0x27b: {  	v16 =	vld [tilespmem:s21+$0x90]  }
0x27c: {  	v17 =	vld [tilespmem:s21+$0xD0];
	_ =	sdelay $0x2  }
0x27d: {  	v14 =	vadd.f32 v15, v14;
	_ =	sdelay $0x1  }
0x27e: {  	v14 =	vadd.f32 v16, v14;
	_ =	sdelay $0x1  }
0x27f: {  	v14 =	vadd.f32 v17, v14;
	_ =	sdelay $0x1  }
0x280: {  	v14 =	vmul.f32 $2.500000000e-01, v14;
	_ =	sdelay $0x1  }
0x281: {  	[tilespmem:v13+s19+$0x50 ss:$0x1] =	vst.idx.msk $0xffff, v14  }
0x282: {  	v14 =	vld [tilespmem:s21+$0x20]  }
0x283: {  	v15 =	vld [tilespmem:s21+$0x60]  }
0x284: {  	v16 =	vld [tilespmem:s21+$0xA0]  }
0x285: {  	v17 =	vld [tilespmem:s21+$0xE0];
	_ =	sdelay $0x2  }
0x286: {  	v14 =	vadd.f32 v15, v14;
	_ =	sdelay $0x1  }
0x287: {  	v14 =	vadd.f32 v16, v14;
	_ =	sdelay $0x1  }
0x288: {  	v14 =	vadd.f32 v17, v14;
	_ =	sdelay $0x1  }
0x289: {  	v14 =	vmul.f32 $2.500000000e-01, v14;
	_ =	sdelay $0x1  }
.Ltmp1:
0x28a: {  	[tilespmem:v13+s19+$0x60 ss:$0x1] =	vst.idx.msk $0xffff, v14;
	(pc) =	sbr.rel @p1 .LBB2_6-.Ltmp1, $4  }
0x28b: {  	v16 =	vld [tilespmem:s21+$0x30]  }
0x28c: {  	v17 =	vld [tilespmem:s21+$0x70]  }
0x28d: {  	v14 =	vld [tilespmem:s21+$0xB0]  }
0x28e: {  	v15 =	vld [tilespmem:s21+$0xF0]  }
0x28f: {  	_ =	sdelay $0x1  }
0x290: {  	v16 =	vadd.f32 v17, v16;
	_ =	sdelay $0x1  }
0x291: {  	s17 =	sadd.s32 $0x1, s17;
	v14 =	vadd.f32 v14, v16  }
0x292: {  	p1 =	sne.s32 s17, $0x8  }
.Ltmp2:
0x293: {  	v14 =	vadd.f32 v15, v14;
	(pc) =	sbr.rel @p1 .LBB2_5-.Ltmp2, $3  }
0x294: {  	_ = 	snop  }
0x295: {  	v14 =	vmul.f32 $2.500000000e-01, v14;
	_ =	sdelay $0x1  }
0x296: {  	s18 =	sadd.s32 $0x80, s18;
	s16 =	sadd.s32 $0x1A00, s16;
	[tilespmem:v13+s19+$0x70 ss:$0x1] =	vst.idx.msk $0xffff, v14  }
0x297: {  	s15 =	sadd.s32 s6, s15  }
0x298: {  	s15 =	smul.u32 $0x680, s15  }
0x299: {  	p1 =	sne.s32 s14, $0x4  }
.Ltmp3:
0x29a: {  	s15 =	sadd.s32 s2, s15;
	(pc) =	sbr.rel @p1 .LBB2_2-.Ltmp3, $4  }
0x29b: {  	[hbm4b:s15+s3] =	stream.linear.scatter [tilespmem:s12], [sflag:$0x3], $0x3400, $0x38;
	[tilespmem:$0x1E440] =	vst v63  }
0x29c: {  	_ =	swait.ge [sflag:s8], $0x3400  }
0x29d: {  	[sflag:s8] =	ssyncset.done $0x0  }
0x29e: {  	p0 =	por !p0, !p0;
	s15 =	smov.u32 s14;
	[sflag:s8] =	ssyncadd.s32 $0xFFFFCC00  }
0x29f: {  	s13 =	sadd.s32 $0x1, s13  }
0x2a0: {  	p0 =	sne.s32 s13, s7  }
.Ltmp4:
0x2a1: {  	_ = 	snop;
	(pc) =	sbr.rel @p0 .LBB2_1-.Ltmp4, $1  }
0x2a2: {  	_ =	sdelay $0x3  }
0x2a3: {  	_ =	sfence.sel $0x180000  }
0x2a4: {  	[bflag:$0x0] =	sbarrier.arrive $0xFFFF  }
0x2a5: {  	p0 =	sne.s32 s1, $0x0;
	_ =	strace $0x90000047  }
0x2a6: {  	s0 =	sadd.s32 @!p0 $0x100000, s0;
	[bflag:$0x2] =	sbarrier.arrive $0xFFFF  }
0x2a7: {  	[sflag:s0] =	ssyncadd.tile.s32 @!p0 $0x1;
	_ =	shalt  }
.Lfunc_end2:
_tile_overlayer_lowered:
.L_overlay_start_2:
0x2a8: {  	(tag) =	ssettag $0x2  }
0x2a9: {  	s0 =	rddreg [dreg:$0x0];
	s2 =	stileid.u32  }
0x2aa: {  	s1 =	rddreg [dreg:$0x1];
	p0 =	sne.s32 s2, $0x0  }
0x2ab: {  	s3 =	rddreg [dreg:$0x2];
	[bflag:$0x3] =	sbarrier.arrive $0xFFFF;
	s2 =	simm.s32 @!p0 $0x1C03  }
0x2ac: {  	[timem:s3], [sflag:s2] =	dma.local @!p0 [hbm:s0], s1  }
0x2ad: {  	s0 =	simm.s32 @!p0 $0x3  }
0x2ae: {  	_ =	swait.ge @!p0 [sflag:s0], s1  }
0x2af: {  	s1 =	ssub.s32 @!p0 $0x0, s1;
	[sflag:s0] =	ssyncset.done @!p0 $0x0  }
0x2b0: {  	[sflag:s0] =	ssyncadd.s32 @!p0 s1  }
0x2b1: {  	[bflag:$0x3] =	sbarrier.arrive $0xFFFF  }
0x2b2: {  	_ =	shalt  }

</sc_bundles>
